<compile_context>
chip_gen: v7x
topology: tpu7x:2x2x1
jax: 0.10.2.dev20260603
libtpu: 0.0.44.dev20260713+nightly
codegen_flags: <defaults>
</compile_context>

<pallas_src>
import functools

import jax
import jax.numpy as jnp
from jax import lax
from jax.experimental import pallas as pl
from jax.experimental.pallas import tpu as pltpu
from jax.experimental.pallas import tpu_sc as plsc

NV = 1000
NP = 1024
D = 128
NW = 32
CHUNK = 128
NVOX = 16 * 32 * 32 * 32
BLK = NVOX // NW
HALO = 1024
WINDOWS = BLK // CHUNK
CBINS = NP * NP
SLICE = CBINS // 16
ABLK = 64


def _hist_body(s_hbm, z_hbm, out_hbm, blk_v, ia_v, ib_v, ones_v, c_sh,
               sem_a, sem_b):
    cid = lax.axis_index("c")
    sid = lax.axis_index("s")
    wid = sid * 2 + cid
    pltpu.sync_copy(z_hbm, c_sh.at[pl.ds(sid * SLICE, SLICE)])
    pltpu.sync_copy(s_hbm.at[pl.ds(wid * BLK, BLK)], blk_v.at[pl.ds(0, BLK)])

    @pl.when(wid < NW - 1)
    def _():
        pltpu.sync_copy(s_hbm.at[pl.ds(wid * BLK + BLK, HALO)],
                        blk_v.at[pl.ds(BLK, HALO)])

    for k in range(CHUNK // 16):
        ones_v[pl.ds(k * 16, 16)] = jnp.full((16,), 1.0, jnp.float32)
    xlim = jnp.where(wid % 2 == 0, 16, 15)
    lane = lax.iota(jnp.int32, 16)
    plsc.subcore_barrier()

    def compute(j, buf):
        off = j * CHUNK
        for k in range(CHUNK // 16):
            o = off + k * 16
            v0 = blk_v[pl.ds(o, 16)]
            v1 = blk_v[pl.ds(o + 1, 16)]
            v32 = blk_v[pl.ds(o + 32, 16)]
            v1024 = blk_v[pl.ds(o + 1024, 16)]
            pos = lane + o
            zok = (pos & 31) != 31
            yok = ((pos >> 5) & 31) != 31
            xok = (pos >> 10) < xlim
            buf[0, pl.ds(k * 16, 16)] = jnp.where(zok, v0 * NP + v1, 0)
            buf[1, pl.ds(k * 16, 16)] = jnp.where(yok, v0 * NP + v32, 0)
            buf[2, pl.ds(k * 16, 16)] = jnp.where(xok, v0 * NP + v1024, 0)

    def fire(buf, sem):
        for r in range(3):
            pltpu.async_copy(ones_v, c_sh.at[buf.at[r]], sem, add=True)

    def drain(buf, sem):
        for r in range(3):
            pltpu.make_async_copy(ones_v, c_sh.at[buf.at[r]], sem).wait()

    def body(jj, carry):
        compute(2 * jj, ia_v)

        @pl.when(jj > 0)
        def _():
            drain(ib_v, sem_b)

        fire(ia_v, sem_a)
        compute(2 * jj + 1, ib_v)
        drain(ia_v, sem_a)
        fire(ib_v, sem_b)
        return carry

    lax.fori_loop(0, WINDOWS // 2, body, 0)
    drain(ib_v, sem_b)
    plsc.subcore_barrier()
    pltpu.sync_copy(c_sh.at[pl.ds(sid * SLICE, SLICE)],
                    out_hbm.at[pl.ds(cid * CBINS + sid * SLICE, SLICE)])


@functools.cache
def _hist():
    return functools.partial(
        pl.kernel,
        mesh=plsc.VectorSubcoreMesh(core_axis_name="c", subcore_axis_name="s",
                                    num_cores=2, num_subcores=16),
        out_type=jax.ShapeDtypeStruct((2 * CBINS,), jnp.float32),
        scratch_types=[
            pltpu.VMEM((BLK + HALO,), jnp.int32),
            pltpu.VMEM((3, CHUNK), jnp.int32),
            pltpu.VMEM((3, CHUNK), jnp.int32),
            pltpu.VMEM((CHUNK,), jnp.float32),
            pltpu.VMEM_SHARED((CBINS,), jnp.float32),
            pltpu.SemaphoreType.DMA,
            pltpu.SemaphoreType.DMA,
        ],
    )(_hist_body)


def _dmat_body(et_ref, ea_ref, d_ref):
    rows = []
    for j in range(ABLK):
        col = jnp.transpose(ea_ref[pl.ds(j, 1), :])
        x = jnp.abs(et_ref[...] - col.astype(jnp.bfloat16))
        x = x[:64] + x[64:]
        x = x[:32] + x[32:]
        xf = x.astype(jnp.float32)
        h = 32
        while h > 8:
            h //= 2
            xf = xf[:h] + xf[h:]
        dj = jnp.sum(xf, axis=0, keepdims=True).astype(jnp.bfloat16)
        rows.append(dj)
    d_ref[...] = jnp.concatenate(rows, axis=0)


def _dmat(et, ep):
    return pl.pallas_call(
        _dmat_body,
        grid=(NP // ABLK,),
        in_specs=[
            pl.BlockSpec((D, NP), lambda i: (0, 0)),
            pl.BlockSpec((ABLK, D), lambda i: (i, 0)),
        ],
        out_specs=pl.BlockSpec((ABLK, NP), lambda i: (i, 0)),
        out_shape=jax.ShapeDtypeStruct((NP, NP), jnp.bfloat16),
    )(et, ep)


RBLK = 131072


def _contract_body(c0_ref, c1_ref, d_ref, out_ref, acc_ref):
    i = pl.program_id(0)
    contrib = (c0_ref[...] + c1_ref[...]) * d_ref[...].astype(jnp.float32)

    @pl.when(i == 0)
    def _():
        acc_ref[...] = contrib

    @pl.when(i > 0)
    def _():
        acc_ref[...] = acc_ref[...] + contrib

    @pl.when(i == pl.num_programs(0) - 1)
    def _():
        out_ref[0, 0] = jnp.sum(acc_ref[...])


def _contract(c2f, dmf):
    return pl.pallas_call(
        _contract_body,
        grid=(CBINS // RBLK,),
        in_specs=[
            pl.BlockSpec((RBLK,), lambda i: (i,)),
            pl.BlockSpec((RBLK,), lambda i: (i + CBINS // RBLK,)),
            pl.BlockSpec((RBLK,), lambda i: (i,)),
        ],
        out_specs=pl.BlockSpec((1, 1), lambda i: (0, 0),
                               memory_space=pltpu.SMEM),
        out_shape=jax.ShapeDtypeStruct((1, 1), jnp.float32),
        scratch_shapes=[pltpu.VMEM((RBLK,), jnp.float32)],
    )(c2f, c2f, dmf)


@jax.jit
def kernel(structure, embeddings):
    s = structure
    zeros = jnp.zeros((SLICE,), jnp.float32)
    c2f = _hist()(s.ravel(), zeros)
    ep = jnp.zeros((NP, D), jnp.float32).at[:NV].set(embeddings)
    dm = _dmat(ep.T.astype(jnp.bfloat16), ep)
    total = _contract(c2f, dm.reshape(CBINS))[0, 0]
    n_pairs = s.shape[0] * (s.shape[1] - 1) * s.shape[2] * s.shape[3]
    return total / (3.0 * n_pairs * D)

# --- scband reference (transcript-rebuilt; emitter-appended) ---
"""Pipeline reference for scband-surface-smoothness-loss-54666343744091 (READ-ONLY COPY).

The authoritative reference and input builder live on the scoring server;
editing this copy changes nothing except your own understanding.
"""

import jax, jax.numpy as jnp
import numpy as np


def setup_inputs(seed: int = 0) -> dict:
    key = jax.random.key(seed)
    k1, k2 = jax.random.split(key)
    structure = jax.random.randint(k1, (16, 32, 32, 32), 0, 1000, dtype=jnp.int32)
    embeddings = jax.random.normal(k2, (1000, 128), dtype=jnp.float32)
    return {"structure": structure, "embeddings": embeddings}


def reference(structure, embeddings):
    # Embedding lookup: [B, 32, 32, 32] int ids -> [B, 32, 32, 32, D]
    emb = jnp.take(embeddings, structure, axis=0)
    # permute(0, 4, 1, 2, 3) -> [B, D, 32, 32, 32]
    emb = jnp.transpose(emb, (0, 4, 1, 2, 3))
    dx = jnp.abs(emb[:, :, 1:, :, :] - emb[:, :, :-1, :, :])
    dy = jnp.abs(emb[:, :, :, 1:, :] - emb[:, :, :, :-1, :])
    dz = jnp.abs(emb[:, :, :, :, 1:] - emb[:, :, :, :, :-1])
    smooth_loss = (dx.mean() + dy.mean() + dz.mean()) / 3.0
    return smooth_loss

if __name__ == "__main__":
    import jax
    _d = setup_inputs()
    print(jax.jit(kernel)(*tuple(_d.values())))

</pallas_src>

<mosaic_0001>
#map = affine_map<(d0, d1) -> (0)>
module attributes {stable_mosaic.version = 14 : i64} {
  func.func @_hist_body(%arg0: i32, %arg1: i32, %arg2: memref<524288xi32, #tpu.memory_space<hbm>>, %arg3: memref<65536xf32, #tpu.memory_space<hbm>>, %arg4: memref<2097152xf32, #tpu.memory_space<hbm>>, %arg5: memref<17408xi32, #tpu.memory_space<vmem>>, %arg6: memref<3x128xi32, #tpu.memory_space<vmem>>, %arg7: memref<3x128xi32, #tpu.memory_space<vmem>>, %arg8: memref<128xf32, #tpu.memory_space<vmem>>, %arg9: memref<1048576xf32, #tpu.memory_space<vmem_shared>>, %arg10: memref<!tpu.dma_semaphore, #tpu.memory_space<semaphore_mem>>, %arg11: memref<!tpu.dma_semaphore, #tpu.memory_space<semaphore_mem>>) attributes {dimension_semantics = [#tpu.dimension_semantics<core_parallel>, #tpu.dimension_semantics<subcore_parallel>], iteration_bounds = array<i64: 2, 16>, scalar_prefetch = 0 : i64, scratch_operands = 7 : i64, tpu.core_type = #tpu.core_type<sc_vector_subcore>, window_params = [{transform_indices = #map}, {transform_indices = #map}, {transform_indices = #map}]} {
    %mul3A = arith.constant 2 : i32
    %mul3A_0 = arith.muli %arg1, %mul3A : i32
    %add3A = arith.addi %mul3A_0, %arg0 : i32
    %mul3A_1 = arith.constant 65536 : i32
    %mul3A_2 = arith.muli %arg1, %mul3A_1 : i32
    "tpu.region"() ({
      %run_scoped3A = tpu.sem_alloc : memref<!tpu.dma_semaphore, #tpu.memory_space<semaphore_mem>>
      %dma_start3A = tpu.memref_slice %arg9[%mul3A_2] : memref<1048576xf32, #tpu.memory_space<vmem_shared>> -> memref<65536xf32, #tpu.memory_space<vmem_shared>>
      tpu.enqueue_dma source(%arg3 : memref<65536xf32, #tpu.memory_space<hbm>>) target(%dma_start3A : memref<65536xf32, #tpu.memory_space<vmem_shared>>) target_semaphore(%run_scoped3A : memref<!tpu.dma_semaphore, #tpu.memory_space<semaphore_mem>>)
      %dma_wait3A_98 = tpu.memref_slice %arg9[%mul3A_2] : memref<1048576xf32, #tpu.memory_space<vmem_shared>> -> memref<65536xf32, #tpu.memory_space<vmem_shared>>
      tpu.wait_dma2 semaphore(%run_scoped3A : memref<!tpu.dma_semaphore, #tpu.memory_space<semaphore_mem>>) src(%arg3 : memref<65536xf32, #tpu.memory_space<hbm>>) dst(%dma_wait3A_98 : memref<65536xf32, #tpu.memory_space<vmem_shared>>)
      tpu.yield
    }) : () -> ()
    %mul3A_3 = arith.constant 16384 : i32
    %mul3A_4 = arith.muli %add3A, %mul3A_3 : i32
    "tpu.region"() ({
      %run_scoped3A = tpu.sem_alloc : memref<!tpu.dma_semaphore, #tpu.memory_space<semaphore_mem>>
      %dma_start3A = arith.constant 0 : i32
      %dma_start3A_98 = tpu.memref_slice %arg5[%dma_start3A] : memref<17408xi32, #tpu.memory_space<vmem>> -> memref<16384xi32, #tpu.memory_space<vmem>>
      %dma_start3A_99 = tpu.memref_slice %arg2[%mul3A_4] : memref<524288xi32, #tpu.memory_space<hbm>> -> memref<16384xi32, #tpu.memory_space<hbm>>
      %dma_start3A_100 = arith.constant 0 : i32
      %dma_start3A_101 = tpu.memref_slice %arg5[%dma_start3A_100] : memref<17408xi32, #tpu.memory_space<vmem>> -> memref<16384xi32, #tpu.memory_space<vmem>>
      %dma_start3A_102 = tpu.memref_slice %arg2[%mul3A_4] : memref<524288xi32, #tpu.memory_space<hbm>> -> memref<16384xi32, #tpu.memory_space<hbm>>
      tpu.enqueue_dma source(%dma_start3A_102 : memref<16384xi32, #tpu.memory_space<hbm>>) target(%dma_start3A_101 : memref<16384xi32, #tpu.memory_space<vmem>>) target_semaphore(%run_scoped3A : memref<!tpu.dma_semaphore, #tpu.memory_space<semaphore_mem>>)
      %dma_wait3A_103 = arith.constant 0 : i32
      %dma_wait3A_104 = tpu.memref_slice %arg5[%dma_wait3A_103] : memref<17408xi32, #tpu.memory_space<vmem>> -> memref<16384xi32, #tpu.memory_space<vmem>>
      %dma_wait3A_105 = tpu.memref_slice %arg2[%mul3A_4] : memref<524288xi32, #tpu.memory_space<hbm>> -> memref<16384xi32, #tpu.memory_space<hbm>>
      %dma_wait3A_106 = arith.constant 0 : i32
      %dma_wait3A_107 = tpu.memref_slice %arg5[%dma_wait3A_106] : memref<17408xi32, #tpu.memory_space<vmem>> -> memref<16384xi32, #tpu.memory_space<vmem>>
      %dma_wait3A_108 = tpu.memref_slice %arg2[%mul3A_4] : memref<524288xi32, #tpu.memory_space<hbm>> -> memref<16384xi32, #tpu.memory_space<hbm>>
      tpu.wait_dma2 semaphore(%run_scoped3A : memref<!tpu.dma_semaphore, #tpu.memory_space<semaphore_mem>>) src(%dma_wait3A_108 : memref<16384xi32, #tpu.memory_space<hbm>>) dst(%dma_wait3A_107 : memref<16384xi32, #tpu.memory_space<vmem>>)
      tpu.yield
    }) : () -> ()
    %lt3A = arith.constant 31 : i32
    %lt3A_5 = arith.cmpi slt, %add3A, %lt3A : i32
    %convert_element_type3A = arith.extui %lt3A_5 : i1 to i32
    %cond3A = arith.constant 0 : i32
    %cond3A_6 = arith.cmpi ne, %convert_element_type3A, %cond3A : i32
    scf.if %cond3A_6 {
      %mul3A_98 = arith.constant 16384 : i32
      %mul3A_99 = arith.muli %add3A, %mul3A_98 : i32
      %add3A_100 = arith.constant 16384 : i32
      %add3A_101 = arith.addi %mul3A_99, %add3A_100 : i32
      "tpu.region"() ({
        %run_scoped3A = tpu.sem_alloc : memref<!tpu.dma_semaphore, #tpu.memory_space<semaphore_mem>>
        %dma_start3A = arith.constant 16384 : i32
        %dma_start3A_102 = tpu.memref_slice %arg5[%dma_start3A] : memref<17408xi32, #tpu.memory_space<vmem>> -> memref<1024xi32, #tpu.memory_space<vmem>>
        %dma_start3A_103 = tpu.memref_slice %arg2[%add3A_101] : memref<524288xi32, #tpu.memory_space<hbm>> -> memref<1024xi32, #tpu.memory_space<hbm>>
        %dma_start3A_104 = arith.constant 16384 : i32
        %dma_start3A_105 = tpu.memref_slice %arg5[%dma_start3A_104] : memref<17408xi32, #tpu.memory_space<vmem>> -> memref<1024xi32, #tpu.memory_space<vmem>>
        %dma_start3A_106 = tpu.memref_slice %arg2[%add3A_101] : memref<524288xi32, #tpu.memory_space<hbm>> -> memref<1024xi32, #tpu.memory_space<hbm>>
        tpu.enqueue_dma source(%dma_start3A_106 : memref<1024xi32, #tpu.memory_space<hbm>>) target(%dma_start3A_105 : memref<1024xi32, #tpu.memory_space<vmem>>) target_semaphore(%run_scoped3A : memref<!tpu.dma_semaphore, #tpu.memory_space<semaphore_mem>>)
        %dma_wait3A_107 = arith.constant 16384 : i32
        %dma_wait3A_108 = tpu.memref_slice %arg5[%dma_wait3A_107] : memref<17408xi32, #tpu.memory_space<vmem>> -> memref<1024xi32, #tpu.memory_space<vmem>>
        %dma_wait3A_109 = tpu.memref_slice %arg2[%add3A_101] : memref<524288xi32, #tpu.memory_space<hbm>> -> memref<1024xi32, #tpu.memory_space<hbm>>
        %dma_wait3A_110 = arith.constant 16384 : i32
        %dma_wait3A_111 = tpu.memref_slice %arg5[%dma_wait3A_110] : memref<17408xi32, #tpu.memory_space<vmem>> -> memref<1024xi32, #tpu.memory_space<vmem>>
        %dma_wait3A_112 = tpu.memref_slice %arg2[%add3A_101] : memref<524288xi32, #tpu.memory_space<hbm>> -> memref<1024xi32, #tpu.memory_space<hbm>>
        tpu.wait_dma2 semaphore(%run_scoped3A : memref<!tpu.dma_semaphore, #tpu.memory_space<semaphore_mem>>) src(%dma_wait3A_112 : memref<1024xi32, #tpu.memory_space<hbm>>) dst(%dma_wait3A_111 : memref<1024xi32, #tpu.memory_space<vmem>>)
        tpu.yield
      }) : () -> ()
    } else {
    }
    %broadcast_in_dim3A = arith.constant 1.000000e+00 : f32
    %broadcast_in_dim3A_7 = vector.broadcast %broadcast_in_dim3A : f32 to vector<16xf32>
    %swap3A = arith.constant 0 : index
    %swap3A_8 = tpu.vector_load %arg8[%swap3A] {strides = array<i32>} : memref<128xf32, #tpu.memory_space<vmem>>, vector<16xf32>,
    %swap3A_9 = vector.shape_cast %swap3A_8 : vector<16xf32> to vector<16xf32>
    %swap3A_10 = vector.shape_cast %broadcast_in_dim3A_7 : vector<16xf32> to vector<16xf32>
    tpu.vector_store %arg8[%swap3A], %swap3A_10 {strides = array<i32>} : memref<128xf32, #tpu.memory_space<vmem>>, vector<16xf32>,
    %broadcast_in_dim3A_11 = arith.constant 1.000000e+00 : f32
    %broadcast_in_dim3A_12 = vector.broadcast %broadcast_in_dim3A_11 : f32 to vector<16xf32>
    %swap3A_13 = arith.constant 16 : index
    %swap3A_14 = tpu.vector_load %arg8[%swap3A_13] {strides = array<i32>} : memref<128xf32, #tpu.memory_space<vmem>>, vector<16xf32>,
    %swap3A_15 = vector.shape_cast %swap3A_14 : vector<16xf32> to vector<16xf32>
    %swap3A_16 = vector.shape_cast %broadcast_in_dim3A_12 : vector<16xf32> to vector<16xf32>
    tpu.vector_store %arg8[%swap3A_13], %swap3A_16 {strides = array<i32>} : memref<128xf32, #tpu.memory_space<vmem>>, vector<16xf32>,
    %broadcast_in_dim3A_17 = arith.constant 1.000000e+00 : f32
    %broadcast_in_dim3A_18 = vector.broadcast %broadcast_in_dim3A_17 : f32 to vector<16xf32>
    %swap3A_19 = arith.constant 32 : index
    %swap3A_20 = tpu.vector_load %arg8[%swap3A_19] {strides = array<i32>} : memref<128xf32, #tpu.memory_space<vmem>>, vector<16xf32>,
    %swap3A_21 = vector.shape_cast %swap3A_20 : vector<16xf32> to vector<16xf32>
    %swap3A_22 = vector.shape_cast %broadcast_in_dim3A_18 : vector<16xf32> to vector<16xf32>
    tpu.vector_store %arg8[%swap3A_19], %swap3A_22 {strides = array<i32>} : memref<128xf32, #tpu.memory_space<vmem>>, vector<16xf32>,
    %broadcast_in_dim3A_23 = arith.constant 1.000000e+00 : f32
    %broadcast_in_dim3A_24 = vector.broadcast %broadcast_in_dim3A_23 : f32 to vector<16xf32>
    %swap3A_25 = arith.constant 48 : index
    %swap3A_26 = tpu.vector_load %arg8[%swap3A_25] {strides = array<i32>} : memref<128xf32, #tpu.memory_space<vmem>>, vector<16xf32>,
    %swap3A_27 = vector.shape_cast %swap3A_26 : vector<16xf32> to vector<16xf32>
    %swap3A_28 = vector.shape_cast %broadcast_in_dim3A_24 : vector<16xf32> to vector<16xf32>
    tpu.vector_store %arg8[%swap3A_25], %swap3A_28 {strides = array<i32>} : memref<128xf32, #tpu.memory_space<vmem>>, vector<16xf32>,
    %broadcast_in_dim3A_29 = arith.constant 1.000000e+00 : f32
    %broadcast_in_dim3A_30 = vector.broadcast %broadcast_in_dim3A_29 : f32 to vector<16xf32>
    %swap3A_31 = arith.constant 64 : index
    %swap3A_32 = tpu.vector_load %arg8[%swap3A_31] {strides = array<i32>} : memref<128xf32, #tpu.memory_space<vmem>>, vector<16xf32>,
    %swap3A_33 = vector.shape_cast %swap3A_32 : vector<16xf32> to vector<16xf32>
    %swap3A_34 = vector.shape_cast %broadcast_in_dim3A_30 : vector<16xf32> to vector<16xf32>
    tpu.vector_store %arg8[%swap3A_31], %swap3A_34 {strides = array<i32>} : memref<128xf32, #tpu.memory_space<vmem>>, vector<16xf32>,
    %broadcast_in_dim3A_35 = arith.constant 1.000000e+00 : f32
    %broadcast_in_dim3A_36 = vector.broadcast %broadcast_in_dim3A_35 : f32 to vector<16xf32>
    %swap3A_37 = arith.constant 80 : index
    %swap3A_38 = tpu.vector_load %arg8[%swap3A_37] {strides = array<i32>} : memref<128xf32, #tpu.memory_space<vmem>>, vector<16xf32>,
    %swap3A_39 = vector.shape_cast %swap3A_38 : vector<16xf32> to vector<16xf32>
    %swap3A_40 = vector.shape_cast %broadcast_in_dim3A_36 : vector<16xf32> to vector<16xf32>
    tpu.vector_store %arg8[%swap3A_37], %swap3A_40 {strides = array<i32>} : memref<128xf32, #tpu.memory_space<vmem>>, vector<16xf32>,
    %broadcast_in_dim3A_41 = arith.constant 1.000000e+00 : f32
    %broadcast_in_dim3A_42 = vector.broadcast %broadcast_in_dim3A_41 : f32 to vector<16xf32>
    %swap3A_43 = arith.constant 96 : index
    %swap3A_44 = tpu.vector_load %arg8[%swap3A_43] {strides = array<i32>} : memref<128xf32, #tpu.memory_space<vmem>>, vector<16xf32>,
    %swap3A_45 = vector.shape_cast %swap3A_44 : vector<16xf32> to vector<16xf32>
    %swap3A_46 = vector.shape_cast %broadcast_in_dim3A_42 : vector<16xf32> to vector<16xf32>
    tpu.vector_store %arg8[%swap3A_43], %swap3A_46 {strides = array<i32>} : memref<128xf32, #tpu.memory_space<vmem>>, vector<16xf32>,
    %broadcast_in_dim3A_47 = arith.constant 1.000000e+00 : f32
    %broadcast_in_dim3A_48 = vector.broadcast %broadcast_in_dim3A_47 : f32 to vector<16xf32>
    %swap3A_49 = arith.constant 112 : index
    %swap3A_50 = tpu.vector_load %arg8[%swap3A_49] {strides = array<i32>} : memref<128xf32, #tpu.memory_space<vmem>>, vector<16xf32>,
    %swap3A_51 = vector.shape_cast %swap3A_50 : vector<16xf32> to vector<16xf32>
    %swap3A_52 = vector.shape_cast %broadcast_in_dim3A_48 : vector<16xf32> to vector<16xf32>
    tpu.vector_store %arg8[%swap3A_49], %swap3A_52 {strides = array<i32>} : memref<128xf32, #tpu.memory_space<vmem>>, vector<16xf32>,
    %jit3A = arith.constant 2 : i32
    %eq3A = arith.constant 0 : i32
    %eq3A_53 = arith.cmpi eq, %jit3A, %eq3A : i32
    %jit3A_54 = arith.constant 1 : i32
    %select_n3A = arith.select %eq3A_53, %jit3A_54, %jit3A : i32
    %rem3A = arith.remsi %add3A, %select_n3A : i32
    %ne3A = arith.constant 0 : i32
    %ne3A_55 = arith.cmpi ne, %rem3A, %ne3A : i32
    %lt3A_56 = arith.constant 0 : i32
    %lt3A_57 = arith.cmpi slt, %rem3A, %lt3A_56 : i32
    %lt3A_58 = arith.constant 0 : i32
    %lt3A_59 = arith.cmpi slt, %select_n3A, %lt3A_58 : i32
    %ne3A_60 = arith.xori %lt3A_57, %lt3A_59 : i1
    %and3A = arith.andi %ne3A_60, %ne3A_55 : i1
    %add3A_61 = arith.addi %rem3A, %select_n3A : i32
    %select_n3A_62 = arith.select %and3A, %add3A_61, %rem3A : i32
    %eq3A_63 = arith.constant 0 : i32
    %eq3A_64 = arith.cmpi eq, %select_n3A_62, %eq3A_63 : i32
    %jit3A_65 = arith.constant 16 : i32
    %jit3A_66 = arith.constant 15 : i32
    %select_n3A_67 = arith.select %eq3A_64, %jit3A_65, %jit3A_66 : i32
    %iota3A = tpu.iota {dimensions = array<i32: 0>} : vector<16xi32>
    %barrier3A = arith.constant 0 : index
    tpu.barrier barrier_id(%barrier3A)
    %scan3A = arith.constant 0 : i32
    %scan3A_68 = arith.constant 0 : i32
    %scan3A_69 = arith.constant 64 : i32
    %scan3A_70 = arith.addi %scan3A_68, %scan3A_69 : i32
    %scan3A_71 = arith.constant 1 : i32
    scf.for %scan3A_98 = %scan3A_68 to %scan3A_70 step %scan3A_71  : i32 {
      %mul3A_99 = arith.constant 2 : i32
      %mul3A_100 = arith.muli %mul3A_99, %scan3A_98 : i32
      %mul3A_101 = arith.constant 128 : i32
      %mul3A_102 = arith.muli %mul3A_100, %mul3A_101 : i32
      %add3A_103 = arith.constant 0 : i32
      %add3A_104 = arith.addi %mul3A_102, %add3A_103 : i32
      %get3A = arith.index_cast %add3A_104 : i32 to index
      %get3A_105 = tpu.vector_load %arg5[%get3A] {strides = array<i32>} : memref<17408xi32, #tpu.memory_space<vmem>>, vector<16xi32>,
      %get3A_106 = vector.shape_cast %get3A_105 : vector<16xi32> to vector<16xi32>
      %add3A_107 = arith.constant 1 : i32
      %add3A_108 = arith.addi %add3A_104, %add3A_107 : i32
      %get3A_109 = arith.index_cast %add3A_108 : i32 to index
      %get3A_110 = tpu.vector_load %arg5[%get3A_109] {strides = array<i32>} : memref<17408xi32, #tpu.memory_space<vmem>>, vector<16xi32>,
      %get3A_111 = vector.shape_cast %get3A_110 : vector<16xi32> to vector<16xi32>
      %add3A_112 = arith.constant 32 : i32
      %add3A_113 = arith.addi %add3A_104, %add3A_112 : i32
      %get3A_114 = arith.index_cast %add3A_113 : i32 to index
      %get3A_115 = tpu.vector_load %arg5[%get3A_114] {strides = array<i32>} : memref<17408xi32, #tpu.memory_space<vmem>>, vector<16xi32>,
      %get3A_116 = vector.shape_cast %get3A_115 : vector<16xi32> to vector<16xi32>
      %add3A_117 = arith.constant 1024 : i32
      %add3A_118 = arith.addi %add3A_104, %add3A_117 : i32
      %get3A_119 = arith.index_cast %add3A_118 : i32 to index
      %get3A_120 = tpu.vector_load %arg5[%get3A_119] {strides = array<i32>} : memref<17408xi32, #tpu.memory_space<vmem>>, vector<16xi32>,
      %get3A_121 = vector.shape_cast %get3A_120 : vector<16xi32> to vector<16xi32>
      %add3A_122 = vector.broadcast %add3A_104 : i32 to vector<16xi32>
      %add3A_123 = arith.addi %iota3A, %add3A_122 : vector<16xi32>
      %and3A_124 = arith.constant 31 : i32
      %and3A_125 = vector.broadcast %and3A_124 : i32 to vector<16xi32>
      %and3A_126 = arith.andi %add3A_123, %and3A_125 : vector<16xi32>
      %ne3A_127 = arith.constant 31 : i32
      %ne3A_128 = vector.broadcast %ne3A_127 : i32 to vector<16xi32>
      %ne3A_129 = arith.cmpi ne, %and3A_126, %ne3A_128 : vector<16xi32>
      %shift_right_arithmetic3A = arith.constant 5 : i32
      %shift_right_arithmetic3A_130 = vector.broadcast %shift_right_arithmetic3A : i32 to vector<16xi32>
      %shift_right_arithmetic3A_131 = arith.shrsi %add3A_123, %shift_right_arithmetic3A_130 : vector<16xi32>
      %and3A_132 = arith.constant 31 : i32
      %and3A_133 = vector.broadcast %and3A_132 : i32 to vector<16xi32>
      %and3A_134 = arith.andi %shift_right_arithmetic3A_131, %and3A_133 : vector<16xi32>
      %ne3A_135 = arith.constant 31 : i32
      %ne3A_136 = vector.broadcast %ne3A_135 : i32 to vector<16xi32>
      %ne3A_137 = arith.cmpi ne, %and3A_134, %ne3A_136 : vector<16xi32>
      %shift_right_arithmetic3A_138 = arith.constant 10 : i32
      %shift_right_arithmetic3A_139 = vector.broadcast %shift_right_arithmetic3A_138 : i32 to vector<16xi32>
      %shift_right_arithmetic3A_140 = arith.shrsi %add3A_123, %shift_right_arithmetic3A_139 : vector<16xi32>
      %lt3A_141 = vector.broadcast %select_n3A_67 : i32 to vector<16xi32>
      %lt3A_142 = arith.cmpi slt, %shift_right_arithmetic3A_140, %lt3A_141 : vector<16xi32>
      %mul3A_143 = arith.constant 1024 : i32
      %mul3A_144 = vector.broadcast %mul3A_143 : i32 to vector<16xi32>
      %mul3A_145 = arith.muli %get3A_106, %mul3A_144 : vector<16xi32>
      %add3A_146 = arith.addi %mul3A_145, %get3A_111 : vector<16xi32>
      %jit3A_147 = arith.constant 0 : i32
      %broadcast_in_dim3A_148 = vector.broadcast %jit3A_147 : i32 to vector<16xi32>
      %select_n3A_149 = arith.select %ne3A_129, %add3A_146, %broadcast_in_dim3A_148 : vector<16xi1>, vector<16xi32>
      %swap3A_150 = arith.constant 0 : i32
      %swap3A_151 = arith.index_cast %swap3A_150 : i32 to index
      %swap3A_152 = arith.constant 0 : index
      %swap3A_153 = tpu.vector_load %arg6[%swap3A_151, %swap3A_152] {strides = array<i32>} : memref<3x128xi32, #tpu.memory_space<vmem>>, vector<1x16xi32>,
      %swap3A_154 = vector.shape_cast %swap3A_153 : vector<1x16xi32> to vector<16xi32>
      %swap3A_155 = vector.shape_cast %select_n3A_149 : vector<16xi32> to vector<1x16xi32>
      tpu.vector_store %arg6[%swap3A_151, %swap3A_152], %swap3A_155 {strides = array<i32>} : memref<3x128xi32, #tpu.memory_space<vmem>>, vector<1x16xi32>,
      %mul3A_156 = arith.constant 1024 : i32
      %mul3A_157 = vector.broadcast %mul3A_156 : i32 to vector<16xi32>
      %mul3A_158 = arith.muli %get3A_106, %mul3A_157 : vector<16xi32>
      %add3A_159 = arith.addi %mul3A_158, %get3A_116 : vector<16xi32>
      %jit3A_160 = arith.constant 0 : i32
      %broadcast_in_dim3A_161 = vector.broadcast %jit3A_160 : i32 to vector<16xi32>
      %select_n3A_162 = arith.select %ne3A_137, %add3A_159, %broadcast_in_dim3A_161 : vector<16xi1>, vector<16xi32>
      %swap3A_163 = arith.constant 1 : i32
      %swap3A_164 = arith.index_cast %swap3A_163 : i32 to index
      %swap3A_165 = arith.constant 0 : index
      %swap3A_166 = tpu.vector_load %arg6[%swap3A_164, %swap3A_165] {strides = array<i32>} : memref<3x128xi32, #tpu.memory_space<vmem>>, vector<1x16xi32>,
      %swap3A_167 = vector.shape_cast %swap3A_166 : vector<1x16xi32> to vector<16xi32>
      %swap3A_168 = vector.shape_cast %select_n3A_162 : vector<16xi32> to vector<1x16xi32>
      tpu.vector_store %arg6[%swap3A_164, %swap3A_165], %swap3A_168 {strides = array<i32>} : memref<3x128xi32, #tpu.memory_space<vmem>>, vector<1x16xi32>,
      %mul3A_169 = arith.constant 1024 : i32
      %mul3A_170 = vector.broadcast %mul3A_169 : i32 to vector<16xi32>
      %mul3A_171 = arith.muli %get3A_106, %mul3A_170 : vector<16xi32>
      %add3A_172 = arith.addi %mul3A_171, %get3A_121 : vector<16xi32>
      %jit3A_173 = arith.constant 0 : i32
      %broadcast_in_dim3A_174 = vector.broadcast %jit3A_173 : i32 to vector<16xi32>
      %select_n3A_175 = arith.select %lt3A_142, %add3A_172, %broadcast_in_dim3A_174 : vector<16xi1>, vector<16xi32>
      %swap3A_176 = arith.constant 2 : i32
      %swap3A_177 = arith.index_cast %swap3A_176 : i32 to index
      %swap3A_178 = arith.constant 0 : index
      %swap3A_179 = tpu.vector_load %arg6[%swap3A_177, %swap3A_178] {strides = array<i32>} : memref<3x128xi32, #tpu.memory_space<vmem>>, vector<1x16xi32>,
      %swap3A_180 = vector.shape_cast %swap3A_179 : vector<1x16xi32> to vector<16xi32>
      %swap3A_181 = vector.shape_cast %select_n3A_175 : vector<16xi32> to vector<1x16xi32>
      tpu.vector_store %arg6[%swap3A_177, %swap3A_178], %swap3A_181 {strides = array<i32>} : memref<3x128xi32, #tpu.memory_space<vmem>>, vector<1x16xi32>,
      %add3A_182 = arith.constant 16 : i32
      %add3A_183 = arith.addi %mul3A_102, %add3A_182 : i32
      %get3A_184 = arith.index_cast %add3A_183 : i32 to index
      %get3A_185 = tpu.vector_load %arg5[%get3A_184] {strides = array<i32>} : memref<17408xi32, #tpu.memory_space<vmem>>, vector<16xi32>,
      %get3A_186 = vector.shape_cast %get3A_185 : vector<16xi32> to vector<16xi32>
      %add3A_187 = arith.constant 1 : i32
      %add3A_188 = arith.addi %add3A_183, %add3A_187 : i32
      %get3A_189 = arith.index_cast %add3A_188 : i32 to index
      %get3A_190 = tpu.vector_load %arg5[%get3A_189] {strides = array<i32>} : memref<17408xi32, #tpu.memory_space<vmem>>, vector<16xi32>,
      %get3A_191 = vector.shape_cast %get3A_190 : vector<16xi32> to vector<16xi32>
      %add3A_192 = arith.constant 32 : i32
      %add3A_193 = arith.addi %add3A_183, %add3A_192 : i32
      %get3A_194 = arith.index_cast %add3A_193 : i32 to index
      %get3A_195 = tpu.vector_load %arg5[%get3A_194] {strides = array<i32>} : memref<17408xi32, #tpu.memory_space<vmem>>, vector<16xi32>,
      %get3A_196 = vector.shape_cast %get3A_195 : vector<16xi32> to vector<16xi32>
      %add3A_197 = arith.constant 1024 : i32
      %add3A_198 = arith.addi %add3A_183, %add3A_197 : i32
      %get3A_199 = arith.index_cast %add3A_198 : i32 to index
      %get3A_200 = tpu.vector_load %arg5[%get3A_199] {strides = array<i32>} : memref<17408xi32, #tpu.memory_space<vmem>>, vector<16xi32>,
      %get3A_201 = vector.shape_cast %get3A_200 : vector<16xi32> to vector<16xi32>
      %add3A_202 = vector.broadcast %add3A_183 : i32 to vector<16xi32>
      %add3A_203 = arith.addi %iota3A, %add3A_202 : vector<16xi32>
      %and3A_204 = arith.constant 31 : i32
      %and3A_205 = vector.broadcast %and3A_204 : i32 to vector<16xi32>
      %and3A_206 = arith.andi %add3A_203, %and3A_205 : vector<16xi32>
      %ne3A_207 = arith.constant 31 : i32
      %ne3A_208 = vector.broadcast %ne3A_207 : i32 to vector<16xi32>
      %ne3A_209 = arith.cmpi ne, %and3A_206, %ne3A_208 : vector<16xi32>
      %shift_right_arithmetic3A_210 = arith.constant 5 : i32
      %shift_right_arithmetic3A_211 = vector.broadcast %shift_right_arithmetic3A_210 : i32 to vector<16xi32>
      %shift_right_arithmetic3A_212 = arith.shrsi %add3A_203, %shift_right_arithmetic3A_211 : vector<16xi32>
      %and3A_213 = arith.constant 31 : i32
      %and3A_214 = vector.broadcast %and3A_213 : i32 to vector<16xi32>
      %and3A_215 = arith.andi %shift_right_arithmetic3A_212, %and3A_214 : vector<16xi32>
      %ne3A_216 = arith.constant 31 : i32
      %ne3A_217 = vector.broadcast %ne3A_216 : i32 to vector<16xi32>
      %ne3A_218 = arith.cmpi ne, %and3A_215, %ne3A_217 : vector<16xi32>
      %shift_right_arithmetic3A_219 = arith.constant 10 : i32
      %shift_right_arithmetic3A_220 = vector.broadcast %shift_right_arithmetic3A_219 : i32 to vector<16xi32>
      %shift_right_arithmetic3A_221 = arith.shrsi %add3A_203, %shift_right_arithmetic3A_220 : vector<16xi32>
      %lt3A_222 = vector.broadcast %select_n3A_67 : i32 to vector<16xi32>
      %lt3A_223 = arith.cmpi slt, %shift_right_arithmetic3A_221, %lt3A_222 : vector<16xi32>
      %mul3A_224 = arith.constant 1024 : i32
      %mul3A_225 = vector.broadcast %mul3A_224 : i32 to vector<16xi32>
      %mul3A_226 = arith.muli %get3A_186, %mul3A_225 : vector<16xi32>
      %add3A_227 = arith.addi %mul3A_226, %get3A_191 : vector<16xi32>
      %jit3A_228 = arith.constant 0 : i32
      %broadcast_in_dim3A_229 = vector.broadcast %jit3A_228 : i32 to vector<16xi32>
      %select_n3A_230 = arith.select %ne3A_209, %add3A_227, %broadcast_in_dim3A_229 : vector<16xi1>, vector<16xi32>
      %swap3A_231 = arith.constant 0 : i32
      %swap3A_232 = arith.index_cast %swap3A_231 : i32 to index
      %swap3A_233 = arith.constant 16 : index
      %swap3A_234 = tpu.vector_load %arg6[%swap3A_232, %swap3A_233] {strides = array<i32>} : memref<3x128xi32, #tpu.memory_space<vmem>>, vector<1x16xi32>,
      %swap3A_235 = vector.shape_cast %swap3A_234 : vector<1x16xi32> to vector<16xi32>
      %swap3A_236 = vector.shape_cast %select_n3A_230 : vector<16xi32> to vector<1x16xi32>
      tpu.vector_store %arg6[%swap3A_232, %swap3A_233], %swap3A_236 {strides = array<i32>} : memref<3x128xi32, #tpu.memory_space<vmem>>, vector<1x16xi32>,
      %mul3A_237 = arith.constant 1024 : i32
      %mul3A_238 = vector.broadcast %mul3A_237 : i32 to vector<16xi32>
      %mul3A_239 = arith.muli %get3A_186, %mul3A_238 : vector<16xi32>
      %add3A_240 = arith.addi %mul3A_239, %get3A_196 : vector<16xi32>
      %jit3A_241 = arith.constant 0 : i32
      %broadcast_in_dim3A_242 = vector.broadcast %jit3A_241 : i32 to vector<16xi32>
      %select_n3A_243 = arith.select %ne3A_218, %add3A_240, %broadcast_in_dim3A_242 : vector<16xi1>, vector<16xi32>
      %swap3A_244 = arith.constant 1 : i32
      %swap3A_245 = arith.index_cast %swap3A_244 : i32 to index
      %swap3A_246 = arith.constant 16 : index
      %swap3A_247 = tpu.vector_load %arg6[%swap3A_245, %swap3A_246] {strides = array<i32>} : memref<3x128xi32, #tpu.memory_space<vmem>>, vector<1x16xi32>,
      %swap3A_248 = vector.shape_cast %swap3A_247 : vector<1x16xi32> to vector<16xi32>
      %swap3A_249 = vector.shape_cast %select_n3A_243 : vector<16xi32> to vector<1x16xi32>
      tpu.vector_store %arg6[%swap3A_245, %swap3A_246], %swap3A_249 {strides = array<i32>} : memref<3x128xi32, #tpu.memory_space<vmem>>, vector<1x16xi32>,
      %mul3A_250 = arith.constant 1024 : i32
      %mul3A_251 = vector.broadcast %mul3A_250 : i32 to vector<16xi32>
      %mul3A_252 = arith.muli %get3A_186, %mul3A_251 : vector<16xi32>
      %add3A_253 = arith.addi %mul3A_252, %get3A_201 : vector<16xi32>
      %jit3A_254 = arith.constant 0 : i32
      %broadcast_in_dim3A_255 = vector.broadcast %jit3A_254 : i32 to vector<16xi32>
      %select_n3A_256 = arith.select %lt3A_223, %add3A_253, %broadcast_in_dim3A_255 : vector<16xi1>, vector<16xi32>
      %swap3A_257 = arith.constant 2 : i32
      %swap3A_258 = arith.index_cast %swap3A_257 : i32 to index
      %swap3A_259 = arith.constant 16 : index
      %swap3A_260 = tpu.vector_load %arg6[%swap3A_258, %swap3A_259] {strides = array<i32>} : memref<3x128xi32, #tpu.memory_space<vmem>>, vector<1x16xi32>,
      %swap3A_261 = vector.shape_cast %swap3A_260 : vector<1x16xi32> to vector<16xi32>
      %swap3A_262 = vector.shape_cast %select_n3A_256 : vector<16xi32> to vector<1x16xi32>
      tpu.vector_store %arg6[%swap3A_258, %swap3A_259], %swap3A_262 {strides = array<i32>} : memref<3x128xi32, #tpu.memory_space<vmem>>, vector<1x16xi32>,
      %add3A_263 = arith.constant 32 : i32
      %add3A_264 = arith.addi %mul3A_102, %add3A_263 : i32
      %get3A_265 = arith.index_cast %add3A_264 : i32 to index
      %get3A_266 = tpu.vector_load %arg5[%get3A_265] {strides = array<i32>} : memref<17408xi32, #tpu.memory_space<vmem>>, vector<16xi32>,
      %get3A_267 = vector.shape_cast %get3A_266 : vector<16xi32> to vector<16xi32>
      %add3A_268 = arith.constant 1 : i32
      %add3A_269 = arith.addi %add3A_264, %add3A_268 : i32
      %get3A_270 = arith.index_cast %add3A_269 : i32 to index
      %get3A_271 = tpu.vector_load %arg5[%get3A_270] {strides = array<i32>} : memref<17408xi32, #tpu.memory_space<vmem>>, vector<16xi32>,
      %get3A_272 = vector.shape_cast %get3A_271 : vector<16xi32> to vector<16xi32>
      %add3A_273 = arith.constant 32 : i32
      %add3A_274 = arith.addi %add3A_264, %add3A_273 : i32
      %get3A_275 = arith.index_cast %add3A_274 : i32 to index
      %get3A_276 = tpu.vector_load %arg5[%get3A_275] {strides = array<i32>} : memref<17408xi32, #tpu.memory_space<vmem>>, vector<16xi32>,
      %get3A_277 = vector.shape_cast %get3A_276 : vector<16xi32> to vector<16xi32>
      %add3A_278 = arith.constant 1024 : i32
      %add3A_279 = arith.addi %add3A_264, %add3A_278 : i32
      %get3A_280 = arith.index_cast %add3A_279 : i32 to index
      %get3A_281 = tpu.vector_load %arg5[%get3A_280] {strides = array<i32>} : memref<17408xi32, #tpu.memory_space<vmem>>, vector<16xi32>,
      %get3A_282 = vector.shape_cast %get3A_281 : vector<16xi32> to vector<16xi32>
      %add3A_283 = vector.broadcast %add3A_264 : i32 to vector<16xi32>
      %add3A_284 = arith.addi %iota3A, %add3A_283 : vector<16xi32>
      %and3A_285 = arith.constant 31 : i32
      %and3A_286 = vector.broadcast %and3A_285 : i32 to vector<16xi32>
      %and3A_287 = arith.andi %add3A_284, %and3A_286 : vector<16xi32>
      %ne3A_288 = arith.constant 31 : i32
      %ne3A_289 = vector.broadcast %ne3A_288 : i32 to vector<16xi32>
      %ne3A_290 = arith.cmpi ne, %and3A_287, %ne3A_289 : vector<16xi32>
      %shift_right_arithmetic3A_291 = arith.constant 5 : i32
      %shift_right_arithmetic3A_292 = vector.broadcast %shift_right_arithmetic3A_291 : i32 to vector<16xi32>
      %shift_right_arithmetic3A_293 = arith.shrsi %add3A_284, %shift_right_arithmetic3A_292 : vector<16xi32>
      %and3A_294 = arith.constant 31 : i32
      %and3A_295 = vector.broadcast %and3A_294 : i32 to vector<16xi32>
      %and3A_296 = arith.andi %shift_right_arithmetic3A_293, %and3A_295 : vector<16xi32>
      %ne3A_297 = arith.constant 31 : i32
      %ne3A_298 = vector.broadcast %ne3A_297 : i32 to vector<16xi32>
      %ne3A_299 = arith.cmpi ne, %and3A_296, %ne3A_298 : vector<16xi32>
      %shift_right_arithmetic3A_300 = arith.constant 10 : i32
      %shift_right_arithmetic3A_301 = vector.broadcast %shift_right_arithmetic3A_300 : i32 to vector<16xi32>
      %shift_right_arithmetic3A_302 = arith.shrsi %add3A_284, %shift_right_arithmetic3A_301 : vector<16xi32>
      %lt3A_303 = vector.broadcast %select_n3A_67 : i32 to vector<16xi32>
      %lt3A_304 = arith.cmpi slt, %shift_right_arithmetic3A_302, %lt3A_303 : vector<16xi32>
      %mul3A_305 = arith.constant 1024 : i32
      %mul3A_306 = vector.broadcast %mul3A_305 : i32 to vector<16xi32>
      %mul3A_307 = arith.muli %get3A_267, %mul3A_306 : vector<16xi32>
      %add3A_308 = arith.addi %mul3A_307, %get3A_272 : vector<16xi32>
      %jit3A_309 = arith.constant 0 : i32
      %broadcast_in_dim3A_310 = vector.broadcast %jit3A_309 : i32 to vector<16xi32>
      %select_n3A_311 = arith.select %ne3A_290, %add3A_308, %broadcast_in_dim3A_310 : vector<16xi1>, vector<16xi32>
      %swap3A_312 = arith.constant 0 : i32
      %swap3A_313 = arith.index_cast %swap3A_312 : i32 to index
      %swap3A_314 = arith.constant 32 : index
      %swap3A_315 = tpu.vector_load %arg6[%swap3A_313, %swap3A_314] {strides = array<i32>} : memref<3x128xi32, #tpu.memory_space<vmem>>, vector<1x16xi32>,
      %swap3A_316 = vector.shape_cast %swap3A_315 : vector<1x16xi32> to vector<16xi32>
      %swap3A_317 = vector.shape_cast %select_n3A_311 : vector<16xi32> to vector<1x16xi32>
      tpu.vector_store %arg6[%swap3A_313, %swap3A_314], %swap3A_317 {strides = array<i32>} : memref<3x128xi32, #tpu.memory_space<vmem>>, vector<1x16xi32>,
      %mul3A_318 = arith.constant 1024 : i32
      %mul3A_319 = vector.broadcast %mul3A_318 : i32 to vector<16xi32>
      %mul3A_320 = arith.muli %get3A_267, %mul3A_319 : vector<16xi32>
      %add3A_321 = arith.addi %mul3A_320, %get3A_277 : vector<16xi32>
      %jit3A_322 = arith.constant 0 : i32
      %broadcast_in_dim3A_323 = vector.broadcast %jit3A_322 : i32 to vector<16xi32>
      %select_n3A_324 = arith.select %ne3A_299, %add3A_321, %broadcast_in_dim3A_323 : vector<16xi1>, vector<16xi32>
      %swap3A_325 = arith.constant 1 : i32
      %swap3A_326 = arith.index_cast %swap3A_325 : i32 to index
      %swap3A_327 = arith.constant 32 : index
      %swap3A_328 = tpu.vector_load %arg6[%swap3A_326, %swap3A_327] {strides = array<i32>} : memref<3x128xi32, #tpu.memory_space<vmem>>, vector<1x16xi32>,
      %swap3A_329 = vector.shape_cast %swap3A_328 : vector<1x16xi32> to vector<16xi32>
      %swap3A_330 = vector.shape_cast %select_n3A_324 : vector<16xi32> to vector<1x16xi32>
      tpu.vector_store %arg6[%swap3A_326, %swap3A_327], %swap3A_330 {strides = array<i32>} : memref<3x128xi32, #tpu.memory_space<vmem>>, vector<1x16xi32>,
      %mul3A_331 = arith.constant 1024 : i32
      %mul3A_332 = vector.broadcast %mul3A_331 : i32 to vector<16xi32>
      %mul3A_333 = arith.muli %get3A_267, %mul3A_332 : vector<16xi32>
      %add3A_334 = arith.addi %mul3A_333, %get3A_282 : vector<16xi32>
      %jit3A_335 = arith.constant 0 : i32
      %broadcast_in_dim3A_336 = vector.broadcast %jit3A_335 : i32 to vector<16xi32>
      %select_n3A_337 = arith.select %lt3A_304, %add3A_334, %broadcast_in_dim3A_336 : vector<16xi1>, vector<16xi32>
      %swap3A_338 = arith.constant 2 : i32
      %swap3A_339 = arith.index_cast %swap3A_338 : i32 to index
      %swap3A_340 = arith.constant 32 : index
      %swap3A_341 = tpu.vector_load %arg6[%swap3A_339, %swap3A_340] {strides = array<i32>} : memref<3x128xi32, #tpu.memory_space<vmem>>, vector<1x16xi32>,
      %swap3A_342 = vector.shape_cast %swap3A_341 : vector<1x16xi32> to vector<16xi32>
      %swap3A_343 = vector.shape_cast %select_n3A_337 : vector<16xi32> to vector<1x16xi32>
      tpu.vector_store %arg6[%swap3A_339, %swap3A_340], %swap3A_343 {strides = array<i32>} : memref<3x128xi32, #tpu.memory_space<vmem>>, vector<1x16xi32>,
      %add3A_344 = arith.constant 48 : i32
      %add3A_345 = arith.addi %mul3A_102, %add3A_344 : i32
      %get3A_346 = arith.index_cast %add3A_345 : i32 to index
      %get3A_347 = tpu.vector_load %arg5[%get3A_346] {strides = array<i32>} : memref<17408xi32, #tpu.memory_space<vmem>>, vector<16xi32>,
      %get3A_348 = vector.shape_cast %get3A_347 : vector<16xi32> to vector<16xi32>
      %add3A_349 = arith.constant 1 : i32
      %add3A_350 = arith.addi %add3A_345, %add3A_349 : i32
      %get3A_351 = arith.index_cast %add3A_350 : i32 to index
      %get3A_352 = tpu.vector_load %arg5[%get3A_351] {strides = array<i32>} : memref<17408xi32, #tpu.memory_space<vmem>>, vector<16xi32>,
      %get3A_353 = vector.shape_cast %get3A_352 : vector<16xi32> to vector<16xi32>
      %add3A_354 = arith.constant 32 : i32
      %add3A_355 = arith.addi %add3A_345, %add3A_354 : i32
      %get3A_356 = arith.index_cast %add3A_355 : i32 to index
      %get3A_357 = tpu.vector_load %arg5[%get3A_356] {strides = array<i32>} : memref<17408xi32, #tpu.memory_space<vmem>>, vector<16xi32>,
      %get3A_358 = vector.shape_cast %get3A_357 : vector<16xi32> to vector<16xi32>
      %add3A_359 = arith.constant 1024 : i32
      %add3A_360 = arith.addi %add3A_345, %add3A_359 : i32
      %get3A_361 = arith.index_cast %add3A_360 : i32 to index
      %get3A_362 = tpu.vector_load %arg5[%get3A_361] {strides = array<i32>} : memref<17408xi32, #tpu.memory_space<vmem>>, vector<16xi32>,
      %get3A_363 = vector.shape_cast %get3A_362 : vector<16xi32> to vector<16xi32>
      %add3A_364 = vector.broadcast %add3A_345 : i32 to vector<16xi32>
      %add3A_365 = arith.addi %iota3A, %add3A_364 : vector<16xi32>
      %and3A_366 = arith.constant 31 : i32
      %and3A_367 = vector.broadcast %and3A_366 : i32 to vector<16xi32>
      %and3A_368 = arith.andi %add3A_365, %and3A_367 : vector<16xi32>
      %ne3A_369 = arith.constant 31 : i32
      %ne3A_370 = vector.broadcast %ne3A_369 : i32 to vector<16xi32>
      %ne3A_371 = arith.cmpi ne, %and3A_368, %ne3A_370 : vector<16xi32>
      %shift_right_arithmetic3A_372 = arith.constant 5 : i32
      %shift_right_arithmetic3A_373 = vector.broadcast %shift_right_arithmetic3A_372 : i32 to vector<16xi32>
      %shift_right_arithmetic3A_374 = arith.shrsi %add3A_365, %shift_right_arithmetic3A_373 : vector<16xi32>
      %and3A_375 = arith.constant 31 : i32
      %and3A_376 = vector.broadcast %and3A_375 : i32 to vector<16xi32>
      %and3A_377 = arith.andi %shift_right_arithmetic3A_374, %and3A_376 : vector<16xi32>
      %ne3A_378 = arith.constant 31 : i32
      %ne3A_379 = vector.broadcast %ne3A_378 : i32 to vector<16xi32>
      %ne3A_380 = arith.cmpi ne, %and3A_377, %ne3A_379 : vector<16xi32>
      %shift_right_arithmetic3A_381 = arith.constant 10 : i32
      %shift_right_arithmetic3A_382 = vector.broadcast %shift_right_arithmetic3A_381 : i32 to vector<16xi32>
      %shift_right_arithmetic3A_383 = arith.shrsi %add3A_365, %shift_right_arithmetic3A_382 : vector<16xi32>
      %lt3A_384 = vector.broadcast %select_n3A_67 : i32 to vector<16xi32>
      %lt3A_385 = arith.cmpi slt, %shift_right_arithmetic3A_383, %lt3A_384 : vector<16xi32>
      %mul3A_386 = arith.constant 1024 : i32
      %mul3A_387 = vector.broadcast %mul3A_386 : i32 to vector<16xi32>
      %mul3A_388 = arith.muli %get3A_348, %mul3A_387 : vector<16xi32>
      %add3A_389 = arith.addi %mul3A_388, %get3A_353 : vector<16xi32>
      %jit3A_390 = arith.constant 0 : i32
      %broadcast_in_dim3A_391 = vector.broadcast %jit3A_390 : i32 to vector<16xi32>
      %select_n3A_392 = arith.select %ne3A_371, %add3A_389, %broadcast_in_dim3A_391 : vector<16xi1>, vector<16xi32>
      %swap3A_393 = arith.constant 0 : i32
      %swap3A_394 = arith.index_cast %swap3A_393 : i32 to index
      %swap3A_395 = arith.constant 48 : index
      %swap3A_396 = tpu.vector_load %arg6[%swap3A_394, %swap3A_395] {strides = array<i32>} : memref<3x128xi32, #tpu.memory_space<vmem>>, vector<1x16xi32>,
      %swap3A_397 = vector.shape_cast %swap3A_396 : vector<1x16xi32> to vector<16xi32>
      %swap3A_398 = vector.shape_cast %select_n3A_392 : vector<16xi32> to vector<1x16xi32>
      tpu.vector_store %arg6[%swap3A_394, %swap3A_395], %swap3A_398 {strides = array<i32>} : memref<3x128xi32, #tpu.memory_space<vmem>>, vector<1x16xi32>,
      %mul3A_399 = arith.constant 1024 : i32
      %mul3A_400 = vector.broadcast %mul3A_399 : i32 to vector<16xi32>
      %mul3A_401 = arith.muli %get3A_348, %mul3A_400 : vector<16xi32>
      %add3A_402 = arith.addi %mul3A_401, %get3A_358 : vector<16xi32>
      %jit3A_403 = arith.constant 0 : i32
      %broadcast_in_dim3A_404 = vector.broadcast %jit3A_403 : i32 to vector<16xi32>
      %select_n3A_405 = arith.select %ne3A_380, %add3A_402, %broadcast_in_dim3A_404 : vector<16xi1>, vector<16xi32>
      %swap3A_406 = arith.constant 1 : i32
      %swap3A_407 = arith.index_cast %swap3A_406 : i32 to index
      %swap3A_408 = arith.constant 48 : index
      %swap3A_409 = tpu.vector_load %arg6[%swap3A_407, %swap3A_408] {strides = array<i32>} : memref<3x128xi32, #tpu.memory_space<vmem>>, vector<1x16xi32>,
      %swap3A_410 = vector.shape_cast %swap3A_409 : vector<1x16xi32> to vector<16xi32>
      %swap3A_411 = vector.shape_cast %select_n3A_405 : vector<16xi32> to vector<1x16xi32>
      tpu.vector_store %arg6[%swap3A_407, %swap3A_408], %swap3A_411 {strides = array<i32>} : memref<3x128xi32, #tpu.memory_space<vmem>>, vector<1x16xi32>,
      %mul3A_412 = arith.constant 1024 : i32
      %mul3A_413 = vector.broadcast %mul3A_412 : i32 to vector<16xi32>
      %mul3A_414 = arith.muli %get3A_348, %mul3A_413 : vector<16xi32>
      %add3A_415 = arith.addi %mul3A_414, %get3A_363 : vector<16xi32>
      %jit3A_416 = arith.constant 0 : i32
      %broadcast_in_dim3A_417 = vector.broadcast %jit3A_416 : i32 to vector<16xi32>
      %select_n3A_418 = arith.select %lt3A_385, %add3A_415, %broadcast_in_dim3A_417 : vector<16xi1>, vector<16xi32>
      %swap3A_419 = arith.constant 2 : i32
      %swap3A_420 = arith.index_cast %swap3A_419 : i32 to index
      %swap3A_421 = arith.constant 48 : index
      %swap3A_422 = tpu.vector_load %arg6[%swap3A_420, %swap3A_421] {strides = array<i32>} : memref<3x128xi32, #tpu.memory_space<vmem>>, vector<1x16xi32>,
      %swap3A_423 = vector.shape_cast %swap3A_422 : vector<1x16xi32> to vector<16xi32>
      %swap3A_424 = vector.shape_cast %select_n3A_418 : vector<16xi32> to vector<1x16xi32>
      tpu.vector_store %arg6[%swap3A_420, %swap3A_421], %swap3A_424 {strides = array<i32>} : memref<3x128xi32, #tpu.memory_space<vmem>>, vector<1x16xi32>,
      %add3A_425 = arith.constant 64 : i32
      %add3A_426 = arith.addi %mul3A_102, %add3A_425 : i32
      %get3A_427 = arith.index_cast %add3A_426 : i32 to index
      %get3A_428 = tpu.vector_load %arg5[%get3A_427] {strides = array<i32>} : memref<17408xi32, #tpu.memory_space<vmem>>, vector<16xi32>,
      %get3A_429 = vector.shape_cast %get3A_428 : vector<16xi32> to vector<16xi32>
      %add3A_430 = arith.constant 1 : i32
      %add3A_431 = arith.addi %add3A_426, %add3A_430 : i32
      %get3A_432 = arith.index_cast %add3A_431 : i32 to index
      %get3A_433 = tpu.vector_load %arg5[%get3A_432] {strides = array<i32>} : memref<17408xi32, #tpu.memory_space<vmem>>, vector<16xi32>,
      %get3A_434 = vector.shape_cast %get3A_433 : vector<16xi32> to vector<16xi32>
      %add3A_435 = arith.constant 32 : i32
      %add3A_436 = arith.addi %add3A_426, %add3A_435 : i32
      %get3A_437 = arith.index_cast %add3A_436 : i32 to index
      %get3A_438 = tpu.vector_load %arg5[%get3A_437] {strides = array<i32>} : memref<17408xi32, #tpu.memory_space<vmem>>, vector<16xi32>,
      %get3A_439 = vector.shape_cast %get3A_438 : vector<16xi32> to vector<16xi32>
      %add3A_440 = arith.constant 1024 : i32
      %add3A_441 = arith.addi %add3A_426, %add3A_440 : i32
      %get3A_442 = arith.index_cast %add3A_441 : i32 to index
      %get3A_443 = tpu.vector_load %arg5[%get3A_442] {strides = array<i32>} : memref<17408xi32, #tpu.memory_space<vmem>>, vector<16xi32>,
      %get3A_444 = vector.shape_cast %get3A_443 : vector<16xi32> to vector<16xi32>
      %add3A_445 = vector.broadcast %add3A_426 : i32 to vector<16xi32>
      %add3A_446 = arith.addi %iota3A, %add3A_445 : vector<16xi32>
      %and3A_447 = arith.constant 31 : i32
      %and3A_448 = vector.broadcast %and3A_447 : i32 to vector<16xi32>
      %and3A_449 = arith.andi %add3A_446, %and3A_448 : vector<16xi32>
      %ne3A_450 = arith.constant 31 : i32
      %ne3A_451 = vector.broadcast %ne3A_450 : i32 to vector<16xi32>
      %ne3A_452 = arith.cmpi ne, %and3A_449, %ne3A_451 : vector<16xi32>
      %shift_right_arithmetic3A_453 = arith.constant 5 : i32
      %shift_right_arithmetic3A_454 = vector.broadcast %shift_right_arithmetic3A_453 : i32 to vector<16xi32>
      %shift_right_arithmetic3A_455 = arith.shrsi %add3A_446, %shift_right_arithmetic3A_454 : vector<16xi32>
      %and3A_456 = arith.constant 31 : i32
      %and3A_457 = vector.broadcast %and3A_456 : i32 to vector<16xi32>
      %and3A_458 = arith.andi %shift_right_arithmetic3A_455, %and3A_457 : vector<16xi32>
      %ne3A_459 = arith.constant 31 : i32
      %ne3A_460 = vector.broadcast %ne3A_459 : i32 to vector<16xi32>
      %ne3A_461 = arith.cmpi ne, %and3A_458, %ne3A_460 : vector<16xi32>
      %shift_right_arithmetic3A_462 = arith.constant 10 : i32
      %shift_right_arithmetic3A_463 = vector.broadcast %shift_right_arithmetic3A_462 : i32 to vector<16xi32>
      %shift_right_arithmetic3A_464 = arith.shrsi %add3A_446, %shift_right_arithmetic3A_463 : vector<16xi32>
      %lt3A_465 = vector.broadcast %select_n3A_67 : i32 to vector<16xi32>
      %lt3A_466 = arith.cmpi slt, %shift_right_arithmetic3A_464, %lt3A_465 : vector<16xi32>
      %mul3A_467 = arith.constant 1024 : i32
      %mul3A_468 = vector.broadcast %mul3A_467 : i32 to vector<16xi32>
      %mul3A_469 = arith.muli %get3A_429, %mul3A_468 : vector<16xi32>
      %add3A_470 = arith.addi %mul3A_469, %get3A_434 : vector<16xi32>
      %jit3A_471 = arith.constant 0 : i32
      %broadcast_in_dim3A_472 = vector.broadcast %jit3A_471 : i32 to vector<16xi32>
      %select_n3A_473 = arith.select %ne3A_452, %add3A_470, %broadcast_in_dim3A_472 : vector<16xi1>, vector<16xi32>
      %swap3A_474 = arith.constant 0 : i32
      %swap3A_475 = arith.index_cast %swap3A_474 : i32 to index
      %swap3A_476 = arith.constant 64 : index
      %swap3A_477 = tpu.vector_load %arg6[%swap3A_475, %swap3A_476] {strides = array<i32>} : memref<3x128xi32, #tpu.memory_space<vmem>>, vector<1x16xi32>,
      %swap3A_478 = vector.shape_cast %swap3A_477 : vector<1x16xi32> to vector<16xi32>
      %swap3A_479 = vector.shape_cast %select_n3A_473 : vector<16xi32> to vector<1x16xi32>
      tpu.vector_store %arg6[%swap3A_475, %swap3A_476], %swap3A_479 {strides = array<i32>} : memref<3x128xi32, #tpu.memory_space<vmem>>, vector<1x16xi32>,
      %mul3A_480 = arith.constant 1024 : i32
      %mul3A_481 = vector.broadcast %mul3A_480 : i32 to vector<16xi32>
      %mul3A_482 = arith.muli %get3A_429, %mul3A_481 : vector<16xi32>
      %add3A_483 = arith.addi %mul3A_482, %get3A_439 : vector<16xi32>
      %jit3A_484 = arith.constant 0 : i32
      %broadcast_in_dim3A_485 = vector.broadcast %jit3A_484 : i32 to vector<16xi32>
      %select_n3A_486 = arith.select %ne3A_461, %add3A_483, %broadcast_in_dim3A_485 : vector<16xi1>, vector<16xi32>
      %swap3A_487 = arith.constant 1 : i32
      %swap3A_488 = arith.index_cast %swap3A_487 : i32 to index
      %swap3A_489 = arith.constant 64 : index
      %swap3A_490 = tpu.vector_load %arg6[%swap3A_488, %swap3A_489] {strides = array<i32>} : memref<3x128xi32, #tpu.memory_space<vmem>>, vector<1x16xi32>,
      %swap3A_491 = vector.shape_cast %swap3A_490 : vector<1x16xi32> to vector<16xi32>
      %swap3A_492 = vector.shape_cast %select_n3A_486 : vector<16xi32> to vector<1x16xi32>
      tpu.vector_store %arg6[%swap3A_488, %swap3A_489], %swap3A_492 {strides = array<i32>} : memref<3x128xi32, #tpu.memory_space<vmem>>, vector<1x16xi32>,
      %mul3A_493 = arith.constant 1024 : i32
      %mul3A_494 = vector.broadcast %mul3A_493 : i32 to vector<16xi32>
      %mul3A_495 = arith.muli %get3A_429, %mul3A_494 : vector<16xi32>
      %add3A_496 = arith.addi %mul3A_495, %get3A_444 : vector<16xi32>
      %jit3A_497 = arith.constant 0 : i32
      %broadcast_in_dim3A_498 = vector.broadcast %jit3A_497 : i32 to vector<16xi32>
      %select_n3A_499 = arith.select %lt3A_466, %add3A_496, %broadcast_in_dim3A_498 : vector<16xi1>, vector<16xi32>
      %swap3A_500 = arith.constant 2 : i32
      %swap3A_501 = arith.index_cast %swap3A_500 : i32 to index
      %swap3A_502 = arith.constant 64 : index
      %swap3A_503 = tpu.vector_load %arg6[%swap3A_501, %swap3A_502] {strides = array<i32>} : memref<3x128xi32, #tpu.memory_space<vmem>>, vector<1x16xi32>,
      %swap3A_504 = vector.shape_cast %swap3A_503 : vector<1x16xi32> to vector<16xi32>
      %swap3A_505 = vector.shape_cast %select_n3A_499 : vector<16xi32> to vector<1x16xi32>
      tpu.vector_store %arg6[%swap3A_501, %swap3A_502], %swap3A_505 {strides = array<i32>} : memref<3x128xi32, #tpu.memory_space<vmem>>, vector<1x16xi32>,
      %add3A_506 = arith.constant 80 : i32
      %add3A_507 = arith.addi %mul3A_102, %add3A_506 : i32
      %get3A_508 = arith.index_cast %add3A_507 : i32 to index
      %get3A_509 = tpu.vector_load %arg5[%get3A_508] {strides = array<i32>} : memref<17408xi32, #tpu.memory_space<vmem>>, vector<16xi32>,
      %get3A_510 = vector.shape_cast %get3A_509 : vector<16xi32> to vector<16xi32>
      %add3A_511 = arith.constant 1 : i32
      %add3A_512 = arith.addi %add3A_507, %add3A_511 : i32
      %get3A_513 = arith.index_cast %add3A_512 : i32 to index
      %get3A_514 = tpu.vector_load %arg5[%get3A_513] {strides = array<i32>} : memref<17408xi32, #tpu.memory_space<vmem>>, vector<16xi32>,
      %get3A_515 = vector.shape_cast %get3A_514 : vector<16xi32> to vector<16xi32>
      %add3A_516 = arith.constant 32 : i32
      %add3A_517 = arith.addi %add3A_507, %add3A_516 : i32
      %get3A_518 = arith.index_cast %add3A_517 : i32 to index
      %get3A_519 = tpu.vector_load %arg5[%get3A_518] {strides = array<i32>} : memref<17408xi32, #tpu.memory_space<vmem>>, vector<16xi32>,
      %get3A_520 = vector.shape_cast %get3A_519 : vector<16xi32> to vector<16xi32>
      %add3A_521 = arith.constant 1024 : i32
      %add3A_522 = arith.addi %add3A_507, %add3A_521 : i32
      %get3A_523 = arith.index_cast %add3A_522 : i32 to index
      %get3A_524 = tpu.vector_load %arg5[%get3A_523] {strides = array<i32>} : memref<17408xi32, #tpu.memory_space<vmem>>, vector<16xi32>,
      %get3A_525 = vector.shape_cast %get3A_524 : vector<16xi32> to vector<16xi32>
      %add3A_526 = vector.broadcast %add3A_507 : i32 to vector<16xi32>
      %add3A_527 = arith.addi %iota3A, %add3A_526 : vector<16xi32>
      %and3A_528 = arith.constant 31 : i32
      %and3A_529 = vector.broadcast %and3A_528 : i32 to vector<16xi32>
      %and3A_530 = arith.andi %add3A_527, %and3A_529 : vector<16xi32>
      %ne3A_531 = arith.constant 31 : i32
      %ne3A_532 = vector.broadcast %ne3A_531 : i32 to vector<16xi32>
      %ne3A_533 = arith.cmpi ne, %and3A_530, %ne3A_532 : vector<16xi32>
      %shift_right_arithmetic3A_534 = arith.constant 5 : i32
      %shift_right_arithmetic3A_535 = vector.broadcast %shift_right_arithmetic3A_534 : i32 to vector<16xi32>
      %shift_right_arithmetic3A_536 = arith.shrsi %add3A_527, %shift_right_arithmetic3A_535 : vector<16xi32>
      %and3A_537 = arith.constant 31 : i32
      %and3A_538 = vector.broadcast %and3A_537 : i32 to vector<16xi32>
      %and3A_539 = arith.andi %shift_right_arithmetic3A_536, %and3A_538 : vector<16xi32>
      %ne3A_540 = arith.constant 31 : i32
      %ne3A_541 = vector.broadcast %ne3A_540 : i32 to vector<16xi32>
      %ne3A_542 = arith.cmpi ne, %and3A_539, %ne3A_541 : vector<16xi32>
      %shift_right_arithmetic3A_543 = arith.constant 10 : i32
      %shift_right_arithmetic3A_544 = vector.broadcast %shift_right_arithmetic3A_543 : i32 to vector<16xi32>
      %shift_right_arithmetic3A_545 = arith.shrsi %add3A_527, %shift_right_arithmetic3A_544 : vector<16xi32>
      %lt3A_546 = vector.broadcast %select_n3A_67 : i32 to vector<16xi32>
      %lt3A_547 = arith.cmpi slt, %shift_right_arithmetic3A_545, %lt3A_546 : vector<16xi32>
      %mul3A_548 = arith.constant 1024 : i32
      %mul3A_549 = vector.broadcast %mul3A_548 : i32 to vector<16xi32>
      %mul3A_550 = arith.muli %get3A_510, %mul3A_549 : vector<16xi32>
      %add3A_551 = arith.addi %mul3A_550, %get3A_515 : vector<16xi32>
      %jit3A_552 = arith.constant 0 : i32
      %broadcast_in_dim3A_553 = vector.broadcast %jit3A_552 : i32 to vector<16xi32>
      %select_n3A_554 = arith.select %ne3A_533, %add3A_551, %broadcast_in_dim3A_553 : vector<16xi1>, vector<16xi32>
      %swap3A_555 = arith.constant 0 : i32
      %swap3A_556 = arith.index_cast %swap3A_555 : i32 to index
      %swap3A_557 = arith.constant 80 : index
      %swap3A_558 = tpu.vector_load %arg6[%swap3A_556, %swap3A_557] {strides = array<i32>} : memref<3x128xi32, #tpu.memory_space<vmem>>, vector<1x16xi32>,
      %swap3A_559 = vector.shape_cast %swap3A_558 : vector<1x16xi32> to vector<16xi32>
      %swap3A_560 = vector.shape_cast %select_n3A_554 : vector<16xi32> to vector<1x16xi32>
      tpu.vector_store %arg6[%swap3A_556, %swap3A_557], %swap3A_560 {strides = array<i32>} : memref<3x128xi32, #tpu.memory_space<vmem>>, vector<1x16xi32>,
      %mul3A_561 = arith.constant 1024 : i32
      %mul3A_562 = vector.broadcast %mul3A_561 : i32 to vector<16xi32>
      %mul3A_563 = arith.muli %get3A_510, %mul3A_562 : vector<16xi32>
      %add3A_564 = arith.addi %mul3A_563, %get3A_520 : vector<16xi32>
      %jit3A_565 = arith.constant 0 : i32
      %broadcast_in_dim3A_566 = vector.broadcast %jit3A_565 : i32 to vector<16xi32>
      %select_n3A_567 = arith.select %ne3A_542, %add3A_564, %broadcast_in_dim3A_566 : vector<16xi1>, vector<16xi32>
      %swap3A_568 = arith.constant 1 : i32
      %swap3A_569 = arith.index_cast %swap3A_568 : i32 to index
      %swap3A_570 = arith.constant 80 : index
      %swap3A_571 = tpu.vector_load %arg6[%swap3A_569, %swap3A_570] {strides = array<i32>} : memref<3x128xi32, #tpu.memory_space<vmem>>, vector<1x16xi32>,
      %swap3A_572 = vector.shape_cast %swap3A_571 : vector<1x16xi32> to vector<16xi32>
      %swap3A_573 = vector.shape_cast %select_n3A_567 : vector<16xi32> to vector<1x16xi32>
      tpu.vector_store %arg6[%swap3A_569, %swap3A_570], %swap3A_573 {strides = array<i32>} : memref<3x128xi32, #tpu.memory_space<vmem>>, vector<1x16xi32>,
      %mul3A_574 = arith.constant 1024 : i32
      %mul3A_575 = vector.broadcast %mul3A_574 : i32 to vector<16xi32>
      %mul3A_576 = arith.muli %get3A_510, %mul3A_575 : vector<16xi32>
      %add3A_577 = arith.addi %mul3A_576, %get3A_525 : vector<16xi32>
      %jit3A_578 = arith.constant 0 : i32
      %broadcast_in_dim3A_579 = vector.broadcast %jit3A_578 : i32 to vector<16xi32>
      %select_n3A_580 = arith.select %lt3A_547, %add3A_577, %broadcast_in_dim3A_579 : vector<16xi1>, vector<16xi32>
      %swap3A_581 = arith.constant 2 : i32
      %swap3A_582 = arith.index_cast %swap3A_581 : i32 to index
      %swap3A_583 = arith.constant 80 : index
      %swap3A_584 = tpu.vector_load %arg6[%swap3A_582, %swap3A_583] {strides = array<i32>} : memref<3x128xi32, #tpu.memory_space<vmem>>, vector<1x16xi32>,
      %swap3A_585 = vector.shape_cast %swap3A_584 : vector<1x16xi32> to vector<16xi32>
      %swap3A_586 = vector.shape_cast %select_n3A_580 : vector<16xi32> to vector<1x16xi32>
      tpu.vector_store %arg6[%swap3A_582, %swap3A_583], %swap3A_586 {strides = array<i32>} : memref<3x128xi32, #tpu.memory_space<vmem>>, vector<1x16xi32>,
      %add3A_587 = arith.constant 96 : i32
      %add3A_588 = arith.addi %mul3A_102, %add3A_587 : i32
      %get3A_589 = arith.index_cast %add3A_588 : i32 to index
      %get3A_590 = tpu.vector_load %arg5[%get3A_589] {strides = array<i32>} : memref<17408xi32, #tpu.memory_space<vmem>>, vector<16xi32>,
      %get3A_591 = vector.shape_cast %get3A_590 : vector<16xi32> to vector<16xi32>
      %add3A_592 = arith.constant 1 : i32
      %add3A_593 = arith.addi %add3A_588, %add3A_592 : i32
      %get3A_594 = arith.index_cast %add3A_593 : i32 to index
      %get3A_595 = tpu.vector_load %arg5[%get3A_594] {strides = array<i32>} : memref<17408xi32, #tpu.memory_space<vmem>>, vector<16xi32>,
      %get3A_596 = vector.shape_cast %get3A_595 : vector<16xi32> to vector<16xi32>
      %add3A_597 = arith.constant 32 : i32
      %add3A_598 = arith.addi %add3A_588, %add3A_597 : i32
      %get3A_599 = arith.index_cast %add3A_598 : i32 to index
      %get3A_600 = tpu.vector_load %arg5[%get3A_599] {strides = array<i32>} : memref<17408xi32, #tpu.memory_space<vmem>>, vector<16xi32>,
      %get3A_601 = vector.shape_cast %get3A_600 : vector<16xi32> to vector<16xi32>
      %add3A_602 = arith.constant 1024 : i32
      %add3A_603 = arith.addi %add3A_588, %add3A_602 : i32
      %get3A_604 = arith.index_cast %add3A_603 : i32 to index
      %get3A_605 = tpu.vector_load %arg5[%get3A_604] {strides = array<i32>} : memref<17408xi32, #tpu.memory_space<vmem>>, vector<16xi32>,
      %get3A_606 = vector.shape_cast %get3A_605 : vector<16xi32> to vector<16xi32>
      %add3A_607 = vector.broadcast %add3A_588 : i32 to vector<16xi32>
      %add3A_608 = arith.addi %iota3A, %add3A_607 : vector<16xi32>
      %and3A_609 = arith.constant 31 : i32
      %and3A_610 = vector.broadcast %and3A_609 : i32 to vector<16xi32>
      %and3A_611 = arith.andi %add3A_608, %and3A_610 : vector<16xi32>
      %ne3A_612 = arith.constant 31 : i32
      %ne3A_613 = vector.broadcast %ne3A_612 : i32 to vector<16xi32>
      %ne3A_614 = arith.cmpi ne, %and3A_611, %ne3A_613 : vector<16xi32>
      %shift_right_arithmetic3A_615 = arith.constant 5 : i32
      %shift_right_arithmetic3A_616 = vector.broadcast %shift_right_arithmetic3A_615 : i32 to vector<16xi32>
      %shift_right_arithmetic3A_617 = arith.shrsi %add3A_608, %shift_right_arithmetic3A_616 : vector<16xi32>
      %and3A_618 = arith.constant 31 : i32
      %and3A_619 = vector.broadcast %and3A_618 : i32 to vector<16xi32>
      %and3A_620 = arith.andi %shift_right_arithmetic3A_617, %and3A_619 : vector<16xi32>
      %ne3A_621 = arith.constant 31 : i32
      %ne3A_622 = vector.broadcast %ne3A_621 : i32 to vector<16xi32>
      %ne3A_623 = arith.cmpi ne, %and3A_620, %ne3A_622 : vector<16xi32>
      %shift_right_arithmetic3A_624 = arith.constant 10 : i32
      %shift_right_arithmetic3A_625 = vector.broadcast %shift_right_arithmetic3A_624 : i32 to vector<16xi32>
      %shift_right_arithmetic3A_626 = arith.shrsi %add3A_608, %shift_right_arithmetic3A_625 : vector<16xi32>
      %lt3A_627 = vector.broadcast %select_n3A_67 : i32 to vector<16xi32>
      %lt3A_628 = arith.cmpi slt, %shift_right_arithmetic3A_626, %lt3A_627 : vector<16xi32>
      %mul3A_629 = arith.constant 1024 : i32
      %mul3A_630 = vector.broadcast %mul3A_629 : i32 to vector<16xi32>
      %mul3A_631 = arith.muli %get3A_591, %mul3A_630 : vector<16xi32>
      %add3A_632 = arith.addi %mul3A_631, %get3A_596 : vector<16xi32>
      %jit3A_633 = arith.constant 0 : i32
      %broadcast_in_dim3A_634 = vector.broadcast %jit3A_633 : i32 to vector<16xi32>
      %select_n3A_635 = arith.select %ne3A_614, %add3A_632, %broadcast_in_dim3A_634 : vector<16xi1>, vector<16xi32>
      %swap3A_636 = arith.constant 0 : i32
      %swap3A_637 = arith.index_cast %swap3A_636 : i32 to index
      %swap3A_638 = arith.constant 96 : index
      %swap3A_639 = tpu.vector_load %arg6[%swap3A_637, %swap3A_638] {strides = array<i32>} : memref<3x128xi32, #tpu.memory_space<vmem>>, vector<1x16xi32>,
      %swap3A_640 = vector.shape_cast %swap3A_639 : vector<1x16xi32> to vector<16xi32>
      %swap3A_641 = vector.shape_cast %select_n3A_635 : vector<16xi32> to vector<1x16xi32>
      tpu.vector_store %arg6[%swap3A_637, %swap3A_638], %swap3A_641 {strides = array<i32>} : memref<3x128xi32, #tpu.memory_space<vmem>>, vector<1x16xi32>,
      %mul3A_642 = arith.constant 1024 : i32
      %mul3A_643 = vector.broadcast %mul3A_642 : i32 to vector<16xi32>
      %mul3A_644 = arith.muli %get3A_591, %mul3A_643 : vector<16xi32>
      %add3A_645 = arith.addi %mul3A_644, %get3A_601 : vector<16xi32>
      %jit3A_646 = arith.constant 0 : i32
      %broadcast_in_dim3A_647 = vector.broadcast %jit3A_646 : i32 to vector<16xi32>
      %select_n3A_648 = arith.select %ne3A_623, %add3A_645, %broadcast_in_dim3A_647 : vector<16xi1>, vector<16xi32>
      %swap3A_649 = arith.constant 1 : i32
      %swap3A_650 = arith.index_cast %swap3A_649 : i32 to index
      %swap3A_651 = arith.constant 96 : index
      %swap3A_652 = tpu.vector_load %arg6[%swap3A_650, %swap3A_651] {strides = array<i32>} : memref<3x128xi32, #tpu.memory_space<vmem>>, vector<1x16xi32>,
      %swap3A_653 = vector.shape_cast %swap3A_652 : vector<1x16xi32> to vector<16xi32>
      %swap3A_654 = vector.shape_cast %select_n3A_648 : vector<16xi32> to vector<1x16xi32>
      tpu.vector_store %arg6[%swap3A_650, %swap3A_651], %swap3A_654 {strides = array<i32>} : memref<3x128xi32, #tpu.memory_space<vmem>>, vector<1x16xi32>,
      %mul3A_655 = arith.constant 1024 : i32
      %mul3A_656 = vector.broadcast %mul3A_655 : i32 to vector<16xi32>
      %mul3A_657 = arith.muli %get3A_591, %mul3A_656 : vector<16xi32>
      %add3A_658 = arith.addi %mul3A_657, %get3A_606 : vector<16xi32>
      %jit3A_659 = arith.constant 0 : i32
      %broadcast_in_dim3A_660 = vector.broadcast %jit3A_659 : i32 to vector<16xi32>
      %select_n3A_661 = arith.select %lt3A_628, %add3A_658, %broadcast_in_dim3A_660 : vector<16xi1>, vector<16xi32>
      %swap3A_662 = arith.constant 2 : i32
      %swap3A_663 = arith.index_cast %swap3A_662 : i32 to index
      %swap3A_664 = arith.constant 96 : index
      %swap3A_665 = tpu.vector_load %arg6[%swap3A_663, %swap3A_664] {strides = array<i32>} : memref<3x128xi32, #tpu.memory_space<vmem>>, vector<1x16xi32>,
      %swap3A_666 = vector.shape_cast %swap3A_665 : vector<1x16xi32> to vector<16xi32>
      %swap3A_667 = vector.shape_cast %select_n3A_661 : vector<16xi32> to vector<1x16xi32>
      tpu.vector_store %arg6[%swap3A_663, %swap3A_664], %swap3A_667 {strides = array<i32>} : memref<3x128xi32, #tpu.memory_space<vmem>>, vector<1x16xi32>,
      %add3A_668 = arith.constant 112 : i32
      %add3A_669 = arith.addi %mul3A_102, %add3A_668 : i32
      %get3A_670 = arith.index_cast %add3A_669 : i32 to index
      %get3A_671 = tpu.vector_load %arg5[%get3A_670] {strides = array<i32>} : memref<17408xi32, #tpu.memory_space<vmem>>, vector<16xi32>,
      %get3A_672 = vector.shape_cast %get3A_671 : vector<16xi32> to vector<16xi32>
      %add3A_673 = arith.constant 1 : i32
      %add3A_674 = arith.addi %add3A_669, %add3A_673 : i32
      %get3A_675 = arith.index_cast %add3A_674 : i32 to index
      %get3A_676 = tpu.vector_load %arg5[%get3A_675] {strides = array<i32>} : memref<17408xi32, #tpu.memory_space<vmem>>, vector<16xi32>,
      %get3A_677 = vector.shape_cast %get3A_676 : vector<16xi32> to vector<16xi32>
      %add3A_678 = arith.constant 32 : i32
      %add3A_679 = arith.addi %add3A_669, %add3A_678 : i32
      %get3A_680 = arith.index_cast %add3A_679 : i32 to index
      %get3A_681 = tpu.vector_load %arg5[%get3A_680] {strides = array<i32>} : memref<17408xi32, #tpu.memory_space<vmem>>, vector<16xi32>,
      %get3A_682 = vector.shape_cast %get3A_681 : vector<16xi32> to vector<16xi32>
      %add3A_683 = arith.constant 1024 : i32
      %add3A_684 = arith.addi %add3A_669, %add3A_683 : i32
      %get3A_685 = arith.index_cast %add3A_684 : i32 to index
      %get3A_686 = tpu.vector_load %arg5[%get3A_685] {strides = array<i32>} : memref<17408xi32, #tpu.memory_space<vmem>>, vector<16xi32>,
      %get3A_687 = vector.shape_cast %get3A_686 : vector<16xi32> to vector<16xi32>
      %add3A_688 = vector.broadcast %add3A_669 : i32 to vector<16xi32>
      %add3A_689 = arith.addi %iota3A, %add3A_688 : vector<16xi32>
      %and3A_690 = arith.constant 31 : i32
      %and3A_691 = vector.broadcast %and3A_690 : i32 to vector<16xi32>
      %and3A_692 = arith.andi %add3A_689, %and3A_691 : vector<16xi32>
      %ne3A_693 = arith.constant 31 : i32
      %ne3A_694 = vector.broadcast %ne3A_693 : i32 to vector<16xi32>
      %ne3A_695 = arith.cmpi ne, %and3A_692, %ne3A_694 : vector<16xi32>
      %shift_right_arithmetic3A_696 = arith.constant 5 : i32
      %shift_right_arithmetic3A_697 = vector.broadcast %shift_right_arithmetic3A_696 : i32 to vector<16xi32>
      %shift_right_arithmetic3A_698 = arith.shrsi %add3A_689, %shift_right_arithmetic3A_697 : vector<16xi32>
      %and3A_699 = arith.constant 31 : i32
      %and3A_700 = vector.broadcast %and3A_699 : i32 to vector<16xi32>
      %and3A_701 = arith.andi %shift_right_arithmetic3A_698, %and3A_700 : vector<16xi32>
      %ne3A_702 = arith.constant 31 : i32
      %ne3A_703 = vector.broadcast %ne3A_702 : i32 to vector<16xi32>
      %ne3A_704 = arith.cmpi ne, %and3A_701, %ne3A_703 : vector<16xi32>
      %shift_right_arithmetic3A_705 = arith.constant 10 : i32
      %shift_right_arithmetic3A_706 = vector.broadcast %shift_right_arithmetic3A_705 : i32 to vector<16xi32>
      %shift_right_arithmetic3A_707 = arith.shrsi %add3A_689, %shift_right_arithmetic3A_706 : vector<16xi32>
      %lt3A_708 = vector.broadcast %select_n3A_67 : i32 to vector<16xi32>
      %lt3A_709 = arith.cmpi slt, %shift_right_arithmetic3A_707, %lt3A_708 : vector<16xi32>
      %mul3A_710 = arith.constant 1024 : i32
      %mul3A_711 = vector.broadcast %mul3A_710 : i32 to vector<16xi32>
      %mul3A_712 = arith.muli %get3A_672, %mul3A_711 : vector<16xi32>
      %add3A_713 = arith.addi %mul3A_712, %get3A_677 : vector<16xi32>
      %jit3A_714 = arith.constant 0 : i32
      %broadcast_in_dim3A_715 = vector.broadcast %jit3A_714 : i32 to vector<16xi32>
      %select_n3A_716 = arith.select %ne3A_695, %add3A_713, %broadcast_in_dim3A_715 : vector<16xi1>, vector<16xi32>
      %swap3A_717 = arith.constant 0 : i32
      %swap3A_718 = arith.index_cast %swap3A_717 : i32 to index
      %swap3A_719 = arith.constant 112 : index
      %swap3A_720 = tpu.vector_load %arg6[%swap3A_718, %swap3A_719] {strides = array<i32>} : memref<3x128xi32, #tpu.memory_space<vmem>>, vector<1x16xi32>,
      %swap3A_721 = vector.shape_cast %swap3A_720 : vector<1x16xi32> to vector<16xi32>
      %swap3A_722 = vector.shape_cast %select_n3A_716 : vector<16xi32> to vector<1x16xi32>
      tpu.vector_store %arg6[%swap3A_718, %swap3A_719], %swap3A_722 {strides = array<i32>} : memref<3x128xi32, #tpu.memory_space<vmem>>, vector<1x16xi32>,
      %mul3A_723 = arith.constant 1024 : i32
      %mul3A_724 = vector.broadcast %mul3A_723 : i32 to vector<16xi32>
      %mul3A_725 = arith.muli %get3A_672, %mul3A_724 : vector<16xi32>
      %add3A_726 = arith.addi %mul3A_725, %get3A_682 : vector<16xi32>
      %jit3A_727 = arith.constant 0 : i32
      %broadcast_in_dim3A_728 = vector.broadcast %jit3A_727 : i32 to vector<16xi32>
      %select_n3A_729 = arith.select %ne3A_704, %add3A_726, %broadcast_in_dim3A_728 : vector<16xi1>, vector<16xi32>
      %swap3A_730 = arith.constant 1 : i32
      %swap3A_731 = arith.index_cast %swap3A_730 : i32 to index
      %swap3A_732 = arith.constant 112 : index
      %swap3A_733 = tpu.vector_load %arg6[%swap3A_731, %swap3A_732] {strides = array<i32>} : memref<3x128xi32, #tpu.memory_space<vmem>>, vector<1x16xi32>,
      %swap3A_734 = vector.shape_cast %swap3A_733 : vector<1x16xi32> to vector<16xi32>
      %swap3A_735 = vector.shape_cast %select_n3A_729 : vector<16xi32> to vector<1x16xi32>
      tpu.vector_store %arg6[%swap3A_731, %swap3A_732], %swap3A_735 {strides = array<i32>} : memref<3x128xi32, #tpu.memory_space<vmem>>, vector<1x16xi32>,
      %mul3A_736 = arith.constant 1024 : i32
      %mul3A_737 = vector.broadcast %mul3A_736 : i32 to vector<16xi32>
      %mul3A_738 = arith.muli %get3A_672, %mul3A_737 : vector<16xi32>
      %add3A_739 = arith.addi %mul3A_738, %get3A_687 : vector<16xi32>
      %jit3A_740 = arith.constant 0 : i32
      %broadcast_in_dim3A_741 = vector.broadcast %jit3A_740 : i32 to vector<16xi32>
      %select_n3A_742 = arith.select %lt3A_709, %add3A_739, %broadcast_in_dim3A_741 : vector<16xi1>, vector<16xi32>
      %swap3A_743 = arith.constant 2 : i32
      %swap3A_744 = arith.index_cast %swap3A_743 : i32 to index
      %swap3A_745 = arith.constant 112 : index
      %swap3A_746 = tpu.vector_load %arg6[%swap3A_744, %swap3A_745] {strides = array<i32>} : memref<3x128xi32, #tpu.memory_space<vmem>>, vector<1x16xi32>,
      %swap3A_747 = vector.shape_cast %swap3A_746 : vector<1x16xi32> to vector<16xi32>
      %swap3A_748 = vector.shape_cast %select_n3A_742 : vector<16xi32> to vector<1x16xi32>
      tpu.vector_store %arg6[%swap3A_744, %swap3A_745], %swap3A_748 {strides = array<i32>} : memref<3x128xi32, #tpu.memory_space<vmem>>, vector<1x16xi32>,
      %gt3A = arith.constant 0 : i32
      %gt3A_749 = arith.cmpi sgt, %scan3A_98, %gt3A : i32
      %convert_element_type3A_750 = arith.extui %gt3A_749 : i1 to i32
      %cond3A_751 = arith.constant 0 : i32
      %cond3A_752 = arith.cmpi ne, %convert_element_type3A_750, %cond3A_751 : i32
      scf.if %cond3A_752 {
        %dma_wait3A_1460 = arith.constant 0 : i32
        %dma_wait3A_1461 = arith.constant 0 : i32
        %dma_wait3A_1462 = tpu.memref_slice %arg7[%dma_wait3A_1460, %dma_wait3A_1461] : memref<3x128xi32, #tpu.memory_space<vmem>> -> memref<1x128xi32, #tpu.memory_space<vmem>>
        %dma_wait3A_1463 = tpu.memref_squeeze %dma_wait3A_1462 : memref<1x128xi32, #tpu.memory_space<vmem>> -> memref<128xi32, #tpu.memory_space<vmem>>
        %dma_wait3A_1464 = arith.constant 0 : i32
        %dma_wait3A_1465 = tpu.memref_slice %arg9[%dma_wait3A_1464] : memref<1048576xf32, #tpu.memory_space<vmem_shared>> -> memref<1048576xf32, #tpu.memory_space<vmem_shared>>
        tpu.wait_indirect_dma semaphore(%arg11 : memref<!tpu.dma_semaphore, #tpu.memory_space<semaphore_mem>>) src(%arg8 : memref<128xf32, #tpu.memory_space<vmem>>) dst(%dma_wait3A_1465 : memref<1048576xf32, #tpu.memory_space<vmem_shared>>)
        %dma_wait3A_1466 = arith.constant 1 : i32
        %dma_wait3A_1467 = arith.constant 0 : i32
        %dma_wait3A_1468 = tpu.memref_slice %arg7[%dma_wait3A_1466, %dma_wait3A_1467] : memref<3x128xi32, #tpu.memory_space<vmem>> -> memref<1x128xi32, #tpu.memory_space<vmem>>
        %dma_wait3A_1469 = tpu.memref_squeeze %dma_wait3A_1468 : memref<1x128xi32, #tpu.memory_space<vmem>> -> memref<128xi32, #tpu.memory_space<vmem>>
        %dma_wait3A_1470 = arith.constant 0 : i32
        %dma_wait3A_1471 = tpu.memref_slice %arg9[%dma_wait3A_1470] : memref<1048576xf32, #tpu.memory_space<vmem_shared>> -> memref<1048576xf32, #tpu.memory_space<vmem_shared>>
        tpu.wait_indirect_dma semaphore(%arg11 : memref<!tpu.dma_semaphore, #tpu.memory_space<semaphore_mem>>) src(%arg8 : memref<128xf32, #tpu.memory_space<vmem>>) dst(%dma_wait3A_1471 : memref<1048576xf32, #tpu.memory_space<vmem_shared>>)
        %dma_wait3A_1472 = arith.constant 2 : i32
        %dma_wait3A_1473 = arith.constant 0 : i32
        %dma_wait3A_1474 = tpu.memref_slice %arg7[%dma_wait3A_1472, %dma_wait3A_1473] : memref<3x128xi32, #tpu.memory_space<vmem>> -> memref<1x128xi32, #tpu.memory_space<vmem>>
        %dma_wait3A_1475 = tpu.memref_squeeze %dma_wait3A_1474 : memref<1x128xi32, #tpu.memory_space<vmem>> -> memref<128xi32, #tpu.memory_space<vmem>>
        %dma_wait3A_1476 = arith.constant 0 : i32
        %dma_wait3A_1477 = tpu.memref_slice %arg9[%dma_wait3A_1476] : memref<1048576xf32, #tpu.memory_space<vmem_shared>> -> memref<1048576xf32, #tpu.memory_space<vmem_shared>>
        tpu.wait_indirect_dma semaphore(%arg11 : memref<!tpu.dma_semaphore, #tpu.memory_space<semaphore_mem>>) src(%arg8 : memref<128xf32, #tpu.memory_space<vmem>>) dst(%dma_wait3A_1477 : memref<1048576xf32, #tpu.memory_space<vmem_shared>>)
      } else {
      }
      %dma_start3A = arith.constant 0 : i32
      %dma_start3A_753 = arith.constant 0 : i32
      %dma_start3A_754 = tpu.memref_slice %arg6[%dma_start3A, %dma_start3A_753] : memref<3x128xi32, #tpu.memory_space<vmem>> -> memref<1x128xi32, #tpu.memory_space<vmem>>
      %dma_start3A_755 = tpu.memref_squeeze %dma_start3A_754 : memref<1x128xi32, #tpu.memory_space<vmem>> -> memref<128xi32, #tpu.memory_space<vmem>>
      %dma_start3A_756 = arith.constant 0 : i32
      %dma_start3A_757 = tpu.memref_slice %arg9[%dma_start3A_756] : memref<1048576xf32, #tpu.memory_space<vmem_shared>> -> memref<1048576xf32, #tpu.memory_space<vmem_shared>>
      tpu.enqueue_indirect_dma source(%arg8 : memref<128xf32, #tpu.memory_space<vmem>>) target(%dma_start3A_757 : memref<1048576xf32, #tpu.memory_space<vmem_shared>>) offsets(%dma_start3A_755 : memref<128xi32, #tpu.memory_space<vmem>>) semaphore(%arg10 : memref<!tpu.dma_semaphore, #tpu.memory_space<semaphore_mem>>) {add = true}
      %dma_start3A_758 = arith.constant 1 : i32
      %dma_start3A_759 = arith.constant 0 : i32
      %dma_start3A_760 = tpu.memref_slice %arg6[%dma_start3A_758, %dma_start3A_759] : memref<3x128xi32, #tpu.memory_space<vmem>> -> memref<1x128xi32, #tpu.memory_space<vmem>>
      %dma_start3A_761 = tpu.memref_squeeze %dma_start3A_760 : memref<1x128xi32, #tpu.memory_space<vmem>> -> memref<128xi32, #tpu.memory_space<vmem>>
      %dma_start3A_762 = arith.constant 0 : i32
      %dma_start3A_763 = tpu.memref_slice %arg9[%dma_start3A_762] : memref<1048576xf32, #tpu.memory_space<vmem_shared>> -> memref<1048576xf32, #tpu.memory_space<vmem_shared>>
      tpu.enqueue_indirect_dma source(%arg8 : memref<128xf32, #tpu.memory_space<vmem>>) target(%dma_start3A_763 : memref<1048576xf32, #tpu.memory_space<vmem_shared>>) offsets(%dma_start3A_761 : memref<128xi32, #tpu.memory_space<vmem>>) semaphore(%arg10 : memref<!tpu.dma_semaphore, #tpu.memory_space<semaphore_mem>>) {add = true}
      %dma_start3A_764 = arith.constant 2 : i32
      %dma_start3A_765 = arith.constant 0 : i32
      %dma_start3A_766 = tpu.memref_slice %arg6[%dma_start3A_764, %dma_start3A_765] : memref<3x128xi32, #tpu.memory_space<vmem>> -> memref<1x128xi32, #tpu.memory_space<vmem>>
      %dma_start3A_767 = tpu.memref_squeeze %dma_start3A_766 : memref<1x128xi32, #tpu.memory_space<vmem>> -> memref<128xi32, #tpu.memory_space<vmem>>
      %dma_start3A_768 = arith.constant 0 : i32
      %dma_start3A_769 = tpu.memref_slice %arg9[%dma_start3A_768] : memref<1048576xf32, #tpu.memory_space<vmem_shared>> -> memref<1048576xf32, #tpu.memory_space<vmem_shared>>
      tpu.enqueue_indirect_dma source(%arg8 : memref<128xf32, #tpu.memory_space<vmem>>) target(%dma_start3A_769 : memref<1048576xf32, #tpu.memory_space<vmem_shared>>) offsets(%dma_start3A_767 : memref<128xi32, #tpu.memory_space<vmem>>) semaphore(%arg10 : memref<!tpu.dma_semaphore, #tpu.memory_space<semaphore_mem>>) {add = true}
      %mul3A_770 = arith.constant 2 : i32
      %mul3A_771 = arith.muli %mul3A_770, %scan3A_98 : i32
      %add3A_772 = arith.constant 1 : i32
      %add3A_773 = arith.addi %mul3A_771, %add3A_772 : i32
      %mul3A_774 = arith.constant 128 : i32
      %mul3A_775 = arith.muli %add3A_773, %mul3A_774 : i32
      %add3A_776 = arith.constant 0 : i32
      %add3A_777 = arith.addi %mul3A_775, %add3A_776 : i32
      %get3A_778 = arith.index_cast %add3A_777 : i32 to index
      %get3A_779 = tpu.vector_load %arg5[%get3A_778] {strides = array<i32>} : memref<17408xi32, #tpu.memory_space<vmem>>, vector<16xi32>,
      %get3A_780 = vector.shape_cast %get3A_779 : vector<16xi32> to vector<16xi32>
      %add3A_781 = arith.constant 1 : i32
      %add3A_782 = arith.addi %add3A_777, %add3A_781 : i32
      %get3A_783 = arith.index_cast %add3A_782 : i32 to index
      %get3A_784 = tpu.vector_load %arg5[%get3A_783] {strides = array<i32>} : memref<17408xi32, #tpu.memory_space<vmem>>, vector<16xi32>,
      %get3A_785 = vector.shape_cast %get3A_784 : vector<16xi32> to vector<16xi32>
      %add3A_786 = arith.constant 32 : i32
      %add3A_787 = arith.addi %add3A_777, %add3A_786 : i32
      %get3A_788 = arith.index_cast %add3A_787 : i32 to index
      %get3A_789 = tpu.vector_load %arg5[%get3A_788] {strides = array<i32>} : memref<17408xi32, #tpu.memory_space<vmem>>, vector<16xi32>,
      %get3A_790 = vector.shape_cast %get3A_789 : vector<16xi32> to vector<16xi32>
      %add3A_791 = arith.constant 1024 : i32
      %add3A_792 = arith.addi %add3A_777, %add3A_791 : i32
      %get3A_793 = arith.index_cast %add3A_792 : i32 to index
      %get3A_794 = tpu.vector_load %arg5[%get3A_793] {strides = array<i32>} : memref<17408xi32, #tpu.memory_space<vmem>>, vector<16xi32>,
      %get3A_795 = vector.shape_cast %get3A_794 : vector<16xi32> to vector<16xi32>
      %add3A_796 = vector.broadcast %add3A_777 : i32 to vector<16xi32>
      %add3A_797 = arith.addi %iota3A, %add3A_796 : vector<16xi32>
      %and3A_798 = arith.constant 31 : i32
      %and3A_799 = vector.broadcast %and3A_798 : i32 to vector<16xi32>
      %and3A_800 = arith.andi %add3A_797, %and3A_799 : vector<16xi32>
      %ne3A_801 = arith.constant 31 : i32
      %ne3A_802 = vector.broadcast %ne3A_801 : i32 to vector<16xi32>
      %ne3A_803 = arith.cmpi ne, %and3A_800, %ne3A_802 : vector<16xi32>
      %shift_right_arithmetic3A_804 = arith.constant 5 : i32
      %shift_right_arithmetic3A_805 = vector.broadcast %shift_right_arithmetic3A_804 : i32 to vector<16xi32>
      %shift_right_arithmetic3A_806 = arith.shrsi %add3A_797, %shift_right_arithmetic3A_805 : vector<16xi32>
      %and3A_807 = arith.constant 31 : i32
      %and3A_808 = vector.broadcast %and3A_807 : i32 to vector<16xi32>
      %and3A_809 = arith.andi %shift_right_arithmetic3A_806, %and3A_808 : vector<16xi32>
      %ne3A_810 = arith.constant 31 : i32
      %ne3A_811 = vector.broadcast %ne3A_810 : i32 to vector<16xi32>
      %ne3A_812 = arith.cmpi ne, %and3A_809, %ne3A_811 : vector<16xi32>
      %shift_right_arithmetic3A_813 = arith.constant 10 : i32
      %shift_right_arithmetic3A_814 = vector.broadcast %shift_right_arithmetic3A_813 : i32 to vector<16xi32>
      %shift_right_arithmetic3A_815 = arith.shrsi %add3A_797, %shift_right_arithmetic3A_814 : vector<16xi32>
      %lt3A_816 = vector.broadcast %select_n3A_67 : i32 to vector<16xi32>
      %lt3A_817 = arith.cmpi slt, %shift_right_arithmetic3A_815, %lt3A_816 : vector<16xi32>
      %mul3A_818 = arith.constant 1024 : i32
      %mul3A_819 = vector.broadcast %mul3A_818 : i32 to vector<16xi32>
      %mul3A_820 = arith.muli %get3A_780, %mul3A_819 : vector<16xi32>
      %add3A_821 = arith.addi %mul3A_820, %get3A_785 : vector<16xi32>
      %jit3A_822 = arith.constant 0 : i32
      %broadcast_in_dim3A_823 = vector.broadcast %jit3A_822 : i32 to vector<16xi32>
      %select_n3A_824 = arith.select %ne3A_803, %add3A_821, %broadcast_in_dim3A_823 : vector<16xi1>, vector<16xi32>
      %swap3A_825 = arith.constant 0 : i32
      %swap3A_826 = arith.index_cast %swap3A_825 : i32 to index
      %swap3A_827 = arith.constant 0 : index
      %swap3A_828 = tpu.vector_load %arg7[%swap3A_826, %swap3A_827] {strides = array<i32>} : memref<3x128xi32, #tpu.memory_space<vmem>>, vector<1x16xi32>,
      %swap3A_829 = vector.shape_cast %swap3A_828 : vector<1x16xi32> to vector<16xi32>
      %swap3A_830 = vector.shape_cast %select_n3A_824 : vector<16xi32> to vector<1x16xi32>
      tpu.vector_store %arg7[%swap3A_826, %swap3A_827], %swap3A_830 {strides = array<i32>} : memref<3x128xi32, #tpu.memory_space<vmem>>, vector<1x16xi32>,
      %mul3A_831 = arith.constant 1024 : i32
      %mul3A_832 = vector.broadcast %mul3A_831 : i32 to vector<16xi32>
      %mul3A_833 = arith.muli %get3A_780, %mul3A_832 : vector<16xi32>
      %add3A_834 = arith.addi %mul3A_833, %get3A_790 : vector<16xi32>
      %jit3A_835 = arith.constant 0 : i32
      %broadcast_in_dim3A_836 = vector.broadcast %jit3A_835 : i32 to vector<16xi32>
      %select_n3A_837 = arith.select %ne3A_812, %add3A_834, %broadcast_in_dim3A_836 : vector<16xi1>, vector<16xi32>
      %swap3A_838 = arith.constant 1 : i32
      %swap3A_839 = arith.index_cast %swap3A_838 : i32 to index
      %swap3A_840 = arith.constant 0 : index
      %swap3A_841 = tpu.vector_load %arg7[%swap3A_839, %swap3A_840] {strides = array<i32>} : memref<3x128xi32, #tpu.memory_space<vmem>>, vector<1x16xi32>,
      %swap3A_842 = vector.shape_cast %swap3A_841 : vector<1x16xi32> to vector<16xi32>
      %swap3A_843 = vector.shape_cast %select_n3A_837 : vector<16xi32> to vector<1x16xi32>
      tpu.vector_store %arg7[%swap3A_839, %swap3A_840], %swap3A_843 {strides = array<i32>} : memref<3x128xi32, #tpu.memory_space<vmem>>, vector<1x16xi32>,
      %mul3A_844 = arith.constant 1024 : i32
      %mul3A_845 = vector.broadcast %mul3A_844 : i32 to vector<16xi32>
      %mul3A_846 = arith.muli %get3A_780, %mul3A_845 : vector<16xi32>
      %add3A_847 = arith.addi %mul3A_846, %get3A_795 : vector<16xi32>
      %jit3A_848 = arith.constant 0 : i32
      %broadcast_in_dim3A_849 = vector.broadcast %jit3A_848 : i32 to vector<16xi32>
      %select_n3A_850 = arith.select %lt3A_817, %add3A_847, %broadcast_in_dim3A_849 : vector<16xi1>, vector<16xi32>
      %swap3A_851 = arith.constant 2 : i32
      %swap3A_852 = arith.index_cast %swap3A_851 : i32 to index
      %swap3A_853 = arith.constant 0 : index
      %swap3A_854 = tpu.vector_load %arg7[%swap3A_852, %swap3A_853] {strides = array<i32>} : memref<3x128xi32, #tpu.memory_space<vmem>>, vector<1x16xi32>,
      %swap3A_855 = vector.shape_cast %swap3A_854 : vector<1x16xi32> to vector<16xi32>
      %swap3A_856 = vector.shape_cast %select_n3A_850 : vector<16xi32> to vector<1x16xi32>
      tpu.vector_store %arg7[%swap3A_852, %swap3A_853], %swap3A_856 {strides = array<i32>} : memref<3x128xi32, #tpu.memory_space<vmem>>, vector<1x16xi32>,
      %add3A_857 = arith.constant 16 : i32
      %add3A_858 = arith.addi %mul3A_775, %add3A_857 : i32
      %get3A_859 = arith.index_cast %add3A_858 : i32 to index
      %get3A_860 = tpu.vector_load %arg5[%get3A_859] {strides = array<i32>} : memref<17408xi32, #tpu.memory_space<vmem>>, vector<16xi32>,
      %get3A_861 = vector.shape_cast %get3A_860 : vector<16xi32> to vector<16xi32>
      %add3A_862 = arith.constant 1 : i32
      %add3A_863 = arith.addi %add3A_858, %add3A_862 : i32
      %get3A_864 = arith.index_cast %add3A_863 : i32 to index
      %get3A_865 = tpu.vector_load %arg5[%get3A_864] {strides = array<i32>} : memref<17408xi32, #tpu.memory_space<vmem>>, vector<16xi32>,
      %get3A_866 = vector.shape_cast %get3A_865 : vector<16xi32> to vector<16xi32>
      %add3A_867 = arith.constant 32 : i32
      %add3A_868 = arith.addi %add3A_858, %add3A_867 : i32
      %get3A_869 = arith.index_cast %add3A_868 : i32 to index
      %get3A_870 = tpu.vector_load %arg5[%get3A_869] {strides = array<i32>} : memref<17408xi32, #tpu.memory_space<vmem>>, vector<16xi32>,
      %get3A_871 = vector.shape_cast %get3A_870 : vector<16xi32> to vector<16xi32>
      %add3A_872 = arith.constant 1024 : i32
      %add3A_873 = arith.addi %add3A_858, %add3A_872 : i32
      %get3A_874 = arith.index_cast %add3A_873 : i32 to index
      %get3A_875 = tpu.vector_load %arg5[%get3A_874] {strides = array<i32>} : memref<17408xi32, #tpu.memory_space<vmem>>, vector<16xi32>,
      %get3A_876 = vector.shape_cast %get3A_875 : vector<16xi32> to vector<16xi32>
      %add3A_877 = vector.broadcast %add3A_858 : i32 to vector<16xi32>
      %add3A_878 = arith.addi %iota3A, %add3A_877 : vector<16xi32>
      %and3A_879 = arith.constant 31 : i32
      %and3A_880 = vector.broadcast %and3A_879 : i32 to vector<16xi32>
      %and3A_881 = arith.andi %add3A_878, %and3A_880 : vector<16xi32>
      %ne3A_882 = arith.constant 31 : i32
      %ne3A_883 = vector.broadcast %ne3A_882 : i32 to vector<16xi32>
      %ne3A_884 = arith.cmpi ne, %and3A_881, %ne3A_883 : vector<16xi32>
      %shift_right_arithmetic3A_885 = arith.constant 5 : i32
      %shift_right_arithmetic3A_886 = vector.broadcast %shift_right_arithmetic3A_885 : i32 to vector<16xi32>
      %shift_right_arithmetic3A_887 = arith.shrsi %add3A_878, %shift_right_arithmetic3A_886 : vector<16xi32>
      %and3A_888 = arith.constant 31 : i32
      %and3A_889 = vector.broadcast %and3A_888 : i32 to vector<16xi32>
      %and3A_890 = arith.andi %shift_right_arithmetic3A_887, %and3A_889 : vector<16xi32>
      %ne3A_891 = arith.constant 31 : i32
      %ne3A_892 = vector.broadcast %ne3A_891 : i32 to vector<16xi32>
      %ne3A_893 = arith.cmpi ne, %and3A_890, %ne3A_892 : vector<16xi32>
      %shift_right_arithmetic3A_894 = arith.constant 10 : i32
      %shift_right_arithmetic3A_895 = vector.broadcast %shift_right_arithmetic3A_894 : i32 to vector<16xi32>
      %shift_right_arithmetic3A_896 = arith.shrsi %add3A_878, %shift_right_arithmetic3A_895 : vector<16xi32>
      %lt3A_897 = vector.broadcast %select_n3A_67 : i32 to vector<16xi32>
      %lt3A_898 = arith.cmpi slt, %shift_right_arithmetic3A_896, %lt3A_897 : vector<16xi32>
      %mul3A_899 = arith.constant 1024 : i32
      %mul3A_900 = vector.broadcast %mul3A_899 : i32 to vector<16xi32>
      %mul3A_901 = arith.muli %get3A_861, %mul3A_900 : vector<16xi32>
      %add3A_902 = arith.addi %mul3A_901, %get3A_866 : vector<16xi32>
      %jit3A_903 = arith.constant 0 : i32
      %broadcast_in_dim3A_904 = vector.broadcast %jit3A_903 : i32 to vector<16xi32>
      %select_n3A_905 = arith.select %ne3A_884, %add3A_902, %broadcast_in_dim3A_904 : vector<16xi1>, vector<16xi32>
      %swap3A_906 = arith.constant 0 : i32
      %swap3A_907 = arith.index_cast %swap3A_906 : i32 to index
      %swap3A_908 = arith.constant 16 : index
      %swap3A_909 = tpu.vector_load %arg7[%swap3A_907, %swap3A_908] {strides = array<i32>} : memref<3x128xi32, #tpu.memory_space<vmem>>, vector<1x16xi32>,
      %swap3A_910 = vector.shape_cast %swap3A_909 : vector<1x16xi32> to vector<16xi32>
      %swap3A_911 = vector.shape_cast %select_n3A_905 : vector<16xi32> to vector<1x16xi32>
      tpu.vector_store %arg7[%swap3A_907, %swap3A_908], %swap3A_911 {strides = array<i32>} : memref<3x128xi32, #tpu.memory_space<vmem>>, vector<1x16xi32>,
      %mul3A_912 = arith.constant 1024 : i32
      %mul3A_913 = vector.broadcast %mul3A_912 : i32 to vector<16xi32>
      %mul3A_914 = arith.muli %get3A_861, %mul3A_913 : vector<16xi32>
      %add3A_915 = arith.addi %mul3A_914, %get3A_871 : vector<16xi32>
      %jit3A_916 = arith.constant 0 : i32
      %broadcast_in_dim3A_917 = vector.broadcast %jit3A_916 : i32 to vector<16xi32>
      %select_n3A_918 = arith.select %ne3A_893, %add3A_915, %broadcast_in_dim3A_917 : vector<16xi1>, vector<16xi32>
      %swap3A_919 = arith.constant 1 : i32
      %swap3A_920 = arith.index_cast %swap3A_919 : i32 to index
      %swap3A_921 = arith.constant 16 : index
      %swap3A_922 = tpu.vector_load %arg7[%swap3A_920, %swap3A_921] {strides = array<i32>} : memref<3x128xi32, #tpu.memory_space<vmem>>, vector<1x16xi32>,
      %swap3A_923 = vector.shape_cast %swap3A_922 : vector<1x16xi32> to vector<16xi32>
      %swap3A_924 = vector.shape_cast %select_n3A_918 : vector<16xi32> to vector<1x16xi32>
      tpu.vector_store %arg7[%swap3A_920, %swap3A_921], %swap3A_924 {strides = array<i32>} : memref<3x128xi32, #tpu.memory_space<vmem>>, vector<1x16xi32>,
      %mul3A_925 = arith.constant 1024 : i32
      %mul3A_926 = vector.broadcast %mul3A_925 : i32 to vector<16xi32>
      %mul3A_927 = arith.muli %get3A_861, %mul3A_926 : vector<16xi32>
      %add3A_928 = arith.addi %mul3A_927, %get3A_876 : vector<16xi32>
      %jit3A_929 = arith.constant 0 : i32
      %broadcast_in_dim3A_930 = vector.broadcast %jit3A_929 : i32 to vector<16xi32>
      %select_n3A_931 = arith.select %lt3A_898, %add3A_928, %broadcast_in_dim3A_930 : vector<16xi1>, vector<16xi32>
      %swap3A_932 = arith.constant 2 : i32
      %swap3A_933 = arith.index_cast %swap3A_932 : i32 to index
      %swap3A_934 = arith.constant 16 : index
      %swap3A_935 = tpu.vector_load %arg7[%swap3A_933, %swap3A_934] {strides = array<i32>} : memref<3x128xi32, #tpu.memory_space<vmem>>, vector<1x16xi32>,
      %swap3A_936 = vector.shape_cast %swap3A_935 : vector<1x16xi32> to vector<16xi32>
      %swap3A_937 = vector.shape_cast %select_n3A_931 : vector<16xi32> to vector<1x16xi32>
      tpu.vector_store %arg7[%swap3A_933, %swap3A_934], %swap3A_937 {strides = array<i32>} : memref<3x128xi32, #tpu.memory_space<vmem>>, vector<1x16xi32>,
      %add3A_938 = arith.constant 32 : i32
      %add3A_939 = arith.addi %mul3A_775, %add3A_938 : i32
      %get3A_940 = arith.index_cast %add3A_939 : i32 to index
      %get3A_941 = tpu.vector_load %arg5[%get3A_940] {strides = array<i32>} : memref<17408xi32, #tpu.memory_space<vmem>>, vector<16xi32>,
      %get3A_942 = vector.shape_cast %get3A_941 : vector<16xi32> to vector<16xi32>
      %add3A_943 = arith.constant 1 : i32
      %add3A_944 = arith.addi %add3A_939, %add3A_943 : i32
      %get3A_945 = arith.index_cast %add3A_944 : i32 to index
      %get3A_946 = tpu.vector_load %arg5[%get3A_945] {strides = array<i32>} : memref<17408xi32, #tpu.memory_space<vmem>>, vector<16xi32>,
      %get3A_947 = vector.shape_cast %get3A_946 : vector<16xi32> to vector<16xi32>
      %add3A_948 = arith.constant 32 : i32
      %add3A_949 = arith.addi %add3A_939, %add3A_948 : i32
      %get3A_950 = arith.index_cast %add3A_949 : i32 to index
      %get3A_951 = tpu.vector_load %arg5[%get3A_950] {strides = array<i32>} : memref<17408xi32, #tpu.memory_space<vmem>>, vector<16xi32>,
      %get3A_952 = vector.shape_cast %get3A_951 : vector<16xi32> to vector<16xi32>
      %add3A_953 = arith.constant 1024 : i32
      %add3A_954 = arith.addi %add3A_939, %add3A_953 : i32
      %get3A_955 = arith.index_cast %add3A_954 : i32 to index
      %get3A_956 = tpu.vector_load %arg5[%get3A_955] {strides = array<i32>} : memref<17408xi32, #tpu.memory_space<vmem>>, vector<16xi32>,
      %get3A_957 = vector.shape_cast %get3A_956 : vector<16xi32> to vector<16xi32>
      %add3A_958 = vector.broadcast %add3A_939 : i32 to vector<16xi32>
      %add3A_959 = arith.addi %iota3A, %add3A_958 : vector<16xi32>
      %and3A_960 = arith.constant 31 : i32
      %and3A_961 = vector.broadcast %and3A_960 : i32 to vector<16xi32>
      %and3A_962 = arith.andi %add3A_959, %and3A_961 : vector<16xi32>
      %ne3A_963 = arith.constant 31 : i32
      %ne3A_964 = vector.broadcast %ne3A_963 : i32 to vector<16xi32>
      %ne3A_965 = arith.cmpi ne, %and3A_962, %ne3A_964 : vector<16xi32>
      %shift_right_arithmetic3A_966 = arith.constant 5 : i32
      %shift_right_arithmetic3A_967 = vector.broadcast %shift_right_arithmetic3A_966 : i32 to vector<16xi32>
      %shift_right_arithmetic3A_968 = arith.shrsi %add3A_959, %shift_right_arithmetic3A_967 : vector<16xi32>
      %and3A_969 = arith.constant 31 : i32
      %and3A_970 = vector.broadcast %and3A_969 : i32 to vector<16xi32>
      %and3A_971 = arith.andi %shift_right_arithmetic3A_968, %and3A_970 : vector<16xi32>
      %ne3A_972 = arith.constant 31 : i32
      %ne3A_973 = vector.broadcast %ne3A_972 : i32 to vector<16xi32>
      %ne3A_974 = arith.cmpi ne, %and3A_971, %ne3A_973 : vector<16xi32>
      %shift_right_arithmetic3A_975 = arith.constant 10 : i32
      %shift_right_arithmetic3A_976 = vector.broadcast %shift_right_arithmetic3A_975 : i32 to vector<16xi32>
      %shift_right_arithmetic3A_977 = arith.shrsi %add3A_959, %shift_right_arithmetic3A_976 : vector<16xi32>
      %lt3A_978 = vector.broadcast %select_n3A_67 : i32 to vector<16xi32>
      %lt3A_979 = arith.cmpi slt, %shift_right_arithmetic3A_977, %lt3A_978 : vector<16xi32>
      %mul3A_980 = arith.constant 1024 : i32
      %mul3A_981 = vector.broadcast %mul3A_980 : i32 to vector<16xi32>
      %mul3A_982 = arith.muli %get3A_942, %mul3A_981 : vector<16xi32>
      %add3A_983 = arith.addi %mul3A_982, %get3A_947 : vector<16xi32>
      %jit3A_984 = arith.constant 0 : i32
      %broadcast_in_dim3A_985 = vector.broadcast %jit3A_984 : i32 to vector<16xi32>
      %select_n3A_986 = arith.select %ne3A_965, %add3A_983, %broadcast_in_dim3A_985 : vector<16xi1>, vector<16xi32>
      %swap3A_987 = arith.constant 0 : i32
      %swap3A_988 = arith.index_cast %swap3A_987 : i32 to index
      %swap3A_989 = arith.constant 32 : index
      %swap3A_990 = tpu.vector_load %arg7[%swap3A_988, %swap3A_989] {strides = array<i32>} : memref<3x128xi32, #tpu.memory_space<vmem>>, vector<1x16xi32>,
      %swap3A_991 = vector.shape_cast %swap3A_990 : vector<1x16xi32> to vector<16xi32>
      %swap3A_992 = vector.shape_cast %select_n3A_986 : vector<16xi32> to vector<1x16xi32>
      tpu.vector_store %arg7[%swap3A_988, %swap3A_989], %swap3A_992 {strides = array<i32>} : memref<3x128xi32, #tpu.memory_space<vmem>>, vector<1x16xi32>,
      %mul3A_993 = arith.constant 1024 : i32
      %mul3A_994 = vector.broadcast %mul3A_993 : i32 to vector<16xi32>
      %mul3A_995 = arith.muli %get3A_942, %mul3A_994 : vector<16xi32>
      %add3A_996 = arith.addi %mul3A_995, %get3A_952 : vector<16xi32>
      %jit3A_997 = arith.constant 0 : i32
      %broadcast_in_dim3A_998 = vector.broadcast %jit3A_997 : i32 to vector<16xi32>
      %select_n3A_999 = arith.select %ne3A_974, %add3A_996, %broadcast_in_dim3A_998 : vector<16xi1>, vector<16xi32>
      %swap3A_1000 = arith.constant 1 : i32
      %swap3A_1001 = arith.index_cast %swap3A_1000 : i32 to index
      %swap3A_1002 = arith.constant 32 : index
      %swap3A_1003 = tpu.vector_load %arg7[%swap3A_1001, %swap3A_1002] {strides = array<i32>} : memref<3x128xi32, #tpu.memory_space<vmem>>, vector<1x16xi32>,
      %swap3A_1004 = vector.shape_cast %swap3A_1003 : vector<1x16xi32> to vector<16xi32>
      %swap3A_1005 = vector.shape_cast %select_n3A_999 : vector<16xi32> to vector<1x16xi32>
      tpu.vector_store %arg7[%swap3A_1001, %swap3A_1002], %swap3A_1005 {strides = array<i32>} : memref<3x128xi32, #tpu.memory_space<vmem>>, vector<1x16xi32>,
      %mul3A_1006 = arith.constant 1024 : i32
      %mul3A_1007 = vector.broadcast %mul3A_1006 : i32 to vector<16xi32>
      %mul3A_1008 = arith.muli %get3A_942, %mul3A_1007 : vector<16xi32>
      %add3A_1009 = arith.addi %mul3A_1008, %get3A_957 : vector<16xi32>
      %jit3A_1010 = arith.constant 0 : i32
      %broadcast_in_dim3A_1011 = vector.broadcast %jit3A_1010 : i32 to vector<16xi32>
      %select_n3A_1012 = arith.select %lt3A_979, %add3A_1009, %broadcast_in_dim3A_1011 : vector<16xi1>, vector<16xi32>
      %swap3A_1013 = arith.constant 2 : i32
      %swap3A_1014 = arith.index_cast %swap3A_1013 : i32 to index
      %swap3A_1015 = arith.constant 32 : index
      %swap3A_1016 = tpu.vector_load %arg7[%swap3A_1014, %swap3A_1015] {strides = array<i32>} : memref<3x128xi32, #tpu.memory_space<vmem>>, vector<1x16xi32>,
      %swap3A_1017 = vector.shape_cast %swap3A_1016 : vector<1x16xi32> to vector<16xi32>
      %swap3A_1018 = vector.shape_cast %select_n3A_1012 : vector<16xi32> to vector<1x16xi32>
      tpu.vector_store %arg7[%swap3A_1014, %swap3A_1015], %swap3A_1018 {strides = array<i32>} : memref<3x128xi32, #tpu.memory_space<vmem>>, vector<1x16xi32>,
      %add3A_1019 = arith.constant 48 : i32
      %add3A_1020 = arith.addi %mul3A_775, %add3A_1019 : i32
      %get3A_1021 = arith.index_cast %add3A_1020 : i32 to index
      %get3A_1022 = tpu.vector_load %arg5[%get3A_1021] {strides = array<i32>} : memref<17408xi32, #tpu.memory_space<vmem>>, vector<16xi32>,
      %get3A_1023 = vector.shape_cast %get3A_1022 : vector<16xi32> to vector<16xi32>
      %add3A_1024 = arith.constant 1 : i32
      %add3A_1025 = arith.addi %add3A_1020, %add3A_1024 : i32
      %get3A_1026 = arith.index_cast %add3A_1025 : i32 to index
      %get3A_1027 = tpu.vector_load %arg5[%get3A_1026] {strides = array<i32>} : memref<17408xi32, #tpu.memory_space<vmem>>, vector<16xi32>,
      %get3A_1028 = vector.shape_cast %get3A_1027 : vector<16xi32> to vector<16xi32>
      %add3A_1029 = arith.constant 32 : i32
      %add3A_1030 = arith.addi %add3A_1020, %add3A_1029 : i32
      %get3A_1031 = arith.index_cast %add3A_1030 : i32 to index
      %get3A_1032 = tpu.vector_load %arg5[%get3A_1031] {strides = array<i32>} : memref<17408xi32, #tpu.memory_space<vmem>>, vector<16xi32>,
      %get3A_1033 = vector.shape_cast %get3A_1032 : vector<16xi32> to vector<16xi32>
      %add3A_1034 = arith.constant 1024 : i32
      %add3A_1035 = arith.addi %add3A_1020, %add3A_1034 : i32
      %get3A_1036 = arith.index_cast %add3A_1035 : i32 to index
      %get3A_1037 = tpu.vector_load %arg5[%get3A_1036] {strides = array<i32>} : memref<17408xi32, #tpu.memory_space<vmem>>, vector<16xi32>,
      %get3A_1038 = vector.shape_cast %get3A_1037 : vector<16xi32> to vector<16xi32>
      %add3A_1039 = vector.broadcast %add3A_1020 : i32 to vector<16xi32>
      %add3A_1040 = arith.addi %iota3A, %add3A_1039 : vector<16xi32>
      %and3A_1041 = arith.constant 31 : i32
      %and3A_1042 = vector.broadcast %and3A_1041 : i32 to vector<16xi32>
      %and3A_1043 = arith.andi %add3A_1040, %and3A_1042 : vector<16xi32>
      %ne3A_1044 = arith.constant 31 : i32
      %ne3A_1045 = vector.broadcast %ne3A_1044 : i32 to vector<16xi32>
      %ne3A_1046 = arith.cmpi ne, %and3A_1043, %ne3A_1045 : vector<16xi32>
      %shift_right_arithmetic3A_1047 = arith.constant 5 : i32
      %shift_right_arithmetic3A_1048 = vector.broadcast %shift_right_arithmetic3A_1047 : i32 to vector<16xi32>
      %shift_right_arithmetic3A_1049 = arith.shrsi %add3A_1040, %shift_right_arithmetic3A_1048 : vector<16xi32>
      %and3A_1050 = arith.constant 31 : i32
      %and3A_1051 = vector.broadcast %and3A_1050 : i32 to vector<16xi32>
      %and3A_1052 = arith.andi %shift_right_arithmetic3A_1049, %and3A_1051 : vector<16xi32>
      %ne3A_1053 = arith.constant 31 : i32
      %ne3A_1054 = vector.broadcast %ne3A_1053 : i32 to vector<16xi32>
      %ne3A_1055 = arith.cmpi ne, %and3A_1052, %ne3A_1054 : vector<16xi32>
      %shift_right_arithmetic3A_1056 = arith.constant 10 : i32
      %shift_right_arithmetic3A_1057 = vector.broadcast %shift_right_arithmetic3A_1056 : i32 to vector<16xi32>
      %shift_right_arithmetic3A_1058 = arith.shrsi %add3A_1040, %shift_right_arithmetic3A_1057 : vector<16xi32>
      %lt3A_1059 = vector.broadcast %select_n3A_67 : i32 to vector<16xi32>
      %lt3A_1060 = arith.cmpi slt, %shift_right_arithmetic3A_1058, %lt3A_1059 : vector<16xi32>
      %mul3A_1061 = arith.constant 1024 : i32
      %mul3A_1062 = vector.broadcast %mul3A_1061 : i32 to vector<16xi32>
      %mul3A_1063 = arith.muli %get3A_1023, %mul3A_1062 : vector<16xi32>
      %add3A_1064 = arith.addi %mul3A_1063, %get3A_1028 : vector<16xi32>
      %jit3A_1065 = arith.constant 0 : i32
      %broadcast_in_dim3A_1066 = vector.broadcast %jit3A_1065 : i32 to vector<16xi32>
      %select_n3A_1067 = arith.select %ne3A_1046, %add3A_1064, %broadcast_in_dim3A_1066 : vector<16xi1>, vector<16xi32>
      %swap3A_1068 = arith.constant 0 : i32
      %swap3A_1069 = arith.index_cast %swap3A_1068 : i32 to index
      %swap3A_1070 = arith.constant 48 : index
      %swap3A_1071 = tpu.vector_load %arg7[%swap3A_1069, %swap3A_1070] {strides = array<i32>} : memref<3x128xi32, #tpu.memory_space<vmem>>, vector<1x16xi32>,
      %swap3A_1072 = vector.shape_cast %swap3A_1071 : vector<1x16xi32> to vector<16xi32>
      %swap3A_1073 = vector.shape_cast %select_n3A_1067 : vector<16xi32> to vector<1x16xi32>
      tpu.vector_store %arg7[%swap3A_1069, %swap3A_1070], %swap3A_1073 {strides = array<i32>} : memref<3x128xi32, #tpu.memory_space<vmem>>, vector<1x16xi32>,
      %mul3A_1074 = arith.constant 1024 : i32
      %mul3A_1075 = vector.broadcast %mul3A_1074 : i32 to vector<16xi32>
      %mul3A_1076 = arith.muli %get3A_1023, %mul3A_1075 : vector<16xi32>
      %add3A_1077 = arith.addi %mul3A_1076, %get3A_1033 : vector<16xi32>
      %jit3A_1078 = arith.constant 0 : i32
      %broadcast_in_dim3A_1079 = vector.broadcast %jit3A_1078 : i32 to vector<16xi32>
      %select_n3A_1080 = arith.select %ne3A_1055, %add3A_1077, %broadcast_in_dim3A_1079 : vector<16xi1>, vector<16xi32>
      %swap3A_1081 = arith.constant 1 : i32
      %swap3A_1082 = arith.index_cast %swap3A_1081 : i32 to index
      %swap3A_1083 = arith.constant 48 : index
      %swap3A_1084 = tpu.vector_load %arg7[%swap3A_1082, %swap3A_1083] {strides = array<i32>} : memref<3x128xi32, #tpu.memory_space<vmem>>, vector<1x16xi32>,
      %swap3A_1085 = vector.shape_cast %swap3A_1084 : vector<1x16xi32> to vector<16xi32>
      %swap3A_1086 = vector.shape_cast %select_n3A_1080 : vector<16xi32> to vector<1x16xi32>
      tpu.vector_store %arg7[%swap3A_1082, %swap3A_1083], %swap3A_1086 {strides = array<i32>} : memref<3x128xi32, #tpu.memory_space<vmem>>, vector<1x16xi32>,
      %mul3A_1087 = arith.constant 1024 : i32
      %mul3A_1088 = vector.broadcast %mul3A_1087 : i32 to vector<16xi32>
      %mul3A_1089 = arith.muli %get3A_1023, %mul3A_1088 : vector<16xi32>
      %add3A_1090 = arith.addi %mul3A_1089, %get3A_1038 : vector<16xi32>
      %jit3A_1091 = arith.constant 0 : i32
      %broadcast_in_dim3A_1092 = vector.broadcast %jit3A_1091 : i32 to vector<16xi32>
      %select_n3A_1093 = arith.select %lt3A_1060, %add3A_1090, %broadcast_in_dim3A_1092 : vector<16xi1>, vector<16xi32>
      %swap3A_1094 = arith.constant 2 : i32
      %swap3A_1095 = arith.index_cast %swap3A_1094 : i32 to index
      %swap3A_1096 = arith.constant 48 : index
      %swap3A_1097 = tpu.vector_load %arg7[%swap3A_1095, %swap3A_1096] {strides = array<i32>} : memref<3x128xi32, #tpu.memory_space<vmem>>, vector<1x16xi32>,
      %swap3A_1098 = vector.shape_cast %swap3A_1097 : vector<1x16xi32> to vector<16xi32>
      %swap3A_1099 = vector.shape_cast %select_n3A_1093 : vector<16xi32> to vector<1x16xi32>
      tpu.vector_store %arg7[%swap3A_1095, %swap3A_1096], %swap3A_1099 {strides = array<i32>} : memref<3x128xi32, #tpu.memory_space<vmem>>, vector<1x16xi32>,
      %add3A_1100 = arith.constant 64 : i32
      %add3A_1101 = arith.addi %mul3A_775, %add3A_1100 : i32
      %get3A_1102 = arith.index_cast %add3A_1101 : i32 to index
      %get3A_1103 = tpu.vector_load %arg5[%get3A_1102] {strides = array<i32>} : memref<17408xi32, #tpu.memory_space<vmem>>, vector<16xi32>,
      %get3A_1104 = vector.shape_cast %get3A_1103 : vector<16xi32> to vector<16xi32>
      %add3A_1105 = arith.constant 1 : i32
      %add3A_1106 = arith.addi %add3A_1101, %add3A_1105 : i32
      %get3A_1107 = arith.index_cast %add3A_1106 : i32 to index
      %get3A_1108 = tpu.vector_load %arg5[%get3A_1107] {strides = array<i32>} : memref<17408xi32, #tpu.memory_space<vmem>>, vector<16xi32>,
      %get3A_1109 = vector.shape_cast %get3A_1108 : vector<16xi32> to vector<16xi32>
      %add3A_1110 = arith.constant 32 : i32
      %add3A_1111 = arith.addi %add3A_1101, %add3A_1110 : i32
      %get3A_1112 = arith.index_cast %add3A_1111 : i32 to index
      %get3A_1113 = tpu.vector_load %arg5[%get3A_1112] {strides = array<i32>} : memref<17408xi32, #tpu.memory_space<vmem>>, vector<16xi32>,
      %get3A_1114 = vector.shape_cast %get3A_1113 : vector<16xi32> to vector<16xi32>
      %add3A_1115 = arith.constant 1024 : i32
      %add3A_1116 = arith.addi %add3A_1101, %add3A_1115 : i32
      %get3A_1117 = arith.index_cast %add3A_1116 : i32 to index
      %get3A_1118 = tpu.vector_load %arg5[%get3A_1117] {strides = array<i32>} : memref<17408xi32, #tpu.memory_space<vmem>>, vector<16xi32>,
      %get3A_1119 = vector.shape_cast %get3A_1118 : vector<16xi32> to vector<16xi32>
      %add3A_1120 = vector.broadcast %add3A_1101 : i32 to vector<16xi32>
      %add3A_1121 = arith.addi %iota3A, %add3A_1120 : vector<16xi32>
      %and3A_1122 = arith.constant 31 : i32
      %and3A_1123 = vector.broadcast %and3A_1122 : i32 to vector<16xi32>
      %and3A_1124 = arith.andi %add3A_1121, %and3A_1123 : vector<16xi32>
      %ne3A_1125 = arith.constant 31 : i32
      %ne3A_1126 = vector.broadcast %ne3A_1125 : i32 to vector<16xi32>
      %ne3A_1127 = arith.cmpi ne, %and3A_1124, %ne3A_1126 : vector<16xi32>
      %shift_right_arithmetic3A_1128 = arith.constant 5 : i32
      %shift_right_arithmetic3A_1129 = vector.broadcast %shift_right_arithmetic3A_1128 : i32 to vector<16xi32>
      %shift_right_arithmetic3A_1130 = arith.shrsi %add3A_1121, %shift_right_arithmetic3A_1129 : vector<16xi32>
      %and3A_1131 = arith.constant 31 : i32
      %and3A_1132 = vector.broadcast %and3A_1131 : i32 to vector<16xi32>
      %and3A_1133 = arith.andi %shift_right_arithmetic3A_1130, %and3A_1132 : vector<16xi32>
      %ne3A_1134 = arith.constant 31 : i32
      %ne3A_1135 = vector.broadcast %ne3A_1134 : i32 to vector<16xi32>
      %ne3A_1136 = arith.cmpi ne, %and3A_1133, %ne3A_1135 : vector<16xi32>
      %shift_right_arithmetic3A_1137 = arith.constant 10 : i32
      %shift_right_arithmetic3A_1138 = vector.broadcast %shift_right_arithmetic3A_1137 : i32 to vector<16xi32>
      %shift_right_arithmetic3A_1139 = arith.shrsi %add3A_1121, %shift_right_arithmetic3A_1138 : vector<16xi32>
      %lt3A_1140 = vector.broadcast %select_n3A_67 : i32 to vector<16xi32>
      %lt3A_1141 = arith.cmpi slt, %shift_right_arithmetic3A_1139, %lt3A_1140 : vector<16xi32>
      %mul3A_1142 = arith.constant 1024 : i32
      %mul3A_1143 = vector.broadcast %mul3A_1142 : i32 to vector<16xi32>
      %mul3A_1144 = arith.muli %get3A_1104, %mul3A_1143 : vector<16xi32>
      %add3A_1145 = arith.addi %mul3A_1144, %get3A_1109 : vector<16xi32>
      %jit3A_1146 = arith.constant 0 : i32
      %broadcast_in_dim3A_1147 = vector.broadcast %jit3A_1146 : i32 to vector<16xi32>
      %select_n3A_1148 = arith.select %ne3A_1127, %add3A_1145, %broadcast_in_dim3A_1147 : vector<16xi1>, vector<16xi32>
      %swap3A_1149 = arith.constant 0 : i32
      %swap3A_1150 = arith.index_cast %swap3A_1149 : i32 to index
      %swap3A_1151 = arith.constant 64 : index
      %swap3A_1152 = tpu.vector_load %arg7[%swap3A_1150, %swap3A_1151] {strides = array<i32>} : memref<3x128xi32, #tpu.memory_space<vmem>>, vector<1x16xi32>,
      %swap3A_1153 = vector.shape_cast %swap3A_1152 : vector<1x16xi32> to vector<16xi32>
      %swap3A_1154 = vector.shape_cast %select_n3A_1148 : vector<16xi32> to vector<1x16xi32>
      tpu.vector_store %arg7[%swap3A_1150, %swap3A_1151], %swap3A_1154 {strides = array<i32>} : memref<3x128xi32, #tpu.memory_space<vmem>>, vector<1x16xi32>,
      %mul3A_1155 = arith.constant 1024 : i32
      %mul3A_1156 = vector.broadcast %mul3A_1155 : i32 to vector<16xi32>
      %mul3A_1157 = arith.muli %get3A_1104, %mul3A_1156 : vector<16xi32>
      %add3A_1158 = arith.addi %mul3A_1157, %get3A_1114 : vector<16xi32>
      %jit3A_1159 = arith.constant 0 : i32
      %broadcast_in_dim3A_1160 = vector.broadcast %jit3A_1159 : i32 to vector<16xi32>
      %select_n3A_1161 = arith.select %ne3A_1136, %add3A_1158, %broadcast_in_dim3A_1160 : vector<16xi1>, vector<16xi32>
      %swap3A_1162 = arith.constant 1 : i32
      %swap3A_1163 = arith.index_cast %swap3A_1162 : i32 to index
      %swap3A_1164 = arith.constant 64 : index
      %swap3A_1165 = tpu.vector_load %arg7[%swap3A_1163, %swap3A_1164] {strides = array<i32>} : memref<3x128xi32, #tpu.memory_space<vmem>>, vector<1x16xi32>,
      %swap3A_1166 = vector.shape_cast %swap3A_1165 : vector<1x16xi32> to vector<16xi32>
      %swap3A_1167 = vector.shape_cast %select_n3A_1161 : vector<16xi32> to vector<1x16xi32>
      tpu.vector_store %arg7[%swap3A_1163, %swap3A_1164], %swap3A_1167 {strides = array<i32>} : memref<3x128xi32, #tpu.memory_space<vmem>>, vector<1x16xi32>,
      %mul3A_1168 = arith.constant 1024 : i32
      %mul3A_1169 = vector.broadcast %mul3A_1168 : i32 to vector<16xi32>
      %mul3A_1170 = arith.muli %get3A_1104, %mul3A_1169 : vector<16xi32>
      %add3A_1171 = arith.addi %mul3A_1170, %get3A_1119 : vector<16xi32>
      %jit3A_1172 = arith.constant 0 : i32
      %broadcast_in_dim3A_1173 = vector.broadcast %jit3A_1172 : i32 to vector<16xi32>
      %select_n3A_1174 = arith.select %lt3A_1141, %add3A_1171, %broadcast_in_dim3A_1173 : vector<16xi1>, vector<16xi32>
      %swap3A_1175 = arith.constant 2 : i32
      %swap3A_1176 = arith.index_cast %swap3A_1175 : i32 to index
      %swap3A_1177 = arith.constant 64 : index
      %swap3A_1178 = tpu.vector_load %arg7[%swap3A_1176, %swap3A_1177] {strides = array<i32>} : memref<3x128xi32, #tpu.memory_space<vmem>>, vector<1x16xi32>,
      %swap3A_1179 = vector.shape_cast %swap3A_1178 : vector<1x16xi32> to vector<16xi32>
      %swap3A_1180 = vector.shape_cast %select_n3A_1174 : vector<16xi32> to vector<1x16xi32>
      tpu.vector_store %arg7[%swap3A_1176, %swap3A_1177], %swap3A_1180 {strides = array<i32>} : memref<3x128xi32, #tpu.memory_space<vmem>>, vector<1x16xi32>,
      %add3A_1181 = arith.constant 80 : i32
      %add3A_1182 = arith.addi %mul3A_775, %add3A_1181 : i32
      %get3A_1183 = arith.index_cast %add3A_1182 : i32 to index
      %get3A_1184 = tpu.vector_load %arg5[%get3A_1183] {strides = array<i32>} : memref<17408xi32, #tpu.memory_space<vmem>>, vector<16xi32>,
      %get3A_1185 = vector.shape_cast %get3A_1184 : vector<16xi32> to vector<16xi32>
      %add3A_1186 = arith.constant 1 : i32
      %add3A_1187 = arith.addi %add3A_1182, %add3A_1186 : i32
      %get3A_1188 = arith.index_cast %add3A_1187 : i32 to index
      %get3A_1189 = tpu.vector_load %arg5[%get3A_1188] {strides = array<i32>} : memref<17408xi32, #tpu.memory_space<vmem>>, vector<16xi32>,
      %get3A_1190 = vector.shape_cast %get3A_1189 : vector<16xi32> to vector<16xi32>
      %add3A_1191 = arith.constant 32 : i32
      %add3A_1192 = arith.addi %add3A_1182, %add3A_1191 : i32
      %get3A_1193 = arith.index_cast %add3A_1192 : i32 to index
      %get3A_1194 = tpu.vector_load %arg5[%get3A_1193] {strides = array<i32>} : memref<17408xi32, #tpu.memory_space<vmem>>, vector<16xi32>,
      %get3A_1195 = vector.shape_cast %get3A_1194 : vector<16xi32> to vector<16xi32>
      %add3A_1196 = arith.constant 1024 : i32
      %add3A_1197 = arith.addi %add3A_1182, %add3A_1196 : i32
      %get3A_1198 = arith.index_cast %add3A_1197 : i32 to index
      %get3A_1199 = tpu.vector_load %arg5[%get3A_1198] {strides = array<i32>} : memref<17408xi32, #tpu.memory_space<vmem>>, vector<16xi32>,
      %get3A_1200 = vector.shape_cast %get3A_1199 : vector<16xi32> to vector<16xi32>
      %add3A_1201 = vector.broadcast %add3A_1182 : i32 to vector<16xi32>
      %add3A_1202 = arith.addi %iota3A, %add3A_1201 : vector<16xi32>
      %and3A_1203 = arith.constant 31 : i32
      %and3A_1204 = vector.broadcast %and3A_1203 : i32 to vector<16xi32>
      %and3A_1205 = arith.andi %add3A_1202, %and3A_1204 : vector<16xi32>
      %ne3A_1206 = arith.constant 31 : i32
      %ne3A_1207 = vector.broadcast %ne3A_1206 : i32 to vector<16xi32>
      %ne3A_1208 = arith.cmpi ne, %and3A_1205, %ne3A_1207 : vector<16xi32>
      %shift_right_arithmetic3A_1209 = arith.constant 5 : i32
      %shift_right_arithmetic3A_1210 = vector.broadcast %shift_right_arithmetic3A_1209 : i32 to vector<16xi32>
      %shift_right_arithmetic3A_1211 = arith.shrsi %add3A_1202, %shift_right_arithmetic3A_1210 : vector<16xi32>
      %and3A_1212 = arith.constant 31 : i32
      %and3A_1213 = vector.broadcast %and3A_1212 : i32 to vector<16xi32>
      %and3A_1214 = arith.andi %shift_right_arithmetic3A_1211, %and3A_1213 : vector<16xi32>
      %ne3A_1215 = arith.constant 31 : i32
      %ne3A_1216 = vector.broadcast %ne3A_1215 : i32 to vector<16xi32>
      %ne3A_1217 = arith.cmpi ne, %and3A_1214, %ne3A_1216 : vector<16xi32>
      %shift_right_arithmetic3A_1218 = arith.constant 10 : i32
      %shift_right_arithmetic3A_1219 = vector.broadcast %shift_right_arithmetic3A_1218 : i32 to vector<16xi32>
      %shift_right_arithmetic3A_1220 = arith.shrsi %add3A_1202, %shift_right_arithmetic3A_1219 : vector<16xi32>
      %lt3A_1221 = vector.broadcast %select_n3A_67 : i32 to vector<16xi32>
      %lt3A_1222 = arith.cmpi slt, %shift_right_arithmetic3A_1220, %lt3A_1221 : vector<16xi32>
      %mul3A_1223 = arith.constant 1024 : i32
      %mul3A_1224 = vector.broadcast %mul3A_1223 : i32 to vector<16xi32>
      %mul3A_1225 = arith.muli %get3A_1185, %mul3A_1224 : vector<16xi32>
      %add3A_1226 = arith.addi %mul3A_1225, %get3A_1190 : vector<16xi32>
      %jit3A_1227 = arith.constant 0 : i32
      %broadcast_in_dim3A_1228 = vector.broadcast %jit3A_1227 : i32 to vector<16xi32>
      %select_n3A_1229 = arith.select %ne3A_1208, %add3A_1226, %broadcast_in_dim3A_1228 : vector<16xi1>, vector<16xi32>
      %swap3A_1230 = arith.constant 0 : i32
      %swap3A_1231 = arith.index_cast %swap3A_1230 : i32 to index
      %swap3A_1232 = arith.constant 80 : index
      %swap3A_1233 = tpu.vector_load %arg7[%swap3A_1231, %swap3A_1232] {strides = array<i32>} : memref<3x128xi32, #tpu.memory_space<vmem>>, vector<1x16xi32>,
      %swap3A_1234 = vector.shape_cast %swap3A_1233 : vector<1x16xi32> to vector<16xi32>
      %swap3A_1235 = vector.shape_cast %select_n3A_1229 : vector<16xi32> to vector<1x16xi32>
      tpu.vector_store %arg7[%swap3A_1231, %swap3A_1232], %swap3A_1235 {strides = array<i32>} : memref<3x128xi32, #tpu.memory_space<vmem>>, vector<1x16xi32>,
      %mul3A_1236 = arith.constant 1024 : i32
      %mul3A_1237 = vector.broadcast %mul3A_1236 : i32 to vector<16xi32>
      %mul3A_1238 = arith.muli %get3A_1185, %mul3A_1237 : vector<16xi32>
      %add3A_1239 = arith.addi %mul3A_1238, %get3A_1195 : vector<16xi32>
      %jit3A_1240 = arith.constant 0 : i32
      %broadcast_in_dim3A_1241 = vector.broadcast %jit3A_1240 : i32 to vector<16xi32>
      %select_n3A_1242 = arith.select %ne3A_1217, %add3A_1239, %broadcast_in_dim3A_1241 : vector<16xi1>, vector<16xi32>
      %swap3A_1243 = arith.constant 1 : i32
      %swap3A_1244 = arith.index_cast %swap3A_1243 : i32 to index
      %swap3A_1245 = arith.constant 80 : index
      %swap3A_1246 = tpu.vector_load %arg7[%swap3A_1244, %swap3A_1245] {strides = array<i32>} : memref<3x128xi32, #tpu.memory_space<vmem>>, vector<1x16xi32>,
      %swap3A_1247 = vector.shape_cast %swap3A_1246 : vector<1x16xi32> to vector<16xi32>
      %swap3A_1248 = vector.shape_cast %select_n3A_1242 : vector<16xi32> to vector<1x16xi32>
      tpu.vector_store %arg7[%swap3A_1244, %swap3A_1245], %swap3A_1248 {strides = array<i32>} : memref<3x128xi32, #tpu.memory_space<vmem>>, vector<1x16xi32>,
      %mul3A_1249 = arith.constant 1024 : i32
      %mul3A_1250 = vector.broadcast %mul3A_1249 : i32 to vector<16xi32>
      %mul3A_1251 = arith.muli %get3A_1185, %mul3A_1250 : vector<16xi32>
      %add3A_1252 = arith.addi %mul3A_1251, %get3A_1200 : vector<16xi32>
      %jit3A_1253 = arith.constant 0 : i32
      %broadcast_in_dim3A_1254 = vector.broadcast %jit3A_1253 : i32 to vector<16xi32>
      %select_n3A_1255 = arith.select %lt3A_1222, %add3A_1252, %broadcast_in_dim3A_1254 : vector<16xi1>, vector<16xi32>
      %swap3A_1256 = arith.constant 2 : i32
      %swap3A_1257 = arith.index_cast %swap3A_1256 : i32 to index
      %swap3A_1258 = arith.constant 80 : index
      %swap3A_1259 = tpu.vector_load %arg7[%swap3A_1257, %swap3A_1258] {strides = array<i32>} : memref<3x128xi32, #tpu.memory_space<vmem>>, vector<1x16xi32>,
      %swap3A_1260 = vector.shape_cast %swap3A_1259 : vector<1x16xi32> to vector<16xi32>
      %swap3A_1261 = vector.shape_cast %select_n3A_1255 : vector<16xi32> to vector<1x16xi32>
      tpu.vector_store %arg7[%swap3A_1257, %swap3A_1258], %swap3A_1261 {strides = array<i32>} : memref<3x128xi32, #tpu.memory_space<vmem>>, vector<1x16xi32>,
      %add3A_1262 = arith.constant 96 : i32
      %add3A_1263 = arith.addi %mul3A_775, %add3A_1262 : i32
      %get3A_1264 = arith.index_cast %add3A_1263 : i32 to index
      %get3A_1265 = tpu.vector_load %arg5[%get3A_1264] {strides = array<i32>} : memref<17408xi32, #tpu.memory_space<vmem>>, vector<16xi32>,
      %get3A_1266 = vector.shape_cast %get3A_1265 : vector<16xi32> to vector<16xi32>
      %add3A_1267 = arith.constant 1 : i32
      %add3A_1268 = arith.addi %add3A_1263, %add3A_1267 : i32
      %get3A_1269 = arith.index_cast %add3A_1268 : i32 to index
      %get3A_1270 = tpu.vector_load %arg5[%get3A_1269] {strides = array<i32>} : memref<17408xi32, #tpu.memory_space<vmem>>, vector<16xi32>,
      %get3A_1271 = vector.shape_cast %get3A_1270 : vector<16xi32> to vector<16xi32>
      %add3A_1272 = arith.constant 32 : i32
      %add3A_1273 = arith.addi %add3A_1263, %add3A_1272 : i32
      %get3A_1274 = arith.index_cast %add3A_1273 : i32 to index
      %get3A_1275 = tpu.vector_load %arg5[%get3A_1274] {strides = array<i32>} : memref<17408xi32, #tpu.memory_space<vmem>>, vector<16xi32>,
      %get3A_1276 = vector.shape_cast %get3A_1275 : vector<16xi32> to vector<16xi32>
      %add3A_1277 = arith.constant 1024 : i32
      %add3A_1278 = arith.addi %add3A_1263, %add3A_1277 : i32
      %get3A_1279 = arith.index_cast %add3A_1278 : i32 to index
      %get3A_1280 = tpu.vector_load %arg5[%get3A_1279] {strides = array<i32>} : memref<17408xi32, #tpu.memory_space<vmem>>, vector<16xi32>,
      %get3A_1281 = vector.shape_cast %get3A_1280 : vector<16xi32> to vector<16xi32>
      %add3A_1282 = vector.broadcast %add3A_1263 : i32 to vector<16xi32>
      %add3A_1283 = arith.addi %iota3A, %add3A_1282 : vector<16xi32>
      %and3A_1284 = arith.constant 31 : i32
      %and3A_1285 = vector.broadcast %and3A_1284 : i32 to vector<16xi32>
      %and3A_1286 = arith.andi %add3A_1283, %and3A_1285 : vector<16xi32>
      %ne3A_1287 = arith.constant 31 : i32
      %ne3A_1288 = vector.broadcast %ne3A_1287 : i32 to vector<16xi32>
      %ne3A_1289 = arith.cmpi ne, %and3A_1286, %ne3A_1288 : vector<16xi32>
      %shift_right_arithmetic3A_1290 = arith.constant 5 : i32
      %shift_right_arithmetic3A_1291 = vector.broadcast %shift_right_arithmetic3A_1290 : i32 to vector<16xi32>
      %shift_right_arithmetic3A_1292 = arith.shrsi %add3A_1283, %shift_right_arithmetic3A_1291 : vector<16xi32>
      %and3A_1293 = arith.constant 31 : i32
      %and3A_1294 = vector.broadcast %and3A_1293 : i32 to vector<16xi32>
      %and3A_1295 = arith.andi %shift_right_arithmetic3A_1292, %and3A_1294 : vector<16xi32>
      %ne3A_1296 = arith.constant 31 : i32
      %ne3A_1297 = vector.broadcast %ne3A_1296 : i32 to vector<16xi32>
      %ne3A_1298 = arith.cmpi ne, %and3A_1295, %ne3A_1297 : vector<16xi32>
      %shift_right_arithmetic3A_1299 = arith.constant 10 : i32
      %shift_right_arithmetic3A_1300 = vector.broadcast %shift_right_arithmetic3A_1299 : i32 to vector<16xi32>
      %shift_right_arithmetic3A_1301 = arith.shrsi %add3A_1283, %shift_right_arithmetic3A_1300 : vector<16xi32>
      %lt3A_1302 = vector.broadcast %select_n3A_67 : i32 to vector<16xi32>
      %lt3A_1303 = arith.cmpi slt, %shift_right_arithmetic3A_1301, %lt3A_1302 : vector<16xi32>
      %mul3A_1304 = arith.constant 1024 : i32
      %mul3A_1305 = vector.broadcast %mul3A_1304 : i32 to vector<16xi32>
      %mul3A_1306 = arith.muli %get3A_1266, %mul3A_1305 : vector<16xi32>
      %add3A_1307 = arith.addi %mul3A_1306, %get3A_1271 : vector<16xi32>
      %jit3A_1308 = arith.constant 0 : i32
      %broadcast_in_dim3A_1309 = vector.broadcast %jit3A_1308 : i32 to vector<16xi32>
      %select_n3A_1310 = arith.select %ne3A_1289, %add3A_1307, %broadcast_in_dim3A_1309 : vector<16xi1>, vector<16xi32>
      %swap3A_1311 = arith.constant 0 : i32
      %swap3A_1312 = arith.index_cast %swap3A_1311 : i32 to index
      %swap3A_1313 = arith.constant 96 : index
      %swap3A_1314 = tpu.vector_load %arg7[%swap3A_1312, %swap3A_1313] {strides = array<i32>} : memref<3x128xi32, #tpu.memory_space<vmem>>, vector<1x16xi32>,
      %swap3A_1315 = vector.shape_cast %swap3A_1314 : vector<1x16xi32> to vector<16xi32>
      %swap3A_1316 = vector.shape_cast %select_n3A_1310 : vector<16xi32> to vector<1x16xi32>
      tpu.vector_store %arg7[%swap3A_1312, %swap3A_1313], %swap3A_1316 {strides = array<i32>} : memref<3x128xi32, #tpu.memory_space<vmem>>, vector<1x16xi32>,
      %mul3A_1317 = arith.constant 1024 : i32
      %mul3A_1318 = vector.broadcast %mul3A_1317 : i32 to vector<16xi32>
      %mul3A_1319 = arith.muli %get3A_1266, %mul3A_1318 : vector<16xi32>
      %add3A_1320 = arith.addi %mul3A_1319, %get3A_1276 : vector<16xi32>
      %jit3A_1321 = arith.constant 0 : i32
      %broadcast_in_dim3A_1322 = vector.broadcast %jit3A_1321 : i32 to vector<16xi32>
      %select_n3A_1323 = arith.select %ne3A_1298, %add3A_1320, %broadcast_in_dim3A_1322 : vector<16xi1>, vector<16xi32>
      %swap3A_1324 = arith.constant 1 : i32
      %swap3A_1325 = arith.index_cast %swap3A_1324 : i32 to index
      %swap3A_1326 = arith.constant 96 : index
      %swap3A_1327 = tpu.vector_load %arg7[%swap3A_1325, %swap3A_1326] {strides = array<i32>} : memref<3x128xi32, #tpu.memory_space<vmem>>, vector<1x16xi32>,
      %swap3A_1328 = vector.shape_cast %swap3A_1327 : vector<1x16xi32> to vector<16xi32>
      %swap3A_1329 = vector.shape_cast %select_n3A_1323 : vector<16xi32> to vector<1x16xi32>
      tpu.vector_store %arg7[%swap3A_1325, %swap3A_1326], %swap3A_1329 {strides = array<i32>} : memref<3x128xi32, #tpu.memory_space<vmem>>, vector<1x16xi32>,
      %mul3A_1330 = arith.constant 1024 : i32
      %mul3A_1331 = vector.broadcast %mul3A_1330 : i32 to vector<16xi32>
      %mul3A_1332 = arith.muli %get3A_1266, %mul3A_1331 : vector<16xi32>
      %add3A_1333 = arith.addi %mul3A_1332, %get3A_1281 : vector<16xi32>
      %jit3A_1334 = arith.constant 0 : i32
      %broadcast_in_dim3A_1335 = vector.broadcast %jit3A_1334 : i32 to vector<16xi32>
      %select_n3A_1336 = arith.select %lt3A_1303, %add3A_1333, %broadcast_in_dim3A_1335 : vector<16xi1>, vector<16xi32>
      %swap3A_1337 = arith.constant 2 : i32
      %swap3A_1338 = arith.index_cast %swap3A_1337 : i32 to index
      %swap3A_1339 = arith.constant 96 : index
      %swap3A_1340 = tpu.vector_load %arg7[%swap3A_1338, %swap3A_1339] {strides = array<i32>} : memref<3x128xi32, #tpu.memory_space<vmem>>, vector<1x16xi32>,
      %swap3A_1341 = vector.shape_cast %swap3A_1340 : vector<1x16xi32> to vector<16xi32>
      %swap3A_1342 = vector.shape_cast %select_n3A_1336 : vector<16xi32> to vector<1x16xi32>
      tpu.vector_store %arg7[%swap3A_1338, %swap3A_1339], %swap3A_1342 {strides = array<i32>} : memref<3x128xi32, #tpu.memory_space<vmem>>, vector<1x16xi32>,
      %add3A_1343 = arith.constant 112 : i32
      %add3A_1344 = arith.addi %mul3A_775, %add3A_1343 : i32
      %get3A_1345 = arith.index_cast %add3A_1344 : i32 to index
      %get3A_1346 = tpu.vector_load %arg5[%get3A_1345] {strides = array<i32>} : memref<17408xi32, #tpu.memory_space<vmem>>, vector<16xi32>,
      %get3A_1347 = vector.shape_cast %get3A_1346 : vector<16xi32> to vector<16xi32>
      %add3A_1348 = arith.constant 1 : i32
      %add3A_1349 = arith.addi %add3A_1344, %add3A_1348 : i32
      %get3A_1350 = arith.index_cast %add3A_1349 : i32 to index
      %get3A_1351 = tpu.vector_load %arg5[%get3A_1350] {strides = array<i32>} : memref<17408xi32, #tpu.memory_space<vmem>>, vector<16xi32>,
      %get3A_1352 = vector.shape_cast %get3A_1351 : vector<16xi32> to vector<16xi32>
      %add3A_1353 = arith.constant 32 : i32
      %add3A_1354 = arith.addi %add3A_1344, %add3A_1353 : i32
      %get3A_1355 = arith.index_cast %add3A_1354 : i32 to index
      %get3A_1356 = tpu.vector_load %arg5[%get3A_1355] {strides = array<i32>} : memref<17408xi32, #tpu.memory_space<vmem>>, vector<16xi32>,
      %get3A_1357 = vector.shape_cast %get3A_1356 : vector<16xi32> to vector<16xi32>
      %add3A_1358 = arith.constant 1024 : i32
      %add3A_1359 = arith.addi %add3A_1344, %add3A_1358 : i32
      %get3A_1360 = arith.index_cast %add3A_1359 : i32 to index
      %get3A_1361 = tpu.vector_load %arg5[%get3A_1360] {strides = array<i32>} : memref<17408xi32, #tpu.memory_space<vmem>>, vector<16xi32>,
      %get3A_1362 = vector.shape_cast %get3A_1361 : vector<16xi32> to vector<16xi32>
      %add3A_1363 = vector.broadcast %add3A_1344 : i32 to vector<16xi32>
      %add3A_1364 = arith.addi %iota3A, %add3A_1363 : vector<16xi32>
      %and3A_1365 = arith.constant 31 : i32
      %and3A_1366 = vector.broadcast %and3A_1365 : i32 to vector<16xi32>
      %and3A_1367 = arith.andi %add3A_1364, %and3A_1366 : vector<16xi32>
      %ne3A_1368 = arith.constant 31 : i32
      %ne3A_1369 = vector.broadcast %ne3A_1368 : i32 to vector<16xi32>
      %ne3A_1370 = arith.cmpi ne, %and3A_1367, %ne3A_1369 : vector<16xi32>
      %shift_right_arithmetic3A_1371 = arith.constant 5 : i32
      %shift_right_arithmetic3A_1372 = vector.broadcast %shift_right_arithmetic3A_1371 : i32 to vector<16xi32>
      %shift_right_arithmetic3A_1373 = arith.shrsi %add3A_1364, %shift_right_arithmetic3A_1372 : vector<16xi32>
      %and3A_1374 = arith.constant 31 : i32
      %and3A_1375 = vector.broadcast %and3A_1374 : i32 to vector<16xi32>
      %and3A_1376 = arith.andi %shift_right_arithmetic3A_1373, %and3A_1375 : vector<16xi32>
      %ne3A_1377 = arith.constant 31 : i32
      %ne3A_1378 = vector.broadcast %ne3A_1377 : i32 to vector<16xi32>
      %ne3A_1379 = arith.cmpi ne, %and3A_1376, %ne3A_1378 : vector<16xi32>
      %shift_right_arithmetic3A_1380 = arith.constant 10 : i32
      %shift_right_arithmetic3A_1381 = vector.broadcast %shift_right_arithmetic3A_1380 : i32 to vector<16xi32>
      %shift_right_arithmetic3A_1382 = arith.shrsi %add3A_1364, %shift_right_arithmetic3A_1381 : vector<16xi32>
      %lt3A_1383 = vector.broadcast %select_n3A_67 : i32 to vector<16xi32>
      %lt3A_1384 = arith.cmpi slt, %shift_right_arithmetic3A_1382, %lt3A_1383 : vector<16xi32>
      %mul3A_1385 = arith.constant 1024 : i32
      %mul3A_1386 = vector.broadcast %mul3A_1385 : i32 to vector<16xi32>
      %mul3A_1387 = arith.muli %get3A_1347, %mul3A_1386 : vector<16xi32>
      %add3A_1388 = arith.addi %mul3A_1387, %get3A_1352 : vector<16xi32>
      %jit3A_1389 = arith.constant 0 : i32
      %broadcast_in_dim3A_1390 = vector.broadcast %jit3A_1389 : i32 to vector<16xi32>
      %select_n3A_1391 = arith.select %ne3A_1370, %add3A_1388, %broadcast_in_dim3A_1390 : vector<16xi1>, vector<16xi32>
      %swap3A_1392 = arith.constant 0 : i32
      %swap3A_1393 = arith.index_cast %swap3A_1392 : i32 to index
      %swap3A_1394 = arith.constant 112 : index
      %swap3A_1395 = tpu.vector_load %arg7[%swap3A_1393, %swap3A_1394] {strides = array<i32>} : memref<3x128xi32, #tpu.memory_space<vmem>>, vector<1x16xi32>,
      %swap3A_1396 = vector.shape_cast %swap3A_1395 : vector<1x16xi32> to vector<16xi32>
      %swap3A_1397 = vector.shape_cast %select_n3A_1391 : vector<16xi32> to vector<1x16xi32>
      tpu.vector_store %arg7[%swap3A_1393, %swap3A_1394], %swap3A_1397 {strides = array<i32>} : memref<3x128xi32, #tpu.memory_space<vmem>>, vector<1x16xi32>,
      %mul3A_1398 = arith.constant 1024 : i32
      %mul3A_1399 = vector.broadcast %mul3A_1398 : i32 to vector<16xi32>
      %mul3A_1400 = arith.muli %get3A_1347, %mul3A_1399 : vector<16xi32>
      %add3A_1401 = arith.addi %mul3A_1400, %get3A_1357 : vector<16xi32>
      %jit3A_1402 = arith.constant 0 : i32
      %broadcast_in_dim3A_1403 = vector.broadcast %jit3A_1402 : i32 to vector<16xi32>
      %select_n3A_1404 = arith.select %ne3A_1379, %add3A_1401, %broadcast_in_dim3A_1403 : vector<16xi1>, vector<16xi32>
      %swap3A_1405 = arith.constant 1 : i32
      %swap3A_1406 = arith.index_cast %swap3A_1405 : i32 to index
      %swap3A_1407 = arith.constant 112 : index
      %swap3A_1408 = tpu.vector_load %arg7[%swap3A_1406, %swap3A_1407] {strides = array<i32>} : memref<3x128xi32, #tpu.memory_space<vmem>>, vector<1x16xi32>,
      %swap3A_1409 = vector.shape_cast %swap3A_1408 : vector<1x16xi32> to vector<16xi32>
      %swap3A_1410 = vector.shape_cast %select_n3A_1404 : vector<16xi32> to vector<1x16xi32>
      tpu.vector_store %arg7[%swap3A_1406, %swap3A_1407], %swap3A_1410 {strides = array<i32>} : memref<3x128xi32, #tpu.memory_space<vmem>>, vector<1x16xi32>,
      %mul3A_1411 = arith.constant 1024 : i32
      %mul3A_1412 = vector.broadcast %mul3A_1411 : i32 to vector<16xi32>
      %mul3A_1413 = arith.muli %get3A_1347, %mul3A_1412 : vector<16xi32>
      %add3A_1414 = arith.addi %mul3A_1413, %get3A_1362 : vector<16xi32>
      %jit3A_1415 = arith.constant 0 : i32
      %broadcast_in_dim3A_1416 = vector.broadcast %jit3A_1415 : i32 to vector<16xi32>
      %select_n3A_1417 = arith.select %lt3A_1384, %add3A_1414, %broadcast_in_dim3A_1416 : vector<16xi1>, vector<16xi32>
      %swap3A_1418 = arith.constant 2 : i32
      %swap3A_1419 = arith.index_cast %swap3A_1418 : i32 to index
      %swap3A_1420 = arith.constant 112 : index
      %swap3A_1421 = tpu.vector_load %arg7[%swap3A_1419, %swap3A_1420] {strides = array<i32>} : memref<3x128xi32, #tpu.memory_space<vmem>>, vector<1x16xi32>,
      %swap3A_1422 = vector.shape_cast %swap3A_1421 : vector<1x16xi32> to vector<16xi32>
      %swap3A_1423 = vector.shape_cast %select_n3A_1417 : vector<16xi32> to vector<1x16xi32>
      tpu.vector_store %arg7[%swap3A_1419, %swap3A_1420], %swap3A_1423 {strides = array<i32>} : memref<3x128xi32, #tpu.memory_space<vmem>>, vector<1x16xi32>,
      %dma_wait3A_1424 = arith.constant 0 : i32
      %dma_wait3A_1425 = arith.constant 0 : i32
      %dma_wait3A_1426 = tpu.memref_slice %arg6[%dma_wait3A_1424, %dma_wait3A_1425] : memref<3x128xi32, #tpu.memory_space<vmem>> -> memref<1x128xi32, #tpu.memory_space<vmem>>
      %dma_wait3A_1427 = tpu.memref_squeeze %dma_wait3A_1426 : memref<1x128xi32, #tpu.memory_space<vmem>> -> memref<128xi32, #tpu.memory_space<vmem>>
      %dma_wait3A_1428 = arith.constant 0 : i32
      %dma_wait3A_1429 = tpu.memref_slice %arg9[%dma_wait3A_1428] : memref<1048576xf32, #tpu.memory_space<vmem_shared>> -> memref<1048576xf32, #tpu.memory_space<vmem_shared>>
      tpu.wait_indirect_dma semaphore(%arg10 : memref<!tpu.dma_semaphore, #tpu.memory_space<semaphore_mem>>) src(%arg8 : memref<128xf32, #tpu.memory_space<vmem>>) dst(%dma_wait3A_1429 : memref<1048576xf32, #tpu.memory_space<vmem_shared>>)
      %dma_wait3A_1430 = arith.constant 1 : i32
      %dma_wait3A_1431 = arith.constant 0 : i32
      %dma_wait3A_1432 = tpu.memref_slice %arg6[%dma_wait3A_1430, %dma_wait3A_1431] : memref<3x128xi32, #tpu.memory_space<vmem>> -> memref<1x128xi32, #tpu.memory_space<vmem>>
      %dma_wait3A_1433 = tpu.memref_squeeze %dma_wait3A_1432 : memref<1x128xi32, #tpu.memory_space<vmem>> -> memref<128xi32, #tpu.memory_space<vmem>>
      %dma_wait3A_1434 = arith.constant 0 : i32
      %dma_wait3A_1435 = tpu.memref_slice %arg9[%dma_wait3A_1434] : memref<1048576xf32, #tpu.memory_space<vmem_shared>> -> memref<1048576xf32, #tpu.memory_space<vmem_shared>>
      tpu.wait_indirect_dma semaphore(%arg10 : memref<!tpu.dma_semaphore, #tpu.memory_space<semaphore_mem>>) src(%arg8 : memref<128xf32, #tpu.memory_space<vmem>>) dst(%dma_wait3A_1435 : memref<1048576xf32, #tpu.memory_space<vmem_shared>>)
      %dma_wait3A_1436 = arith.constant 2 : i32
      %dma_wait3A_1437 = arith.constant 0 : i32
      %dma_wait3A_1438 = tpu.memref_slice %arg6[%dma_wait3A_1436, %dma_wait3A_1437] : memref<3x128xi32, #tpu.memory_space<vmem>> -> memref<1x128xi32, #tpu.memory_space<vmem>>
      %dma_wait3A_1439 = tpu.memref_squeeze %dma_wait3A_1438 : memref<1x128xi32, #tpu.memory_space<vmem>> -> memref<128xi32, #tpu.memory_space<vmem>>
      %dma_wait3A_1440 = arith.constant 0 : i32
      %dma_wait3A_1441 = tpu.memref_slice %arg9[%dma_wait3A_1440] : memref<1048576xf32, #tpu.memory_space<vmem_shared>> -> memref<1048576xf32, #tpu.memory_space<vmem_shared>>
      tpu.wait_indirect_dma semaphore(%arg10 : memref<!tpu.dma_semaphore, #tpu.memory_space<semaphore_mem>>) src(%arg8 : memref<128xf32, #tpu.memory_space<vmem>>) dst(%dma_wait3A_1441 : memref<1048576xf32, #tpu.memory_space<vmem_shared>>)
      %dma_start3A_1442 = arith.constant 0 : i32
      %dma_start3A_1443 = arith.constant 0 : i32
      %dma_start3A_1444 = tpu.memref_slice %arg7[%dma_start3A_1442, %dma_start3A_1443] : memref<3x128xi32, #tpu.memory_space<vmem>> -> memref<1x128xi32, #tpu.memory_space<vmem>>
      %dma_start3A_1445 = tpu.memref_squeeze %dma_start3A_1444 : memref<1x128xi32, #tpu.memory_space<vmem>> -> memref<128xi32, #tpu.memory_space<vmem>>
      %dma_start3A_1446 = arith.constant 0 : i32
      %dma_start3A_1447 = tpu.memref_slice %arg9[%dma_start3A_1446] : memref<1048576xf32, #tpu.memory_space<vmem_shared>> -> memref<1048576xf32, #tpu.memory_space<vmem_shared>>
      tpu.enqueue_indirect_dma source(%arg8 : memref<128xf32, #tpu.memory_space<vmem>>) target(%dma_start3A_1447 : memref<1048576xf32, #tpu.memory_space<vmem_shared>>) offsets(%dma_start3A_1445 : memref<128xi32, #tpu.memory_space<vmem>>) semaphore(%arg11 : memref<!tpu.dma_semaphore, #tpu.memory_space<semaphore_mem>>) {add = true}
      %dma_start3A_1448 = arith.constant 1 : i32
      %dma_start3A_1449 = arith.constant 0 : i32
      %dma_start3A_1450 = tpu.memref_slice %arg7[%dma_start3A_1448, %dma_start3A_1449] : memref<3x128xi32, #tpu.memory_space<vmem>> -> memref<1x128xi32, #tpu.memory_space<vmem>>
      %dma_start3A_1451 = tpu.memref_squeeze %dma_start3A_1450 : memref<1x128xi32, #tpu.memory_space<vmem>> -> memref<128xi32, #tpu.memory_space<vmem>>
      %dma_start3A_1452 = arith.constant 0 : i32
      %dma_start3A_1453 = tpu.memref_slice %arg9[%dma_start3A_1452] : memref<1048576xf32, #tpu.memory_space<vmem_shared>> -> memref<1048576xf32, #tpu.memory_space<vmem_shared>>
      tpu.enqueue_indirect_dma source(%arg8 : memref<128xf32, #tpu.memory_space<vmem>>) target(%dma_start3A_1453 : memref<1048576xf32, #tpu.memory_space<vmem_shared>>) offsets(%dma_start3A_1451 : memref<128xi32, #tpu.memory_space<vmem>>) semaphore(%arg11 : memref<!tpu.dma_semaphore, #tpu.memory_space<semaphore_mem>>) {add = true}
      %dma_start3A_1454 = arith.constant 2 : i32
      %dma_start3A_1455 = arith.constant 0 : i32
      %dma_start3A_1456 = tpu.memref_slice %arg7[%dma_start3A_1454, %dma_start3A_1455] : memref<3x128xi32, #tpu.memory_space<vmem>> -> memref<1x128xi32, #tpu.memory_space<vmem>>
      %dma_start3A_1457 = tpu.memref_squeeze %dma_start3A_1456 : memref<1x128xi32, #tpu.memory_space<vmem>> -> memref<128xi32, #tpu.memory_space<vmem>>
      %dma_start3A_1458 = arith.constant 0 : i32
      %dma_start3A_1459 = tpu.memref_slice %arg9[%dma_start3A_1458] : memref<1048576xf32, #tpu.memory_space<vmem_shared>> -> memref<1048576xf32, #tpu.memory_space<vmem_shared>>
      tpu.enqueue_indirect_dma source(%arg8 : memref<128xf32, #tpu.memory_space<vmem>>) target(%dma_start3A_1459 : memref<1048576xf32, #tpu.memory_space<vmem_shared>>) offsets(%dma_start3A_1457 : memref<128xi32, #tpu.memory_space<vmem>>) semaphore(%arg11 : memref<!tpu.dma_semaphore, #tpu.memory_space<semaphore_mem>>) {add = true}
    }
    %scan3A_72 = arith.constant 64 : i32
    %dma_wait3A = arith.constant 0 : i32
    %dma_wait3A_73 = arith.constant 0 : i32
    %dma_wait3A_74 = tpu.memref_slice %arg7[%dma_wait3A, %dma_wait3A_73] : memref<3x128xi32, #tpu.memory_space<vmem>> -> memref<1x128xi32, #tpu.memory_space<vmem>>
    %dma_wait3A_75 = tpu.memref_squeeze %dma_wait3A_74 : memref<1x128xi32, #tpu.memory_space<vmem>> -> memref<128xi32, #tpu.memory_space<vmem>>
    %dma_wait3A_76 = arith.constant 0 : i32
    %dma_wait3A_77 = tpu.memref_slice %arg9[%dma_wait3A_76] : memref<1048576xf32, #tpu.memory_space<vmem_shared>> -> memref<1048576xf32, #tpu.memory_space<vmem_shared>>
    tpu.wait_indirect_dma semaphore(%arg11 : memref<!tpu.dma_semaphore, #tpu.memory_space<semaphore_mem>>) src(%arg8 : memref<128xf32, #tpu.memory_space<vmem>>) dst(%dma_wait3A_77 : memref<1048576xf32, #tpu.memory_space<vmem_shared>>)
    %dma_wait3A_78 = arith.constant 1 : i32
    %dma_wait3A_79 = arith.constant 0 : i32
    %dma_wait3A_80 = tpu.memref_slice %arg7[%dma_wait3A_78, %dma_wait3A_79] : memref<3x128xi32, #tpu.memory_space<vmem>> -> memref<1x128xi32, #tpu.memory_space<vmem>>
    %dma_wait3A_81 = tpu.memref_squeeze %dma_wait3A_80 : memref<1x128xi32, #tpu.memory_space<vmem>> -> memref<128xi32, #tpu.memory_space<vmem>>
    %dma_wait3A_82 = arith.constant 0 : i32
    %dma_wait3A_83 = tpu.memref_slice %arg9[%dma_wait3A_82] : memref<1048576xf32, #tpu.memory_space<vmem_shared>> -> memref<1048576xf32, #tpu.memory_space<vmem_shared>>
    tpu.wait_indirect_dma semaphore(%arg11 : memref<!tpu.dma_semaphore, #tpu.memory_space<semaphore_mem>>) src(%arg8 : memref<128xf32, #tpu.memory_space<vmem>>) dst(%dma_wait3A_83 : memref<1048576xf32, #tpu.memory_space<vmem_shared>>)
    %dma_wait3A_84 = arith.constant 2 : i32
    %dma_wait3A_85 = arith.constant 0 : i32
    %dma_wait3A_86 = tpu.memref_slice %arg7[%dma_wait3A_84, %dma_wait3A_85] : memref<3x128xi32, #tpu.memory_space<vmem>> -> memref<1x128xi32, #tpu.memory_space<vmem>>
    %dma_wait3A_87 = tpu.memref_squeeze %dma_wait3A_86 : memref<1x128xi32, #tpu.memory_space<vmem>> -> memref<128xi32, #tpu.memory_space<vmem>>
    %dma_wait3A_88 = arith.constant 0 : i32
    %dma_wait3A_89 = tpu.memref_slice %arg9[%dma_wait3A_88] : memref<1048576xf32, #tpu.memory_space<vmem_shared>> -> memref<1048576xf32, #tpu.memory_space<vmem_shared>>
    tpu.wait_indirect_dma semaphore(%arg11 : memref<!tpu.dma_semaphore, #tpu.memory_space<semaphore_mem>>) src(%arg8 : memref<128xf32, #tpu.memory_space<vmem>>) dst(%dma_wait3A_89 : memref<1048576xf32, #tpu.memory_space<vmem_shared>>)
    %barrier3A_90 = arith.constant 0 : index
    tpu.barrier barrier_id(%barrier3A_90)
    %mul3A_91 = arith.constant 65536 : i32
    %mul3A_92 = arith.muli %arg1, %mul3A_91 : i32
    %mul3A_93 = arith.constant 1048576 : i32
    %mul3A_94 = arith.muli %arg0, %mul3A_93 : i32
    %mul3A_95 = arith.constant 65536 : i32
    %mul3A_96 = arith.muli %arg1, %mul3A_95 : i32
    %add3A_97 = arith.addi %mul3A_94, %mul3A_96 : i32
    "tpu.region"() ({
      %run_scoped3A = tpu.sem_alloc : memref<!tpu.dma_semaphore, #tpu.memory_space<semaphore_mem>>
      %dma_start3A = tpu.memref_slice %arg4[%add3A_97] : memref<2097152xf32, #tpu.memory_space<hbm>> -> memref<65536xf32, #tpu.memory_space<hbm>>
      %dma_start3A_98 = tpu.memref_slice %arg9[%mul3A_92] : memref<1048576xf32, #tpu.memory_space<vmem_shared>> -> memref<65536xf32, #tpu.memory_space<vmem_shared>>
      tpu.enqueue_dma source(%dma_start3A_98 : memref<65536xf32, #tpu.memory_space<vmem_shared>>) target(%dma_start3A : memref<65536xf32, #tpu.memory_space<hbm>>) target_semaphore(%run_scoped3A : memref<!tpu.dma_semaphore, #tpu.memory_space<semaphore_mem>>)
      %dma_wait3A_99 = tpu.memref_slice %arg4[%add3A_97] : memref<2097152xf32, #tpu.memory_space<hbm>> -> memref<65536xf32, #tpu.memory_space<hbm>>
      %dma_wait3A_100 = tpu.memref_slice %arg9[%mul3A_92] : memref<1048576xf32, #tpu.memory_space<vmem_shared>> -> memref<65536xf32, #tpu.memory_space<vmem_shared>>
      tpu.wait_dma2 semaphore(%run_scoped3A : memref<!tpu.dma_semaphore, #tpu.memory_space<semaphore_mem>>) src(%dma_wait3A_100 : memref<65536xf32, #tpu.memory_space<vmem_shared>>) dst(%dma_wait3A_99 : memref<65536xf32, #tpu.memory_space<hbm>>)
      tpu.yield
    }) : () -> ()
    return
  }
}

module attributes {stable_mosaic.version = 14 : i64} {
  func.func @_dmat_body(%arg0: i32, %arg1: memref<128x1024xbf16, #tpu.memory_space<vmem>>, %arg2: memref<64x128xf32, #tpu.memory_space<vmem>>, %arg3: memref<64x1024xbf16, #tpu.memory_space<vmem>>) attributes {dimension_semantics = [#tpu.dimension_semantics<arbitrary>], iteration_bounds = array<i64: 16>, scalar_prefetch = 0 : i64, scratch_operands = 0 : i64, tpu.core_type = #tpu.core_type<tc>, window_params = [{pipeline_mode = #tpu.pipeline_mode<synchronous>, transform_indices = @transform_0, window_bounds = array<i64: 128, 1024>}, {transform_indices = @transform_1, window_bounds = array<i64: 64, 128>}, {transform_indices = @transform_2, window_bounds = array<i64: 64, 1024>}]} {
    %get3A = arith.constant 0 : index
    %get3A_0 = arith.constant 0 : index
    %get3A_1 = vector.load %arg2[%get3A, %get3A_0] : memref<64x128xf32, #tpu.memory_space<vmem>>, vector<1x128xf32>
    %transpose3A = tpu.transpose %get3A_1, [1, 0] : vector<1x128xf32> -> vector<128x1xf32>
    %get3A_2 = arith.constant 0 : index
    %get3A_3 = arith.constant 0 : index
    %get3A_4 = vector.load %arg1[%get3A_2, %get3A_3] : memref<128x1024xbf16, #tpu.memory_space<vmem>>, vector<128x1024xbf16>
    %convert_element_type3A = arith.truncf %transpose3A : vector<128x1xf32> to vector<128x1xbf16>
    %sub3A = vector.broadcast %convert_element_type3A : vector<128x1xbf16> to vector<128x1024xbf16>
    %sub3A_5 = arith.subf %get3A_4, %sub3A : vector<128x1024xbf16>
    %abs3A = math.absf %sub3A_5 : vector<128x1024xbf16>
    %slice3A = vector.extract_strided_slice %abs3A {offsets = [0, 0], sizes = [64, 1024], strides = [1, 1]} : vector<128x1024xbf16> to vector<64x1024xbf16>
    %slice3A_6 = vector.extract_strided_slice %abs3A {offsets = [64, 0], sizes = [64, 1024], strides = [1, 1]} : vector<128x1024xbf16> to vector<64x1024xbf16>
    %add3A = arith.addf %slice3A, %slice3A_6 : vector<64x1024xbf16>
    %slice3A_7 = vector.extract_strided_slice %add3A {offsets = [0, 0], sizes = [32, 1024], strides = [1, 1]} : vector<64x1024xbf16> to vector<32x1024xbf16>
    %slice3A_8 = vector.extract_strided_slice %add3A {offsets = [32, 0], sizes = [32, 1024], strides = [1, 1]} : vector<64x1024xbf16> to vector<32x1024xbf16>
    %add3A_9 = arith.addf %slice3A_7, %slice3A_8 : vector<32x1024xbf16>
    %convert_element_type3A_10 = arith.extf %add3A_9 : vector<32x1024xbf16> to vector<32x1024xf32>
    %slice3A_11 = vector.extract_strided_slice %convert_element_type3A_10 {offsets = [0, 0], sizes = [16, 1024], strides = [1, 1]} : vector<32x1024xf32> to vector<16x1024xf32>
    %slice3A_12 = vector.extract_strided_slice %convert_element_type3A_10 {offsets = [16, 0], sizes = [16, 1024], strides = [1, 1]} : vector<32x1024xf32> to vector<16x1024xf32>
    %add3A_13 = arith.addf %slice3A_11, %slice3A_12 : vector<16x1024xf32>
    %slice3A_14 = vector.extract_strided_slice %add3A_13 {offsets = [0, 0], sizes = [8, 1024], strides = [1, 1]} : vector<16x1024xf32> to vector<8x1024xf32>
    %slice3A_15 = vector.extract_strided_slice %add3A_13 {offsets = [8, 0], sizes = [8, 1024], strides = [1, 1]} : vector<16x1024xf32> to vector<8x1024xf32>
    %add3A_16 = arith.addf %slice3A_14, %slice3A_15 : vector<8x1024xf32>
    %reduce_sum3A = arith.constant dense<0.000000e+00> : vector<1024xf32>
    %reduce_sum3A_17 = vector.multi_reduction <add>, %add3A_16, %reduce_sum3A [0] : vector<8x1024xf32> to vector<1024xf32>
    %broadcast_in_dim3A = vector.shape_cast %reduce_sum3A_17 : vector<1024xf32> to vector<1x1024xf32>
    %convert_element_type3A_18 = arith.truncf %broadcast_in_dim3A : vector<1x1024xf32> to vector<1x1024xbf16>
    %get3A_19 = arith.constant 1 : index
    %get3A_20 = arith.constant 0 : index
    %get3A_21 = vector.load %arg2[%get3A_19, %get3A_20] : memref<64x128xf32, #tpu.memory_space<vmem>>, vector<1x128xf32>
    %transpose3A_22 = tpu.transpose %get3A_21, [1, 0] : vector<1x128xf32> -> vector<128x1xf32>
    %get3A_23 = arith.constant 0 : index
    %get3A_24 = arith.constant 0 : index
    %get3A_25 = vector.load %arg1[%get3A_23, %get3A_24] : memref<128x1024xbf16, #tpu.memory_space<vmem>>, vector<128x1024xbf16>
    %convert_element_type3A_26 = arith.truncf %transpose3A_22 : vector<128x1xf32> to vector<128x1xbf16>
    %sub3A_27 = vector.broadcast %convert_element_type3A_26 : vector<128x1xbf16> to vector<128x1024xbf16>
    %sub3A_28 = arith.subf %get3A_25, %sub3A_27 : vector<128x1024xbf16>
    %abs3A_29 = math.absf %sub3A_28 : vector<128x1024xbf16>
    %slice3A_30 = vector.extract_strided_slice %abs3A_29 {offsets = [0, 0], sizes = [64, 1024], strides = [1, 1]} : vector<128x1024xbf16> to vector<64x1024xbf16>
    %slice3A_31 = vector.extract_strided_slice %abs3A_29 {offsets = [64, 0], sizes = [64, 1024], strides = [1, 1]} : vector<128x1024xbf16> to vector<64x1024xbf16>
    %add3A_32 = arith.addf %slice3A_30, %slice3A_31 : vector<64x1024xbf16>
    %slice3A_33 = vector.extract_strided_slice %add3A_32 {offsets = [0, 0], sizes = [32, 1024], strides = [1, 1]} : vector<64x1024xbf16> to vector<32x1024xbf16>
    %slice3A_34 = vector.extract_strided_slice %add3A_32 {offsets = [32, 0], sizes = [32, 1024], strides = [1, 1]} : vector<64x1024xbf16> to vector<32x1024xbf16>
    %add3A_35 = arith.addf %slice3A_33, %slice3A_34 : vector<32x1024xbf16>
    %convert_element_type3A_36 = arith.extf %add3A_35 : vector<32x1024xbf16> to vector<32x1024xf32>
    %slice3A_37 = vector.extract_strided_slice %convert_element_type3A_36 {offsets = [0, 0], sizes = [16, 1024], strides = [1, 1]} : vector<32x1024xf32> to vector<16x1024xf32>
    %slice3A_38 = vector.extract_strided_slice %convert_element_type3A_36 {offsets = [16, 0], sizes = [16, 1024], strides = [1, 1]} : vector<32x1024xf32> to vector<16x1024xf32>
    %add3A_39 = arith.addf %slice3A_37, %slice3A_38 : vector<16x1024xf32>
    %slice3A_40 = vector.extract_strided_slice %add3A_39 {offsets = [0, 0], sizes = [8, 1024], strides = [1, 1]} : vector<16x1024xf32> to vector<8x1024xf32>
    %slice3A_41 = vector.extract_strided_slice %add3A_39 {offsets = [8, 0], sizes = [8, 1024], strides = [1, 1]} : vector<16x1024xf32> to vector<8x1024xf32>
    %add3A_42 = arith.addf %slice3A_40, %slice3A_41 : vector<8x1024xf32>
    %reduce_sum3A_43 = arith.constant dense<0.000000e+00> : vector<1024xf32>
    %reduce_sum3A_44 = vector.multi_reduction <add>, %add3A_42, %reduce_sum3A_43 [0] : vector<8x1024xf32> to vector<1024xf32>
    %broadcast_in_dim3A_45 = vector.shape_cast %reduce_sum3A_44 : vector<1024xf32> to vector<1x1024xf32>
    %convert_element_type3A_46 = arith.truncf %broadcast_in_dim3A_45 : vector<1x1024xf32> to vector<1x1024xbf16>
    %get3A_47 = arith.constant 2 : index
    %get3A_48 = arith.constant 0 : index
    %get3A_49 = vector.load %arg2[%get3A_47, %get3A_48] : memref<64x128xf32, #tpu.memory_space<vmem>>, vector<1x128xf32>
    %transpose3A_50 = tpu.transpose %get3A_49, [1, 0] : vector<1x128xf32> -> vector<128x1xf32>
    %get3A_51 = arith.constant 0 : index
    %get3A_52 = arith.constant 0 : index
    %get3A_53 = vector.load %arg1[%get3A_51, %get3A_52] : memref<128x1024xbf16, #tpu.memory_space<vmem>>, vector<128x1024xbf16>
    %convert_element_type3A_54 = arith.truncf %transpose3A_50 : vector<128x1xf32> to vector<128x1xbf16>
    %sub3A_55 = vector.broadcast %convert_element_type3A_54 : vector<128x1xbf16> to vector<128x1024xbf16>
    %sub3A_56 = arith.subf %get3A_53, %sub3A_55 : vector<128x1024xbf16>
    %abs3A_57 = math.absf %sub3A_56 : vector<128x1024xbf16>
    %slice3A_58 = vector.extract_strided_slice %abs3A_57 {offsets = [0, 0], sizes = [64, 1024], strides = [1, 1]} : vector<128x1024xbf16> to vector<64x1024xbf16>
    %slice3A_59 = vector.extract_strided_slice %abs3A_57 {offsets = [64, 0], sizes = [64, 1024], strides = [1, 1]} : vector<128x1024xbf16> to vector<64x1024xbf16>
    %add3A_60 = arith.addf %slice3A_58, %slice3A_59 : vector<64x1024xbf16>
    %slice3A_61 = vector.extract_strided_slice %add3A_60 {offsets = [0, 0], sizes = [32, 1024], strides = [1, 1]} : vector<64x1024xbf16> to vector<32x1024xbf16>
    %slice3A_62 = vector.extract_strided_slice %add3A_60 {offsets = [32, 0], sizes = [32, 1024], strides = [1, 1]} : vector<64x1024xbf16> to vector<32x1024xbf16>
    %add3A_63 = arith.addf %slice3A_61, %slice3A_62 : vector<32x1024xbf16>
    %convert_element_type3A_64 = arith.extf %add3A_63 : vector<32x1024xbf16> to vector<32x1024xf32>
    %slice3A_65 = vector.extract_strided_slice %convert_element_type3A_64 {offsets = [0, 0], sizes = [16, 1024], strides = [1, 1]} : vector<32x1024xf32> to vector<16x1024xf32>
    %slice3A_66 = vector.extract_strided_slice %convert_element_type3A_64 {offsets = [16, 0], sizes = [16, 1024], strides = [1, 1]} : vector<32x1024xf32> to vector<16x1024xf32>
    %add3A_67 = arith.addf %slice3A_65, %slice3A_66 : vector<16x1024xf32>
    %slice3A_68 = vector.extract_strided_slice %add3A_67 {offsets = [0, 0], sizes = [8, 1024], strides = [1, 1]} : vector<16x1024xf32> to vector<8x1024xf32>
    %slice3A_69 = vector.extract_strided_slice %add3A_67 {offsets = [8, 0], sizes = [8, 1024], strides = [1, 1]} : vector<16x1024xf32> to vector<8x1024xf32>
    %add3A_70 = arith.addf %slice3A_68, %slice3A_69 : vector<8x1024xf32>
    %reduce_sum3A_71 = arith.constant dense<0.000000e+00> : vector<1024xf32>
    %reduce_sum3A_72 = vector.multi_reduction <add>, %add3A_70, %reduce_sum3A_71 [0] : vector<8x1024xf32> to vector<1024xf32>
    %broadcast_in_dim3A_73 = vector.shape_cast %reduce_sum3A_72 : vector<1024xf32> to vector<1x1024xf32>
    %convert_element_type3A_74 = arith.truncf %broadcast_in_dim3A_73 : vector<1x1024xf32> to vector<1x1024xbf16>
    %get3A_75 = arith.constant 3 : index
    %get3A_76 = arith.constant 0 : index
    %get3A_77 = vector.load %arg2[%get3A_75, %get3A_76] : memref<64x128xf32, #tpu.memory_space<vmem>>, vector<1x128xf32>
    %transpose3A_78 = tpu.transpose %get3A_77, [1, 0] : vector<1x128xf32> -> vector<128x1xf32>
    %get3A_79 = arith.constant 0 : index
    %get3A_80 = arith.constant 0 : index
    %get3A_81 = vector.load %arg1[%get3A_79, %get3A_80] : memref<128x1024xbf16, #tpu.memory_space<vmem>>, vector<128x1024xbf16>
    %convert_element_type3A_82 = arith.truncf %transpose3A_78 : vector<128x1xf32> to vector<128x1xbf16>
    %sub3A_83 = vector.broadcast %convert_element_type3A_82 : vector<128x1xbf16> to vector<128x1024xbf16>
    %sub3A_84 = arith.subf %get3A_81, %sub3A_83 : vector<128x1024xbf16>
    %abs3A_85 = math.absf %sub3A_84 : vector<128x1024xbf16>
    %slice3A_86 = vector.extract_strided_slice %abs3A_85 {offsets = [0, 0], sizes = [64, 1024], strides = [1, 1]} : vector<128x1024xbf16> to vector<64x1024xbf16>
    %slice3A_87 = vector.extract_strided_slice %abs3A_85 {offsets = [64, 0], sizes = [64, 1024], strides = [1, 1]} : vector<128x1024xbf16> to vector<64x1024xbf16>
    %add3A_88 = arith.addf %slice3A_86, %slice3A_87 : vector<64x1024xbf16>
    %slice3A_89 = vector.extract_strided_slice %add3A_88 {offsets = [0, 0], sizes = [32, 1024], strides = [1, 1]} : vector<64x1024xbf16> to vector<32x1024xbf16>
    %slice3A_90 = vector.extract_strided_slice %add3A_88 {offsets = [32, 0], sizes = [32, 1024], strides = [1, 1]} : vector<64x1024xbf16> to vector<32x1024xbf16>
    %add3A_91 = arith.addf %slice3A_89, %slice3A_90 : vector<32x1024xbf16>
    %convert_element_type3A_92 = arith.extf %add3A_91 : vector<32x1024xbf16> to vector<32x1024xf32>
    %slice3A_93 = vector.extract_strided_slice %convert_element_type3A_92 {offsets = [0, 0], sizes = [16, 1024], strides = [1, 1]} : vector<32x1024xf32> to vector<16x1024xf32>
    %slice3A_94 = vector.extract_strided_slice %convert_element_type3A_92 {offsets = [16, 0], sizes = [16, 1024], strides = [1, 1]} : vector<32x1024xf32> to vector<16x1024xf32>
    %add3A_95 = arith.addf %slice3A_93, %slice3A_94 : vector<16x1024xf32>
    %slice3A_96 = vector.extract_strided_slice %add3A_95 {offsets = [0, 0], sizes = [8, 1024], strides = [1, 1]} : vector<16x1024xf32> to vector<8x1024xf32>
    %slice3A_97 = vector.extract_strided_slice %add3A_95 {offsets = [8, 0], sizes = [8, 1024], strides = [1, 1]} : vector<16x1024xf32> to vector<8x1024xf32>
    %add3A_98 = arith.addf %slice3A_96, %slice3A_97 : vector<8x1024xf32>
    %reduce_sum3A_99 = arith.constant dense<0.000000e+00> : vector<1024xf32>
    %reduce_sum3A_100 = vector.multi_reduction <add>, %add3A_98, %reduce_sum3A_99 [0] : vector<8x1024xf32> to vector<1024xf32>
    %broadcast_in_dim3A_101 = vector.shape_cast %reduce_sum3A_100 : vector<1024xf32> to vector<1x1024xf32>
    %convert_element_type3A_102 = arith.truncf %broadcast_in_dim3A_101 : vector<1x1024xf32> to vector<1x1024xbf16>
    %get3A_103 = arith.constant 4 : index
    %get3A_104 = arith.constant 0 : index
    %get3A_105 = vector.load %arg2[%get3A_103, %get3A_104] : memref<64x128xf32, #tpu.memory_space<vmem>>, vector<1x128xf32>
    %transpose3A_106 = tpu.transpose %get3A_105, [1, 0] : vector<1x128xf32> -> vector<128x1xf32>
    %get3A_107 = arith.constant 0 : index
    %get3A_108 = arith.constant 0 : index
    %get3A_109 = vector.load %arg1[%get3A_107, %get3A_108] : memref<128x1024xbf16, #tpu.memory_space<vmem>>, vector<128x1024xbf16>
    %convert_element_type3A_110 = arith.truncf %transpose3A_106 : vector<128x1xf32> to vector<128x1xbf16>
    %sub3A_111 = vector.broadcast %convert_element_type3A_110 : vector<128x1xbf16> to vector<128x1024xbf16>
    %sub3A_112 = arith.subf %get3A_109, %sub3A_111 : vector<128x1024xbf16>
    %abs3A_113 = math.absf %sub3A_112 : vector<128x1024xbf16>
    %slice3A_114 = vector.extract_strided_slice %abs3A_113 {offsets = [0, 0], sizes = [64, 1024], strides = [1, 1]} : vector<128x1024xbf16> to vector<64x1024xbf16>
    %slice3A_115 = vector.extract_strided_slice %abs3A_113 {offsets = [64, 0], sizes = [64, 1024], strides = [1, 1]} : vector<128x1024xbf16> to vector<64x1024xbf16>
    %add3A_116 = arith.addf %slice3A_114, %slice3A_115 : vector<64x1024xbf16>
    %slice3A_117 = vector.extract_strided_slice %add3A_116 {offsets = [0, 0], sizes = [32, 1024], strides = [1, 1]} : vector<64x1024xbf16> to vector<32x1024xbf16>
    %slice3A_118 = vector.extract_strided_slice %add3A_116 {offsets = [32, 0], sizes = [32, 1024], strides = [1, 1]} : vector<64x1024xbf16> to vector<32x1024xbf16>
    %add3A_119 = arith.addf %slice3A_117, %slice3A_118 : vector<32x1024xbf16>
    %convert_element_type3A_120 = arith.extf %add3A_119 : vector<32x1024xbf16> to vector<32x1024xf32>
    %slice3A_121 = vector.extract_strided_slice %convert_element_type3A_120 {offsets = [0, 0], sizes = [16, 1024], strides = [1, 1]} : vector<32x1024xf32> to vector<16x1024xf32>
    %slice3A_122 = vector.extract_strided_slice %convert_element_type3A_120 {offsets = [16, 0], sizes = [16, 1024], strides = [1, 1]} : vector<32x1024xf32> to vector<16x1024xf32>
    %add3A_123 = arith.addf %slice3A_121, %slice3A_122 : vector<16x1024xf32>
    %slice3A_124 = vector.extract_strided_slice %add3A_123 {offsets = [0, 0], sizes = [8, 1024], strides = [1, 1]} : vector<16x1024xf32> to vector<8x1024xf32>
    %slice3A_125 = vector.extract_strided_slice %add3A_123 {offsets = [8, 0], sizes = [8, 1024], strides = [1, 1]} : vector<16x1024xf32> to vector<8x1024xf32>
    %add3A_126 = arith.addf %slice3A_124, %slice3A_125 : vector<8x1024xf32>
    %reduce_sum3A_127 = arith.constant dense<0.000000e+00> : vector<1024xf32>
    %reduce_sum3A_128 = vector.multi_reduction <add>, %add3A_126, %reduce_sum3A_127 [0] : vector<8x1024xf32> to vector<1024xf32>
    %broadcast_in_dim3A_129 = vector.shape_cast %reduce_sum3A_128 : vector<1024xf32> to vector<1x1024xf32>
    %convert_element_type3A_130 = arith.truncf %broadcast_in_dim3A_129 : vector<1x1024xf32> to vector<1x1024xbf16>
    %get3A_131 = arith.constant 5 : index
    %get3A_132 = arith.constant 0 : index
    %get3A_133 = vector.load %arg2[%get3A_131, %get3A_132] : memref<64x128xf32, #tpu.memory_space<vmem>>, vector<1x128xf32>
    %transpose3A_134 = tpu.transpose %get3A_133, [1, 0] : vector<1x128xf32> -> vector<128x1xf32>
    %get3A_135 = arith.constant 0 : index
    %get3A_136 = arith.constant 0 : index
    %get3A_137 = vector.load %arg1[%get3A_135, %get3A_136] : memref<128x1024xbf16, #tpu.memory_space<vmem>>, vector<128x1024xbf16>
    %convert_element_type3A_138 = arith.truncf %transpose3A_134 : vector<128x1xf32> to vector<128x1xbf16>
    %sub3A_139 = vector.broadcast %convert_element_type3A_138 : vector<128x1xbf16> to vector<128x1024xbf16>
    %sub3A_140 = arith.subf %get3A_137, %sub3A_139 : vector<128x1024xbf16>
    %abs3A_141 = math.absf %sub3A_140 : vector<128x1024xbf16>
    %slice3A_142 = vector.extract_strided_slice %abs3A_141 {offsets = [0, 0], sizes = [64, 1024], strides = [1, 1]} : vector<128x1024xbf16> to vector<64x1024xbf16>
    %slice3A_143 = vector.extract_strided_slice %abs3A_141 {offsets = [64, 0], sizes = [64, 1024], strides = [1, 1]} : vector<128x1024xbf16> to vector<64x1024xbf16>
    %add3A_144 = arith.addf %slice3A_142, %slice3A_143 : vector<64x1024xbf16>
    %slice3A_145 = vector.extract_strided_slice %add3A_144 {offsets = [0, 0], sizes = [32, 1024], strides = [1, 1]} : vector<64x1024xbf16> to vector<32x1024xbf16>
    %slice3A_146 = vector.extract_strided_slice %add3A_144 {offsets = [32, 0], sizes = [32, 1024], strides = [1, 1]} : vector<64x1024xbf16> to vector<32x1024xbf16>
    %add3A_147 = arith.addf %slice3A_145, %slice3A_146 : vector<32x1024xbf16>
    %convert_element_type3A_148 = arith.extf %add3A_147 : vector<32x1024xbf16> to vector<32x1024xf32>
    %slice3A_149 = vector.extract_strided_slice %convert_element_type3A_148 {offsets = [0, 0], sizes = [16, 1024], strides = [1, 1]} : vector<32x1024xf32> to vector<16x1024xf32>
    %slice3A_150 = vector.extract_strided_slice %convert_element_type3A_148 {offsets = [16, 0], sizes = [16, 1024], strides = [1, 1]} : vector<32x1024xf32> to vector<16x1024xf32>
    %add3A_151 = arith.addf %slice3A_149, %slice3A_150 : vector<16x1024xf32>
    %slice3A_152 = vector.extract_strided_slice %add3A_151 {offsets = [0, 0], sizes = [8, 1024], strides = [1, 1]} : vector<16x1024xf32> to vector<8x1024xf32>
    %slice3A_153 = vector.extract_strided_slice %add3A_151 {offsets = [8, 0], sizes = [8, 1024], strides = [1, 1]} : vector<16x1024xf32> to vector<8x1024xf32>
    %add3A_154 = arith.addf %slice3A_152, %slice3A_153 : vector<8x1024xf32>
    %reduce_sum3A_155 = arith.constant dense<0.000000e+00> : vector<1024xf32>
    %reduce_sum3A_156 = vector.multi_reduction <add>, %add3A_154, %reduce_sum3A_155 [0] : vector<8x1024xf32> to vector<1024xf32>
    %broadcast_in_dim3A_157 = vector.shape_cast %reduce_sum3A_156 : vector<1024xf32> to vector<1x1024xf32>
    %convert_element_type3A_158 = arith.truncf %broadcast_in_dim3A_157 : vector<1x1024xf32> to vector<1x1024xbf16>
    %get3A_159 = arith.constant 6 : index
    %get3A_160 = arith.constant 0 : index
    %get3A_161 = vector.load %arg2[%get3A_159, %get3A_160] : memref<64x128xf32, #tpu.memory_space<vmem>>, vector<1x128xf32>
    %transpose3A_162 = tpu.transpose %get3A_161, [1, 0] : vector<1x128xf32> -> vector<128x1xf32>
    %get3A_163 = arith.constant 0 : index
    %get3A_164 = arith.constant 0 : index
    %get3A_165 = vector.load %arg1[%get3A_163, %get3A_164] : memref<128x1024xbf16, #tpu.memory_space<vmem>>, vector<128x1024xbf16>
    %convert_element_type3A_166 = arith.truncf %transpose3A_162 : vector<128x1xf32> to vector<128x1xbf16>
    %sub3A_167 = vector.broadcast %convert_element_type3A_166 : vector<128x1xbf16> to vector<128x1024xbf16>
    %sub3A_168 = arith.subf %get3A_165, %sub3A_167 : vector<128x1024xbf16>
    %abs3A_169 = math.absf %sub3A_168 : vector<128x1024xbf16>
    %slice3A_170 = vector.extract_strided_slice %abs3A_169 {offsets = [0, 0], sizes = [64, 1024], strides = [1, 1]} : vector<128x1024xbf16> to vector<64x1024xbf16>
    %slice3A_171 = vector.extract_strided_slice %abs3A_169 {offsets = [64, 0], sizes = [64, 1024], strides = [1, 1]} : vector<128x1024xbf16> to vector<64x1024xbf16>
    %add3A_172 = arith.addf %slice3A_170, %slice3A_171 : vector<64x1024xbf16>
    %slice3A_173 = vector.extract_strided_slice %add3A_172 {offsets = [0, 0], sizes = [32, 1024], strides = [1, 1]} : vector<64x1024xbf16> to vector<32x1024xbf16>
    %slice3A_174 = vector.extract_strided_slice %add3A_172 {offsets = [32, 0], sizes = [32, 1024], strides = [1, 1]} : vector<64x1024xbf16> to vector<32x1024xbf16>
    %add3A_175 = arith.addf %slice3A_173, %slice3A_174 : vector<32x1024xbf16>
    %convert_element_type3A_176 = arith.extf %add3A_175 : vector<32x1024xbf16> to vector<32x1024xf32>
    %slice3A_177 = vector.extract_strided_slice %convert_element_type3A_176 {offsets = [0, 0], sizes = [16, 1024], strides = [1, 1]} : vector<32x1024xf32> to vector<16x1024xf32>
    %slice3A_178 = vector.extract_strided_slice %convert_element_type3A_176 {offsets = [16, 0], sizes = [16, 1024], strides = [1, 1]} : vector<32x1024xf32> to vector<16x1024xf32>
    %add3A_179 = arith.addf %slice3A_177, %slice3A_178 : vector<16x1024xf32>
    %slice3A_180 = vector.extract_strided_slice %add3A_179 {offsets = [0, 0], sizes = [8, 1024], strides = [1, 1]} : vector<16x1024xf32> to vector<8x1024xf32>
    %slice3A_181 = vector.extract_strided_slice %add3A_179 {offsets = [8, 0], sizes = [8, 1024], strides = [1, 1]} : vector<16x1024xf32> to vector<8x1024xf32>
    %add3A_182 = arith.addf %slice3A_180, %slice3A_181 : vector<8x1024xf32>
    %reduce_sum3A_183 = arith.constant dense<0.000000e+00> : vector<1024xf32>
    %reduce_sum3A_184 = vector.multi_reduction <add>, %add3A_182, %reduce_sum3A_183 [0] : vector<8x1024xf32> to vector<1024xf32>
    %broadcast_in_dim3A_185 = vector.shape_cast %reduce_sum3A_184 : vector<1024xf32> to vector<1x1024xf32>
    %convert_element_type3A_186 = arith.truncf %broadcast_in_dim3A_185 : vector<1x1024xf32> to vector<1x1024xbf16>
    %get3A_187 = arith.constant 7 : index
    %get3A_188 = arith.constant 0 : index
    %get3A_189 = vector.load %arg2[%get3A_187, %get3A_188] : memref<64x128xf32, #tpu.memory_space<vmem>>, vector<1x128xf32>
    %transpose3A_190 = tpu.transpose %get3A_189, [1, 0] : vector<1x128xf32> -> vector<128x1xf32>
    %get3A_191 = arith.constant 0 : index
    %get3A_192 = arith.constant 0 : index
    %get3A_193 = vector.load %arg1[%get3A_191, %get3A_192] : memref<128x1024xbf16, #tpu.memory_space<vmem>>, vector<128x1024xbf16>
    %convert_element_type3A_194 = arith.truncf %transpose3A_190 : vector<128x1xf32> to vector<128x1xbf16>
    %sub3A_195 = vector.broadcast %convert_element_type3A_194 : vector<128x1xbf16> to vector<128x1024xbf16>
    %sub3A_196 = arith.subf %get3A_193, %sub3A_195 : vector<128x1024xbf16>
    %abs3A_197 = math.absf %sub3A_196 : vector<128x1024xbf16>
    %slice3A_198 = vector.extract_strided_slice %abs3A_197 {offsets = [0, 0], sizes = [64, 1024], strides = [1, 1]} : vector<128x1024xbf16> to vector<64x1024xbf16>
    %slice3A_199 = vector.extract_strided_slice %abs3A_197 {offsets = [64, 0], sizes = [64, 1024], strides = [1, 1]} : vector<128x1024xbf16> to vector<64x1024xbf16>
    %add3A_200 = arith.addf %slice3A_198, %slice3A_199 : vector<64x1024xbf16>
    %slice3A_201 = vector.extract_strided_slice %add3A_200 {offsets = [0, 0], sizes = [32, 1024], strides = [1, 1]} : vector<64x1024xbf16> to vector<32x1024xbf16>
    %slice3A_202 = vector.extract_strided_slice %add3A_200 {offsets = [32, 0], sizes = [32, 1024], strides = [1, 1]} : vector<64x1024xbf16> to vector<32x1024xbf16>
    %add3A_203 = arith.addf %slice3A_201, %slice3A_202 : vector<32x1024xbf16>
    %convert_element_type3A_204 = arith.extf %add3A_203 : vector<32x1024xbf16> to vector<32x1024xf32>
    %slice3A_205 = vector.extract_strided_slice %convert_element_type3A_204 {offsets = [0, 0], sizes = [16, 1024], strides = [1, 1]} : vector<32x1024xf32> to vector<16x1024xf32>
    %slice3A_206 = vector.extract_strided_slice %convert_element_type3A_204 {offsets = [16, 0], sizes = [16, 1024], strides = [1, 1]} : vector<32x1024xf32> to vector<16x1024xf32>
    %add3A_207 = arith.addf %slice3A_205, %slice3A_206 : vector<16x1024xf32>
    %slice3A_208 = vector.extract_strided_slice %add3A_207 {offsets = [0, 0], sizes = [8, 1024], strides = [1, 1]} : vector<16x1024xf32> to vector<8x1024xf32>
    %slice3A_209 = vector.extract_strided_slice %add3A_207 {offsets = [8, 0], sizes = [8, 1024], strides = [1, 1]} : vector<16x1024xf32> to vector<8x1024xf32>
    %add3A_210 = arith.addf %slice3A_208, %slice3A_209 : vector<8x1024xf32>
    %reduce_sum3A_211 = arith.constant dense<0.000000e+00> : vector<1024xf32>
    %reduce_sum3A_212 = vector.multi_reduction <add>, %add3A_210, %reduce_sum3A_211 [0] : vector<8x1024xf32> to vector<1024xf32>
    %broadcast_in_dim3A_213 = vector.shape_cast %reduce_sum3A_212 : vector<1024xf32> to vector<1x1024xf32>
    %convert_element_type3A_214 = arith.truncf %broadcast_in_dim3A_213 : vector<1x1024xf32> to vector<1x1024xbf16>
    %get3A_215 = arith.constant 8 : index
    %get3A_216 = arith.constant 0 : index
    %get3A_217 = vector.load %arg2[%get3A_215, %get3A_216] : memref<64x128xf32, #tpu.memory_space<vmem>>, vector<1x128xf32>
    %transpose3A_218 = tpu.transpose %get3A_217, [1, 0] : vector<1x128xf32> -> vector<128x1xf32>
    %get3A_219 = arith.constant 0 : index
    %get3A_220 = arith.constant 0 : index
    %get3A_221 = vector.load %arg1[%get3A_219, %get3A_220] : memref<128x1024xbf16, #tpu.memory_space<vmem>>, vector<128x1024xbf16>
    %convert_element_type3A_222 = arith.truncf %transpose3A_218 : vector<128x1xf32> to vector<128x1xbf16>
    %sub3A_223 = vector.broadcast %convert_element_type3A_222 : vector<128x1xbf16> to vector<128x1024xbf16>
    %sub3A_224 = arith.subf %get3A_221, %sub3A_223 : vector<128x1024xbf16>
    %abs3A_225 = math.absf %sub3A_224 : vector<128x1024xbf16>
    %slice3A_226 = vector.extract_strided_slice %abs3A_225 {offsets = [0, 0], sizes = [64, 1024], strides = [1, 1]} : vector<128x1024xbf16> to vector<64x1024xbf16>
    %slice3A_227 = vector.extract_strided_slice %abs3A_225 {offsets = [64, 0], sizes = [64, 1024], strides = [1, 1]} : vector<128x1024xbf16> to vector<64x1024xbf16>
    %add3A_228 = arith.addf %slice3A_226, %slice3A_227 : vector<64x1024xbf16>
    %slice3A_229 = vector.extract_strided_slice %add3A_228 {offsets = [0, 0], sizes = [32, 1024], strides = [1, 1]} : vector<64x1024xbf16> to vector<32x1024xbf16>
    %slice3A_230 = vector.extract_strided_slice %add3A_228 {offsets = [32, 0], sizes = [32, 1024], strides = [1, 1]} : vector<64x1024xbf16> to vector<32x1024xbf16>
    %add3A_231 = arith.addf %slice3A_229, %slice3A_230 : vector<32x1024xbf16>
    %convert_element_type3A_232 = arith.extf %add3A_231 : vector<32x1024xbf16> to vector<32x1024xf32>
    %slice3A_233 = vector.extract_strided_slice %convert_element_type3A_232 {offsets = [0, 0], sizes = [16, 1024], strides = [1, 1]} : vector<32x1024xf32> to vector<16x1024xf32>
    %slice3A_234 = vector.extract_strided_slice %convert_element_type3A_232 {offsets = [16, 0], sizes = [16, 1024], strides = [1, 1]} : vector<32x1024xf32> to vector<16x1024xf32>
    %add3A_235 = arith.addf %slice3A_233, %slice3A_234 : vector<16x1024xf32>
    %slice3A_236 = vector.extract_strided_slice %add3A_235 {offsets = [0, 0], sizes = [8, 1024], strides = [1, 1]} : vector<16x1024xf32> to vector<8x1024xf32>
    %slice3A_237 = vector.extract_strided_slice %add3A_235 {offsets = [8, 0], sizes = [8, 1024], strides = [1, 1]} : vector<16x1024xf32> to vector<8x1024xf32>
    %add3A_238 = arith.addf %slice3A_236, %slice3A_237 : vector<8x1024xf32>
    %reduce_sum3A_239 = arith.constant dense<0.000000e+00> : vector<1024xf32>
    %reduce_sum3A_240 = vector.multi_reduction <add>, %add3A_238, %reduce_sum3A_239 [0] : vector<8x1024xf32> to vector<1024xf32>
    %broadcast_in_dim3A_241 = vector.shape_cast %reduce_sum3A_240 : vector<1024xf32> to vector<1x1024xf32>
    %convert_element_type3A_242 = arith.truncf %broadcast_in_dim3A_241 : vector<1x1024xf32> to vector<1x1024xbf16>
    %get3A_243 = arith.constant 9 : index
    %get3A_244 = arith.constant 0 : index
    %get3A_245 = vector.load %arg2[%get3A_243, %get3A_244] : memref<64x128xf32, #tpu.memory_space<vmem>>, vector<1x128xf32>
    %transpose3A_246 = tpu.transpose %get3A_245, [1, 0] : vector<1x128xf32> -> vector<128x1xf32>
    %get3A_247 = arith.constant 0 : index
    %get3A_248 = arith.constant 0 : index
    %get3A_249 = vector.load %arg1[%get3A_247, %get3A_248] : memref<128x1024xbf16, #tpu.memory_space<vmem>>, vector<128x1024xbf16>
    %convert_element_type3A_250 = arith.truncf %transpose3A_246 : vector<128x1xf32> to vector<128x1xbf16>
    %sub3A_251 = vector.broadcast %convert_element_type3A_250 : vector<128x1xbf16> to vector<128x1024xbf16>
    %sub3A_252 = arith.subf %get3A_249, %sub3A_251 : vector<128x1024xbf16>
    %abs3A_253 = math.absf %sub3A_252 : vector<128x1024xbf16>
    %slice3A_254 = vector.extract_strided_slice %abs3A_253 {offsets = [0, 0], sizes = [64, 1024], strides = [1, 1]} : vector<128x1024xbf16> to vector<64x1024xbf16>
    %slice3A_255 = vector.extract_strided_slice %abs3A_253 {offsets = [64, 0], sizes = [64, 1024], strides = [1, 1]} : vector<128x1024xbf16> to vector<64x1024xbf16>
    %add3A_256 = arith.addf %slice3A_254, %slice3A_255 : vector<64x1024xbf16>
    %slice3A_257 = vector.extract_strided_slice %add3A_256 {offsets = [0, 0], sizes = [32, 1024], strides = [1, 1]} : vector<64x1024xbf16> to vector<32x1024xbf16>
    %slice3A_258 = vector.extract_strided_slice %add3A_256 {offsets = [32, 0], sizes = [32, 1024], strides = [1, 1]} : vector<64x1024xbf16> to vector<32x1024xbf16>
    %add3A_259 = arith.addf %slice3A_257, %slice3A_258 : vector<32x1024xbf16>
    %convert_element_type3A_260 = arith.extf %add3A_259 : vector<32x1024xbf16> to vector<32x1024xf32>
    %slice3A_261 = vector.extract_strided_slice %convert_element_type3A_260 {offsets = [0, 0], sizes = [16, 1024], strides = [1, 1]} : vector<32x1024xf32> to vector<16x1024xf32>
    %slice3A_262 = vector.extract_strided_slice %convert_element_type3A_260 {offsets = [16, 0], sizes = [16, 1024], strides = [1, 1]} : vector<32x1024xf32> to vector<16x1024xf32>
    %add3A_263 = arith.addf %slice3A_261, %slice3A_262 : vector<16x1024xf32>
    %slice3A_264 = vector.extract_strided_slice %add3A_263 {offsets = [0, 0], sizes = [8, 1024], strides = [1, 1]} : vector<16x1024xf32> to vector<8x1024xf32>
    %slice3A_265 = vector.extract_strided_slice %add3A_263 {offsets = [8, 0], sizes = [8, 1024], strides = [1, 1]} : vector<16x1024xf32> to vector<8x1024xf32>
    %add3A_266 = arith.addf %slice3A_264, %slice3A_265 : vector<8x1024xf32>
    %reduce_sum3A_267 = arith.constant dense<0.000000e+00> : vector<1024xf32>
    %reduce_sum3A_268 = vector.multi_reduction <add>, %add3A_266, %reduce_sum3A_267 [0] : vector<8x1024xf32> to vector<1024xf32>
    %broadcast_in_dim3A_269 = vector.shape_cast %reduce_sum3A_268 : vector<1024xf32> to vector<1x1024xf32>
    %convert_element_type3A_270 = arith.truncf %broadcast_in_dim3A_269 : vector<1x1024xf32> to vector<1x1024xbf16>
    %get3A_271 = arith.constant 10 : index
    %get3A_272 = arith.constant 0 : index
    %get3A_273 = vector.load %arg2[%get3A_271, %get3A_272] : memref<64x128xf32, #tpu.memory_space<vmem>>, vector<1x128xf32>
    %transpose3A_274 = tpu.transpose %get3A_273, [1, 0] : vector<1x128xf32> -> vector<128x1xf32>
    %get3A_275 = arith.constant 0 : index
    %get3A_276 = arith.constant 0 : index
    %get3A_277 = vector.load %arg1[%get3A_275, %get3A_276] : memref<128x1024xbf16, #tpu.memory_space<vmem>>, vector<128x1024xbf16>
    %convert_element_type3A_278 = arith.truncf %transpose3A_274 : vector<128x1xf32> to vector<128x1xbf16>
    %sub3A_279 = vector.broadcast %convert_element_type3A_278 : vector<128x1xbf16> to vector<128x1024xbf16>
    %sub3A_280 = arith.subf %get3A_277, %sub3A_279 : vector<128x1024xbf16>
    %abs3A_281 = math.absf %sub3A_280 : vector<128x1024xbf16>
    %slice3A_282 = vector.extract_strided_slice %abs3A_281 {offsets = [0, 0], sizes = [64, 1024], strides = [1, 1]} : vector<128x1024xbf16> to vector<64x1024xbf16>
    %slice3A_283 = vector.extract_strided_slice %abs3A_281 {offsets = [64, 0], sizes = [64, 1024], strides = [1, 1]} : vector<128x1024xbf16> to vector<64x1024xbf16>
    %add3A_284 = arith.addf %slice3A_282, %slice3A_283 : vector<64x1024xbf16>
    %slice3A_285 = vector.extract_strided_slice %add3A_284 {offsets = [0, 0], sizes = [32, 1024], strides = [1, 1]} : vector<64x1024xbf16> to vector<32x1024xbf16>
    %slice3A_286 = vector.extract_strided_slice %add3A_284 {offsets = [32, 0], sizes = [32, 1024], strides = [1, 1]} : vector<64x1024xbf16> to vector<32x1024xbf16>
    %add3A_287 = arith.addf %slice3A_285, %slice3A_286 : vector<32x1024xbf16>
    %convert_element_type3A_288 = arith.extf %add3A_287 : vector<32x1024xbf16> to vector<32x1024xf32>
    %slice3A_289 = vector.extract_strided_slice %convert_element_type3A_288 {offsets = [0, 0], sizes = [16, 1024], strides = [1, 1]} : vector<32x1024xf32> to vector<16x1024xf32>
    %slice3A_290 = vector.extract_strided_slice %convert_element_type3A_288 {offsets = [16, 0], sizes = [16, 1024], strides = [1, 1]} : vector<32x1024xf32> to vector<16x1024xf32>
    %add3A_291 = arith.addf %slice3A_289, %slice3A_290 : vector<16x1024xf32>
    %slice3A_292 = vector.extract_strided_slice %add3A_291 {offsets = [0, 0], sizes = [8, 1024], strides = [1, 1]} : vector<16x1024xf32> to vector<8x1024xf32>
    %slice3A_293 = vector.extract_strided_slice %add3A_291 {offsets = [8, 0], sizes = [8, 1024], strides = [1, 1]} : vector<16x1024xf32> to vector<8x1024xf32>
    %add3A_294 = arith.addf %slice3A_292, %slice3A_293 : vector<8x1024xf32>
    %reduce_sum3A_295 = arith.constant dense<0.000000e+00> : vector<1024xf32>
    %reduce_sum3A_296 = vector.multi_reduction <add>, %add3A_294, %reduce_sum3A_295 [0] : vector<8x1024xf32> to vector<1024xf32>
    %broadcast_in_dim3A_297 = vector.shape_cast %reduce_sum3A_296 : vector<1024xf32> to vector<1x1024xf32>
    %convert_element_type3A_298 = arith.truncf %broadcast_in_dim3A_297 : vector<1x1024xf32> to vector<1x1024xbf16>
    %get3A_299 = arith.constant 11 : index
    %get3A_300 = arith.constant 0 : index
    %get3A_301 = vector.load %arg2[%get3A_299, %get3A_300] : memref<64x128xf32, #tpu.memory_space<vmem>>, vector<1x128xf32>
    %transpose3A_302 = tpu.transpose %get3A_301, [1, 0] : vector<1x128xf32> -> vector<128x1xf32>
    %get3A_303 = arith.constant 0 : index
    %get3A_304 = arith.constant 0 : index
    %get3A_305 = vector.load %arg1[%get3A_303, %get3A_304] : memref<128x1024xbf16, #tpu.memory_space<vmem>>, vector<128x1024xbf16>
    %convert_element_type3A_306 = arith.truncf %transpose3A_302 : vector<128x1xf32> to vector<128x1xbf16>
    %sub3A_307 = vector.broadcast %convert_element_type3A_306 : vector<128x1xbf16> to vector<128x1024xbf16>
    %sub3A_308 = arith.subf %get3A_305, %sub3A_307 : vector<128x1024xbf16>
    %abs3A_309 = math.absf %sub3A_308 : vector<128x1024xbf16>
    %slice3A_310 = vector.extract_strided_slice %abs3A_309 {offsets = [0, 0], sizes = [64, 1024], strides = [1, 1]} : vector<128x1024xbf16> to vector<64x1024xbf16>
    %slice3A_311 = vector.extract_strided_slice %abs3A_309 {offsets = [64, 0], sizes = [64, 1024], strides = [1, 1]} : vector<128x1024xbf16> to vector<64x1024xbf16>
    %add3A_312 = arith.addf %slice3A_310, %slice3A_311 : vector<64x1024xbf16>
    %slice3A_313 = vector.extract_strided_slice %add3A_312 {offsets = [0, 0], sizes = [32, 1024], strides = [1, 1]} : vector<64x1024xbf16> to vector<32x1024xbf16>
    %slice3A_314 = vector.extract_strided_slice %add3A_312 {offsets = [32, 0], sizes = [32, 1024], strides = [1, 1]} : vector<64x1024xbf16> to vector<32x1024xbf16>
    %add3A_315 = arith.addf %slice3A_313, %slice3A_314 : vector<32x1024xbf16>
    %convert_element_type3A_316 = arith.extf %add3A_315 : vector<32x1024xbf16> to vector<32x1024xf32>
    %slice3A_317 = vector.extract_strided_slice %convert_element_type3A_316 {offsets = [0, 0], sizes = [16, 1024], strides = [1, 1]} : vector<32x1024xf32> to vector<16x1024xf32>
    %slice3A_318 = vector.extract_strided_slice %convert_element_type3A_316 {offsets = [16, 0], sizes = [16, 1024], strides = [1, 1]} : vector<32x1024xf32> to vector<16x1024xf32>
    %add3A_319 = arith.addf %slice3A_317, %slice3A_318 : vector<16x1024xf32>
    %slice3A_320 = vector.extract_strided_slice %add3A_319 {offsets = [0, 0], sizes = [8, 1024], strides = [1, 1]} : vector<16x1024xf32> to vector<8x1024xf32>
    %slice3A_321 = vector.extract_strided_slice %add3A_319 {offsets = [8, 0], sizes = [8, 1024], strides = [1, 1]} : vector<16x1024xf32> to vector<8x1024xf32>
    %add3A_322 = arith.addf %slice3A_320, %slice3A_321 : vector<8x1024xf32>
    %reduce_sum3A_323 = arith.constant dense<0.000000e+00> : vector<1024xf32>
    %reduce_sum3A_324 = vector.multi_reduction <add>, %add3A_322, %reduce_sum3A_323 [0] : vector<8x1024xf32> to vector<1024xf32>
    %broadcast_in_dim3A_325 = vector.shape_cast %reduce_sum3A_324 : vector<1024xf32> to vector<1x1024xf32>
    %convert_element_type3A_326 = arith.truncf %broadcast_in_dim3A_325 : vector<1x1024xf32> to vector<1x1024xbf16>
    %get3A_327 = arith.constant 12 : index
    %get3A_328 = arith.constant 0 : index
    %get3A_329 = vector.load %arg2[%get3A_327, %get3A_328] : memref<64x128xf32, #tpu.memory_space<vmem>>, vector<1x128xf32>
    %transpose3A_330 = tpu.transpose %get3A_329, [1, 0] : vector<1x128xf32> -> vector<128x1xf32>
    %get3A_331 = arith.constant 0 : index
    %get3A_332 = arith.constant 0 : index
    %get3A_333 = vector.load %arg1[%get3A_331, %get3A_332] : memref<128x1024xbf16, #tpu.memory_space<vmem>>, vector<128x1024xbf16>
    %convert_element_type3A_334 = arith.truncf %transpose3A_330 : vector<128x1xf32> to vector<128x1xbf16>
    %sub3A_335 = vector.broadcast %convert_element_type3A_334 : vector<128x1xbf16> to vector<128x1024xbf16>
    %sub3A_336 = arith.subf %get3A_333, %sub3A_335 : vector<128x1024xbf16>
    %abs3A_337 = math.absf %sub3A_336 : vector<128x1024xbf16>
    %slice3A_338 = vector.extract_strided_slice %abs3A_337 {offsets = [0, 0], sizes = [64, 1024], strides = [1, 1]} : vector<128x1024xbf16> to vector<64x1024xbf16>
    %slice3A_339 = vector.extract_strided_slice %abs3A_337 {offsets = [64, 0], sizes = [64, 1024], strides = [1, 1]} : vector<128x1024xbf16> to vector<64x1024xbf16>
    %add3A_340 = arith.addf %slice3A_338, %slice3A_339 : vector<64x1024xbf16>
    %slice3A_341 = vector.extract_strided_slice %add3A_340 {offsets = [0, 0], sizes = [32, 1024], strides = [1, 1]} : vector<64x1024xbf16> to vector<32x1024xbf16>
    %slice3A_342 = vector.extract_strided_slice %add3A_340 {offsets = [32, 0], sizes = [32, 1024], strides = [1, 1]} : vector<64x1024xbf16> to vector<32x1024xbf16>
    %add3A_343 = arith.addf %slice3A_341, %slice3A_342 : vector<32x1024xbf16>
    %convert_element_type3A_344 = arith.extf %add3A_343 : vector<32x1024xbf16> to vector<32x1024xf32>
    %slice3A_345 = vector.extract_strided_slice %convert_element_type3A_344 {offsets = [0, 0], sizes = [16, 1024], strides = [1, 1]} : vector<32x1024xf32> to vector<16x1024xf32>
    %slice3A_346 = vector.extract_strided_slice %convert_element_type3A_344 {offsets = [16, 0], sizes = [16, 1024], strides = [1, 1]} : vector<32x1024xf32> to vector<16x1024xf32>
    %add3A_347 = arith.addf %slice3A_345, %slice3A_346 : vector<16x1024xf32>
    %slice3A_348 = vector.extract_strided_slice %add3A_347 {offsets = [0, 0], sizes = [8, 1024], strides = [1, 1]} : vector<16x1024xf32> to vector<8x1024xf32>
    %slice3A_349 = vector.extract_strided_slice %add3A_347 {offsets = [8, 0], sizes = [8, 1024], strides = [1, 1]} : vector<16x1024xf32> to vector<8x1024xf32>
    %add3A_350 = arith.addf %slice3A_348, %slice3A_349 : vector<8x1024xf32>
    %reduce_sum3A_351 = arith.constant dense<0.000000e+00> : vector<1024xf32>
    %reduce_sum3A_352 = vector.multi_reduction <add>, %add3A_350, %reduce_sum3A_351 [0] : vector<8x1024xf32> to vector<1024xf32>
    %broadcast_in_dim3A_353 = vector.shape_cast %reduce_sum3A_352 : vector<1024xf32> to vector<1x1024xf32>
    %convert_element_type3A_354 = arith.truncf %broadcast_in_dim3A_353 : vector<1x1024xf32> to vector<1x1024xbf16>
    %get3A_355 = arith.constant 13 : index
    %get3A_356 = arith.constant 0 : index
    %get3A_357 = vector.load %arg2[%get3A_355, %get3A_356] : memref<64x128xf32, #tpu.memory_space<vmem>>, vector<1x128xf32>
    %transpose3A_358 = tpu.transpose %get3A_357, [1, 0] : vector<1x128xf32> -> vector<128x1xf32>
    %get3A_359 = arith.constant 0 : index
    %get3A_360 = arith.constant 0 : index
    %get3A_361 = vector.load %arg1[%get3A_359, %get3A_360] : memref<128x1024xbf16, #tpu.memory_space<vmem>>, vector<128x1024xbf16>
    %convert_element_type3A_362 = arith.truncf %transpose3A_358 : vector<128x1xf32> to vector<128x1xbf16>
    %sub3A_363 = vector.broadcast %convert_element_type3A_362 : vector<128x1xbf16> to vector<128x1024xbf16>
    %sub3A_364 = arith.subf %get3A_361, %sub3A_363 : vector<128x1024xbf16>
    %abs3A_365 = math.absf %sub3A_364 : vector<128x1024xbf16>
    %slice3A_366 = vector.extract_strided_slice %abs3A_365 {offsets = [0, 0], sizes = [64, 1024], strides = [1, 1]} : vector<128x1024xbf16> to vector<64x1024xbf16>
    %slice3A_367 = vector.extract_strided_slice %abs3A_365 {offsets = [64, 0], sizes = [64, 1024], strides = [1, 1]} : vector<128x1024xbf16> to vector<64x1024xbf16>
    %add3A_368 = arith.addf %slice3A_366, %slice3A_367 : vector<64x1024xbf16>
    %slice3A_369 = vector.extract_strided_slice %add3A_368 {offsets = [0, 0], sizes = [32, 1024], strides = [1, 1]} : vector<64x1024xbf16> to vector<32x1024xbf16>
    %slice3A_370 = vector.extract_strided_slice %add3A_368 {offsets = [32, 0], sizes = [32, 1024], strides = [1, 1]} : vector<64x1024xbf16> to vector<32x1024xbf16>
    %add3A_371 = arith.addf %slice3A_369, %slice3A_370 : vector<32x1024xbf16>
    %convert_element_type3A_372 = arith.extf %add3A_371 : vector<32x1024xbf16> to vector<32x1024xf32>
    %slice3A_373 = vector.extract_strided_slice %convert_element_type3A_372 {offsets = [0, 0], sizes = [16, 1024], strides = [1, 1]} : vector<32x1024xf32> to vector<16x1024xf32>
    %slice3A_374 = vector.extract_strided_slice %convert_element_type3A_372 {offsets = [16, 0], sizes = [16, 1024], strides = [1, 1]} : vector<32x1024xf32> to vector<16x1024xf32>
    %add3A_375 = arith.addf %slice3A_373, %slice3A_374 : vector<16x1024xf32>
    %slice3A_376 = vector.extract_strided_slice %add3A_375 {offsets = [0, 0], sizes = [8, 1024], strides = [1, 1]} : vector<16x1024xf32> to vector<8x1024xf32>
    %slice3A_377 = vector.extract_strided_slice %add3A_375 {offsets = [8, 0], sizes = [8, 1024], strides = [1, 1]} : vector<16x1024xf32> to vector<8x1024xf32>
    %add3A_378 = arith.addf %slice3A_376, %slice3A_377 : vector<8x1024xf32>
    %reduce_sum3A_379 = arith.constant dense<0.000000e+00> : vector<1024xf32>
    %reduce_sum3A_380 = vector.multi_reduction <add>, %add3A_378, %reduce_sum3A_379 [0] : vector<8x1024xf32> to vector<1024xf32>
    %broadcast_in_dim3A_381 = vector.shape_cast %reduce_sum3A_380 : vector<1024xf32> to vector<1x1024xf32>
    %convert_element_type3A_382 = arith.truncf %broadcast_in_dim3A_381 : vector<1x1024xf32> to vector<1x1024xbf16>
    %get3A_383 = arith.constant 14 : index
    %get3A_384 = arith.constant 0 : index
    %get3A_385 = vector.load %arg2[%get3A_383, %get3A_384] : memref<64x128xf32, #tpu.memory_space<vmem>>, vector<1x128xf32>
    %transpose3A_386 = tpu.transpose %get3A_385, [1, 0] : vector<1x128xf32> -> vector<128x1xf32>
    %get3A_387 = arith.constant 0 : index
    %get3A_388 = arith.constant 0 : index
    %get3A_389 = vector.load %arg1[%get3A_387, %get3A_388] : memref<128x1024xbf16, #tpu.memory_space<vmem>>, vector<128x1024xbf16>
    %convert_element_type3A_390 = arith.truncf %transpose3A_386 : vector<128x1xf32> to vector<128x1xbf16>
    %sub3A_391 = vector.broadcast %convert_element_type3A_390 : vector<128x1xbf16> to vector<128x1024xbf16>
    %sub3A_392 = arith.subf %get3A_389, %sub3A_391 : vector<128x1024xbf16>
    %abs3A_393 = math.absf %sub3A_392 : vector<128x1024xbf16>
    %slice3A_394 = vector.extract_strided_slice %abs3A_393 {offsets = [0, 0], sizes = [64, 1024], strides = [1, 1]} : vector<128x1024xbf16> to vector<64x1024xbf16>
    %slice3A_395 = vector.extract_strided_slice %abs3A_393 {offsets = [64, 0], sizes = [64, 1024], strides = [1, 1]} : vector<128x1024xbf16> to vector<64x1024xbf16>
    %add3A_396 = arith.addf %slice3A_394, %slice3A_395 : vector<64x1024xbf16>
    %slice3A_397 = vector.extract_strided_slice %add3A_396 {offsets = [0, 0], sizes = [32, 1024], strides = [1, 1]} : vector<64x1024xbf16> to vector<32x1024xbf16>
    %slice3A_398 = vector.extract_strided_slice %add3A_396 {offsets = [32, 0], sizes = [32, 1024], strides = [1, 1]} : vector<64x1024xbf16> to vector<32x1024xbf16>
    %add3A_399 = arith.addf %slice3A_397, %slice3A_398 : vector<32x1024xbf16>
    %convert_element_type3A_400 = arith.extf %add3A_399 : vector<32x1024xbf16> to vector<32x1024xf32>
    %slice3A_401 = vector.extract_strided_slice %convert_element_type3A_400 {offsets = [0, 0], sizes = [16, 1024], strides = [1, 1]} : vector<32x1024xf32> to vector<16x1024xf32>
    %slice3A_402 = vector.extract_strided_slice %convert_element_type3A_400 {offsets = [16, 0], sizes = [16, 1024], strides = [1, 1]} : vector<32x1024xf32> to vector<16x1024xf32>
    %add3A_403 = arith.addf %slice3A_401, %slice3A_402 : vector<16x1024xf32>
    %slice3A_404 = vector.extract_strided_slice %add3A_403 {offsets = [0, 0], sizes = [8, 1024], strides = [1, 1]} : vector<16x1024xf32> to vector<8x1024xf32>
    %slice3A_405 = vector.extract_strided_slice %add3A_403 {offsets = [8, 0], sizes = [8, 1024], strides = [1, 1]} : vector<16x1024xf32> to vector<8x1024xf32>
    %add3A_406 = arith.addf %slice3A_404, %slice3A_405 : vector<8x1024xf32>
    %reduce_sum3A_407 = arith.constant dense<0.000000e+00> : vector<1024xf32>
    %reduce_sum3A_408 = vector.multi_reduction <add>, %add3A_406, %reduce_sum3A_407 [0] : vector<8x1024xf32> to vector<1024xf32>
    %broadcast_in_dim3A_409 = vector.shape_cast %reduce_sum3A_408 : vector<1024xf32> to vector<1x1024xf32>
    %convert_element_type3A_410 = arith.truncf %broadcast_in_dim3A_409 : vector<1x1024xf32> to vector<1x1024xbf16>
    %get3A_411 = arith.constant 15 : index
    %get3A_412 = arith.constant 0 : index
    %get3A_413 = vector.load %arg2[%get3A_411, %get3A_412] : memref<64x128xf32, #tpu.memory_space<vmem>>, vector<1x128xf32>
    %transpose3A_414 = tpu.transpose %get3A_413, [1, 0] : vector<1x128xf32> -> vector<128x1xf32>
    %get3A_415 = arith.constant 0 : index
    %get3A_416 = arith.constant 0 : index
    %get3A_417 = vector.load %arg1[%get3A_415, %get3A_416] : memref<128x1024xbf16, #tpu.memory_space<vmem>>, vector<128x1024xbf16>
    %convert_element_type3A_418 = arith.truncf %transpose3A_414 : vector<128x1xf32> to vector<128x1xbf16>
    %sub3A_419 = vector.broadcast %convert_element_type3A_418 : vector<128x1xbf16> to vector<128x1024xbf16>
    %sub3A_420 = arith.subf %get3A_417, %sub3A_419 : vector<128x1024xbf16>
    %abs3A_421 = math.absf %sub3A_420 : vector<128x1024xbf16>
    %slice3A_422 = vector.extract_strided_slice %abs3A_421 {offsets = [0, 0], sizes = [64, 1024], strides = [1, 1]} : vector<128x1024xbf16> to vector<64x1024xbf16>
    %slice3A_423 = vector.extract_strided_slice %abs3A_421 {offsets = [64, 0], sizes = [64, 1024], strides = [1, 1]} : vector<128x1024xbf16> to vector<64x1024xbf16>
    %add3A_424 = arith.addf %slice3A_422, %slice3A_423 : vector<64x1024xbf16>
    %slice3A_425 = vector.extract_strided_slice %add3A_424 {offsets = [0, 0], sizes = [32, 1024], strides = [1, 1]} : vector<64x1024xbf16> to vector<32x1024xbf16>
    %slice3A_426 = vector.extract_strided_slice %add3A_424 {offsets = [32, 0], sizes = [32, 1024], strides = [1, 1]} : vector<64x1024xbf16> to vector<32x1024xbf16>
    %add3A_427 = arith.addf %slice3A_425, %slice3A_426 : vector<32x1024xbf16>
    %convert_element_type3A_428 = arith.extf %add3A_427 : vector<32x1024xbf16> to vector<32x1024xf32>
    %slice3A_429 = vector.extract_strided_slice %convert_element_type3A_428 {offsets = [0, 0], sizes = [16, 1024], strides = [1, 1]} : vector<32x1024xf32> to vector<16x1024xf32>
    %slice3A_430 = vector.extract_strided_slice %convert_element_type3A_428 {offsets = [16, 0], sizes = [16, 1024], strides = [1, 1]} : vector<32x1024xf32> to vector<16x1024xf32>
    %add3A_431 = arith.addf %slice3A_429, %slice3A_430 : vector<16x1024xf32>
    %slice3A_432 = vector.extract_strided_slice %add3A_431 {offsets = [0, 0], sizes = [8, 1024], strides = [1, 1]} : vector<16x1024xf32> to vector<8x1024xf32>
    %slice3A_433 = vector.extract_strided_slice %add3A_431 {offsets = [8, 0], sizes = [8, 1024], strides = [1, 1]} : vector<16x1024xf32> to vector<8x1024xf32>
    %add3A_434 = arith.addf %slice3A_432, %slice3A_433 : vector<8x1024xf32>
    %reduce_sum3A_435 = arith.constant dense<0.000000e+00> : vector<1024xf32>
    %reduce_sum3A_436 = vector.multi_reduction <add>, %add3A_434, %reduce_sum3A_435 [0] : vector<8x1024xf32> to vector<1024xf32>
    %broadcast_in_dim3A_437 = vector.shape_cast %reduce_sum3A_436 : vector<1024xf32> to vector<1x1024xf32>
    %convert_element_type3A_438 = arith.truncf %broadcast_in_dim3A_437 : vector<1x1024xf32> to vector<1x1024xbf16>
    %get3A_439 = arith.constant 16 : index
    %get3A_440 = arith.constant 0 : index
    %get3A_441 = vector.load %arg2[%get3A_439, %get3A_440] : memref<64x128xf32, #tpu.memory_space<vmem>>, vector<1x128xf32>
    %transpose3A_442 = tpu.transpose %get3A_441, [1, 0] : vector<1x128xf32> -> vector<128x1xf32>
    %get3A_443 = arith.constant 0 : index
    %get3A_444 = arith.constant 0 : index
    %get3A_445 = vector.load %arg1[%get3A_443, %get3A_444] : memref<128x1024xbf16, #tpu.memory_space<vmem>>, vector<128x1024xbf16>
    %convert_element_type3A_446 = arith.truncf %transpose3A_442 : vector<128x1xf32> to vector<128x1xbf16>
    %sub3A_447 = vector.broadcast %convert_element_type3A_446 : vector<128x1xbf16> to vector<128x1024xbf16>
    %sub3A_448 = arith.subf %get3A_445, %sub3A_447 : vector<128x1024xbf16>
    %abs3A_449 = math.absf %sub3A_448 : vector<128x1024xbf16>
    %slice3A_450 = vector.extract_strided_slice %abs3A_449 {offsets = [0, 0], sizes = [64, 1024], strides = [1, 1]} : vector<128x1024xbf16> to vector<64x1024xbf16>
    %slice3A_451 = vector.extract_strided_slice %abs3A_449 {offsets = [64, 0], sizes = [64, 1024], strides = [1, 1]} : vector<128x1024xbf16> to vector<64x1024xbf16>
    %add3A_452 = arith.addf %slice3A_450, %slice3A_451 : vector<64x1024xbf16>
    %slice3A_453 = vector.extract_strided_slice %add3A_452 {offsets = [0, 0], sizes = [32, 1024], strides = [1, 1]} : vector<64x1024xbf16> to vector<32x1024xbf16>
    %slice3A_454 = vector.extract_strided_slice %add3A_452 {offsets = [32, 0], sizes = [32, 1024], strides = [1, 1]} : vector<64x1024xbf16> to vector<32x1024xbf16>
    %add3A_455 = arith.addf %slice3A_453, %slice3A_454 : vector<32x1024xbf16>
    %convert_element_type3A_456 = arith.extf %add3A_455 : vector<32x1024xbf16> to vector<32x1024xf32>
    %slice3A_457 = vector.extract_strided_slice %convert_element_type3A_456 {offsets = [0, 0], sizes = [16, 1024], strides = [1, 1]} : vector<32x1024xf32> to vector<16x1024xf32>
    %slice3A_458 = vector.extract_strided_slice %convert_element_type3A_456 {offsets = [16, 0], sizes = [16, 1024], strides = [1, 1]} : vector<32x1024xf32> to vector<16x1024xf32>
    %add3A_459 = arith.addf %slice3A_457, %slice3A_458 : vector<16x1024xf32>
    %slice3A_460 = vector.extract_strided_slice %add3A_459 {offsets = [0, 0], sizes = [8, 1024], strides = [1, 1]} : vector<16x1024xf32> to vector<8x1024xf32>
    %slice3A_461 = vector.extract_strided_slice %add3A_459 {offsets = [8, 0], sizes = [8, 1024], strides = [1, 1]} : vector<16x1024xf32> to vector<8x1024xf32>
    %add3A_462 = arith.addf %slice3A_460, %slice3A_461 : vector<8x1024xf32>
    %reduce_sum3A_463 = arith.constant dense<0.000000e+00> : vector<1024xf32>
    %reduce_sum3A_464 = vector.multi_reduction <add>, %add3A_462, %reduce_sum3A_463 [0] : vector<8x1024xf32> to vector<1024xf32>
    %broadcast_in_dim3A_465 = vector.shape_cast %reduce_sum3A_464 : vector<1024xf32> to vector<1x1024xf32>
    %convert_element_type3A_466 = arith.truncf %broadcast_in_dim3A_465 : vector<1x1024xf32> to vector<1x1024xbf16>
    %get3A_467 = arith.constant 17 : index
    %get3A_468 = arith.constant 0 : index
    %get3A_469 = vector.load %arg2[%get3A_467, %get3A_468] : memref<64x128xf32, #tpu.memory_space<vmem>>, vector<1x128xf32>
    %transpose3A_470 = tpu.transpose %get3A_469, [1, 0] : vector<1x128xf32> -> vector<128x1xf32>
    %get3A_471 = arith.constant 0 : index
    %get3A_472 = arith.constant 0 : index
    %get3A_473 = vector.load %arg1[%get3A_471, %get3A_472] : memref<128x1024xbf16, #tpu.memory_space<vmem>>, vector<128x1024xbf16>
    %convert_element_type3A_474 = arith.truncf %transpose3A_470 : vector<128x1xf32> to vector<128x1xbf16>
    %sub3A_475 = vector.broadcast %convert_element_type3A_474 : vector<128x1xbf16> to vector<128x1024xbf16>
    %sub3A_476 = arith.subf %get3A_473, %sub3A_475 : vector<128x1024xbf16>
    %abs3A_477 = math.absf %sub3A_476 : vector<128x1024xbf16>
    %slice3A_478 = vector.extract_strided_slice %abs3A_477 {offsets = [0, 0], sizes = [64, 1024], strides = [1, 1]} : vector<128x1024xbf16> to vector<64x1024xbf16>
    %slice3A_479 = vector.extract_strided_slice %abs3A_477 {offsets = [64, 0], sizes = [64, 1024], strides = [1, 1]} : vector<128x1024xbf16> to vector<64x1024xbf16>
    %add3A_480 = arith.addf %slice3A_478, %slice3A_479 : vector<64x1024xbf16>
    %slice3A_481 = vector.extract_strided_slice %add3A_480 {offsets = [0, 0], sizes = [32, 1024], strides = [1, 1]} : vector<64x1024xbf16> to vector<32x1024xbf16>
    %slice3A_482 = vector.extract_strided_slice %add3A_480 {offsets = [32, 0], sizes = [32, 1024], strides = [1, 1]} : vector<64x1024xbf16> to vector<32x1024xbf16>
    %add3A_483 = arith.addf %slice3A_481, %slice3A_482 : vector<32x1024xbf16>
    %convert_element_type3A_484 = arith.extf %add3A_483 : vector<32x1024xbf16> to vector<32x1024xf32>
    %slice3A_485 = vector.extract_strided_slice %convert_element_type3A_484 {offsets = [0, 0], sizes = [16, 1024], strides = [1, 1]} : vector<32x1024xf32> to vector<16x1024xf32>
    %slice3A_486 = vector.extract_strided_slice %convert_element_type3A_484 {offsets = [16, 0], sizes = [16, 1024], strides = [1, 1]} : vector<32x1024xf32> to vector<16x1024xf32>
    %add3A_487 = arith.addf %slice3A_485, %slice3A_486 : vector<16x1024xf32>
    %slice3A_488 = vector.extract_strided_slice %add3A_487 {offsets = [0, 0], sizes = [8, 1024], strides = [1, 1]} : vector<16x1024xf32> to vector<8x1024xf32>
    %slice3A_489 = vector.extract_strided_slice %add3A_487 {offsets = [8, 0], sizes = [8, 1024], strides = [1, 1]} : vector<16x1024xf32> to vector<8x1024xf32>
    %add3A_490 = arith.addf %slice3A_488, %slice3A_489 : vector<8x1024xf32>
    %reduce_sum3A_491 = arith.constant dense<0.000000e+00> : vector<1024xf32>
    %reduce_sum3A_492 = vector.multi_reduction <add>, %add3A_490, %reduce_sum3A_491 [0] : vector<8x1024xf32> to vector<1024xf32>
    %broadcast_in_dim3A_493 = vector.shape_cast %reduce_sum3A_492 : vector<1024xf32> to vector<1x1024xf32>
    %convert_element_type3A_494 = arith.truncf %broadcast_in_dim3A_493 : vector<1x1024xf32> to vector<1x1024xbf16>
    %get3A_495 = arith.constant 18 : index
    %get3A_496 = arith.constant 0 : index
    %get3A_497 = vector.load %arg2[%get3A_495, %get3A_496] : memref<64x128xf32, #tpu.memory_space<vmem>>, vector<1x128xf32>
    %transpose3A_498 = tpu.transpose %get3A_497, [1, 0] : vector<1x128xf32> -> vector<128x1xf32>
    %get3A_499 = arith.constant 0 : index
    %get3A_500 = arith.constant 0 : index
    %get3A_501 = vector.load %arg1[%get3A_499, %get3A_500] : memref<128x1024xbf16, #tpu.memory_space<vmem>>, vector<128x1024xbf16>
    %convert_element_type3A_502 = arith.truncf %transpose3A_498 : vector<128x1xf32> to vector<128x1xbf16>
    %sub3A_503 = vector.broadcast %convert_element_type3A_502 : vector<128x1xbf16> to vector<128x1024xbf16>
    %sub3A_504 = arith.subf %get3A_501, %sub3A_503 : vector<128x1024xbf16>
    %abs3A_505 = math.absf %sub3A_504 : vector<128x1024xbf16>
    %slice3A_506 = vector.extract_strided_slice %abs3A_505 {offsets = [0, 0], sizes = [64, 1024], strides = [1, 1]} : vector<128x1024xbf16> to vector<64x1024xbf16>
    %slice3A_507 = vector.extract_strided_slice %abs3A_505 {offsets = [64, 0], sizes = [64, 1024], strides = [1, 1]} : vector<128x1024xbf16> to vector<64x1024xbf16>
    %add3A_508 = arith.addf %slice3A_506, %slice3A_507 : vector<64x1024xbf16>
    %slice3A_509 = vector.extract_strided_slice %add3A_508 {offsets = [0, 0], sizes = [32, 1024], strides = [1, 1]} : vector<64x1024xbf16> to vector<32x1024xbf16>
    %slice3A_510 = vector.extract_strided_slice %add3A_508 {offsets = [32, 0], sizes = [32, 1024], strides = [1, 1]} : vector<64x1024xbf16> to vector<32x1024xbf16>
    %add3A_511 = arith.addf %slice3A_509, %slice3A_510 : vector<32x1024xbf16>
    %convert_element_type3A_512 = arith.extf %add3A_511 : vector<32x1024xbf16> to vector<32x1024xf32>
    %slice3A_513 = vector.extract_strided_slice %convert_element_type3A_512 {offsets = [0, 0], sizes = [16, 1024], strides = [1, 1]} : vector<32x1024xf32> to vector<16x1024xf32>
    %slice3A_514 = vector.extract_strided_slice %convert_element_type3A_512 {offsets = [16, 0], sizes = [16, 1024], strides = [1, 1]} : vector<32x1024xf32> to vector<16x1024xf32>
    %add3A_515 = arith.addf %slice3A_513, %slice3A_514 : vector<16x1024xf32>
    %slice3A_516 = vector.extract_strided_slice %add3A_515 {offsets = [0, 0], sizes = [8, 1024], strides = [1, 1]} : vector<16x1024xf32> to vector<8x1024xf32>
    %slice3A_517 = vector.extract_strided_slice %add3A_515 {offsets = [8, 0], sizes = [8, 1024], strides = [1, 1]} : vector<16x1024xf32> to vector<8x1024xf32>
    %add3A_518 = arith.addf %slice3A_516, %slice3A_517 : vector<8x1024xf32>
    %reduce_sum3A_519 = arith.constant dense<0.000000e+00> : vector<1024xf32>
    %reduce_sum3A_520 = vector.multi_reduction <add>, %add3A_518, %reduce_sum3A_519 [0] : vector<8x1024xf32> to vector<1024xf32>
    %broadcast_in_dim3A_521 = vector.shape_cast %reduce_sum3A_520 : vector<1024xf32> to vector<1x1024xf32>
    %convert_element_type3A_522 = arith.truncf %broadcast_in_dim3A_521 : vector<1x1024xf32> to vector<1x1024xbf16>
    %get3A_523 = arith.constant 19 : index
    %get3A_524 = arith.constant 0 : index
    %get3A_525 = vector.load %arg2[%get3A_523, %get3A_524] : memref<64x128xf32, #tpu.memory_space<vmem>>, vector<1x128xf32>
    %transpose3A_526 = tpu.transpose %get3A_525, [1, 0] : vector<1x128xf32> -> vector<128x1xf32>
    %get3A_527 = arith.constant 0 : index
    %get3A_528 = arith.constant 0 : index
    %get3A_529 = vector.load %arg1[%get3A_527, %get3A_528] : memref<128x1024xbf16, #tpu.memory_space<vmem>>, vector<128x1024xbf16>
    %convert_element_type3A_530 = arith.truncf %transpose3A_526 : vector<128x1xf32> to vector<128x1xbf16>
    %sub3A_531 = vector.broadcast %convert_element_type3A_530 : vector<128x1xbf16> to vector<128x1024xbf16>
    %sub3A_532 = arith.subf %get3A_529, %sub3A_531 : vector<128x1024xbf16>
    %abs3A_533 = math.absf %sub3A_532 : vector<128x1024xbf16>
    %slice3A_534 = vector.extract_strided_slice %abs3A_533 {offsets = [0, 0], sizes = [64, 1024], strides = [1, 1]} : vector<128x1024xbf16> to vector<64x1024xbf16>
    %slice3A_535 = vector.extract_strided_slice %abs3A_533 {offsets = [64, 0], sizes = [64, 1024], strides = [1, 1]} : vector<128x1024xbf16> to vector<64x1024xbf16>
    %add3A_536 = arith.addf %slice3A_534, %slice3A_535 : vector<64x1024xbf16>
    %slice3A_537 = vector.extract_strided_slice %add3A_536 {offsets = [0, 0], sizes = [32, 1024], strides = [1, 1]} : vector<64x1024xbf16> to vector<32x1024xbf16>
    %slice3A_538 = vector.extract_strided_slice %add3A_536 {offsets = [32, 0], sizes = [32, 1024], strides = [1, 1]} : vector<64x1024xbf16> to vector<32x1024xbf16>
    %add3A_539 = arith.addf %slice3A_537, %slice3A_538 : vector<32x1024xbf16>
    %convert_element_type3A_540 = arith.extf %add3A_539 : vector<32x1024xbf16> to vector<32x1024xf32>
    %slice3A_541 = vector.extract_strided_slice %convert_element_type3A_540 {offsets = [0, 0], sizes = [16, 1024], strides = [1, 1]} : vector<32x1024xf32> to vector<16x1024xf32>
    %slice3A_542 = vector.extract_strided_slice %convert_element_type3A_540 {offsets = [16, 0], sizes = [16, 1024], strides = [1, 1]} : vector<32x1024xf32> to vector<16x1024xf32>
    %add3A_543 = arith.addf %slice3A_541, %slice3A_542 : vector<16x1024xf32>
    %slice3A_544 = vector.extract_strided_slice %add3A_543 {offsets = [0, 0], sizes = [8, 1024], strides = [1, 1]} : vector<16x1024xf32> to vector<8x1024xf32>
    %slice3A_545 = vector.extract_strided_slice %add3A_543 {offsets = [8, 0], sizes = [8, 1024], strides = [1, 1]} : vector<16x1024xf32> to vector<8x1024xf32>
    %add3A_546 = arith.addf %slice3A_544, %slice3A_545 : vector<8x1024xf32>
    %reduce_sum3A_547 = arith.constant dense<0.000000e+00> : vector<1024xf32>
    %reduce_sum3A_548 = vector.multi_reduction <add>, %add3A_546, %reduce_sum3A_547 [0] : vector<8x1024xf32> to vector<1024xf32>
    %broadcast_in_dim3A_549 = vector.shape_cast %reduce_sum3A_548 : vector<1024xf32> to vector<1x1024xf32>
    %convert_element_type3A_550 = arith.truncf %broadcast_in_dim3A_549 : vector<1x1024xf32> to vector<1x1024xbf16>
    %get3A_551 = arith.constant 20 : index
    %get3A_552 = arith.constant 0 : index
    %get3A_553 = vector.load %arg2[%get3A_551, %get3A_552] : memref<64x128xf32, #tpu.memory_space<vmem>>, vector<1x128xf32>
    %transpose3A_554 = tpu.transpose %get3A_553, [1, 0] : vector<1x128xf32> -> vector<128x1xf32>
    %get3A_555 = arith.constant 0 : index
    %get3A_556 = arith.constant 0 : index
    %get3A_557 = vector.load %arg1[%get3A_555, %get3A_556] : memref<128x1024xbf16, #tpu.memory_space<vmem>>, vector<128x1024xbf16>
    %convert_element_type3A_558 = arith.truncf %transpose3A_554 : vector<128x1xf32> to vector<128x1xbf16>
    %sub3A_559 = vector.broadcast %convert_element_type3A_558 : vector<128x1xbf16> to vector<128x1024xbf16>
    %sub3A_560 = arith.subf %get3A_557, %sub3A_559 : vector<128x1024xbf16>
    %abs3A_561 = math.absf %sub3A_560 : vector<128x1024xbf16>
    %slice3A_562 = vector.extract_strided_slice %abs3A_561 {offsets = [0, 0], sizes = [64, 1024], strides = [1, 1]} : vector<128x1024xbf16> to vector<64x1024xbf16>
    %slice3A_563 = vector.extract_strided_slice %abs3A_561 {offsets = [64, 0], sizes = [64, 1024], strides = [1, 1]} : vector<128x1024xbf16> to vector<64x1024xbf16>
    %add3A_564 = arith.addf %slice3A_562, %slice3A_563 : vector<64x1024xbf16>
    %slice3A_565 = vector.extract_strided_slice %add3A_564 {offsets = [0, 0], sizes = [32, 1024], strides = [1, 1]} : vector<64x1024xbf16> to vector<32x1024xbf16>
    %slice3A_566 = vector.extract_strided_slice %add3A_564 {offsets = [32, 0], sizes = [32, 1024], strides = [1, 1]} : vector<64x1024xbf16> to vector<32x1024xbf16>
    %add3A_567 = arith.addf %slice3A_565, %slice3A_566 : vector<32x1024xbf16>
    %convert_element_type3A_568 = arith.extf %add3A_567 : vector<32x1024xbf16> to vector<32x1024xf32>
    %slice3A_569 = vector.extract_strided_slice %convert_element_type3A_568 {offsets = [0, 0], sizes = [16, 1024], strides = [1, 1]} : vector<32x1024xf32> to vector<16x1024xf32>
    %slice3A_570 = vector.extract_strided_slice %convert_element_type3A_568 {offsets = [16, 0], sizes = [16, 1024], strides = [1, 1]} : vector<32x1024xf32> to vector<16x1024xf32>
    %add3A_571 = arith.addf %slice3A_569, %slice3A_570 : vector<16x1024xf32>
    %slice3A_572 = vector.extract_strided_slice %add3A_571 {offsets = [0, 0], sizes = [8, 1024], strides = [1, 1]} : vector<16x1024xf32> to vector<8x1024xf32>
    %slice3A_573 = vector.extract_strided_slice %add3A_571 {offsets = [8, 0], sizes = [8, 1024], strides = [1, 1]} : vector<16x1024xf32> to vector<8x1024xf32>
    %add3A_574 = arith.addf %slice3A_572, %slice3A_573 : vector<8x1024xf32>
    %reduce_sum3A_575 = arith.constant dense<0.000000e+00> : vector<1024xf32>
    %reduce_sum3A_576 = vector.multi_reduction <add>, %add3A_574, %reduce_sum3A_575 [0] : vector<8x1024xf32> to vector<1024xf32>
    %broadcast_in_dim3A_577 = vector.shape_cast %reduce_sum3A_576 : vector<1024xf32> to vector<1x1024xf32>
    %convert_element_type3A_578 = arith.truncf %broadcast_in_dim3A_577 : vector<1x1024xf32> to vector<1x1024xbf16>
    %get3A_579 = arith.constant 21 : index
    %get3A_580 = arith.constant 0 : index
    %get3A_581 = vector.load %arg2[%get3A_579, %get3A_580] : memref<64x128xf32, #tpu.memory_space<vmem>>, vector<1x128xf32>
    %transpose3A_582 = tpu.transpose %get3A_581, [1, 0] : vector<1x128xf32> -> vector<128x1xf32>
    %get3A_583 = arith.constant 0 : index
    %get3A_584 = arith.constant 0 : index
    %get3A_585 = vector.load %arg1[%get3A_583, %get3A_584] : memref<128x1024xbf16, #tpu.memory_space<vmem>>, vector<128x1024xbf16>
    %convert_element_type3A_586 = arith.truncf %transpose3A_582 : vector<128x1xf32> to vector<128x1xbf16>
    %sub3A_587 = vector.broadcast %convert_element_type3A_586 : vector<128x1xbf16> to vector<128x1024xbf16>
    %sub3A_588 = arith.subf %get3A_585, %sub3A_587 : vector<128x1024xbf16>
    %abs3A_589 = math.absf %sub3A_588 : vector<128x1024xbf16>
    %slice3A_590 = vector.extract_strided_slice %abs3A_589 {offsets = [0, 0], sizes = [64, 1024], strides = [1, 1]} : vector<128x1024xbf16> to vector<64x1024xbf16>
    %slice3A_591 = vector.extract_strided_slice %abs3A_589 {offsets = [64, 0], sizes = [64, 1024], strides = [1, 1]} : vector<128x1024xbf16> to vector<64x1024xbf16>
    %add3A_592 = arith.addf %slice3A_590, %slice3A_591 : vector<64x1024xbf16>
    %slice3A_593 = vector.extract_strided_slice %add3A_592 {offsets = [0, 0], sizes = [32, 1024], strides = [1, 1]} : vector<64x1024xbf16> to vector<32x1024xbf16>
    %slice3A_594 = vector.extract_strided_slice %add3A_592 {offsets = [32, 0], sizes = [32, 1024], strides = [1, 1]} : vector<64x1024xbf16> to vector<32x1024xbf16>
    %add3A_595 = arith.addf %slice3A_593, %slice3A_594 : vector<32x1024xbf16>
    %convert_element_type3A_596 = arith.extf %add3A_595 : vector<32x1024xbf16> to vector<32x1024xf32>
    %slice3A_597 = vector.extract_strided_slice %convert_element_type3A_596 {offsets = [0, 0], sizes = [16, 1024], strides = [1, 1]} : vector<32x1024xf32> to vector<16x1024xf32>
    %slice3A_598 = vector.extract_strided_slice %convert_element_type3A_596 {offsets = [16, 0], sizes = [16, 1024], strides = [1, 1]} : vector<32x1024xf32> to vector<16x1024xf32>
    %add3A_599 = arith.addf %slice3A_597, %slice3A_598 : vector<16x1024xf32>
    %slice3A_600 = vector.extract_strided_slice %add3A_599 {offsets = [0, 0], sizes = [8, 1024], strides = [1, 1]} : vector<16x1024xf32> to vector<8x1024xf32>
    %slice3A_601 = vector.extract_strided_slice %add3A_599 {offsets = [8, 0], sizes = [8, 1024], strides = [1, 1]} : vector<16x1024xf32> to vector<8x1024xf32>
    %add3A_602 = arith.addf %slice3A_600, %slice3A_601 : vector<8x1024xf32>
    %reduce_sum3A_603 = arith.constant dense<0.000000e+00> : vector<1024xf32>
    %reduce_sum3A_604 = vector.multi_reduction <add>, %add3A_602, %reduce_sum3A_603 [0] : vector<8x1024xf32> to vector<1024xf32>
    %broadcast_in_dim3A_605 = vector.shape_cast %reduce_sum3A_604 : vector<1024xf32> to vector<1x1024xf32>
    %convert_element_type3A_606 = arith.truncf %broadcast_in_dim3A_605 : vector<1x1024xf32> to vector<1x1024xbf16>
    %get3A_607 = arith.constant 22 : index
    %get3A_608 = arith.constant 0 : index
    %get3A_609 = vector.load %arg2[%get3A_607, %get3A_608] : memref<64x128xf32, #tpu.memory_space<vmem>>, vector<1x128xf32>
    %transpose3A_610 = tpu.transpose %get3A_609, [1, 0] : vector<1x128xf32> -> vector<128x1xf32>
    %get3A_611 = arith.constant 0 : index
    %get3A_612 = arith.constant 0 : index
    %get3A_613 = vector.load %arg1[%get3A_611, %get3A_612] : memref<128x1024xbf16, #tpu.memory_space<vmem>>, vector<128x1024xbf16>
    %convert_element_type3A_614 = arith.truncf %transpose3A_610 : vector<128x1xf32> to vector<128x1xbf16>
    %sub3A_615 = vector.broadcast %convert_element_type3A_614 : vector<128x1xbf16> to vector<128x1024xbf16>
    %sub3A_616 = arith.subf %get3A_613, %sub3A_615 : vector<128x1024xbf16>
    %abs3A_617 = math.absf %sub3A_616 : vector<128x1024xbf16>
    %slice3A_618 = vector.extract_strided_slice %abs3A_617 {offsets = [0, 0], sizes = [64, 1024], strides = [1, 1]} : vector<128x1024xbf16> to vector<64x1024xbf16>
    %slice3A_619 = vector.extract_strided_slice %abs3A_617 {offsets = [64, 0], sizes = [64, 1024], strides = [1, 1]} : vector<128x1024xbf16> to vector<64x1024xbf16>
    %add3A_620 = arith.addf %slice3A_618, %slice3A_619 : vector<64x1024xbf16>
    %slice3A_621 = vector.extract_strided_slice %add3A_620 {offsets = [0, 0], sizes = [32, 1024], strides = [1, 1]} : vector<64x1024xbf16> to vector<32x1024xbf16>
    %slice3A_622 = vector.extract_strided_slice %add3A_620 {offsets = [32, 0], sizes = [32, 1024], strides = [1, 1]} : vector<64x1024xbf16> to vector<32x1024xbf16>
    %add3A_623 = arith.addf %slice3A_621, %slice3A_622 : vector<32x1024xbf16>
    %convert_element_type3A_624 = arith.extf %add3A_623 : vector<32x1024xbf16> to vector<32x1024xf32>
    %slice3A_625 = vector.extract_strided_slice %convert_element_type3A_624 {offsets = [0, 0], sizes = [16, 1024], strides = [1, 1]} : vector<32x1024xf32> to vector<16x1024xf32>
    %slice3A_626 = vector.extract_strided_slice %convert_element_type3A_624 {offsets = [16, 0], sizes = [16, 1024], strides = [1, 1]} : vector<32x1024xf32> to vector<16x1024xf32>
    %add3A_627 = arith.addf %slice3A_625, %slice3A_626 : vector<16x1024xf32>
    %slice3A_628 = vector.extract_strided_slice %add3A_627 {offsets = [0, 0], sizes = [8, 1024], strides = [1, 1]} : vector<16x1024xf32> to vector<8x1024xf32>
    %slice3A_629 = vector.extract_strided_slice %add3A_627 {offsets = [8, 0], sizes = [8, 1024], strides = [1, 1]} : vector<16x1024xf32> to vector<8x1024xf32>
    %add3A_630 = arith.addf %slice3A_628, %slice3A_629 : vector<8x1024xf32>
    %reduce_sum3A_631 = arith.constant dense<0.000000e+00> : vector<1024xf32>
    %reduce_sum3A_632 = vector.multi_reduction <add>, %add3A_630, %reduce_sum3A_631 [0] : vector<8x1024xf32> to vector<1024xf32>
    %broadcast_in_dim3A_633 = vector.shape_cast %reduce_sum3A_632 : vector<1024xf32> to vector<1x1024xf32>
    %convert_element_type3A_634 = arith.truncf %broadcast_in_dim3A_633 : vector<1x1024xf32> to vector<1x1024xbf16>
    %get3A_635 = arith.constant 23 : index
    %get3A_636 = arith.constant 0 : index
    %get3A_637 = vector.load %arg2[%get3A_635, %get3A_636] : memref<64x128xf32, #tpu.memory_space<vmem>>, vector<1x128xf32>
    %transpose3A_638 = tpu.transpose %get3A_637, [1, 0] : vector<1x128xf32> -> vector<128x1xf32>
    %get3A_639 = arith.constant 0 : index
    %get3A_640 = arith.constant 0 : index
    %get3A_641 = vector.load %arg1[%get3A_639, %get3A_640] : memref<128x1024xbf16, #tpu.memory_space<vmem>>, vector<128x1024xbf16>
    %convert_element_type3A_642 = arith.truncf %transpose3A_638 : vector<128x1xf32> to vector<128x1xbf16>
    %sub3A_643 = vector.broadcast %convert_element_type3A_642 : vector<128x1xbf16> to vector<128x1024xbf16>
    %sub3A_644 = arith.subf %get3A_641, %sub3A_643 : vector<128x1024xbf16>
    %abs3A_645 = math.absf %sub3A_644 : vector<128x1024xbf16>
    %slice3A_646 = vector.extract_strided_slice %abs3A_645 {offsets = [0, 0], sizes = [64, 1024], strides = [1, 1]} : vector<128x1024xbf16> to vector<64x1024xbf16>
    %slice3A_647 = vector.extract_strided_slice %abs3A_645 {offsets = [64, 0], sizes = [64, 1024], strides = [1, 1]} : vector<128x1024xbf16> to vector<64x1024xbf16>
    %add3A_648 = arith.addf %slice3A_646, %slice3A_647 : vector<64x1024xbf16>
    %slice3A_649 = vector.extract_strided_slice %add3A_648 {offsets = [0, 0], sizes = [32, 1024], strides = [1, 1]} : vector<64x1024xbf16> to vector<32x1024xbf16>
    %slice3A_650 = vector.extract_strided_slice %add3A_648 {offsets = [32, 0], sizes = [32, 1024], strides = [1, 1]} : vector<64x1024xbf16> to vector<32x1024xbf16>
    %add3A_651 = arith.addf %slice3A_649, %slice3A_650 : vector<32x1024xbf16>
    %convert_element_type3A_652 = arith.extf %add3A_651 : vector<32x1024xbf16> to vector<32x1024xf32>
    %slice3A_653 = vector.extract_strided_slice %convert_element_type3A_652 {offsets = [0, 0], sizes = [16, 1024], strides = [1, 1]} : vector<32x1024xf32> to vector<16x1024xf32>
    %slice3A_654 = vector.extract_strided_slice %convert_element_type3A_652 {offsets = [16, 0], sizes = [16, 1024], strides = [1, 1]} : vector<32x1024xf32> to vector<16x1024xf32>
    %add3A_655 = arith.addf %slice3A_653, %slice3A_654 : vector<16x1024xf32>
    %slice3A_656 = vector.extract_strided_slice %add3A_655 {offsets = [0, 0], sizes = [8, 1024], strides = [1, 1]} : vector<16x1024xf32> to vector<8x1024xf32>
    %slice3A_657 = vector.extract_strided_slice %add3A_655 {offsets = [8, 0], sizes = [8, 1024], strides = [1, 1]} : vector<16x1024xf32> to vector<8x1024xf32>
    %add3A_658 = arith.addf %slice3A_656, %slice3A_657 : vector<8x1024xf32>
    %reduce_sum3A_659 = arith.constant dense<0.000000e+00> : vector<1024xf32>
    %reduce_sum3A_660 = vector.multi_reduction <add>, %add3A_658, %reduce_sum3A_659 [0] : vector<8x1024xf32> to vector<1024xf32>
    %broadcast_in_dim3A_661 = vector.shape_cast %reduce_sum3A_660 : vector<1024xf32> to vector<1x1024xf32>
    %convert_element_type3A_662 = arith.truncf %broadcast_in_dim3A_661 : vector<1x1024xf32> to vector<1x1024xbf16>
    %get3A_663 = arith.constant 24 : index
    %get3A_664 = arith.constant 0 : index
    %get3A_665 = vector.load %arg2[%get3A_663, %get3A_664] : memref<64x128xf32, #tpu.memory_space<vmem>>, vector<1x128xf32>
    %transpose3A_666 = tpu.transpose %get3A_665, [1, 0] : vector<1x128xf32> -> vector<128x1xf32>
    %get3A_667 = arith.constant 0 : index
    %get3A_668 = arith.constant 0 : index
    %get3A_669 = vector.load %arg1[%get3A_667, %get3A_668] : memref<128x1024xbf16, #tpu.memory_space<vmem>>, vector<128x1024xbf16>
    %convert_element_type3A_670 = arith.truncf %transpose3A_666 : vector<128x1xf32> to vector<128x1xbf16>
    %sub3A_671 = vector.broadcast %convert_element_type3A_670 : vector<128x1xbf16> to vector<128x1024xbf16>
    %sub3A_672 = arith.subf %get3A_669, %sub3A_671 : vector<128x1024xbf16>
    %abs3A_673 = math.absf %sub3A_672 : vector<128x1024xbf16>
    %slice3A_674 = vector.extract_strided_slice %abs3A_673 {offsets = [0, 0], sizes = [64, 1024], strides = [1, 1]} : vector<128x1024xbf16> to vector<64x1024xbf16>
    %slice3A_675 = vector.extract_strided_slice %abs3A_673 {offsets = [64, 0], sizes = [64, 1024], strides = [1, 1]} : vector<128x1024xbf16> to vector<64x1024xbf16>
    %add3A_676 = arith.addf %slice3A_674, %slice3A_675 : vector<64x1024xbf16>
    %slice3A_677 = vector.extract_strided_slice %add3A_676 {offsets = [0, 0], sizes = [32, 1024], strides = [1, 1]} : vector<64x1024xbf16> to vector<32x1024xbf16>
    %slice3A_678 = vector.extract_strided_slice %add3A_676 {offsets = [32, 0], sizes = [32, 1024], strides = [1, 1]} : vector<64x1024xbf16> to vector<32x1024xbf16>
    %add3A_679 = arith.addf %slice3A_677, %slice3A_678 : vector<32x1024xbf16>
    %convert_element_type3A_680 = arith.extf %add3A_679 : vector<32x1024xbf16> to vector<32x1024xf32>
    %slice3A_681 = vector.extract_strided_slice %convert_element_type3A_680 {offsets = [0, 0], sizes = [16, 1024], strides = [1, 1]} : vector<32x1024xf32> to vector<16x1024xf32>
    %slice3A_682 = vector.extract_strided_slice %convert_element_type3A_680 {offsets = [16, 0], sizes = [16, 1024], strides = [1, 1]} : vector<32x1024xf32> to vector<16x1024xf32>
    %add3A_683 = arith.addf %slice3A_681, %slice3A_682 : vector<16x1024xf32>
    %slice3A_684 = vector.extract_strided_slice %add3A_683 {offsets = [0, 0], sizes = [8, 1024], strides = [1, 1]} : vector<16x1024xf32> to vector<8x1024xf32>
    %slice3A_685 = vector.extract_strided_slice %add3A_683 {offsets = [8, 0], sizes = [8, 1024], strides = [1, 1]} : vector<16x1024xf32> to vector<8x1024xf32>
    %add3A_686 = arith.addf %slice3A_684, %slice3A_685 : vector<8x1024xf32>
    %reduce_sum3A_687 = arith.constant dense<0.000000e+00> : vector<1024xf32>
    %reduce_sum3A_688 = vector.multi_reduction <add>, %add3A_686, %reduce_sum3A_687 [0] : vector<8x1024xf32> to vector<1024xf32>
    %broadcast_in_dim3A_689 = vector.shape_cast %reduce_sum3A_688 : vector<1024xf32> to vector<1x1024xf32>
    %convert_element_type3A_690 = arith.truncf %broadcast_in_dim3A_689 : vector<1x1024xf32> to vector<1x1024xbf16>
    %get3A_691 = arith.constant 25 : index
    %get3A_692 = arith.constant 0 : index
    %get3A_693 = vector.load %arg2[%get3A_691, %get3A_692] : memref<64x128xf32, #tpu.memory_space<vmem>>, vector<1x128xf32>
    %transpose3A_694 = tpu.transpose %get3A_693, [1, 0] : vector<1x128xf32> -> vector<128x1xf32>
    %get3A_695 = arith.constant 0 : index
    %get3A_696 = arith.constant 0 : index
    %get3A_697 = vector.load %arg1[%get3A_695, %get3A_696] : memref<128x1024xbf16, #tpu.memory_space<vmem>>, vector<128x1024xbf16>
    %convert_element_type3A_698 = arith.truncf %transpose3A_694 : vector<128x1xf32> to vector<128x1xbf16>
    %sub3A_699 = vector.broadcast %convert_element_type3A_698 : vector<128x1xbf16> to vector<128x1024xbf16>
    %sub3A_700 = arith.subf %get3A_697, %sub3A_699 : vector<128x1024xbf16>
    %abs3A_701 = math.absf %sub3A_700 : vector<128x1024xbf16>
    %slice3A_702 = vector.extract_strided_slice %abs3A_701 {offsets = [0, 0], sizes = [64, 1024], strides = [1, 1]} : vector<128x1024xbf16> to vector<64x1024xbf16>
    %slice3A_703 = vector.extract_strided_slice %abs3A_701 {offsets = [64, 0], sizes = [64, 1024], strides = [1, 1]} : vector<128x1024xbf16> to vector<64x1024xbf16>
    %add3A_704 = arith.addf %slice3A_702, %slice3A_703 : vector<64x1024xbf16>
    %slice3A_705 = vector.extract_strided_slice %add3A_704 {offsets = [0, 0], sizes = [32, 1024], strides = [1, 1]} : vector<64x1024xbf16> to vector<32x1024xbf16>
    %slice3A_706 = vector.extract_strided_slice %add3A_704 {offsets = [32, 0], sizes = [32, 1024], strides = [1, 1]} : vector<64x1024xbf16> to vector<32x1024xbf16>
    %add3A_707 = arith.addf %slice3A_705, %slice3A_706 : vector<32x1024xbf16>
    %convert_element_type3A_708 = arith.extf %add3A_707 : vector<32x1024xbf16> to vector<32x1024xf32>
    %slice3A_709 = vector.extract_strided_slice %convert_element_type3A_708 {offsets = [0, 0], sizes = [16, 1024], strides = [1, 1]} : vector<32x1024xf32> to vector<16x1024xf32>
    %slice3A_710 = vector.extract_strided_slice %convert_element_type3A_708 {offsets = [16, 0], sizes = [16, 1024], strides = [1, 1]} : vector<32x1024xf32> to vector<16x1024xf32>
    %add3A_711 = arith.addf %slice3A_709, %slice3A_710 : vector<16x1024xf32>
    %slice3A_712 = vector.extract_strided_slice %add3A_711 {offsets = [0, 0], sizes = [8, 1024], strides = [1, 1]} : vector<16x1024xf32> to vector<8x1024xf32>
    %slice3A_713 = vector.extract_strided_slice %add3A_711 {offsets = [8, 0], sizes = [8, 1024], strides = [1, 1]} : vector<16x1024xf32> to vector<8x1024xf32>
    %add3A_714 = arith.addf %slice3A_712, %slice3A_713 : vector<8x1024xf32>
    %reduce_sum3A_715 = arith.constant dense<0.000000e+00> : vector<1024xf32>
    %reduce_sum3A_716 = vector.multi_reduction <add>, %add3A_714, %reduce_sum3A_715 [0] : vector<8x1024xf32> to vector<1024xf32>
    %broadcast_in_dim3A_717 = vector.shape_cast %reduce_sum3A_716 : vector<1024xf32> to vector<1x1024xf32>
    %convert_element_type3A_718 = arith.truncf %broadcast_in_dim3A_717 : vector<1x1024xf32> to vector<1x1024xbf16>
    %get3A_719 = arith.constant 26 : index
    %get3A_720 = arith.constant 0 : index
    %get3A_721 = vector.load %arg2[%get3A_719, %get3A_720] : memref<64x128xf32, #tpu.memory_space<vmem>>, vector<1x128xf32>
    %transpose3A_722 = tpu.transpose %get3A_721, [1, 0] : vector<1x128xf32> -> vector<128x1xf32>
    %get3A_723 = arith.constant 0 : index
    %get3A_724 = arith.constant 0 : index
    %get3A_725 = vector.load %arg1[%get3A_723, %get3A_724] : memref<128x1024xbf16, #tpu.memory_space<vmem>>, vector<128x1024xbf16>
    %convert_element_type3A_726 = arith.truncf %transpose3A_722 : vector<128x1xf32> to vector<128x1xbf16>
    %sub3A_727 = vector.broadcast %convert_element_type3A_726 : vector<128x1xbf16> to vector<128x1024xbf16>
    %sub3A_728 = arith.subf %get3A_725, %sub3A_727 : vector<128x1024xbf16>
    %abs3A_729 = math.absf %sub3A_728 : vector<128x1024xbf16>
    %slice3A_730 = vector.extract_strided_slice %abs3A_729 {offsets = [0, 0], sizes = [64, 1024], strides = [1, 1]} : vector<128x1024xbf16> to vector<64x1024xbf16>
    %slice3A_731 = vector.extract_strided_slice %abs3A_729 {offsets = [64, 0], sizes = [64, 1024], strides = [1, 1]} : vector<128x1024xbf16> to vector<64x1024xbf16>
    %add3A_732 = arith.addf %slice3A_730, %slice3A_731 : vector<64x1024xbf16>
    %slice3A_733 = vector.extract_strided_slice %add3A_732 {offsets = [0, 0], sizes = [32, 1024], strides = [1, 1]} : vector<64x1024xbf16> to vector<32x1024xbf16>
    %slice3A_734 = vector.extract_strided_slice %add3A_732 {offsets = [32, 0], sizes = [32, 1024], strides = [1, 1]} : vector<64x1024xbf16> to vector<32x1024xbf16>
    %add3A_735 = arith.addf %slice3A_733, %slice3A_734 : vector<32x1024xbf16>
    %convert_element_type3A_736 = arith.extf %add3A_735 : vector<32x1024xbf16> to vector<32x1024xf32>
    %slice3A_737 = vector.extract_strided_slice %convert_element_type3A_736 {offsets = [0, 0], sizes = [16, 1024], strides = [1, 1]} : vector<32x1024xf32> to vector<16x1024xf32>
    %slice3A_738 = vector.extract_strided_slice %convert_element_type3A_736 {offsets = [16, 0], sizes = [16, 1024], strides = [1, 1]} : vector<32x1024xf32> to vector<16x1024xf32>
    %add3A_739 = arith.addf %slice3A_737, %slice3A_738 : vector<16x1024xf32>
    %slice3A_740 = vector.extract_strided_slice %add3A_739 {offsets = [0, 0], sizes = [8, 1024], strides = [1, 1]} : vector<16x1024xf32> to vector<8x1024xf32>
    %slice3A_741 = vector.extract_strided_slice %add3A_739 {offsets = [8, 0], sizes = [8, 1024], strides = [1, 1]} : vector<16x1024xf32> to vector<8x1024xf32>
    %add3A_742 = arith.addf %slice3A_740, %slice3A_741 : vector<8x1024xf32>
    %reduce_sum3A_743 = arith.constant dense<0.000000e+00> : vector<1024xf32>
    %reduce_sum3A_744 = vector.multi_reduction <add>, %add3A_742, %reduce_sum3A_743 [0] : vector<8x1024xf32> to vector<1024xf32>
    %broadcast_in_dim3A_745 = vector.shape_cast %reduce_sum3A_744 : vector<1024xf32> to vector<1x1024xf32>
    %convert_element_type3A_746 = arith.truncf %broadcast_in_dim3A_745 : vector<1x1024xf32> to vector<1x1024xbf16>
    %get3A_747 = arith.constant 27 : index
    %get3A_748 = arith.constant 0 : index
    %get3A_749 = vector.load %arg2[%get3A_747, %get3A_748] : memref<64x128xf32, #tpu.memory_space<vmem>>, vector<1x128xf32>
    %transpose3A_750 = tpu.transpose %get3A_749, [1, 0] : vector<1x128xf32> -> vector<128x1xf32>
    %get3A_751 = arith.constant 0 : index
    %get3A_752 = arith.constant 0 : index
    %get3A_753 = vector.load %arg1[%get3A_751, %get3A_752] : memref<128x1024xbf16, #tpu.memory_space<vmem>>, vector<128x1024xbf16>
    %convert_element_type3A_754 = arith.truncf %transpose3A_750 : vector<128x1xf32> to vector<128x1xbf16>
    %sub3A_755 = vector.broadcast %convert_element_type3A_754 : vector<128x1xbf16> to vector<128x1024xbf16>
    %sub3A_756 = arith.subf %get3A_753, %sub3A_755 : vector<128x1024xbf16>
    %abs3A_757 = math.absf %sub3A_756 : vector<128x1024xbf16>
    %slice3A_758 = vector.extract_strided_slice %abs3A_757 {offsets = [0, 0], sizes = [64, 1024], strides = [1, 1]} : vector<128x1024xbf16> to vector<64x1024xbf16>
    %slice3A_759 = vector.extract_strided_slice %abs3A_757 {offsets = [64, 0], sizes = [64, 1024], strides = [1, 1]} : vector<128x1024xbf16> to vector<64x1024xbf16>
    %add3A_760 = arith.addf %slice3A_758, %slice3A_759 : vector<64x1024xbf16>
    %slice3A_761 = vector.extract_strided_slice %add3A_760 {offsets = [0, 0], sizes = [32, 1024], strides = [1, 1]} : vector<64x1024xbf16> to vector<32x1024xbf16>
    %slice3A_762 = vector.extract_strided_slice %add3A_760 {offsets = [32, 0], sizes = [32, 1024], strides = [1, 1]} : vector<64x1024xbf16> to vector<32x1024xbf16>
    %add3A_763 = arith.addf %slice3A_761, %slice3A_762 : vector<32x1024xbf16>
    %convert_element_type3A_764 = arith.extf %add3A_763 : vector<32x1024xbf16> to vector<32x1024xf32>
    %slice3A_765 = vector.extract_strided_slice %convert_element_type3A_764 {offsets = [0, 0], sizes = [16, 1024], strides = [1, 1]} : vector<32x1024xf32> to vector<16x1024xf32>
    %slice3A_766 = vector.extract_strided_slice %convert_element_type3A_764 {offsets = [16, 0], sizes = [16, 1024], strides = [1, 1]} : vector<32x1024xf32> to vector<16x1024xf32>
    %add3A_767 = arith.addf %slice3A_765, %slice3A_766 : vector<16x1024xf32>
    %slice3A_768 = vector.extract_strided_slice %add3A_767 {offsets = [0, 0], sizes = [8, 1024], strides = [1, 1]} : vector<16x1024xf32> to vector<8x1024xf32>
    %slice3A_769 = vector.extract_strided_slice %add3A_767 {offsets = [8, 0], sizes = [8, 1024], strides = [1, 1]} : vector<16x1024xf32> to vector<8x1024xf32>
    %add3A_770 = arith.addf %slice3A_768, %slice3A_769 : vector<8x1024xf32>
    %reduce_sum3A_771 = arith.constant dense<0.000000e+00> : vector<1024xf32>
    %reduce_sum3A_772 = vector.multi_reduction <add>, %add3A_770, %reduce_sum3A_771 [0] : vector<8x1024xf32> to vector<1024xf32>
    %broadcast_in_dim3A_773 = vector.shape_cast %reduce_sum3A_772 : vector<1024xf32> to vector<1x1024xf32>
    %convert_element_type3A_774 = arith.truncf %broadcast_in_dim3A_773 : vector<1x1024xf32> to vector<1x1024xbf16>
    %get3A_775 = arith.constant 28 : index
    %get3A_776 = arith.constant 0 : index
    %get3A_777 = vector.load %arg2[%get3A_775, %get3A_776] : memref<64x128xf32, #tpu.memory_space<vmem>>, vector<1x128xf32>
    %transpose3A_778 = tpu.transpose %get3A_777, [1, 0] : vector<1x128xf32> -> vector<128x1xf32>
    %get3A_779 = arith.constant 0 : index
    %get3A_780 = arith.constant 0 : index
    %get3A_781 = vector.load %arg1[%get3A_779, %get3A_780] : memref<128x1024xbf16, #tpu.memory_space<vmem>>, vector<128x1024xbf16>
    %convert_element_type3A_782 = arith.truncf %transpose3A_778 : vector<128x1xf32> to vector<128x1xbf16>
    %sub3A_783 = vector.broadcast %convert_element_type3A_782 : vector<128x1xbf16> to vector<128x1024xbf16>
    %sub3A_784 = arith.subf %get3A_781, %sub3A_783 : vector<128x1024xbf16>
    %abs3A_785 = math.absf %sub3A_784 : vector<128x1024xbf16>
    %slice3A_786 = vector.extract_strided_slice %abs3A_785 {offsets = [0, 0], sizes = [64, 1024], strides = [1, 1]} : vector<128x1024xbf16> to vector<64x1024xbf16>
    %slice3A_787 = vector.extract_strided_slice %abs3A_785 {offsets = [64, 0], sizes = [64, 1024], strides = [1, 1]} : vector<128x1024xbf16> to vector<64x1024xbf16>
    %add3A_788 = arith.addf %slice3A_786, %slice3A_787 : vector<64x1024xbf16>
    %slice3A_789 = vector.extract_strided_slice %add3A_788 {offsets = [0, 0], sizes = [32, 1024], strides = [1, 1]} : vector<64x1024xbf16> to vector<32x1024xbf16>
    %slice3A_790 = vector.extract_strided_slice %add3A_788 {offsets = [32, 0], sizes = [32, 1024], strides = [1, 1]} : vector<64x1024xbf16> to vector<32x1024xbf16>
    %add3A_791 = arith.addf %slice3A_789, %slice3A_790 : vector<32x1024xbf16>
    %convert_element_type3A_792 = arith.extf %add3A_791 : vector<32x1024xbf16> to vector<32x1024xf32>
    %slice3A_793 = vector.extract_strided_slice %convert_element_type3A_792 {offsets = [0, 0], sizes = [16, 1024], strides = [1, 1]} : vector<32x1024xf32> to vector<16x1024xf32>
    %slice3A_794 = vector.extract_strided_slice %convert_element_type3A_792 {offsets = [16, 0], sizes = [16, 1024], strides = [1, 1]} : vector<32x1024xf32> to vector<16x1024xf32>
    %add3A_795 = arith.addf %slice3A_793, %slice3A_794 : vector<16x1024xf32>
    %slice3A_796 = vector.extract_strided_slice %add3A_795 {offsets = [0, 0], sizes = [8, 1024], strides = [1, 1]} : vector<16x1024xf32> to vector<8x1024xf32>
    %slice3A_797 = vector.extract_strided_slice %add3A_795 {offsets = [8, 0], sizes = [8, 1024], strides = [1, 1]} : vector<16x1024xf32> to vector<8x1024xf32>
    %add3A_798 = arith.addf %slice3A_796, %slice3A_797 : vector<8x1024xf32>
    %reduce_sum3A_799 = arith.constant dense<0.000000e+00> : vector<1024xf32>
    %reduce_sum3A_800 = vector.multi_reduction <add>, %add3A_798, %reduce_sum3A_799 [0] : vector<8x1024xf32> to vector<1024xf32>
    %broadcast_in_dim3A_801 = vector.shape_cast %reduce_sum3A_800 : vector<1024xf32> to vector<1x1024xf32>
    %convert_element_type3A_802 = arith.truncf %broadcast_in_dim3A_801 : vector<1x1024xf32> to vector<1x1024xbf16>
    %get3A_803 = arith.constant 29 : index
    %get3A_804 = arith.constant 0 : index
    %get3A_805 = vector.load %arg2[%get3A_803, %get3A_804] : memref<64x128xf32, #tpu.memory_space<vmem>>, vector<1x128xf32>
    %transpose3A_806 = tpu.transpose %get3A_805, [1, 0] : vector<1x128xf32> -> vector<128x1xf32>
    %get3A_807 = arith.constant 0 : index
    %get3A_808 = arith.constant 0 : index
    %get3A_809 = vector.load %arg1[%get3A_807, %get3A_808] : memref<128x1024xbf16, #tpu.memory_space<vmem>>, vector<128x1024xbf16>
    %convert_element_type3A_810 = arith.truncf %transpose3A_806 : vector<128x1xf32> to vector<128x1xbf16>
    %sub3A_811 = vector.broadcast %convert_element_type3A_810 : vector<128x1xbf16> to vector<128x1024xbf16>
    %sub3A_812 = arith.subf %get3A_809, %sub3A_811 : vector<128x1024xbf16>
    %abs3A_813 = math.absf %sub3A_812 : vector<128x1024xbf16>
    %slice3A_814 = vector.extract_strided_slice %abs3A_813 {offsets = [0, 0], sizes = [64, 1024], strides = [1, 1]} : vector<128x1024xbf16> to vector<64x1024xbf16>
    %slice3A_815 = vector.extract_strided_slice %abs3A_813 {offsets = [64, 0], sizes = [64, 1024], strides = [1, 1]} : vector<128x1024xbf16> to vector<64x1024xbf16>
    %add3A_816 = arith.addf %slice3A_814, %slice3A_815 : vector<64x1024xbf16>
    %slice3A_817 = vector.extract_strided_slice %add3A_816 {offsets = [0, 0], sizes = [32, 1024], strides = [1, 1]} : vector<64x1024xbf16> to vector<32x1024xbf16>
    %slice3A_818 = vector.extract_strided_slice %add3A_816 {offsets = [32, 0], sizes = [32, 1024], strides = [1, 1]} : vector<64x1024xbf16> to vector<32x1024xbf16>
    %add3A_819 = arith.addf %slice3A_817, %slice3A_818 : vector<32x1024xbf16>
    %convert_element_type3A_820 = arith.extf %add3A_819 : vector<32x1024xbf16> to vector<32x1024xf32>
    %slice3A_821 = vector.extract_strided_slice %convert_element_type3A_820 {offsets = [0, 0], sizes = [16, 1024], strides = [1, 1]} : vector<32x1024xf32> to vector<16x1024xf32>
    %slice3A_822 = vector.extract_strided_slice %convert_element_type3A_820 {offsets = [16, 0], sizes = [16, 1024], strides = [1, 1]} : vector<32x1024xf32> to vector<16x1024xf32>
    %add3A_823 = arith.addf %slice3A_821, %slice3A_822 : vector<16x1024xf32>
    %slice3A_824 = vector.extract_strided_slice %add3A_823 {offsets = [0, 0], sizes = [8, 1024], strides = [1, 1]} : vector<16x1024xf32> to vector<8x1024xf32>
    %slice3A_825 = vector.extract_strided_slice %add3A_823 {offsets = [8, 0], sizes = [8, 1024], strides = [1, 1]} : vector<16x1024xf32> to vector<8x1024xf32>
    %add3A_826 = arith.addf %slice3A_824, %slice3A_825 : vector<8x1024xf32>
    %reduce_sum3A_827 = arith.constant dense<0.000000e+00> : vector<1024xf32>
    %reduce_sum3A_828 = vector.multi_reduction <add>, %add3A_826, %reduce_sum3A_827 [0] : vector<8x1024xf32> to vector<1024xf32>
    %broadcast_in_dim3A_829 = vector.shape_cast %reduce_sum3A_828 : vector<1024xf32> to vector<1x1024xf32>
    %convert_element_type3A_830 = arith.truncf %broadcast_in_dim3A_829 : vector<1x1024xf32> to vector<1x1024xbf16>
    %get3A_831 = arith.constant 30 : index
    %get3A_832 = arith.constant 0 : index
    %get3A_833 = vector.load %arg2[%get3A_831, %get3A_832] : memref<64x128xf32, #tpu.memory_space<vmem>>, vector<1x128xf32>
    %transpose3A_834 = tpu.transpose %get3A_833, [1, 0] : vector<1x128xf32> -> vector<128x1xf32>
    %get3A_835 = arith.constant 0 : index
    %get3A_836 = arith.constant 0 : index
    %get3A_837 = vector.load %arg1[%get3A_835, %get3A_836] : memref<128x1024xbf16, #tpu.memory_space<vmem>>, vector<128x1024xbf16>
    %convert_element_type3A_838 = arith.truncf %transpose3A_834 : vector<128x1xf32> to vector<128x1xbf16>
    %sub3A_839 = vector.broadcast %convert_element_type3A_838 : vector<128x1xbf16> to vector<128x1024xbf16>
    %sub3A_840 = arith.subf %get3A_837, %sub3A_839 : vector<128x1024xbf16>
    %abs3A_841 = math.absf %sub3A_840 : vector<128x1024xbf16>
    %slice3A_842 = vector.extract_strided_slice %abs3A_841 {offsets = [0, 0], sizes = [64, 1024], strides = [1, 1]} : vector<128x1024xbf16> to vector<64x1024xbf16>
    %slice3A_843 = vector.extract_strided_slice %abs3A_841 {offsets = [64, 0], sizes = [64, 1024], strides = [1, 1]} : vector<128x1024xbf16> to vector<64x1024xbf16>
    %add3A_844 = arith.addf %slice3A_842, %slice3A_843 : vector<64x1024xbf16>
    %slice3A_845 = vector.extract_strided_slice %add3A_844 {offsets = [0, 0], sizes = [32, 1024], strides = [1, 1]} : vector<64x1024xbf16> to vector<32x1024xbf16>
    %slice3A_846 = vector.extract_strided_slice %add3A_844 {offsets = [32, 0], sizes = [32, 1024], strides = [1, 1]} : vector<64x1024xbf16> to vector<32x1024xbf16>
    %add3A_847 = arith.addf %slice3A_845, %slice3A_846 : vector<32x1024xbf16>
    %convert_element_type3A_848 = arith.extf %add3A_847 : vector<32x1024xbf16> to vector<32x1024xf32>
    %slice3A_849 = vector.extract_strided_slice %convert_element_type3A_848 {offsets = [0, 0], sizes = [16, 1024], strides = [1, 1]} : vector<32x1024xf32> to vector<16x1024xf32>
    %slice3A_850 = vector.extract_strided_slice %convert_element_type3A_848 {offsets = [16, 0], sizes = [16, 1024], strides = [1, 1]} : vector<32x1024xf32> to vector<16x1024xf32>
    %add3A_851 = arith.addf %slice3A_849, %slice3A_850 : vector<16x1024xf32>
    %slice3A_852 = vector.extract_strided_slice %add3A_851 {offsets = [0, 0], sizes = [8, 1024], strides = [1, 1]} : vector<16x1024xf32> to vector<8x1024xf32>
    %slice3A_853 = vector.extract_strided_slice %add3A_851 {offsets = [8, 0], sizes = [8, 1024], strides = [1, 1]} : vector<16x1024xf32> to vector<8x1024xf32>
    %add3A_854 = arith.addf %slice3A_852, %slice3A_853 : vector<8x1024xf32>
    %reduce_sum3A_855 = arith.constant dense<0.000000e+00> : vector<1024xf32>
    %reduce_sum3A_856 = vector.multi_reduction <add>, %add3A_854, %reduce_sum3A_855 [0] : vector<8x1024xf32> to vector<1024xf32>
    %broadcast_in_dim3A_857 = vector.shape_cast %reduce_sum3A_856 : vector<1024xf32> to vector<1x1024xf32>
    %convert_element_type3A_858 = arith.truncf %broadcast_in_dim3A_857 : vector<1x1024xf32> to vector<1x1024xbf16>
    %get3A_859 = arith.constant 31 : index
    %get3A_860 = arith.constant 0 : index
    %get3A_861 = vector.load %arg2[%get3A_859, %get3A_860] : memref<64x128xf32, #tpu.memory_space<vmem>>, vector<1x128xf32>
    %transpose3A_862 = tpu.transpose %get3A_861, [1, 0] : vector<1x128xf32> -> vector<128x1xf32>
    %get3A_863 = arith.constant 0 : index
    %get3A_864 = arith.constant 0 : index
    %get3A_865 = vector.load %arg1[%get3A_863, %get3A_864] : memref<128x1024xbf16, #tpu.memory_space<vmem>>, vector<128x1024xbf16>
    %convert_element_type3A_866 = arith.truncf %transpose3A_862 : vector<128x1xf32> to vector<128x1xbf16>
    %sub3A_867 = vector.broadcast %convert_element_type3A_866 : vector<128x1xbf16> to vector<128x1024xbf16>
    %sub3A_868 = arith.subf %get3A_865, %sub3A_867 : vector<128x1024xbf16>
    %abs3A_869 = math.absf %sub3A_868 : vector<128x1024xbf16>
    %slice3A_870 = vector.extract_strided_slice %abs3A_869 {offsets = [0, 0], sizes = [64, 1024], strides = [1, 1]} : vector<128x1024xbf16> to vector<64x1024xbf16>
    %slice3A_871 = vector.extract_strided_slice %abs3A_869 {offsets = [64, 0], sizes = [64, 1024], strides = [1, 1]} : vector<128x1024xbf16> to vector<64x1024xbf16>
    %add3A_872 = arith.addf %slice3A_870, %slice3A_871 : vector<64x1024xbf16>
    %slice3A_873 = vector.extract_strided_slice %add3A_872 {offsets = [0, 0], sizes = [32, 1024], strides = [1, 1]} : vector<64x1024xbf16> to vector<32x1024xbf16>
    %slice3A_874 = vector.extract_strided_slice %add3A_872 {offsets = [32, 0], sizes = [32, 1024], strides = [1, 1]} : vector<64x1024xbf16> to vector<32x1024xbf16>
    %add3A_875 = arith.addf %slice3A_873, %slice3A_874 : vector<32x1024xbf16>
    %convert_element_type3A_876 = arith.extf %add3A_875 : vector<32x1024xbf16> to vector<32x1024xf32>
    %slice3A_877 = vector.extract_strided_slice %convert_element_type3A_876 {offsets = [0, 0], sizes = [16, 1024], strides = [1, 1]} : vector<32x1024xf32> to vector<16x1024xf32>
    %slice3A_878 = vector.extract_strided_slice %convert_element_type3A_876 {offsets = [16, 0], sizes = [16, 1024], strides = [1, 1]} : vector<32x1024xf32> to vector<16x1024xf32>
    %add3A_879 = arith.addf %slice3A_877, %slice3A_878 : vector<16x1024xf32>
    %slice3A_880 = vector.extract_strided_slice %add3A_879 {offsets = [0, 0], sizes = [8, 1024], strides = [1, 1]} : vector<16x1024xf32> to vector<8x1024xf32>
    %slice3A_881 = vector.extract_strided_slice %add3A_879 {offsets = [8, 0], sizes = [8, 1024], strides = [1, 1]} : vector<16x1024xf32> to vector<8x1024xf32>
    %add3A_882 = arith.addf %slice3A_880, %slice3A_881 : vector<8x1024xf32>
    %reduce_sum3A_883 = arith.constant dense<0.000000e+00> : vector<1024xf32>
    %reduce_sum3A_884 = vector.multi_reduction <add>, %add3A_882, %reduce_sum3A_883 [0] : vector<8x1024xf32> to vector<1024xf32>
    %broadcast_in_dim3A_885 = vector.shape_cast %reduce_sum3A_884 : vector<1024xf32> to vector<1x1024xf32>
    %convert_element_type3A_886 = arith.truncf %broadcast_in_dim3A_885 : vector<1x1024xf32> to vector<1x1024xbf16>
    %get3A_887 = arith.constant 32 : index
    %get3A_888 = arith.constant 0 : index
    %get3A_889 = vector.load %arg2[%get3A_887, %get3A_888] : memref<64x128xf32, #tpu.memory_space<vmem>>, vector<1x128xf32>
    %transpose3A_890 = tpu.transpose %get3A_889, [1, 0] : vector<1x128xf32> -> vector<128x1xf32>
    %get3A_891 = arith.constant 0 : index
    %get3A_892 = arith.constant 0 : index
    %get3A_893 = vector.load %arg1[%get3A_891, %get3A_892] : memref<128x1024xbf16, #tpu.memory_space<vmem>>, vector<128x1024xbf16>
    %convert_element_type3A_894 = arith.truncf %transpose3A_890 : vector<128x1xf32> to vector<128x1xbf16>
    %sub3A_895 = vector.broadcast %convert_element_type3A_894 : vector<128x1xbf16> to vector<128x1024xbf16>
    %sub3A_896 = arith.subf %get3A_893, %sub3A_895 : vector<128x1024xbf16>
    %abs3A_897 = math.absf %sub3A_896 : vector<128x1024xbf16>
    %slice3A_898 = vector.extract_strided_slice %abs3A_897 {offsets = [0, 0], sizes = [64, 1024], strides = [1, 1]} : vector<128x1024xbf16> to vector<64x1024xbf16>
    %slice3A_899 = vector.extract_strided_slice %abs3A_897 {offsets = [64, 0], sizes = [64, 1024], strides = [1, 1]} : vector<128x1024xbf16> to vector<64x1024xbf16>
    %add3A_900 = arith.addf %slice3A_898, %slice3A_899 : vector<64x1024xbf16>
    %slice3A_901 = vector.extract_strided_slice %add3A_900 {offsets = [0, 0], sizes = [32, 1024], strides = [1, 1]} : vector<64x1024xbf16> to vector<32x1024xbf16>
    %slice3A_902 = vector.extract_strided_slice %add3A_900 {offsets = [32, 0], sizes = [32, 1024], strides = [1, 1]} : vector<64x1024xbf16> to vector<32x1024xbf16>
    %add3A_903 = arith.addf %slice3A_901, %slice3A_902 : vector<32x1024xbf16>
    %convert_element_type3A_904 = arith.extf %add3A_903 : vector<32x1024xbf16> to vector<32x1024xf32>
    %slice3A_905 = vector.extract_strided_slice %convert_element_type3A_904 {offsets = [0, 0], sizes = [16, 1024], strides = [1, 1]} : vector<32x1024xf32> to vector<16x1024xf32>
    %slice3A_906 = vector.extract_strided_slice %convert_element_type3A_904 {offsets = [16, 0], sizes = [16, 1024], strides = [1, 1]} : vector<32x1024xf32> to vector<16x1024xf32>
    %add3A_907 = arith.addf %slice3A_905, %slice3A_906 : vector<16x1024xf32>
    %slice3A_908 = vector.extract_strided_slice %add3A_907 {offsets = [0, 0], sizes = [8, 1024], strides = [1, 1]} : vector<16x1024xf32> to vector<8x1024xf32>
    %slice3A_909 = vector.extract_strided_slice %add3A_907 {offsets = [8, 0], sizes = [8, 1024], strides = [1, 1]} : vector<16x1024xf32> to vector<8x1024xf32>
    %add3A_910 = arith.addf %slice3A_908, %slice3A_909 : vector<8x1024xf32>
    %reduce_sum3A_911 = arith.constant dense<0.000000e+00> : vector<1024xf32>
    %reduce_sum3A_912 = vector.multi_reduction <add>, %add3A_910, %reduce_sum3A_911 [0] : vector<8x1024xf32> to vector<1024xf32>
    %broadcast_in_dim3A_913 = vector.shape_cast %reduce_sum3A_912 : vector<1024xf32> to vector<1x1024xf32>
    %convert_element_type3A_914 = arith.truncf %broadcast_in_dim3A_913 : vector<1x1024xf32> to vector<1x1024xbf16>
    %get3A_915 = arith.constant 33 : index
    %get3A_916 = arith.constant 0 : index
    %get3A_917 = vector.load %arg2[%get3A_915, %get3A_916] : memref<64x128xf32, #tpu.memory_space<vmem>>, vector<1x128xf32>
    %transpose3A_918 = tpu.transpose %get3A_917, [1, 0] : vector<1x128xf32> -> vector<128x1xf32>
    %get3A_919 = arith.constant 0 : index
    %get3A_920 = arith.constant 0 : index
    %get3A_921 = vector.load %arg1[%get3A_919, %get3A_920] : memref<128x1024xbf16, #tpu.memory_space<vmem>>, vector<128x1024xbf16>
    %convert_element_type3A_922 = arith.truncf %transpose3A_918 : vector<128x1xf32> to vector<128x1xbf16>
    %sub3A_923 = vector.broadcast %convert_element_type3A_922 : vector<128x1xbf16> to vector<128x1024xbf16>
    %sub3A_924 = arith.subf %get3A_921, %sub3A_923 : vector<128x1024xbf16>
    %abs3A_925 = math.absf %sub3A_924 : vector<128x1024xbf16>
    %slice3A_926 = vector.extract_strided_slice %abs3A_925 {offsets = [0, 0], sizes = [64, 1024], strides = [1, 1]} : vector<128x1024xbf16> to vector<64x1024xbf16>
    %slice3A_927 = vector.extract_strided_slice %abs3A_925 {offsets = [64, 0], sizes = [64, 1024], strides = [1, 1]} : vector<128x1024xbf16> to vector<64x1024xbf16>
    %add3A_928 = arith.addf %slice3A_926, %slice3A_927 : vector<64x1024xbf16>
    %slice3A_929 = vector.extract_strided_slice %add3A_928 {offsets = [0, 0], sizes = [32, 1024], strides = [1, 1]} : vector<64x1024xbf16> to vector<32x1024xbf16>
    %slice3A_930 = vector.extract_strided_slice %add3A_928 {offsets = [32, 0], sizes = [32, 1024], strides = [1, 1]} : vector<64x1024xbf16> to vector<32x1024xbf16>
    %add3A_931 = arith.addf %slice3A_929, %slice3A_930 : vector<32x1024xbf16>
    %convert_element_type3A_932 = arith.extf %add3A_931 : vector<32x1024xbf16> to vector<32x1024xf32>
    %slice3A_933 = vector.extract_strided_slice %convert_element_type3A_932 {offsets = [0, 0], sizes = [16, 1024], strides = [1, 1]} : vector<32x1024xf32> to vector<16x1024xf32>
    %slice3A_934 = vector.extract_strided_slice %convert_element_type3A_932 {offsets = [16, 0], sizes = [16, 1024], strides = [1, 1]} : vector<32x1024xf32> to vector<16x1024xf32>
    %add3A_935 = arith.addf %slice3A_933, %slice3A_934 : vector<16x1024xf32>
    %slice3A_936 = vector.extract_strided_slice %add3A_935 {offsets = [0, 0], sizes = [8, 1024], strides = [1, 1]} : vector<16x1024xf32> to vector<8x1024xf32>
    %slice3A_937 = vector.extract_strided_slice %add3A_935 {offsets = [8, 0], sizes = [8, 1024], strides = [1, 1]} : vector<16x1024xf32> to vector<8x1024xf32>
    %add3A_938 = arith.addf %slice3A_936, %slice3A_937 : vector<8x1024xf32>
    %reduce_sum3A_939 = arith.constant dense<0.000000e+00> : vector<1024xf32>
    %reduce_sum3A_940 = vector.multi_reduction <add>, %add3A_938, %reduce_sum3A_939 [0] : vector<8x1024xf32> to vector<1024xf32>
    %broadcast_in_dim3A_941 = vector.shape_cast %reduce_sum3A_940 : vector<1024xf32> to vector<1x1024xf32>
    %convert_element_type3A_942 = arith.truncf %broadcast_in_dim3A_941 : vector<1x1024xf32> to vector<1x1024xbf16>
    %get3A_943 = arith.constant 34 : index
    %get3A_944 = arith.constant 0 : index
    %get3A_945 = vector.load %arg2[%get3A_943, %get3A_944] : memref<64x128xf32, #tpu.memory_space<vmem>>, vector<1x128xf32>
    %transpose3A_946 = tpu.transpose %get3A_945, [1, 0] : vector<1x128xf32> -> vector<128x1xf32>
    %get3A_947 = arith.constant 0 : index
    %get3A_948 = arith.constant 0 : index
    %get3A_949 = vector.load %arg1[%get3A_947, %get3A_948] : memref<128x1024xbf16, #tpu.memory_space<vmem>>, vector<128x1024xbf16>
    %convert_element_type3A_950 = arith.truncf %transpose3A_946 : vector<128x1xf32> to vector<128x1xbf16>
    %sub3A_951 = vector.broadcast %convert_element_type3A_950 : vector<128x1xbf16> to vector<128x1024xbf16>
    %sub3A_952 = arith.subf %get3A_949, %sub3A_951 : vector<128x1024xbf16>
    %abs3A_953 = math.absf %sub3A_952 : vector<128x1024xbf16>
    %slice3A_954 = vector.extract_strided_slice %abs3A_953 {offsets = [0, 0], sizes = [64, 1024], strides = [1, 1]} : vector<128x1024xbf16> to vector<64x1024xbf16>
    %slice3A_955 = vector.extract_strided_slice %abs3A_953 {offsets = [64, 0], sizes = [64, 1024], strides = [1, 1]} : vector<128x1024xbf16> to vector<64x1024xbf16>
    %add3A_956 = arith.addf %slice3A_954, %slice3A_955 : vector<64x1024xbf16>
    %slice3A_957 = vector.extract_strided_slice %add3A_956 {offsets = [0, 0], sizes = [32, 1024], strides = [1, 1]} : vector<64x1024xbf16> to vector<32x1024xbf16>
    %slice3A_958 = vector.extract_strided_slice %add3A_956 {offsets = [32, 0], sizes = [32, 1024], strides = [1, 1]} : vector<64x1024xbf16> to vector<32x1024xbf16>
    %add3A_959 = arith.addf %slice3A_957, %slice3A_958 : vector<32x1024xbf16>
    %convert_element_type3A_960 = arith.extf %add3A_959 : vector<32x1024xbf16> to vector<32x1024xf32>
    %slice3A_961 = vector.extract_strided_slice %convert_element_type3A_960 {offsets = [0, 0], sizes = [16, 1024], strides = [1, 1]} : vector<32x1024xf32> to vector<16x1024xf32>
    %slice3A_962 = vector.extract_strided_slice %convert_element_type3A_960 {offsets = [16, 0], sizes = [16, 1024], strides = [1, 1]} : vector<32x1024xf32> to vector<16x1024xf32>
    %add3A_963 = arith.addf %slice3A_961, %slice3A_962 : vector<16x1024xf32>
    %slice3A_964 = vector.extract_strided_slice %add3A_963 {offsets = [0, 0], sizes = [8, 1024], strides = [1, 1]} : vector<16x1024xf32> to vector<8x1024xf32>
    %slice3A_965 = vector.extract_strided_slice %add3A_963 {offsets = [8, 0], sizes = [8, 1024], strides = [1, 1]} : vector<16x1024xf32> to vector<8x1024xf32>
    %add3A_966 = arith.addf %slice3A_964, %slice3A_965 : vector<8x1024xf32>
    %reduce_sum3A_967 = arith.constant dense<0.000000e+00> : vector<1024xf32>
    %reduce_sum3A_968 = vector.multi_reduction <add>, %add3A_966, %reduce_sum3A_967 [0] : vector<8x1024xf32> to vector<1024xf32>
    %broadcast_in_dim3A_969 = vector.shape_cast %reduce_sum3A_968 : vector<1024xf32> to vector<1x1024xf32>
    %convert_element_type3A_970 = arith.truncf %broadcast_in_dim3A_969 : vector<1x1024xf32> to vector<1x1024xbf16>
    %get3A_971 = arith.constant 35 : index
    %get3A_972 = arith.constant 0 : index
    %get3A_973 = vector.load %arg2[%get3A_971, %get3A_972] : memref<64x128xf32, #tpu.memory_space<vmem>>, vector<1x128xf32>
    %transpose3A_974 = tpu.transpose %get3A_973, [1, 0] : vector<1x128xf32> -> vector<128x1xf32>
    %get3A_975 = arith.constant 0 : index
    %get3A_976 = arith.constant 0 : index
    %get3A_977 = vector.load %arg1[%get3A_975, %get3A_976] : memref<128x1024xbf16, #tpu.memory_space<vmem>>, vector<128x1024xbf16>
    %convert_element_type3A_978 = arith.truncf %transpose3A_974 : vector<128x1xf32> to vector<128x1xbf16>
    %sub3A_979 = vector.broadcast %convert_element_type3A_978 : vector<128x1xbf16> to vector<128x1024xbf16>
    %sub3A_980 = arith.subf %get3A_977, %sub3A_979 : vector<128x1024xbf16>
    %abs3A_981 = math.absf %sub3A_980 : vector<128x1024xbf16>
    %slice3A_982 = vector.extract_strided_slice %abs3A_981 {offsets = [0, 0], sizes = [64, 1024], strides = [1, 1]} : vector<128x1024xbf16> to vector<64x1024xbf16>
    %slice3A_983 = vector.extract_strided_slice %abs3A_981 {offsets = [64, 0], sizes = [64, 1024], strides = [1, 1]} : vector<128x1024xbf16> to vector<64x1024xbf16>
    %add3A_984 = arith.addf %slice3A_982, %slice3A_983 : vector<64x1024xbf16>
    %slice3A_985 = vector.extract_strided_slice %add3A_984 {offsets = [0, 0], sizes = [32, 1024], strides = [1, 1]} : vector<64x1024xbf16> to vector<32x1024xbf16>
    %slice3A_986 = vector.extract_strided_slice %add3A_984 {offsets = [32, 0], sizes = [32, 1024], strides = [1, 1]} : vector<64x1024xbf16> to vector<32x1024xbf16>
    %add3A_987 = arith.addf %slice3A_985, %slice3A_986 : vector<32x1024xbf16>
    %convert_element_type3A_988 = arith.extf %add3A_987 : vector<32x1024xbf16> to vector<32x1024xf32>
    %slice3A_989 = vector.extract_strided_slice %convert_element_type3A_988 {offsets = [0, 0], sizes = [16, 1024], strides = [1, 1]} : vector<32x1024xf32> to vector<16x1024xf32>
    %slice3A_990 = vector.extract_strided_slice %convert_element_type3A_988 {offsets = [16, 0], sizes = [16, 1024], strides = [1, 1]} : vector<32x1024xf32> to vector<16x1024xf32>
    %add3A_991 = arith.addf %slice3A_989, %slice3A_990 : vector<16x1024xf32>
    %slice3A_992 = vector.extract_strided_slice %add3A_991 {offsets = [0, 0], sizes = [8, 1024], strides = [1, 1]} : vector<16x1024xf32> to vector<8x1024xf32>
    %slice3A_993 = vector.extract_strided_slice %add3A_991 {offsets = [8, 0], sizes = [8, 1024], strides = [1, 1]} : vector<16x1024xf32> to vector<8x1024xf32>
    %add3A_994 = arith.addf %slice3A_992, %slice3A_993 : vector<8x1024xf32>
    %reduce_sum3A_995 = arith.constant dense<0.000000e+00> : vector<1024xf32>
    %reduce_sum3A_996 = vector.multi_reduction <add>, %add3A_994, %reduce_sum3A_995 [0] : vector<8x1024xf32> to vector<1024xf32>
    %broadcast_in_dim3A_997 = vector.shape_cast %reduce_sum3A_996 : vector<1024xf32> to vector<1x1024xf32>
    %convert_element_type3A_998 = arith.truncf %broadcast_in_dim3A_997 : vector<1x1024xf32> to vector<1x1024xbf16>
    %get3A_999 = arith.constant 36 : index
    %get3A_1000 = arith.constant 0 : index
    %get3A_1001 = vector.load %arg2[%get3A_999, %get3A_1000] : memref<64x128xf32, #tpu.memory_space<vmem>>, vector<1x128xf32>
    %transpose3A_1002 = tpu.transpose %get3A_1001, [1, 0] : vector<1x128xf32> -> vector<128x1xf32>
    %get3A_1003 = arith.constant 0 : index
    %get3A_1004 = arith.constant 0 : index
    %get3A_1005 = vector.load %arg1[%get3A_1003, %get3A_1004] : memref<128x1024xbf16, #tpu.memory_space<vmem>>, vector<128x1024xbf16>
    %convert_element_type3A_1006 = arith.truncf %transpose3A_1002 : vector<128x1xf32> to vector<128x1xbf16>
    %sub3A_1007 = vector.broadcast %convert_element_type3A_1006 : vector<128x1xbf16> to vector<128x1024xbf16>
    %sub3A_1008 = arith.subf %get3A_1005, %sub3A_1007 : vector<128x1024xbf16>
    %abs3A_1009 = math.absf %sub3A_1008 : vector<128x1024xbf16>
    %slice3A_1010 = vector.extract_strided_slice %abs3A_1009 {offsets = [0, 0], sizes = [64, 1024], strides = [1, 1]} : vector<128x1024xbf16> to vector<64x1024xbf16>
    %slice3A_1011 = vector.extract_strided_slice %abs3A_1009 {offsets = [64, 0], sizes = [64, 1024], strides = [1, 1]} : vector<128x1024xbf16> to vector<64x1024xbf16>
    %add3A_1012 = arith.addf %slice3A_1010, %slice3A_1011 : vector<64x1024xbf16>
    %slice3A_1013 = vector.extract_strided_slice %add3A_1012 {offsets = [0, 0], sizes = [32, 1024], strides = [1, 1]} : vector<64x1024xbf16> to vector<32x1024xbf16>
    %slice3A_1014 = vector.extract_strided_slice %add3A_1012 {offsets = [32, 0], sizes = [32, 1024], strides = [1, 1]} : vector<64x1024xbf16> to vector<32x1024xbf16>
    %add3A_1015 = arith.addf %slice3A_1013, %slice3A_1014 : vector<32x1024xbf16>
    %convert_element_type3A_1016 = arith.extf %add3A_1015 : vector<32x1024xbf16> to vector<32x1024xf32>
    %slice3A_1017 = vector.extract_strided_slice %convert_element_type3A_1016 {offsets = [0, 0], sizes = [16, 1024], strides = [1, 1]} : vector<32x1024xf32> to vector<16x1024xf32>
    %slice3A_1018 = vector.extract_strided_slice %convert_element_type3A_1016 {offsets = [16, 0], sizes = [16, 1024], strides = [1, 1]} : vector<32x1024xf32> to vector<16x1024xf32>
    %add3A_1019 = arith.addf %slice3A_1017, %slice3A_1018 : vector<16x1024xf32>
    %slice3A_1020 = vector.extract_strided_slice %add3A_1019 {offsets = [0, 0], sizes = [8, 1024], strides = [1, 1]} : vector<16x1024xf32> to vector<8x1024xf32>
    %slice3A_1021 = vector.extract_strided_slice %add3A_1019 {offsets = [8, 0], sizes = [8, 1024], strides = [1, 1]} : vector<16x1024xf32> to vector<8x1024xf32>
    %add3A_1022 = arith.addf %slice3A_1020, %slice3A_1021 : vector<8x1024xf32>
    %reduce_sum3A_1023 = arith.constant dense<0.000000e+00> : vector<1024xf32>
    %reduce_sum3A_1024 = vector.multi_reduction <add>, %add3A_1022, %reduce_sum3A_1023 [0] : vector<8x1024xf32> to vector<1024xf32>
    %broadcast_in_dim3A_1025 = vector.shape_cast %reduce_sum3A_1024 : vector<1024xf32> to vector<1x1024xf32>
    %convert_element_type3A_1026 = arith.truncf %broadcast_in_dim3A_1025 : vector<1x1024xf32> to vector<1x1024xbf16>
    %get3A_1027 = arith.constant 37 : index
    %get3A_1028 = arith.constant 0 : index
    %get3A_1029 = vector.load %arg2[%get3A_1027, %get3A_1028] : memref<64x128xf32, #tpu.memory_space<vmem>>, vector<1x128xf32>
    %transpose3A_1030 = tpu.transpose %get3A_1029, [1, 0] : vector<1x128xf32> -> vector<128x1xf32>
    %get3A_1031 = arith.constant 0 : index
    %get3A_1032 = arith.constant 0 : index
    %get3A_1033 = vector.load %arg1[%get3A_1031, %get3A_1032] : memref<128x1024xbf16, #tpu.memory_space<vmem>>, vector<128x1024xbf16>
    %convert_element_type3A_1034 = arith.truncf %transpose3A_1030 : vector<128x1xf32> to vector<128x1xbf16>
    %sub3A_1035 = vector.broadcast %convert_element_type3A_1034 : vector<128x1xbf16> to vector<128x1024xbf16>
    %sub3A_1036 = arith.subf %get3A_1033, %sub3A_1035 : vector<128x1024xbf16>
    %abs3A_1037 = math.absf %sub3A_1036 : vector<128x1024xbf16>
    %slice3A_1038 = vector.extract_strided_slice %abs3A_1037 {offsets = [0, 0], sizes = [64, 1024], strides = [1, 1]} : vector<128x1024xbf16> to vector<64x1024xbf16>
    %slice3A_1039 = vector.extract_strided_slice %abs3A_1037 {offsets = [64, 0], sizes = [64, 1024], strides = [1, 1]} : vector<128x1024xbf16> to vector<64x1024xbf16>
    %add3A_1040 = arith.addf %slice3A_1038, %slice3A_1039 : vector<64x1024xbf16>
    %slice3A_1041 = vector.extract_strided_slice %add3A_1040 {offsets = [0, 0], sizes = [32, 1024], strides = [1, 1]} : vector<64x1024xbf16> to vector<32x1024xbf16>
    %slice3A_1042 = vector.extract_strided_slice %add3A_1040 {offsets = [32, 0], sizes = [32, 1024], strides = [1, 1]} : vector<64x1024xbf16> to vector<32x1024xbf16>
    %add3A_1043 = arith.addf %slice3A_1041, %slice3A_1042 : vector<32x1024xbf16>
    %convert_element_type3A_1044 = arith.extf %add3A_1043 : vector<32x1024xbf16> to vector<32x1024xf32>
    %slice3A_1045 = vector.extract_strided_slice %convert_element_type3A_1044 {offsets = [0, 0], sizes = [16, 1024], strides = [1, 1]} : vector<32x1024xf32> to vector<16x1024xf32>
    %slice3A_1046 = vector.extract_strided_slice %convert_element_type3A_1044 {offsets = [16, 0], sizes = [16, 1024], strides = [1, 1]} : vector<32x1024xf32> to vector<16x1024xf32>
    %add3A_1047 = arith.addf %slice3A_1045, %slice3A_1046 : vector<16x1024xf32>
    %slice3A_1048 = vector.extract_strided_slice %add3A_1047 {offsets = [0, 0], sizes = [8, 1024], strides = [1, 1]} : vector<16x1024xf32> to vector<8x1024xf32>
    %slice3A_1049 = vector.extract_strided_slice %add3A_1047 {offsets = [8, 0], sizes = [8, 1024], strides = [1, 1]} : vector<16x1024xf32> to vector<8x1024xf32>
    %add3A_1050 = arith.addf %slice3A_1048, %slice3A_1049 : vector<8x1024xf32>
    %reduce_sum3A_1051 = arith.constant dense<0.000000e+00> : vector<1024xf32>
    %reduce_sum3A_1052 = vector.multi_reduction <add>, %add3A_1050, %reduce_sum3A_1051 [0] : vector<8x1024xf32> to vector<1024xf32>
    %broadcast_in_dim3A_1053 = vector.shape_cast %reduce_sum3A_1052 : vector<1024xf32> to vector<1x1024xf32>
    %convert_element_type3A_1054 = arith.truncf %broadcast_in_dim3A_1053 : vector<1x1024xf32> to vector<1x1024xbf16>
    %get3A_1055 = arith.constant 38 : index
    %get3A_1056 = arith.constant 0 : index
    %get3A_1057 = vector.load %arg2[%get3A_1055, %get3A_1056] : memref<64x128xf32, #tpu.memory_space<vmem>>, vector<1x128xf32>
    %transpose3A_1058 = tpu.transpose %get3A_1057, [1, 0] : vector<1x128xf32> -> vector<128x1xf32>
    %get3A_1059 = arith.constant 0 : index
    %get3A_1060 = arith.constant 0 : index
    %get3A_1061 = vector.load %arg1[%get3A_1059, %get3A_1060] : memref<128x1024xbf16, #tpu.memory_space<vmem>>, vector<128x1024xbf16>
    %convert_element_type3A_1062 = arith.truncf %transpose3A_1058 : vector<128x1xf32> to vector<128x1xbf16>
    %sub3A_1063 = vector.broadcast %convert_element_type3A_1062 : vector<128x1xbf16> to vector<128x1024xbf16>
    %sub3A_1064 = arith.subf %get3A_1061, %sub3A_1063 : vector<128x1024xbf16>
    %abs3A_1065 = math.absf %sub3A_1064 : vector<128x1024xbf16>
    %slice3A_1066 = vector.extract_strided_slice %abs3A_1065 {offsets = [0, 0], sizes = [64, 1024], strides = [1, 1]} : vector<128x1024xbf16> to vector<64x1024xbf16>
    %slice3A_1067 = vector.extract_strided_slice %abs3A_1065 {offsets = [64, 0], sizes = [64, 1024], strides = [1, 1]} : vector<128x1024xbf16> to vector<64x1024xbf16>
    %add3A_1068 = arith.addf %slice3A_1066, %slice3A_1067 : vector<64x1024xbf16>
    %slice3A_1069 = vector.extract_strided_slice %add3A_1068 {offsets = [0, 0], sizes = [32, 1024], strides = [1, 1]} : vector<64x1024xbf16> to vector<32x1024xbf16>
    %slice3A_1070 = vector.extract_strided_slice %add3A_1068 {offsets = [32, 0], sizes = [32, 1024], strides = [1, 1]} : vector<64x1024xbf16> to vector<32x1024xbf16>
    %add3A_1071 = arith.addf %slice3A_1069, %slice3A_1070 : vector<32x1024xbf16>
    %convert_element_type3A_1072 = arith.extf %add3A_1071 : vector<32x1024xbf16> to vector<32x1024xf32>
    %slice3A_1073 = vector.extract_strided_slice %convert_element_type3A_1072 {offsets = [0, 0], sizes = [16, 1024], strides = [1, 1]} : vector<32x1024xf32> to vector<16x1024xf32>
    %slice3A_1074 = vector.extract_strided_slice %convert_element_type3A_1072 {offsets = [16, 0], sizes = [16, 1024], strides = [1, 1]} : vector<32x1024xf32> to vector<16x1024xf32>
    %add3A_1075 = arith.addf %slice3A_1073, %slice3A_1074 : vector<16x1024xf32>
    %slice3A_1076 = vector.extract_strided_slice %add3A_1075 {offsets = [0, 0], sizes = [8, 1024], strides = [1, 1]} : vector<16x1024xf32> to vector<8x1024xf32>
    %slice3A_1077 = vector.extract_strided_slice %add3A_1075 {offsets = [8, 0], sizes = [8, 1024], strides = [1, 1]} : vector<16x1024xf32> to vector<8x1024xf32>
    %add3A_1078 = arith.addf %slice3A_1076, %slice3A_1077 : vector<8x1024xf32>
    %reduce_sum3A_1079 = arith.constant dense<0.000000e+00> : vector<1024xf32>
    %reduce_sum3A_1080 = vector.multi_reduction <add>, %add3A_1078, %reduce_sum3A_1079 [0] : vector<8x1024xf32> to vector<1024xf32>
    %broadcast_in_dim3A_1081 = vector.shape_cast %reduce_sum3A_1080 : vector<1024xf32> to vector<1x1024xf32>
    %convert_element_type3A_1082 = arith.truncf %broadcast_in_dim3A_1081 : vector<1x1024xf32> to vector<1x1024xbf16>
    %get3A_1083 = arith.constant 39 : index
    %get3A_1084 = arith.constant 0 : index
    %get3A_1085 = vector.load %arg2[%get3A_1083, %get3A_1084] : memref<64x128xf32, #tpu.memory_space<vmem>>, vector<1x128xf32>
    %transpose3A_1086 = tpu.transpose %get3A_1085, [1, 0] : vector<1x128xf32> -> vector<128x1xf32>
    %get3A_1087 = arith.constant 0 : index
    %get3A_1088 = arith.constant 0 : index
    %get3A_1089 = vector.load %arg1[%get3A_1087, %get3A_1088] : memref<128x1024xbf16, #tpu.memory_space<vmem>>, vector<128x1024xbf16>
    %convert_element_type3A_1090 = arith.truncf %transpose3A_1086 : vector<128x1xf32> to vector<128x1xbf16>
    %sub3A_1091 = vector.broadcast %convert_element_type3A_1090 : vector<128x1xbf16> to vector<128x1024xbf16>
    %sub3A_1092 = arith.subf %get3A_1089, %sub3A_1091 : vector<128x1024xbf16>
    %abs3A_1093 = math.absf %sub3A_1092 : vector<128x1024xbf16>
    %slice3A_1094 = vector.extract_strided_slice %abs3A_1093 {offsets = [0, 0], sizes = [64, 1024], strides = [1, 1]} : vector<128x1024xbf16> to vector<64x1024xbf16>
    %slice3A_1095 = vector.extract_strided_slice %abs3A_1093 {offsets = [64, 0], sizes = [64, 1024], strides = [1, 1]} : vector<128x1024xbf16> to vector<64x1024xbf16>
    %add3A_1096 = arith.addf %slice3A_1094, %slice3A_1095 : vector<64x1024xbf16>
    %slice3A_1097 = vector.extract_strided_slice %add3A_1096 {offsets = [0, 0], sizes = [32, 1024], strides = [1, 1]} : vector<64x1024xbf16> to vector<32x1024xbf16>
    %slice3A_1098 = vector.extract_strided_slice %add3A_1096 {offsets = [32, 0], sizes = [32, 1024], strides = [1, 1]} : vector<64x1024xbf16> to vector<32x1024xbf16>
    %add3A_1099 = arith.addf %slice3A_1097, %slice3A_1098 : vector<32x1024xbf16>
    %convert_element_type3A_1100 = arith.extf %add3A_1099 : vector<32x1024xbf16> to vector<32x1024xf32>
    %slice3A_1101 = vector.extract_strided_slice %convert_element_type3A_1100 {offsets = [0, 0], sizes = [16, 1024], strides = [1, 1]} : vector<32x1024xf32> to vector<16x1024xf32>
    %slice3A_1102 = vector.extract_strided_slice %convert_element_type3A_1100 {offsets = [16, 0], sizes = [16, 1024], strides = [1, 1]} : vector<32x1024xf32> to vector<16x1024xf32>
    %add3A_1103 = arith.addf %slice3A_1101, %slice3A_1102 : vector<16x1024xf32>
    %slice3A_1104 = vector.extract_strided_slice %add3A_1103 {offsets = [0, 0], sizes = [8, 1024], strides = [1, 1]} : vector<16x1024xf32> to vector<8x1024xf32>
    %slice3A_1105 = vector.extract_strided_slice %add3A_1103 {offsets = [8, 0], sizes = [8, 1024], strides = [1, 1]} : vector<16x1024xf32> to vector<8x1024xf32>
    %add3A_1106 = arith.addf %slice3A_1104, %slice3A_1105 : vector<8x1024xf32>
    %reduce_sum3A_1107 = arith.constant dense<0.000000e+00> : vector<1024xf32>
    %reduce_sum3A_1108 = vector.multi_reduction <add>, %add3A_1106, %reduce_sum3A_1107 [0] : vector<8x1024xf32> to vector<1024xf32>
    %broadcast_in_dim3A_1109 = vector.shape_cast %reduce_sum3A_1108 : vector<1024xf32> to vector<1x1024xf32>
    %convert_element_type3A_1110 = arith.truncf %broadcast_in_dim3A_1109 : vector<1x1024xf32> to vector<1x1024xbf16>
    %get3A_1111 = arith.constant 40 : index
    %get3A_1112 = arith.constant 0 : index
    %get3A_1113 = vector.load %arg2[%get3A_1111, %get3A_1112] : memref<64x128xf32, #tpu.memory_space<vmem>>, vector<1x128xf32>
    %transpose3A_1114 = tpu.transpose %get3A_1113, [1, 0] : vector<1x128xf32> -> vector<128x1xf32>
    %get3A_1115 = arith.constant 0 : index
    %get3A_1116 = arith.constant 0 : index
    %get3A_1117 = vector.load %arg1[%get3A_1115, %get3A_1116] : memref<128x1024xbf16, #tpu.memory_space<vmem>>, vector<128x1024xbf16>
    %convert_element_type3A_1118 = arith.truncf %transpose3A_1114 : vector<128x1xf32> to vector<128x1xbf16>
    %sub3A_1119 = vector.broadcast %convert_element_type3A_1118 : vector<128x1xbf16> to vector<128x1024xbf16>
    %sub3A_1120 = arith.subf %get3A_1117, %sub3A_1119 : vector<128x1024xbf16>
    %abs3A_1121 = math.absf %sub3A_1120 : vector<128x1024xbf16>
    %slice3A_1122 = vector.extract_strided_slice %abs3A_1121 {offsets = [0, 0], sizes = [64, 1024], strides = [1, 1]} : vector<128x1024xbf16> to vector<64x1024xbf16>
    %slice3A_1123 = vector.extract_strided_slice %abs3A_1121 {offsets = [64, 0], sizes = [64, 1024], strides = [1, 1]} : vector<128x1024xbf16> to vector<64x1024xbf16>
    %add3A_1124 = arith.addf %slice3A_1122, %slice3A_1123 : vector<64x1024xbf16>
    %slice3A_1125 = vector.extract_strided_slice %add3A_1124 {offsets = [0, 0], sizes = [32, 1024], strides = [1, 1]} : vector<64x1024xbf16> to vector<32x1024xbf16>
    %slice3A_1126 = vector.extract_strided_slice %add3A_1124 {offsets = [32, 0], sizes = [32, 1024], strides = [1, 1]} : vector<64x1024xbf16> to vector<32x1024xbf16>
    %add3A_1127 = arith.addf %slice3A_1125, %slice3A_1126 : vector<32x1024xbf16>
    %convert_element_type3A_1128 = arith.extf %add3A_1127 : vector<32x1024xbf16> to vector<32x1024xf32>
    %slice3A_1129 = vector.extract_strided_slice %convert_element_type3A_1128 {offsets = [0, 0], sizes = [16, 1024], strides = [1, 1]} : vector<32x1024xf32> to vector<16x1024xf32>
    %slice3A_1130 = vector.extract_strided_slice %convert_element_type3A_1128 {offsets = [16, 0], sizes = [16, 1024], strides = [1, 1]} : vector<32x1024xf32> to vector<16x1024xf32>
    %add3A_1131 = arith.addf %slice3A_1129, %slice3A_1130 : vector<16x1024xf32>
    %slice3A_1132 = vector.extract_strided_slice %add3A_1131 {offsets = [0, 0], sizes = [8, 1024], strides = [1, 1]} : vector<16x1024xf32> to vector<8x1024xf32>
    %slice3A_1133 = vector.extract_strided_slice %add3A_1131 {offsets = [8, 0], sizes = [8, 1024], strides = [1, 1]} : vector<16x1024xf32> to vector<8x1024xf32>
    %add3A_1134 = arith.addf %slice3A_1132, %slice3A_1133 : vector<8x1024xf32>
    %reduce_sum3A_1135 = arith.constant dense<0.000000e+00> : vector<1024xf32>
    %reduce_sum3A_1136 = vector.multi_reduction <add>, %add3A_1134, %reduce_sum3A_1135 [0] : vector<8x1024xf32> to vector<1024xf32>
    %broadcast_in_dim3A_1137 = vector.shape_cast %reduce_sum3A_1136 : vector<1024xf32> to vector<1x1024xf32>
    %convert_element_type3A_1138 = arith.truncf %broadcast_in_dim3A_1137 : vector<1x1024xf32> to vector<1x1024xbf16>
    %get3A_1139 = arith.constant 41 : index
    %get3A_1140 = arith.constant 0 : index
    %get3A_1141 = vector.load %arg2[%get3A_1139, %get3A_1140] : memref<64x128xf32, #tpu.memory_space<vmem>>, vector<1x128xf32>
    %transpose3A_1142 = tpu.transpose %get3A_1141, [1, 0] : vector<1x128xf32> -> vector<128x1xf32>
    %get3A_1143 = arith.constant 0 : index
    %get3A_1144 = arith.constant 0 : index
    %get3A_1145 = vector.load %arg1[%get3A_1143, %get3A_1144] : memref<128x1024xbf16, #tpu.memory_space<vmem>>, vector<128x1024xbf16>
    %convert_element_type3A_1146 = arith.truncf %transpose3A_1142 : vector<128x1xf32> to vector<128x1xbf16>
    %sub3A_1147 = vector.broadcast %convert_element_type3A_1146 : vector<128x1xbf16> to vector<128x1024xbf16>
    %sub3A_1148 = arith.subf %get3A_1145, %sub3A_1147 : vector<128x1024xbf16>
    %abs3A_1149 = math.absf %sub3A_1148 : vector<128x1024xbf16>
    %slice3A_1150 = vector.extract_strided_slice %abs3A_1149 {offsets = [0, 0], sizes = [64, 1024], strides = [1, 1]} : vector<128x1024xbf16> to vector<64x1024xbf16>
    %slice3A_1151 = vector.extract_strided_slice %abs3A_1149 {offsets = [64, 0], sizes = [64, 1024], strides = [1, 1]} : vector<128x1024xbf16> to vector<64x1024xbf16>
    %add3A_1152 = arith.addf %slice3A_1150, %slice3A_1151 : vector<64x1024xbf16>
    %slice3A_1153 = vector.extract_strided_slice %add3A_1152 {offsets = [0, 0], sizes = [32, 1024], strides = [1, 1]} : vector<64x1024xbf16> to vector<32x1024xbf16>
    %slice3A_1154 = vector.extract_strided_slice %add3A_1152 {offsets = [32, 0], sizes = [32, 1024], strides = [1, 1]} : vector<64x1024xbf16> to vector<32x1024xbf16>
    %add3A_1155 = arith.addf %slice3A_1153, %slice3A_1154 : vector<32x1024xbf16>
    %convert_element_type3A_1156 = arith.extf %add3A_1155 : vector<32x1024xbf16> to vector<32x1024xf32>
    %slice3A_1157 = vector.extract_strided_slice %convert_element_type3A_1156 {offsets = [0, 0], sizes = [16, 1024], strides = [1, 1]} : vector<32x1024xf32> to vector<16x1024xf32>
    %slice3A_1158 = vector.extract_strided_slice %convert_element_type3A_1156 {offsets = [16, 0], sizes = [16, 1024], strides = [1, 1]} : vector<32x1024xf32> to vector<16x1024xf32>
    %add3A_1159 = arith.addf %slice3A_1157, %slice3A_1158 : vector<16x1024xf32>
    %slice3A_1160 = vector.extract_strided_slice %add3A_1159 {offsets = [0, 0], sizes = [8, 1024], strides = [1, 1]} : vector<16x1024xf32> to vector<8x1024xf32>
    %slice3A_1161 = vector.extract_strided_slice %add3A_1159 {offsets = [8, 0], sizes = [8, 1024], strides = [1, 1]} : vector<16x1024xf32> to vector<8x1024xf32>
    %add3A_1162 = arith.addf %slice3A_1160, %slice3A_1161 : vector<8x1024xf32>
    %reduce_sum3A_1163 = arith.constant dense<0.000000e+00> : vector<1024xf32>
    %reduce_sum3A_1164 = vector.multi_reduction <add>, %add3A_1162, %reduce_sum3A_1163 [0] : vector<8x1024xf32> to vector<1024xf32>
    %broadcast_in_dim3A_1165 = vector.shape_cast %reduce_sum3A_1164 : vector<1024xf32> to vector<1x1024xf32>
    %convert_element_type3A_1166 = arith.truncf %broadcast_in_dim3A_1165 : vector<1x1024xf32> to vector<1x1024xbf16>
    %get3A_1167 = arith.constant 42 : index
    %get3A_1168 = arith.constant 0 : index
    %get3A_1169 = vector.load %arg2[%get3A_1167, %get3A_1168] : memref<64x128xf32, #tpu.memory_space<vmem>>, vector<1x128xf32>
    %transpose3A_1170 = tpu.transpose %get3A_1169, [1, 0] : vector<1x128xf32> -> vector<128x1xf32>
    %get3A_1171 = arith.constant 0 : index
    %get3A_1172 = arith.constant 0 : index
    %get3A_1173 = vector.load %arg1[%get3A_1171, %get3A_1172] : memref<128x1024xbf16, #tpu.memory_space<vmem>>, vector<128x1024xbf16>
    %convert_element_type3A_1174 = arith.truncf %transpose3A_1170 : vector<128x1xf32> to vector<128x1xbf16>
    %sub3A_1175 = vector.broadcast %convert_element_type3A_1174 : vector<128x1xbf16> to vector<128x1024xbf16>
    %sub3A_1176 = arith.subf %get3A_1173, %sub3A_1175 : vector<128x1024xbf16>
    %abs3A_1177 = math.absf %sub3A_1176 : vector<128x1024xbf16>
    %slice3A_1178 = vector.extract_strided_slice %abs3A_1177 {offsets = [0, 0], sizes = [64, 1024], strides = [1, 1]} : vector<128x1024xbf16> to vector<64x1024xbf16>
    %slice3A_1179 = vector.extract_strided_slice %abs3A_1177 {offsets = [64, 0], sizes = [64, 1024], strides = [1, 1]} : vector<128x1024xbf16> to vector<64x1024xbf16>
    %add3A_1180 = arith.addf %slice3A_1178, %slice3A_1179 : vector<64x1024xbf16>
    %slice3A_1181 = vector.extract_strided_slice %add3A_1180 {offsets = [0, 0], sizes = [32, 1024], strides = [1, 1]} : vector<64x1024xbf16> to vector<32x1024xbf16>
    %slice3A_1182 = vector.extract_strided_slice %add3A_1180 {offsets = [32, 0], sizes = [32, 1024], strides = [1, 1]} : vector<64x1024xbf16> to vector<32x1024xbf16>
    %add3A_1183 = arith.addf %slice3A_1181, %slice3A_1182 : vector<32x1024xbf16>
    %convert_element_type3A_1184 = arith.extf %add3A_1183 : vector<32x1024xbf16> to vector<32x1024xf32>
    %slice3A_1185 = vector.extract_strided_slice %convert_element_type3A_1184 {offsets = [0, 0], sizes = [16, 1024], strides = [1, 1]} : vector<32x1024xf32> to vector<16x1024xf32>
    %slice3A_1186 = vector.extract_strided_slice %convert_element_type3A_1184 {offsets = [16, 0], sizes = [16, 1024], strides = [1, 1]} : vector<32x1024xf32> to vector<16x1024xf32>
    %add3A_1187 = arith.addf %slice3A_1185, %slice3A_1186 : vector<16x1024xf32>
    %slice3A_1188 = vector.extract_strided_slice %add3A_1187 {offsets = [0, 0], sizes = [8, 1024], strides = [1, 1]} : vector<16x1024xf32> to vector<8x1024xf32>
    %slice3A_1189 = vector.extract_strided_slice %add3A_1187 {offsets = [8, 0], sizes = [8, 1024], strides = [1, 1]} : vector<16x1024xf32> to vector<8x1024xf32>
    %add3A_1190 = arith.addf %slice3A_1188, %slice3A_1189 : vector<8x1024xf32>
    %reduce_sum3A_1191 = arith.constant dense<0.000000e+00> : vector<1024xf32>
    %reduce_sum3A_1192 = vector.multi_reduction <add>, %add3A_1190, %reduce_sum3A_1191 [0] : vector<8x1024xf32> to vector<1024xf32>
    %broadcast_in_dim3A_1193 = vector.shape_cast %reduce_sum3A_1192 : vector<1024xf32> to vector<1x1024xf32>
    %convert_element_type3A_1194 = arith.truncf %broadcast_in_dim3A_1193 : vector<1x1024xf32> to vector<1x1024xbf16>
    %get3A_1195 = arith.constant 43 : index
    %get3A_1196 = arith.constant 0 : index
    %get3A_1197 = vector.load %arg2[%get3A_1195, %get3A_1196] : memref<64x128xf32, #tpu.memory_space<vmem>>, vector<1x128xf32>
    %transpose3A_1198 = tpu.transpose %get3A_1197, [1, 0] : vector<1x128xf32> -> vector<128x1xf32>
    %get3A_1199 = arith.constant 0 : index
    %get3A_1200 = arith.constant 0 : index
    %get3A_1201 = vector.load %arg1[%get3A_1199, %get3A_1200] : memref<128x1024xbf16, #tpu.memory_space<vmem>>, vector<128x1024xbf16>
    %convert_element_type3A_1202 = arith.truncf %transpose3A_1198 : vector<128x1xf32> to vector<128x1xbf16>
    %sub3A_1203 = vector.broadcast %convert_element_type3A_1202 : vector<128x1xbf16> to vector<128x1024xbf16>
    %sub3A_1204 = arith.subf %get3A_1201, %sub3A_1203 : vector<128x1024xbf16>
    %abs3A_1205 = math.absf %sub3A_1204 : vector<128x1024xbf16>
    %slice3A_1206 = vector.extract_strided_slice %abs3A_1205 {offsets = [0, 0], sizes = [64, 1024], strides = [1, 1]} : vector<128x1024xbf16> to vector<64x1024xbf16>
    %slice3A_1207 = vector.extract_strided_slice %abs3A_1205 {offsets = [64, 0], sizes = [64, 1024], strides = [1, 1]} : vector<128x1024xbf16> to vector<64x1024xbf16>
    %add3A_1208 = arith.addf %slice3A_1206, %slice3A_1207 : vector<64x1024xbf16>
    %slice3A_1209 = vector.extract_strided_slice %add3A_1208 {offsets = [0, 0], sizes = [32, 1024], strides = [1, 1]} : vector<64x1024xbf16> to vector<32x1024xbf16>
    %slice3A_1210 = vector.extract_strided_slice %add3A_1208 {offsets = [32, 0], sizes = [32, 1024], strides = [1, 1]} : vector<64x1024xbf16> to vector<32x1024xbf16>
    %add3A_1211 = arith.addf %slice3A_1209, %slice3A_1210 : vector<32x1024xbf16>
    %convert_element_type3A_1212 = arith.extf %add3A_1211 : vector<32x1024xbf16> to vector<32x1024xf32>
    %slice3A_1213 = vector.extract_strided_slice %convert_element_type3A_1212 {offsets = [0, 0], sizes = [16, 1024], strides = [1, 1]} : vector<32x1024xf32> to vector<16x1024xf32>
    %slice3A_1214 = vector.extract_strided_slice %convert_element_type3A_1212 {offsets = [16, 0], sizes = [16, 1024], strides = [1, 1]} : vector<32x1024xf32> to vector<16x1024xf32>
    %add3A_1215 = arith.addf %slice3A_1213, %slice3A_1214 : vector<16x1024xf32>
    %slice3A_1216 = vector.extract_strided_slice %add3A_1215 {offsets = [0, 0], sizes = [8, 1024], strides = [1, 1]} : vector<16x1024xf32> to vector<8x1024xf32>
    %slice3A_1217 = vector.extract_strided_slice %add3A_1215 {offsets = [8, 0], sizes = [8, 1024], strides = [1, 1]} : vector<16x1024xf32> to vector<8x1024xf32>
    %add3A_1218 = arith.addf %slice3A_1216, %slice3A_1217 : vector<8x1024xf32>
    %reduce_sum3A_1219 = arith.constant dense<0.000000e+00> : vector<1024xf32>
    %reduce_sum3A_1220 = vector.multi_reduction <add>, %add3A_1218, %reduce_sum3A_1219 [0] : vector<8x1024xf32> to vector<1024xf32>
    %broadcast_in_dim3A_1221 = vector.shape_cast %reduce_sum3A_1220 : vector<1024xf32> to vector<1x1024xf32>
    %convert_element_type3A_1222 = arith.truncf %broadcast_in_dim3A_1221 : vector<1x1024xf32> to vector<1x1024xbf16>
    %get3A_1223 = arith.constant 44 : index
    %get3A_1224 = arith.constant 0 : index
    %get3A_1225 = vector.load %arg2[%get3A_1223, %get3A_1224] : memref<64x128xf32, #tpu.memory_space<vmem>>, vector<1x128xf32>
    %transpose3A_1226 = tpu.transpose %get3A_1225, [1, 0] : vector<1x128xf32> -> vector<128x1xf32>
    %get3A_1227 = arith.constant 0 : index
    %get3A_1228 = arith.constant 0 : index
    %get3A_1229 = vector.load %arg1[%get3A_1227, %get3A_1228] : memref<128x1024xbf16, #tpu.memory_space<vmem>>, vector<128x1024xbf16>
    %convert_element_type3A_1230 = arith.truncf %transpose3A_1226 : vector<128x1xf32> to vector<128x1xbf16>
    %sub3A_1231 = vector.broadcast %convert_element_type3A_1230 : vector<128x1xbf16> to vector<128x1024xbf16>
    %sub3A_1232 = arith.subf %get3A_1229, %sub3A_1231 : vector<128x1024xbf16>
    %abs3A_1233 = math.absf %sub3A_1232 : vector<128x1024xbf16>
    %slice3A_1234 = vector.extract_strided_slice %abs3A_1233 {offsets = [0, 0], sizes = [64, 1024], strides = [1, 1]} : vector<128x1024xbf16> to vector<64x1024xbf16>
    %slice3A_1235 = vector.extract_strided_slice %abs3A_1233 {offsets = [64, 0], sizes = [64, 1024], strides = [1, 1]} : vector<128x1024xbf16> to vector<64x1024xbf16>
    %add3A_1236 = arith.addf %slice3A_1234, %slice3A_1235 : vector<64x1024xbf16>
    %slice3A_1237 = vector.extract_strided_slice %add3A_1236 {offsets = [0, 0], sizes = [32, 1024], strides = [1, 1]} : vector<64x1024xbf16> to vector<32x1024xbf16>
    %slice3A_1238 = vector.extract_strided_slice %add3A_1236 {offsets = [32, 0], sizes = [32, 1024], strides = [1, 1]} : vector<64x1024xbf16> to vector<32x1024xbf16>
    %add3A_1239 = arith.addf %slice3A_1237, %slice3A_1238 : vector<32x1024xbf16>
    %convert_element_type3A_1240 = arith.extf %add3A_1239 : vector<32x1024xbf16> to vector<32x1024xf32>
    %slice3A_1241 = vector.extract_strided_slice %convert_element_type3A_1240 {offsets = [0, 0], sizes = [16, 1024], strides = [1, 1]} : vector<32x1024xf32> to vector<16x1024xf32>
    %slice3A_1242 = vector.extract_strided_slice %convert_element_type3A_1240 {offsets = [16, 0], sizes = [16, 1024], strides = [1, 1]} : vector<32x1024xf32> to vector<16x1024xf32>
    %add3A_1243 = arith.addf %slice3A_1241, %slice3A_1242 : vector<16x1024xf32>
    %slice3A_1244 = vector.extract_strided_slice %add3A_1243 {offsets = [0, 0], sizes = [8, 1024], strides = [1, 1]} : vector<16x1024xf32> to vector<8x1024xf32>
    %slice3A_1245 = vector.extract_strided_slice %add3A_1243 {offsets = [8, 0], sizes = [8, 1024], strides = [1, 1]} : vector<16x1024xf32> to vector<8x1024xf32>
    %add3A_1246 = arith.addf %slice3A_1244, %slice3A_1245 : vector<8x1024xf32>
    %reduce_sum3A_1247 = arith.constant dense<0.000000e+00> : vector<1024xf32>
    %reduce_sum3A_1248 = vector.multi_reduction <add>, %add3A_1246, %reduce_sum3A_1247 [0] : vector<8x1024xf32> to vector<1024xf32>
    %broadcast_in_dim3A_1249 = vector.shape_cast %reduce_sum3A_1248 : vector<1024xf32> to vector<1x1024xf32>
    %convert_element_type3A_1250 = arith.truncf %broadcast_in_dim3A_1249 : vector<1x1024xf32> to vector<1x1024xbf16>
    %get3A_1251 = arith.constant 45 : index
    %get3A_1252 = arith.constant 0 : index
    %get3A_1253 = vector.load %arg2[%get3A_1251, %get3A_1252] : memref<64x128xf32, #tpu.memory_space<vmem>>, vector<1x128xf32>
    %transpose3A_1254 = tpu.transpose %get3A_1253, [1, 0] : vector<1x128xf32> -> vector<128x1xf32>
    %get3A_1255 = arith.constant 0 : index
    %get3A_1256 = arith.constant 0 : index
    %get3A_1257 = vector.load %arg1[%get3A_1255, %get3A_1256] : memref<128x1024xbf16, #tpu.memory_space<vmem>>, vector<128x1024xbf16>
    %convert_element_type3A_1258 = arith.truncf %transpose3A_1254 : vector<128x1xf32> to vector<128x1xbf16>
    %sub3A_1259 = vector.broadcast %convert_element_type3A_1258 : vector<128x1xbf16> to vector<128x1024xbf16>
    %sub3A_1260 = arith.subf %get3A_1257, %sub3A_1259 : vector<128x1024xbf16>
    %abs3A_1261 = math.absf %sub3A_1260 : vector<128x1024xbf16>
    %slice3A_1262 = vector.extract_strided_slice %abs3A_1261 {offsets = [0, 0], sizes = [64, 1024], strides = [1, 1]} : vector<128x1024xbf16> to vector<64x1024xbf16>
    %slice3A_1263 = vector.extract_strided_slice %abs3A_1261 {offsets = [64, 0], sizes = [64, 1024], strides = [1, 1]} : vector<128x1024xbf16> to vector<64x1024xbf16>
    %add3A_1264 = arith.addf %slice3A_1262, %slice3A_1263 : vector<64x1024xbf16>
    %slice3A_1265 = vector.extract_strided_slice %add3A_1264 {offsets = [0, 0], sizes = [32, 1024], strides = [1, 1]} : vector<64x1024xbf16> to vector<32x1024xbf16>
    %slice3A_1266 = vector.extract_strided_slice %add3A_1264 {offsets = [32, 0], sizes = [32, 1024], strides = [1, 1]} : vector<64x1024xbf16> to vector<32x1024xbf16>
    %add3A_1267 = arith.addf %slice3A_1265, %slice3A_1266 : vector<32x1024xbf16>
    %convert_element_type3A_1268 = arith.extf %add3A_1267 : vector<32x1024xbf16> to vector<32x1024xf32>
    %slice3A_1269 = vector.extract_strided_slice %convert_element_type3A_1268 {offsets = [0, 0], sizes = [16, 1024], strides = [1, 1]} : vector<32x1024xf32> to vector<16x1024xf32>
    %slice3A_1270 = vector.extract_strided_slice %convert_element_type3A_1268 {offsets = [16, 0], sizes = [16, 1024], strides = [1, 1]} : vector<32x1024xf32> to vector<16x1024xf32>
    %add3A_1271 = arith.addf %slice3A_1269, %slice3A_1270 : vector<16x1024xf32>
    %slice3A_1272 = vector.extract_strided_slice %add3A_1271 {offsets = [0, 0], sizes = [8, 1024], strides = [1, 1]} : vector<16x1024xf32> to vector<8x1024xf32>
    %slice3A_1273 = vector.extract_strided_slice %add3A_1271 {offsets = [8, 0], sizes = [8, 1024], strides = [1, 1]} : vector<16x1024xf32> to vector<8x1024xf32>
    %add3A_1274 = arith.addf %slice3A_1272, %slice3A_1273 : vector<8x1024xf32>
    %reduce_sum3A_1275 = arith.constant dense<0.000000e+00> : vector<1024xf32>
    %reduce_sum3A_1276 = vector.multi_reduction <add>, %add3A_1274, %reduce_sum3A_1275 [0] : vector<8x1024xf32> to vector<1024xf32>
    %broadcast_in_dim3A_1277 = vector.shape_cast %reduce_sum3A_1276 : vector<1024xf32> to vector<1x1024xf32>
    %convert_element_type3A_1278 = arith.truncf %broadcast_in_dim3A_1277 : vector<1x1024xf32> to vector<1x1024xbf16>
    %get3A_1279 = arith.constant 46 : index
    %get3A_1280 = arith.constant 0 : index
    %get3A_1281 = vector.load %arg2[%get3A_1279, %get3A_1280] : memref<64x128xf32, #tpu.memory_space<vmem>>, vector<1x128xf32>
    %transpose3A_1282 = tpu.transpose %get3A_1281, [1, 0] : vector<1x128xf32> -> vector<128x1xf32>
    %get3A_1283 = arith.constant 0 : index
    %get3A_1284 = arith.constant 0 : index
    %get3A_1285 = vector.load %arg1[%get3A_1283, %get3A_1284] : memref<128x1024xbf16, #tpu.memory_space<vmem>>, vector<128x1024xbf16>
    %convert_element_type3A_1286 = arith.truncf %transpose3A_1282 : vector<128x1xf32> to vector<128x1xbf16>
    %sub3A_1287 = vector.broadcast %convert_element_type3A_1286 : vector<128x1xbf16> to vector<128x1024xbf16>
    %sub3A_1288 = arith.subf %get3A_1285, %sub3A_1287 : vector<128x1024xbf16>
    %abs3A_1289 = math.absf %sub3A_1288 : vector<128x1024xbf16>
    %slice3A_1290 = vector.extract_strided_slice %abs3A_1289 {offsets = [0, 0], sizes = [64, 1024], strides = [1, 1]} : vector<128x1024xbf16> to vector<64x1024xbf16>
    %slice3A_1291 = vector.extract_strided_slice %abs3A_1289 {offsets = [64, 0], sizes = [64, 1024], strides = [1, 1]} : vector<128x1024xbf16> to vector<64x1024xbf16>
    %add3A_1292 = arith.addf %slice3A_1290, %slice3A_1291 : vector<64x1024xbf16>
    %slice3A_1293 = vector.extract_strided_slice %add3A_1292 {offsets = [0, 0], sizes = [32, 1024], strides = [1, 1]} : vector<64x1024xbf16> to vector<32x1024xbf16>
    %slice3A_1294 = vector.extract_strided_slice %add3A_1292 {offsets = [32, 0], sizes = [32, 1024], strides = [1, 1]} : vector<64x1024xbf16> to vector<32x1024xbf16>
    %add3A_1295 = arith.addf %slice3A_1293, %slice3A_1294 : vector<32x1024xbf16>
    %convert_element_type3A_1296 = arith.extf %add3A_1295 : vector<32x1024xbf16> to vector<32x1024xf32>
    %slice3A_1297 = vector.extract_strided_slice %convert_element_type3A_1296 {offsets = [0, 0], sizes = [16, 1024], strides = [1, 1]} : vector<32x1024xf32> to vector<16x1024xf32>
    %slice3A_1298 = vector.extract_strided_slice %convert_element_type3A_1296 {offsets = [16, 0], sizes = [16, 1024], strides = [1, 1]} : vector<32x1024xf32> to vector<16x1024xf32>
    %add3A_1299 = arith.addf %slice3A_1297, %slice3A_1298 : vector<16x1024xf32>
    %slice3A_1300 = vector.extract_strided_slice %add3A_1299 {offsets = [0, 0], sizes = [8, 1024], strides = [1, 1]} : vector<16x1024xf32> to vector<8x1024xf32>
    %slice3A_1301 = vector.extract_strided_slice %add3A_1299 {offsets = [8, 0], sizes = [8, 1024], strides = [1, 1]} : vector<16x1024xf32> to vector<8x1024xf32>
    %add3A_1302 = arith.addf %slice3A_1300, %slice3A_1301 : vector<8x1024xf32>
    %reduce_sum3A_1303 = arith.constant dense<0.000000e+00> : vector<1024xf32>
    %reduce_sum3A_1304 = vector.multi_reduction <add>, %add3A_1302, %reduce_sum3A_1303 [0] : vector<8x1024xf32> to vector<1024xf32>
    %broadcast_in_dim3A_1305 = vector.shape_cast %reduce_sum3A_1304 : vector<1024xf32> to vector<1x1024xf32>
    %convert_element_type3A_1306 = arith.truncf %broadcast_in_dim3A_1305 : vector<1x1024xf32> to vector<1x1024xbf16>
    %get3A_1307 = arith.constant 47 : index
    %get3A_1308 = arith.constant 0 : index
    %get3A_1309 = vector.load %arg2[%get3A_1307, %get3A_1308] : memref<64x128xf32, #tpu.memory_space<vmem>>, vector<1x128xf32>
    %transpose3A_1310 = tpu.transpose %get3A_1309, [1, 0] : vector<1x128xf32> -> vector<128x1xf32>
    %get3A_1311 = arith.constant 0 : index
    %get3A_1312 = arith.constant 0 : index
    %get3A_1313 = vector.load %arg1[%get3A_1311, %get3A_1312] : memref<128x1024xbf16, #tpu.memory_space<vmem>>, vector<128x1024xbf16>
    %convert_element_type3A_1314 = arith.truncf %transpose3A_1310 : vector<128x1xf32> to vector<128x1xbf16>
    %sub3A_1315 = vector.broadcast %convert_element_type3A_1314 : vector<128x1xbf16> to vector<128x1024xbf16>
    %sub3A_1316 = arith.subf %get3A_1313, %sub3A_1315 : vector<128x1024xbf16>
    %abs3A_1317 = math.absf %sub3A_1316 : vector<128x1024xbf16>
    %slice3A_1318 = vector.extract_strided_slice %abs3A_1317 {offsets = [0, 0], sizes = [64, 1024], strides = [1, 1]} : vector<128x1024xbf16> to vector<64x1024xbf16>
    %slice3A_1319 = vector.extract_strided_slice %abs3A_1317 {offsets = [64, 0], sizes = [64, 1024], strides = [1, 1]} : vector<128x1024xbf16> to vector<64x1024xbf16>
    %add3A_1320 = arith.addf %slice3A_1318, %slice3A_1319 : vector<64x1024xbf16>
    %slice3A_1321 = vector.extract_strided_slice %add3A_1320 {offsets = [0, 0], sizes = [32, 1024], strides = [1, 1]} : vector<64x1024xbf16> to vector<32x1024xbf16>
    %slice3A_1322 = vector.extract_strided_slice %add3A_1320 {offsets = [32, 0], sizes = [32, 1024], strides = [1, 1]} : vector<64x1024xbf16> to vector<32x1024xbf16>
    %add3A_1323 = arith.addf %slice3A_1321, %slice3A_1322 : vector<32x1024xbf16>
    %convert_element_type3A_1324 = arith.extf %add3A_1323 : vector<32x1024xbf16> to vector<32x1024xf32>
    %slice3A_1325 = vector.extract_strided_slice %convert_element_type3A_1324 {offsets = [0, 0], sizes = [16, 1024], strides = [1, 1]} : vector<32x1024xf32> to vector<16x1024xf32>
    %slice3A_1326 = vector.extract_strided_slice %convert_element_type3A_1324 {offsets = [16, 0], sizes = [16, 1024], strides = [1, 1]} : vector<32x1024xf32> to vector<16x1024xf32>
    %add3A_1327 = arith.addf %slice3A_1325, %slice3A_1326 : vector<16x1024xf32>
    %slice3A_1328 = vector.extract_strided_slice %add3A_1327 {offsets = [0, 0], sizes = [8, 1024], strides = [1, 1]} : vector<16x1024xf32> to vector<8x1024xf32>
    %slice3A_1329 = vector.extract_strided_slice %add3A_1327 {offsets = [8, 0], sizes = [8, 1024], strides = [1, 1]} : vector<16x1024xf32> to vector<8x1024xf32>
    %add3A_1330 = arith.addf %slice3A_1328, %slice3A_1329 : vector<8x1024xf32>
    %reduce_sum3A_1331 = arith.constant dense<0.000000e+00> : vector<1024xf32>
    %reduce_sum3A_1332 = vector.multi_reduction <add>, %add3A_1330, %reduce_sum3A_1331 [0] : vector<8x1024xf32> to vector<1024xf32>
    %broadcast_in_dim3A_1333 = vector.shape_cast %reduce_sum3A_1332 : vector<1024xf32> to vector<1x1024xf32>
    %convert_element_type3A_1334 = arith.truncf %broadcast_in_dim3A_1333 : vector<1x1024xf32> to vector<1x1024xbf16>
    %get3A_1335 = arith.constant 48 : index
    %get3A_1336 = arith.constant 0 : index
    %get3A_1337 = vector.load %arg2[%get3A_1335, %get3A_1336] : memref<64x128xf32, #tpu.memory_space<vmem>>, vector<1x128xf32>
    %transpose3A_1338 = tpu.transpose %get3A_1337, [1, 0] : vector<1x128xf32> -> vector<128x1xf32>
    %get3A_1339 = arith.constant 0 : index
    %get3A_1340 = arith.constant 0 : index
    %get3A_1341 = vector.load %arg1[%get3A_1339, %get3A_1340] : memref<128x1024xbf16, #tpu.memory_space<vmem>>, vector<128x1024xbf16>
    %convert_element_type3A_1342 = arith.truncf %transpose3A_1338 : vector<128x1xf32> to vector<128x1xbf16>
    %sub3A_1343 = vector.broadcast %convert_element_type3A_1342 : vector<128x1xbf16> to vector<128x1024xbf16>
    %sub3A_1344 = arith.subf %get3A_1341, %sub3A_1343 : vector<128x1024xbf16>
    %abs3A_1345 = math.absf %sub3A_1344 : vector<128x1024xbf16>
    %slice3A_1346 = vector.extract_strided_slice %abs3A_1345 {offsets = [0, 0], sizes = [64, 1024], strides = [1, 1]} : vector<128x1024xbf16> to vector<64x1024xbf16>
    %slice3A_1347 = vector.extract_strided_slice %abs3A_1345 {offsets = [64, 0], sizes = [64, 1024], strides = [1, 1]} : vector<128x1024xbf16> to vector<64x1024xbf16>
    %add3A_1348 = arith.addf %slice3A_1346, %slice3A_1347 : vector<64x1024xbf16>
    %slice3A_1349 = vector.extract_strided_slice %add3A_1348 {offsets = [0, 0], sizes = [32, 1024], strides = [1, 1]} : vector<64x1024xbf16> to vector<32x1024xbf16>
    %slice3A_1350 = vector.extract_strided_slice %add3A_1348 {offsets = [32, 0], sizes = [32, 1024], strides = [1, 1]} : vector<64x1024xbf16> to vector<32x1024xbf16>
    %add3A_1351 = arith.addf %slice3A_1349, %slice3A_1350 : vector<32x1024xbf16>
    %convert_element_type3A_1352 = arith.extf %add3A_1351 : vector<32x1024xbf16> to vector<32x1024xf32>
    %slice3A_1353 = vector.extract_strided_slice %convert_element_type3A_1352 {offsets = [0, 0], sizes = [16, 1024], strides = [1, 1]} : vector<32x1024xf32> to vector<16x1024xf32>
    %slice3A_1354 = vector.extract_strided_slice %convert_element_type3A_1352 {offsets = [16, 0], sizes = [16, 1024], strides = [1, 1]} : vector<32x1024xf32> to vector<16x1024xf32>
    %add3A_1355 = arith.addf %slice3A_1353, %slice3A_1354 : vector<16x1024xf32>
    %slice3A_1356 = vector.extract_strided_slice %add3A_1355 {offsets = [0, 0], sizes = [8, 1024], strides = [1, 1]} : vector<16x1024xf32> to vector<8x1024xf32>
    %slice3A_1357 = vector.extract_strided_slice %add3A_1355 {offsets = [8, 0], sizes = [8, 1024], strides = [1, 1]} : vector<16x1024xf32> to vector<8x1024xf32>
    %add3A_1358 = arith.addf %slice3A_1356, %slice3A_1357 : vector<8x1024xf32>
    %reduce_sum3A_1359 = arith.constant dense<0.000000e+00> : vector<1024xf32>
    %reduce_sum3A_1360 = vector.multi_reduction <add>, %add3A_1358, %reduce_sum3A_1359 [0] : vector<8x1024xf32> to vector<1024xf32>
    %broadcast_in_dim3A_1361 = vector.shape_cast %reduce_sum3A_1360 : vector<1024xf32> to vector<1x1024xf32>
    %convert_element_type3A_1362 = arith.truncf %broadcast_in_dim3A_1361 : vector<1x1024xf32> to vector<1x1024xbf16>
    %get3A_1363 = arith.constant 49 : index
    %get3A_1364 = arith.constant 0 : index
    %get3A_1365 = vector.load %arg2[%get3A_1363, %get3A_1364] : memref<64x128xf32, #tpu.memory_space<vmem>>, vector<1x128xf32>
    %transpose3A_1366 = tpu.transpose %get3A_1365, [1, 0] : vector<1x128xf32> -> vector<128x1xf32>
    %get3A_1367 = arith.constant 0 : index
    %get3A_1368 = arith.constant 0 : index
    %get3A_1369 = vector.load %arg1[%get3A_1367, %get3A_1368] : memref<128x1024xbf16, #tpu.memory_space<vmem>>, vector<128x1024xbf16>
    %convert_element_type3A_1370 = arith.truncf %transpose3A_1366 : vector<128x1xf32> to vector<128x1xbf16>
    %sub3A_1371 = vector.broadcast %convert_element_type3A_1370 : vector<128x1xbf16> to vector<128x1024xbf16>
    %sub3A_1372 = arith.subf %get3A_1369, %sub3A_1371 : vector<128x1024xbf16>
    %abs3A_1373 = math.absf %sub3A_1372 : vector<128x1024xbf16>
    %slice3A_1374 = vector.extract_strided_slice %abs3A_1373 {offsets = [0, 0], sizes = [64, 1024], strides = [1, 1]} : vector<128x1024xbf16> to vector<64x1024xbf16>
    %slice3A_1375 = vector.extract_strided_slice %abs3A_1373 {offsets = [64, 0], sizes = [64, 1024], strides = [1, 1]} : vector<128x1024xbf16> to vector<64x1024xbf16>
    %add3A_1376 = arith.addf %slice3A_1374, %slice3A_1375 : vector<64x1024xbf16>
    %slice3A_1377 = vector.extract_strided_slice %add3A_1376 {offsets = [0, 0], sizes = [32, 1024], strides = [1, 1]} : vector<64x1024xbf16> to vector<32x1024xbf16>
    %slice3A_1378 = vector.extract_strided_slice %add3A_1376 {offsets = [32, 0], sizes = [32, 1024], strides = [1, 1]} : vector<64x1024xbf16> to vector<32x1024xbf16>
    %add3A_1379 = arith.addf %slice3A_1377, %slice3A_1378 : vector<32x1024xbf16>
    %convert_element_type3A_1380 = arith.extf %add3A_1379 : vector<32x1024xbf16> to vector<32x1024xf32>
    %slice3A_1381 = vector.extract_strided_slice %convert_element_type3A_1380 {offsets = [0, 0], sizes = [16, 1024], strides = [1, 1]} : vector<32x1024xf32> to vector<16x1024xf32>
    %slice3A_1382 = vector.extract_strided_slice %convert_element_type3A_1380 {offsets = [16, 0], sizes = [16, 1024], strides = [1, 1]} : vector<32x1024xf32> to vector<16x1024xf32>
    %add3A_1383 = arith.addf %slice3A_1381, %slice3A_1382 : vector<16x1024xf32>
    %slice3A_1384 = vector.extract_strided_slice %add3A_1383 {offsets = [0, 0], sizes = [8, 1024], strides = [1, 1]} : vector<16x1024xf32> to vector<8x1024xf32>
    %slice3A_1385 = vector.extract_strided_slice %add3A_1383 {offsets = [8, 0], sizes = [8, 1024], strides = [1, 1]} : vector<16x1024xf32> to vector<8x1024xf32>
    %add3A_1386 = arith.addf %slice3A_1384, %slice3A_1385 : vector<8x1024xf32>
    %reduce_sum3A_1387 = arith.constant dense<0.000000e+00> : vector<1024xf32>
    %reduce_sum3A_1388 = vector.multi_reduction <add>, %add3A_1386, %reduce_sum3A_1387 [0] : vector<8x1024xf32> to vector<1024xf32>
    %broadcast_in_dim3A_1389 = vector.shape_cast %reduce_sum3A_1388 : vector<1024xf32> to vector<1x1024xf32>
    %convert_element_type3A_1390 = arith.truncf %broadcast_in_dim3A_1389 : vector<1x1024xf32> to vector<1x1024xbf16>
    %get3A_1391 = arith.constant 50 : index
    %get3A_1392 = arith.constant 0 : index
    %get3A_1393 = vector.load %arg2[%get3A_1391, %get3A_1392] : memref<64x128xf32, #tpu.memory_space<vmem>>, vector<1x128xf32>
    %transpose3A_1394 = tpu.transpose %get3A_1393, [1, 0] : vector<1x128xf32> -> vector<128x1xf32>
    %get3A_1395 = arith.constant 0 : index
    %get3A_1396 = arith.constant 0 : index
    %get3A_1397 = vector.load %arg1[%get3A_1395, %get3A_1396] : memref<128x1024xbf16, #tpu.memory_space<vmem>>, vector<128x1024xbf16>
    %convert_element_type3A_1398 = arith.truncf %transpose3A_1394 : vector<128x1xf32> to vector<128x1xbf16>
    %sub3A_1399 = vector.broadcast %convert_element_type3A_1398 : vector<128x1xbf16> to vector<128x1024xbf16>
    %sub3A_1400 = arith.subf %get3A_1397, %sub3A_1399 : vector<128x1024xbf16>
    %abs3A_1401 = math.absf %sub3A_1400 : vector<128x1024xbf16>
    %slice3A_1402 = vector.extract_strided_slice %abs3A_1401 {offsets = [0, 0], sizes = [64, 1024], strides = [1, 1]} : vector<128x1024xbf16> to vector<64x1024xbf16>
    %slice3A_1403 = vector.extract_strided_slice %abs3A_1401 {offsets = [64, 0], sizes = [64, 1024], strides = [1, 1]} : vector<128x1024xbf16> to vector<64x1024xbf16>
    %add3A_1404 = arith.addf %slice3A_1402, %slice3A_1403 : vector<64x1024xbf16>
    %slice3A_1405 = vector.extract_strided_slice %add3A_1404 {offsets = [0, 0], sizes = [32, 1024], strides = [1, 1]} : vector<64x1024xbf16> to vector<32x1024xbf16>
    %slice3A_1406 = vector.extract_strided_slice %add3A_1404 {offsets = [32, 0], sizes = [32, 1024], strides = [1, 1]} : vector<64x1024xbf16> to vector<32x1024xbf16>
    %add3A_1407 = arith.addf %slice3A_1405, %slice3A_1406 : vector<32x1024xbf16>
    %convert_element_type3A_1408 = arith.extf %add3A_1407 : vector<32x1024xbf16> to vector<32x1024xf32>
    %slice3A_1409 = vector.extract_strided_slice %convert_element_type3A_1408 {offsets = [0, 0], sizes = [16, 1024], strides = [1, 1]} : vector<32x1024xf32> to vector<16x1024xf32>
    %slice3A_1410 = vector.extract_strided_slice %convert_element_type3A_1408 {offsets = [16, 0], sizes = [16, 1024], strides = [1, 1]} : vector<32x1024xf32> to vector<16x1024xf32>
    %add3A_1411 = arith.addf %slice3A_1409, %slice3A_1410 : vector<16x1024xf32>
    %slice3A_1412 = vector.extract_strided_slice %add3A_1411 {offsets = [0, 0], sizes = [8, 1024], strides = [1, 1]} : vector<16x1024xf32> to vector<8x1024xf32>
    %slice3A_1413 = vector.extract_strided_slice %add3A_1411 {offsets = [8, 0], sizes = [8, 1024], strides = [1, 1]} : vector<16x1024xf32> to vector<8x1024xf32>
    %add3A_1414 = arith.addf %slice3A_1412, %slice3A_1413 : vector<8x1024xf32>
    %reduce_sum3A_1415 = arith.constant dense<0.000000e+00> : vector<1024xf32>
    %reduce_sum3A_1416 = vector.multi_reduction <add>, %add3A_1414, %reduce_sum3A_1415 [0] : vector<8x1024xf32> to vector<1024xf32>
    %broadcast_in_dim3A_1417 = vector.shape_cast %reduce_sum3A_1416 : vector<1024xf32> to vector<1x1024xf32>
    %convert_element_type3A_1418 = arith.truncf %broadcast_in_dim3A_1417 : vector<1x1024xf32> to vector<1x1024xbf16>
    %get3A_1419 = arith.constant 51 : index
    %get3A_1420 = arith.constant 0 : index
    %get3A_1421 = vector.load %arg2[%get3A_1419, %get3A_1420] : memref<64x128xf32, #tpu.memory_space<vmem>>, vector<1x128xf32>
    %transpose3A_1422 = tpu.transpose %get3A_1421, [1, 0] : vector<1x128xf32> -> vector<128x1xf32>
    %get3A_1423 = arith.constant 0 : index
    %get3A_1424 = arith.constant 0 : index
    %get3A_1425 = vector.load %arg1[%get3A_1423, %get3A_1424] : memref<128x1024xbf16, #tpu.memory_space<vmem>>, vector<128x1024xbf16>
    %convert_element_type3A_1426 = arith.truncf %transpose3A_1422 : vector<128x1xf32> to vector<128x1xbf16>
    %sub3A_1427 = vector.broadcast %convert_element_type3A_1426 : vector<128x1xbf16> to vector<128x1024xbf16>
    %sub3A_1428 = arith.subf %get3A_1425, %sub3A_1427 : vector<128x1024xbf16>
    %abs3A_1429 = math.absf %sub3A_1428 : vector<128x1024xbf16>
    %slice3A_1430 = vector.extract_strided_slice %abs3A_1429 {offsets = [0, 0], sizes = [64, 1024], strides = [1, 1]} : vector<128x1024xbf16> to vector<64x1024xbf16>
    %slice3A_1431 = vector.extract_strided_slice %abs3A_1429 {offsets = [64, 0], sizes = [64, 1024], strides = [1, 1]} : vector<128x1024xbf16> to vector<64x1024xbf16>
    %add3A_1432 = arith.addf %slice3A_1430, %slice3A_1431 : vector<64x1024xbf16>
    %slice3A_1433 = vector.extract_strided_slice %add3A_1432 {offsets = [0, 0], sizes = [32, 1024], strides = [1, 1]} : vector<64x1024xbf16> to vector<32x1024xbf16>
    %slice3A_1434 = vector.extract_strided_slice %add3A_1432 {offsets = [32, 0], sizes = [32, 1024], strides = [1, 1]} : vector<64x1024xbf16> to vector<32x1024xbf16>
    %add3A_1435 = arith.addf %slice3A_1433, %slice3A_1434 : vector<32x1024xbf16>
    %convert_element_type3A_1436 = arith.extf %add3A_1435 : vector<32x1024xbf16> to vector<32x1024xf32>
    %slice3A_1437 = vector.extract_strided_slice %convert_element_type3A_1436 {offsets = [0, 0], sizes = [16, 1024], strides = [1, 1]} : vector<32x1024xf32> to vector<16x1024xf32>
    %slice3A_1438 = vector.extract_strided_slice %convert_element_type3A_1436 {offsets = [16, 0], sizes = [16, 1024], strides = [1, 1]} : vector<32x1024xf32> to vector<16x1024xf32>
    %add3A_1439 = arith.addf %slice3A_1437, %slice3A_1438 : vector<16x1024xf32>
    %slice3A_1440 = vector.extract_strided_slice %add3A_1439 {offsets = [0, 0], sizes = [8, 1024], strides = [1, 1]} : vector<16x1024xf32> to vector<8x1024xf32>
    %slice3A_1441 = vector.extract_strided_slice %add3A_1439 {offsets = [8, 0], sizes = [8, 1024], strides = [1, 1]} : vector<16x1024xf32> to vector<8x1024xf32>
    %add3A_1442 = arith.addf %slice3A_1440, %slice3A_1441 : vector<8x1024xf32>
    %reduce_sum3A_1443 = arith.constant dense<0.000000e+00> : vector<1024xf32>
    %reduce_sum3A_1444 = vector.multi_reduction <add>, %add3A_1442, %reduce_sum3A_1443 [0] : vector<8x1024xf32> to vector<1024xf32>
    %broadcast_in_dim3A_1445 = vector.shape_cast %reduce_sum3A_1444 : vector<1024xf32> to vector<1x1024xf32>
    %convert_element_type3A_1446 = arith.truncf %broadcast_in_dim3A_1445 : vector<1x1024xf32> to vector<1x1024xbf16>
    %get3A_1447 = arith.constant 52 : index
    %get3A_1448 = arith.constant 0 : index
    %get3A_1449 = vector.load %arg2[%get3A_1447, %get3A_1448] : memref<64x128xf32, #tpu.memory_space<vmem>>, vector<1x128xf32>
    %transpose3A_1450 = tpu.transpose %get3A_1449, [1, 0] : vector<1x128xf32> -> vector<128x1xf32>
    %get3A_1451 = arith.constant 0 : index
    %get3A_1452 = arith.constant 0 : index
    %get3A_1453 = vector.load %arg1[%get3A_1451, %get3A_1452] : memref<128x1024xbf16, #tpu.memory_space<vmem>>, vector<128x1024xbf16>
    %convert_element_type3A_1454 = arith.truncf %transpose3A_1450 : vector<128x1xf32> to vector<128x1xbf16>
    %sub3A_1455 = vector.broadcast %convert_element_type3A_1454 : vector<128x1xbf16> to vector<128x1024xbf16>
    %sub3A_1456 = arith.subf %get3A_1453, %sub3A_1455 : vector<128x1024xbf16>
    %abs3A_1457 = math.absf %sub3A_1456 : vector<128x1024xbf16>
    %slice3A_1458 = vector.extract_strided_slice %abs3A_1457 {offsets = [0, 0], sizes = [64, 1024], strides = [1, 1]} : vector<128x1024xbf16> to vector<64x1024xbf16>
    %slice3A_1459 = vector.extract_strided_slice %abs3A_1457 {offsets = [64, 0], sizes = [64, 1024], strides = [1, 1]} : vector<128x1024xbf16> to vector<64x1024xbf16>
    %add3A_1460 = arith.addf %slice3A_1458, %slice3A_1459 : vector<64x1024xbf16>
    %slice3A_1461 = vector.extract_strided_slice %add3A_1460 {offsets = [0, 0], sizes = [32, 1024], strides = [1, 1]} : vector<64x1024xbf16> to vector<32x1024xbf16>
    %slice3A_1462 = vector.extract_strided_slice %add3A_1460 {offsets = [32, 0], sizes = [32, 1024], strides = [1, 1]} : vector<64x1024xbf16> to vector<32x1024xbf16>
    %add3A_1463 = arith.addf %slice3A_1461, %slice3A_1462 : vector<32x1024xbf16>
    %convert_element_type3A_1464 = arith.extf %add3A_1463 : vector<32x1024xbf16> to vector<32x1024xf32>
    %slice3A_1465 = vector.extract_strided_slice %convert_element_type3A_1464 {offsets = [0, 0], sizes = [16, 1024], strides = [1, 1]} : vector<32x1024xf32> to vector<16x1024xf32>
    %slice3A_1466 = vector.extract_strided_slice %convert_element_type3A_1464 {offsets = [16, 0], sizes = [16, 1024], strides = [1, 1]} : vector<32x1024xf32> to vector<16x1024xf32>
    %add3A_1467 = arith.addf %slice3A_1465, %slice3A_1466 : vector<16x1024xf32>
    %slice3A_1468 = vector.extract_strided_slice %add3A_1467 {offsets = [0, 0], sizes = [8, 1024], strides = [1, 1]} : vector<16x1024xf32> to vector<8x1024xf32>
    %slice3A_1469 = vector.extract_strided_slice %add3A_1467 {offsets = [8, 0], sizes = [8, 1024], strides = [1, 1]} : vector<16x1024xf32> to vector<8x1024xf32>
    %add3A_1470 = arith.addf %slice3A_1468, %slice3A_1469 : vector<8x1024xf32>
    %reduce_sum3A_1471 = arith.constant dense<0.000000e+00> : vector<1024xf32>
    %reduce_sum3A_1472 = vector.multi_reduction <add>, %add3A_1470, %reduce_sum3A_1471 [0] : vector<8x1024xf32> to vector<1024xf32>
    %broadcast_in_dim3A_1473 = vector.shape_cast %reduce_sum3A_1472 : vector<1024xf32> to vector<1x1024xf32>
    %convert_element_type3A_1474 = arith.truncf %broadcast_in_dim3A_1473 : vector<1x1024xf32> to vector<1x1024xbf16>
    %get3A_1475 = arith.constant 53 : index
    %get3A_1476 = arith.constant 0 : index
    %get3A_1477 = vector.load %arg2[%get3A_1475, %get3A_1476] : memref<64x128xf32, #tpu.memory_space<vmem>>, vector<1x128xf32>
    %transpose3A_1478 = tpu.transpose %get3A_1477, [1, 0] : vector<1x128xf32> -> vector<128x1xf32>
    %get3A_1479 = arith.constant 0 : index
    %get3A_1480 = arith.constant 0 : index
    %get3A_1481 = vector.load %arg1[%get3A_1479, %get3A_1480] : memref<128x1024xbf16, #tpu.memory_space<vmem>>, vector<128x1024xbf16>
    %convert_element_type3A_1482 = arith.truncf %transpose3A_1478 : vector<128x1xf32> to vector<128x1xbf16>
    %sub3A_1483 = vector.broadcast %convert_element_type3A_1482 : vector<128x1xbf16> to vector<128x1024xbf16>
    %sub3A_1484 = arith.subf %get3A_1481, %sub3A_1483 : vector<128x1024xbf16>
    %abs3A_1485 = math.absf %sub3A_1484 : vector<128x1024xbf16>
    %slice3A_1486 = vector.extract_strided_slice %abs3A_1485 {offsets = [0, 0], sizes = [64, 1024], strides = [1, 1]} : vector<128x1024xbf16> to vector<64x1024xbf16>
    %slice3A_1487 = vector.extract_strided_slice %abs3A_1485 {offsets = [64, 0], sizes = [64, 1024], strides = [1, 1]} : vector<128x1024xbf16> to vector<64x1024xbf16>
    %add3A_1488 = arith.addf %slice3A_1486, %slice3A_1487 : vector<64x1024xbf16>
    %slice3A_1489 = vector.extract_strided_slice %add3A_1488 {offsets = [0, 0], sizes = [32, 1024], strides = [1, 1]} : vector<64x1024xbf16> to vector<32x1024xbf16>
    %slice3A_1490 = vector.extract_strided_slice %add3A_1488 {offsets = [32, 0], sizes = [32, 1024], strides = [1, 1]} : vector<64x1024xbf16> to vector<32x1024xbf16>
    %add3A_1491 = arith.addf %slice3A_1489, %slice3A_1490 : vector<32x1024xbf16>
    %convert_element_type3A_1492 = arith.extf %add3A_1491 : vector<32x1024xbf16> to vector<32x1024xf32>
    %slice3A_1493 = vector.extract_strided_slice %convert_element_type3A_1492 {offsets = [0, 0], sizes = [16, 1024], strides = [1, 1]} : vector<32x1024xf32> to vector<16x1024xf32>
    %slice3A_1494 = vector.extract_strided_slice %convert_element_type3A_1492 {offsets = [16, 0], sizes = [16, 1024], strides = [1, 1]} : vector<32x1024xf32> to vector<16x1024xf32>
    %add3A_1495 = arith.addf %slice3A_1493, %slice3A_1494 : vector<16x1024xf32>
    %slice3A_1496 = vector.extract_strided_slice %add3A_1495 {offsets = [0, 0], sizes = [8, 1024], strides = [1, 1]} : vector<16x1024xf32> to vector<8x1024xf32>
    %slice3A_1497 = vector.extract_strided_slice %add3A_1495 {offsets = [8, 0], sizes = [8, 1024], strides = [1, 1]} : vector<16x1024xf32> to vector<8x1024xf32>
    %add3A_1498 = arith.addf %slice3A_1496, %slice3A_1497 : vector<8x1024xf32>
    %reduce_sum3A_1499 = arith.constant dense<0.000000e+00> : vector<1024xf32>
    %reduce_sum3A_1500 = vector.multi_reduction <add>, %add3A_1498, %reduce_sum3A_1499 [0] : vector<8x1024xf32> to vector<1024xf32>
    %broadcast_in_dim3A_1501 = vector.shape_cast %reduce_sum3A_1500 : vector<1024xf32> to vector<1x1024xf32>
    %convert_element_type3A_1502 = arith.truncf %broadcast_in_dim3A_1501 : vector<1x1024xf32> to vector<1x1024xbf16>
    %get3A_1503 = arith.constant 54 : index
    %get3A_1504 = arith.constant 0 : index
    %get3A_1505 = vector.load %arg2[%get3A_1503, %get3A_1504] : memref<64x128xf32, #tpu.memory_space<vmem>>, vector<1x128xf32>
    %transpose3A_1506 = tpu.transpose %get3A_1505, [1, 0] : vector<1x128xf32> -> vector<128x1xf32>
    %get3A_1507 = arith.constant 0 : index
    %get3A_1508 = arith.constant 0 : index
    %get3A_1509 = vector.load %arg1[%get3A_1507, %get3A_1508] : memref<128x1024xbf16, #tpu.memory_space<vmem>>, vector<128x1024xbf16>
    %convert_element_type3A_1510 = arith.truncf %transpose3A_1506 : vector<128x1xf32> to vector<128x1xbf16>
    %sub3A_1511 = vector.broadcast %convert_element_type3A_1510 : vector<128x1xbf16> to vector<128x1024xbf16>
    %sub3A_1512 = arith.subf %get3A_1509, %sub3A_1511 : vector<128x1024xbf16>
    %abs3A_1513 = math.absf %sub3A_1512 : vector<128x1024xbf16>
    %slice3A_1514 = vector.extract_strided_slice %abs3A_1513 {offsets = [0, 0], sizes = [64, 1024], strides = [1, 1]} : vector<128x1024xbf16> to vector<64x1024xbf16>
    %slice3A_1515 = vector.extract_strided_slice %abs3A_1513 {offsets = [64, 0], sizes = [64, 1024], strides = [1, 1]} : vector<128x1024xbf16> to vector<64x1024xbf16>
    %add3A_1516 = arith.addf %slice3A_1514, %slice3A_1515 : vector<64x1024xbf16>
    %slice3A_1517 = vector.extract_strided_slice %add3A_1516 {offsets = [0, 0], sizes = [32, 1024], strides = [1, 1]} : vector<64x1024xbf16> to vector<32x1024xbf16>
    %slice3A_1518 = vector.extract_strided_slice %add3A_1516 {offsets = [32, 0], sizes = [32, 1024], strides = [1, 1]} : vector<64x1024xbf16> to vector<32x1024xbf16>
    %add3A_1519 = arith.addf %slice3A_1517, %slice3A_1518 : vector<32x1024xbf16>
    %convert_element_type3A_1520 = arith.extf %add3A_1519 : vector<32x1024xbf16> to vector<32x1024xf32>
    %slice3A_1521 = vector.extract_strided_slice %convert_element_type3A_1520 {offsets = [0, 0], sizes = [16, 1024], strides = [1, 1]} : vector<32x1024xf32> to vector<16x1024xf32>
    %slice3A_1522 = vector.extract_strided_slice %convert_element_type3A_1520 {offsets = [16, 0], sizes = [16, 1024], strides = [1, 1]} : vector<32x1024xf32> to vector<16x1024xf32>
    %add3A_1523 = arith.addf %slice3A_1521, %slice3A_1522 : vector<16x1024xf32>
    %slice3A_1524 = vector.extract_strided_slice %add3A_1523 {offsets = [0, 0], sizes = [8, 1024], strides = [1, 1]} : vector<16x1024xf32> to vector<8x1024xf32>
    %slice3A_1525 = vector.extract_strided_slice %add3A_1523 {offsets = [8, 0], sizes = [8, 1024], strides = [1, 1]} : vector<16x1024xf32> to vector<8x1024xf32>
    %add3A_1526 = arith.addf %slice3A_1524, %slice3A_1525 : vector<8x1024xf32>
    %reduce_sum3A_1527 = arith.constant dense<0.000000e+00> : vector<1024xf32>
    %reduce_sum3A_1528 = vector.multi_reduction <add>, %add3A_1526, %reduce_sum3A_1527 [0] : vector<8x1024xf32> to vector<1024xf32>
    %broadcast_in_dim3A_1529 = vector.shape_cast %reduce_sum3A_1528 : vector<1024xf32> to vector<1x1024xf32>
    %convert_element_type3A_1530 = arith.truncf %broadcast_in_dim3A_1529 : vector<1x1024xf32> to vector<1x1024xbf16>
    %get3A_1531 = arith.constant 55 : index
    %get3A_1532 = arith.constant 0 : index
    %get3A_1533 = vector.load %arg2[%get3A_1531, %get3A_1532] : memref<64x128xf32, #tpu.memory_space<vmem>>, vector<1x128xf32>
    %transpose3A_1534 = tpu.transpose %get3A_1533, [1, 0] : vector<1x128xf32> -> vector<128x1xf32>
    %get3A_1535 = arith.constant 0 : index
    %get3A_1536 = arith.constant 0 : index
    %get3A_1537 = vector.load %arg1[%get3A_1535, %get3A_1536] : memref<128x1024xbf16, #tpu.memory_space<vmem>>, vector<128x1024xbf16>
    %convert_element_type3A_1538 = arith.truncf %transpose3A_1534 : vector<128x1xf32> to vector<128x1xbf16>
    %sub3A_1539 = vector.broadcast %convert_element_type3A_1538 : vector<128x1xbf16> to vector<128x1024xbf16>
    %sub3A_1540 = arith.subf %get3A_1537, %sub3A_1539 : vector<128x1024xbf16>
    %abs3A_1541 = math.absf %sub3A_1540 : vector<128x1024xbf16>
    %slice3A_1542 = vector.extract_strided_slice %abs3A_1541 {offsets = [0, 0], sizes = [64, 1024], strides = [1, 1]} : vector<128x1024xbf16> to vector<64x1024xbf16>
    %slice3A_1543 = vector.extract_strided_slice %abs3A_1541 {offsets = [64, 0], sizes = [64, 1024], strides = [1, 1]} : vector<128x1024xbf16> to vector<64x1024xbf16>
    %add3A_1544 = arith.addf %slice3A_1542, %slice3A_1543 : vector<64x1024xbf16>
    %slice3A_1545 = vector.extract_strided_slice %add3A_1544 {offsets = [0, 0], sizes = [32, 1024], strides = [1, 1]} : vector<64x1024xbf16> to vector<32x1024xbf16>
    %slice3A_1546 = vector.extract_strided_slice %add3A_1544 {offsets = [32, 0], sizes = [32, 1024], strides = [1, 1]} : vector<64x1024xbf16> to vector<32x1024xbf16>
    %add3A_1547 = arith.addf %slice3A_1545, %slice3A_1546 : vector<32x1024xbf16>
    %convert_element_type3A_1548 = arith.extf %add3A_1547 : vector<32x1024xbf16> to vector<32x1024xf32>
    %slice3A_1549 = vector.extract_strided_slice %convert_element_type3A_1548 {offsets = [0, 0], sizes = [16, 1024], strides = [1, 1]} : vector<32x1024xf32> to vector<16x1024xf32>
    %slice3A_1550 = vector.extract_strided_slice %convert_element_type3A_1548 {offsets = [16, 0], sizes = [16, 1024], strides = [1, 1]} : vector<32x1024xf32> to vector<16x1024xf32>
    %add3A_1551 = arith.addf %slice3A_1549, %slice3A_1550 : vector<16x1024xf32>
    %slice3A_1552 = vector.extract_strided_slice %add3A_1551 {offsets = [0, 0], sizes = [8, 1024], strides = [1, 1]} : vector<16x1024xf32> to vector<8x1024xf32>
    %slice3A_1553 = vector.extract_strided_slice %add3A_1551 {offsets = [8, 0], sizes = [8, 1024], strides = [1, 1]} : vector<16x1024xf32> to vector<8x1024xf32>
    %add3A_1554 = arith.addf %slice3A_1552, %slice3A_1553 : vector<8x1024xf32>
    %reduce_sum3A_1555 = arith.constant dense<0.000000e+00> : vector<1024xf32>
    %reduce_sum3A_1556 = vector.multi_reduction <add>, %add3A_1554, %reduce_sum3A_1555 [0] : vector<8x1024xf32> to vector<1024xf32>
    %broadcast_in_dim3A_1557 = vector.shape_cast %reduce_sum3A_1556 : vector<1024xf32> to vector<1x1024xf32>
    %convert_element_type3A_1558 = arith.truncf %broadcast_in_dim3A_1557 : vector<1x1024xf32> to vector<1x1024xbf16>
    %get3A_1559 = arith.constant 56 : index
    %get3A_1560 = arith.constant 0 : index
    %get3A_1561 = vector.load %arg2[%get3A_1559, %get3A_1560] : memref<64x128xf32, #tpu.memory_space<vmem>>, vector<1x128xf32>
    %transpose3A_1562 = tpu.transpose %get3A_1561, [1, 0] : vector<1x128xf32> -> vector<128x1xf32>
    %get3A_1563 = arith.constant 0 : index
    %get3A_1564 = arith.constant 0 : index
    %get3A_1565 = vector.load %arg1[%get3A_1563, %get3A_1564] : memref<128x1024xbf16, #tpu.memory_space<vmem>>, vector<128x1024xbf16>
    %convert_element_type3A_1566 = arith.truncf %transpose3A_1562 : vector<128x1xf32> to vector<128x1xbf16>
    %sub3A_1567 = vector.broadcast %convert_element_type3A_1566 : vector<128x1xbf16> to vector<128x1024xbf16>
    %sub3A_1568 = arith.subf %get3A_1565, %sub3A_1567 : vector<128x1024xbf16>
    %abs3A_1569 = math.absf %sub3A_1568 : vector<128x1024xbf16>
    %slice3A_1570 = vector.extract_strided_slice %abs3A_1569 {offsets = [0, 0], sizes = [64, 1024], strides = [1, 1]} : vector<128x1024xbf16> to vector<64x1024xbf16>
    %slice3A_1571 = vector.extract_strided_slice %abs3A_1569 {offsets = [64, 0], sizes = [64, 1024], strides = [1, 1]} : vector<128x1024xbf16> to vector<64x1024xbf16>
    %add3A_1572 = arith.addf %slice3A_1570, %slice3A_1571 : vector<64x1024xbf16>
    %slice3A_1573 = vector.extract_strided_slice %add3A_1572 {offsets = [0, 0], sizes = [32, 1024], strides = [1, 1]} : vector<64x1024xbf16> to vector<32x1024xbf16>
    %slice3A_1574 = vector.extract_strided_slice %add3A_1572 {offsets = [32, 0], sizes = [32, 1024], strides = [1, 1]} : vector<64x1024xbf16> to vector<32x1024xbf16>
    %add3A_1575 = arith.addf %slice3A_1573, %slice3A_1574 : vector<32x1024xbf16>
    %convert_element_type3A_1576 = arith.extf %add3A_1575 : vector<32x1024xbf16> to vector<32x1024xf32>
    %slice3A_1577 = vector.extract_strided_slice %convert_element_type3A_1576 {offsets = [0, 0], sizes = [16, 1024], strides = [1, 1]} : vector<32x1024xf32> to vector<16x1024xf32>
    %slice3A_1578 = vector.extract_strided_slice %convert_element_type3A_1576 {offsets = [16, 0], sizes = [16, 1024], strides = [1, 1]} : vector<32x1024xf32> to vector<16x1024xf32>
    %add3A_1579 = arith.addf %slice3A_1577, %slice3A_1578 : vector<16x1024xf32>
    %slice3A_1580 = vector.extract_strided_slice %add3A_1579 {offsets = [0, 0], sizes = [8, 1024], strides = [1, 1]} : vector<16x1024xf32> to vector<8x1024xf32>
    %slice3A_1581 = vector.extract_strided_slice %add3A_1579 {offsets = [8, 0], sizes = [8, 1024], strides = [1, 1]} : vector<16x1024xf32> to vector<8x1024xf32>
    %add3A_1582 = arith.addf %slice3A_1580, %slice3A_1581 : vector<8x1024xf32>
    %reduce_sum3A_1583 = arith.constant dense<0.000000e+00> : vector<1024xf32>
    %reduce_sum3A_1584 = vector.multi_reduction <add>, %add3A_1582, %reduce_sum3A_1583 [0] : vector<8x1024xf32> to vector<1024xf32>
    %broadcast_in_dim3A_1585 = vector.shape_cast %reduce_sum3A_1584 : vector<1024xf32> to vector<1x1024xf32>
    %convert_element_type3A_1586 = arith.truncf %broadcast_in_dim3A_1585 : vector<1x1024xf32> to vector<1x1024xbf16>
    %get3A_1587 = arith.constant 57 : index
    %get3A_1588 = arith.constant 0 : index
    %get3A_1589 = vector.load %arg2[%get3A_1587, %get3A_1588] : memref<64x128xf32, #tpu.memory_space<vmem>>, vector<1x128xf32>
    %transpose3A_1590 = tpu.transpose %get3A_1589, [1, 0] : vector<1x128xf32> -> vector<128x1xf32>
    %get3A_1591 = arith.constant 0 : index
    %get3A_1592 = arith.constant 0 : index
    %get3A_1593 = vector.load %arg1[%get3A_1591, %get3A_1592] : memref<128x1024xbf16, #tpu.memory_space<vmem>>, vector<128x1024xbf16>
    %convert_element_type3A_1594 = arith.truncf %transpose3A_1590 : vector<128x1xf32> to vector<128x1xbf16>
    %sub3A_1595 = vector.broadcast %convert_element_type3A_1594 : vector<128x1xbf16> to vector<128x1024xbf16>
    %sub3A_1596 = arith.subf %get3A_1593, %sub3A_1595 : vector<128x1024xbf16>
    %abs3A_1597 = math.absf %sub3A_1596 : vector<128x1024xbf16>
    %slice3A_1598 = vector.extract_strided_slice %abs3A_1597 {offsets = [0, 0], sizes = [64, 1024], strides = [1, 1]} : vector<128x1024xbf16> to vector<64x1024xbf16>
    %slice3A_1599 = vector.extract_strided_slice %abs3A_1597 {offsets = [64, 0], sizes = [64, 1024], strides = [1, 1]} : vector<128x1024xbf16> to vector<64x1024xbf16>
    %add3A_1600 = arith.addf %slice3A_1598, %slice3A_1599 : vector<64x1024xbf16>
    %slice3A_1601 = vector.extract_strided_slice %add3A_1600 {offsets = [0, 0], sizes = [32, 1024], strides = [1, 1]} : vector<64x1024xbf16> to vector<32x1024xbf16>
    %slice3A_1602 = vector.extract_strided_slice %add3A_1600 {offsets = [32, 0], sizes = [32, 1024], strides = [1, 1]} : vector<64x1024xbf16> to vector<32x1024xbf16>
    %add3A_1603 = arith.addf %slice3A_1601, %slice3A_1602 : vector<32x1024xbf16>
    %convert_element_type3A_1604 = arith.extf %add3A_1603 : vector<32x1024xbf16> to vector<32x1024xf32>
    %slice3A_1605 = vector.extract_strided_slice %convert_element_type3A_1604 {offsets = [0, 0], sizes = [16, 1024], strides = [1, 1]} : vector<32x1024xf32> to vector<16x1024xf32>
    %slice3A_1606 = vector.extract_strided_slice %convert_element_type3A_1604 {offsets = [16, 0], sizes = [16, 1024], strides = [1, 1]} : vector<32x1024xf32> to vector<16x1024xf32>
    %add3A_1607 = arith.addf %slice3A_1605, %slice3A_1606 : vector<16x1024xf32>
    %slice3A_1608 = vector.extract_strided_slice %add3A_1607 {offsets = [0, 0], sizes = [8, 1024], strides = [1, 1]} : vector<16x1024xf32> to vector<8x1024xf32>
    %slice3A_1609 = vector.extract_strided_slice %add3A_1607 {offsets = [8, 0], sizes = [8, 1024], strides = [1, 1]} : vector<16x1024xf32> to vector<8x1024xf32>
    %add3A_1610 = arith.addf %slice3A_1608, %slice3A_1609 : vector<8x1024xf32>
    %reduce_sum3A_1611 = arith.constant dense<0.000000e+00> : vector<1024xf32>
    %reduce_sum3A_1612 = vector.multi_reduction <add>, %add3A_1610, %reduce_sum3A_1611 [0] : vector<8x1024xf32> to vector<1024xf32>
    %broadcast_in_dim3A_1613 = vector.shape_cast %reduce_sum3A_1612 : vector<1024xf32> to vector<1x1024xf32>
    %convert_element_type3A_1614 = arith.truncf %broadcast_in_dim3A_1613 : vector<1x1024xf32> to vector<1x1024xbf16>
    %get3A_1615 = arith.constant 58 : index
    %get3A_1616 = arith.constant 0 : index
    %get3A_1617 = vector.load %arg2[%get3A_1615, %get3A_1616] : memref<64x128xf32, #tpu.memory_space<vmem>>, vector<1x128xf32>
    %transpose3A_1618 = tpu.transpose %get3A_1617, [1, 0] : vector<1x128xf32> -> vector<128x1xf32>
    %get3A_1619 = arith.constant 0 : index
    %get3A_1620 = arith.constant 0 : index
    %get3A_1621 = vector.load %arg1[%get3A_1619, %get3A_1620] : memref<128x1024xbf16, #tpu.memory_space<vmem>>, vector<128x1024xbf16>
    %convert_element_type3A_1622 = arith.truncf %transpose3A_1618 : vector<128x1xf32> to vector<128x1xbf16>
    %sub3A_1623 = vector.broadcast %convert_element_type3A_1622 : vector<128x1xbf16> to vector<128x1024xbf16>
    %sub3A_1624 = arith.subf %get3A_1621, %sub3A_1623 : vector<128x1024xbf16>
    %abs3A_1625 = math.absf %sub3A_1624 : vector<128x1024xbf16>
    %slice3A_1626 = vector.extract_strided_slice %abs3A_1625 {offsets = [0, 0], sizes = [64, 1024], strides = [1, 1]} : vector<128x1024xbf16> to vector<64x1024xbf16>
    %slice3A_1627 = vector.extract_strided_slice %abs3A_1625 {offsets = [64, 0], sizes = [64, 1024], strides = [1, 1]} : vector<128x1024xbf16> to vector<64x1024xbf16>
    %add3A_1628 = arith.addf %slice3A_1626, %slice3A_1627 : vector<64x1024xbf16>
    %slice3A_1629 = vector.extract_strided_slice %add3A_1628 {offsets = [0, 0], sizes = [32, 1024], strides = [1, 1]} : vector<64x1024xbf16> to vector<32x1024xbf16>
    %slice3A_1630 = vector.extract_strided_slice %add3A_1628 {offsets = [32, 0], sizes = [32, 1024], strides = [1, 1]} : vector<64x1024xbf16> to vector<32x1024xbf16>
    %add3A_1631 = arith.addf %slice3A_1629, %slice3A_1630 : vector<32x1024xbf16>
    %convert_element_type3A_1632 = arith.extf %add3A_1631 : vector<32x1024xbf16> to vector<32x1024xf32>
    %slice3A_1633 = vector.extract_strided_slice %convert_element_type3A_1632 {offsets = [0, 0], sizes = [16, 1024], strides = [1, 1]} : vector<32x1024xf32> to vector<16x1024xf32>
    %slice3A_1634 = vector.extract_strided_slice %convert_element_type3A_1632 {offsets = [16, 0], sizes = [16, 1024], strides = [1, 1]} : vector<32x1024xf32> to vector<16x1024xf32>
    %add3A_1635 = arith.addf %slice3A_1633, %slice3A_1634 : vector<16x1024xf32>
    %slice3A_1636 = vector.extract_strided_slice %add3A_1635 {offsets = [0, 0], sizes = [8, 1024], strides = [1, 1]} : vector<16x1024xf32> to vector<8x1024xf32>
    %slice3A_1637 = vector.extract_strided_slice %add3A_1635 {offsets = [8, 0], sizes = [8, 1024], strides = [1, 1]} : vector<16x1024xf32> to vector<8x1024xf32>
    %add3A_1638 = arith.addf %slice3A_1636, %slice3A_1637 : vector<8x1024xf32>
    %reduce_sum3A_1639 = arith.constant dense<0.000000e+00> : vector<1024xf32>
    %reduce_sum3A_1640 = vector.multi_reduction <add>, %add3A_1638, %reduce_sum3A_1639 [0] : vector<8x1024xf32> to vector<1024xf32>
    %broadcast_in_dim3A_1641 = vector.shape_cast %reduce_sum3A_1640 : vector<1024xf32> to vector<1x1024xf32>
    %convert_element_type3A_1642 = arith.truncf %broadcast_in_dim3A_1641 : vector<1x1024xf32> to vector<1x1024xbf16>
    %get3A_1643 = arith.constant 59 : index
    %get3A_1644 = arith.constant 0 : index
    %get3A_1645 = vector.load %arg2[%get3A_1643, %get3A_1644] : memref<64x128xf32, #tpu.memory_space<vmem>>, vector<1x128xf32>
    %transpose3A_1646 = tpu.transpose %get3A_1645, [1, 0] : vector<1x128xf32> -> vector<128x1xf32>
    %get3A_1647 = arith.constant 0 : index
    %get3A_1648 = arith.constant 0 : index
    %get3A_1649 = vector.load %arg1[%get3A_1647, %get3A_1648] : memref<128x1024xbf16, #tpu.memory_space<vmem>>, vector<128x1024xbf16>
    %convert_element_type3A_1650 = arith.truncf %transpose3A_1646 : vector<128x1xf32> to vector<128x1xbf16>
    %sub3A_1651 = vector.broadcast %convert_element_type3A_1650 : vector<128x1xbf16> to vector<128x1024xbf16>
    %sub3A_1652 = arith.subf %get3A_1649, %sub3A_1651 : vector<128x1024xbf16>
    %abs3A_1653 = math.absf %sub3A_1652 : vector<128x1024xbf16>
    %slice3A_1654 = vector.extract_strided_slice %abs3A_1653 {offsets = [0, 0], sizes = [64, 1024], strides = [1, 1]} : vector<128x1024xbf16> to vector<64x1024xbf16>
    %slice3A_1655 = vector.extract_strided_slice %abs3A_1653 {offsets = [64, 0], sizes = [64, 1024], strides = [1, 1]} : vector<128x1024xbf16> to vector<64x1024xbf16>
    %add3A_1656 = arith.addf %slice3A_1654, %slice3A_1655 : vector<64x1024xbf16>
    %slice3A_1657 = vector.extract_strided_slice %add3A_1656 {offsets = [0, 0], sizes = [32, 1024], strides = [1, 1]} : vector<64x1024xbf16> to vector<32x1024xbf16>
    %slice3A_1658 = vector.extract_strided_slice %add3A_1656 {offsets = [32, 0], sizes = [32, 1024], strides = [1, 1]} : vector<64x1024xbf16> to vector<32x1024xbf16>
    %add3A_1659 = arith.addf %slice3A_1657, %slice3A_1658 : vector<32x1024xbf16>
    %convert_element_type3A_1660 = arith.extf %add3A_1659 : vector<32x1024xbf16> to vector<32x1024xf32>
    %slice3A_1661 = vector.extract_strided_slice %convert_element_type3A_1660 {offsets = [0, 0], sizes = [16, 1024], strides = [1, 1]} : vector<32x1024xf32> to vector<16x1024xf32>
    %slice3A_1662 = vector.extract_strided_slice %convert_element_type3A_1660 {offsets = [16, 0], sizes = [16, 1024], strides = [1, 1]} : vector<32x1024xf32> to vector<16x1024xf32>
    %add3A_1663 = arith.addf %slice3A_1661, %slice3A_1662 : vector<16x1024xf32>
    %slice3A_1664 = vector.extract_strided_slice %add3A_1663 {offsets = [0, 0], sizes = [8, 1024], strides = [1, 1]} : vector<16x1024xf32> to vector<8x1024xf32>
    %slice3A_1665 = vector.extract_strided_slice %add3A_1663 {offsets = [8, 0], sizes = [8, 1024], strides = [1, 1]} : vector<16x1024xf32> to vector<8x1024xf32>
    %add3A_1666 = arith.addf %slice3A_1664, %slice3A_1665 : vector<8x1024xf32>
    %reduce_sum3A_1667 = arith.constant dense<0.000000e+00> : vector<1024xf32>
    %reduce_sum3A_1668 = vector.multi_reduction <add>, %add3A_1666, %reduce_sum3A_1667 [0] : vector<8x1024xf32> to vector<1024xf32>
    %broadcast_in_dim3A_1669 = vector.shape_cast %reduce_sum3A_1668 : vector<1024xf32> to vector<1x1024xf32>
    %convert_element_type3A_1670 = arith.truncf %broadcast_in_dim3A_1669 : vector<1x1024xf32> to vector<1x1024xbf16>
    %get3A_1671 = arith.constant 60 : index
    %get3A_1672 = arith.constant 0 : index
    %get3A_1673 = vector.load %arg2[%get3A_1671, %get3A_1672] : memref<64x128xf32, #tpu.memory_space<vmem>>, vector<1x128xf32>
    %transpose3A_1674 = tpu.transpose %get3A_1673, [1, 0] : vector<1x128xf32> -> vector<128x1xf32>
    %get3A_1675 = arith.constant 0 : index
    %get3A_1676 = arith.constant 0 : index
    %get3A_1677 = vector.load %arg1[%get3A_1675, %get3A_1676] : memref<128x1024xbf16, #tpu.memory_space<vmem>>, vector<128x1024xbf16>
    %convert_element_type3A_1678 = arith.truncf %transpose3A_1674 : vector<128x1xf32> to vector<128x1xbf16>
    %sub3A_1679 = vector.broadcast %convert_element_type3A_1678 : vector<128x1xbf16> to vector<128x1024xbf16>
    %sub3A_1680 = arith.subf %get3A_1677, %sub3A_1679 : vector<128x1024xbf16>
    %abs3A_1681 = math.absf %sub3A_1680 : vector<128x1024xbf16>
    %slice3A_1682 = vector.extract_strided_slice %abs3A_1681 {offsets = [0, 0], sizes = [64, 1024], strides = [1, 1]} : vector<128x1024xbf16> to vector<64x1024xbf16>
    %slice3A_1683 = vector.extract_strided_slice %abs3A_1681 {offsets = [64, 0], sizes = [64, 1024], strides = [1, 1]} : vector<128x1024xbf16> to vector<64x1024xbf16>
    %add3A_1684 = arith.addf %slice3A_1682, %slice3A_1683 : vector<64x1024xbf16>
    %slice3A_1685 = vector.extract_strided_slice %add3A_1684 {offsets = [0, 0], sizes = [32, 1024], strides = [1, 1]} : vector<64x1024xbf16> to vector<32x1024xbf16>
    %slice3A_1686 = vector.extract_strided_slice %add3A_1684 {offsets = [32, 0], sizes = [32, 1024], strides = [1, 1]} : vector<64x1024xbf16> to vector<32x1024xbf16>
    %add3A_1687 = arith.addf %slice3A_1685, %slice3A_1686 : vector<32x1024xbf16>
    %convert_element_type3A_1688 = arith.extf %add3A_1687 : vector<32x1024xbf16> to vector<32x1024xf32>
    %slice3A_1689 = vector.extract_strided_slice %convert_element_type3A_1688 {offsets = [0, 0], sizes = [16, 1024], strides = [1, 1]} : vector<32x1024xf32> to vector<16x1024xf32>
    %slice3A_1690 = vector.extract_strided_slice %convert_element_type3A_1688 {offsets = [16, 0], sizes = [16, 1024], strides = [1, 1]} : vector<32x1024xf32> to vector<16x1024xf32>
    %add3A_1691 = arith.addf %slice3A_1689, %slice3A_1690 : vector<16x1024xf32>
    %slice3A_1692 = vector.extract_strided_slice %add3A_1691 {offsets = [0, 0], sizes = [8, 1024], strides = [1, 1]} : vector<16x1024xf32> to vector<8x1024xf32>
    %slice3A_1693 = vector.extract_strided_slice %add3A_1691 {offsets = [8, 0], sizes = [8, 1024], strides = [1, 1]} : vector<16x1024xf32> to vector<8x1024xf32>
    %add3A_1694 = arith.addf %slice3A_1692, %slice3A_1693 : vector<8x1024xf32>
    %reduce_sum3A_1695 = arith.constant dense<0.000000e+00> : vector<1024xf32>
    %reduce_sum3A_1696 = vector.multi_reduction <add>, %add3A_1694, %reduce_sum3A_1695 [0] : vector<8x1024xf32> to vector<1024xf32>
    %broadcast_in_dim3A_1697 = vector.shape_cast %reduce_sum3A_1696 : vector<1024xf32> to vector<1x1024xf32>
    %convert_element_type3A_1698 = arith.truncf %broadcast_in_dim3A_1697 : vector<1x1024xf32> to vector<1x1024xbf16>
    %get3A_1699 = arith.constant 61 : index
    %get3A_1700 = arith.constant 0 : index
    %get3A_1701 = vector.load %arg2[%get3A_1699, %get3A_1700] : memref<64x128xf32, #tpu.memory_space<vmem>>, vector<1x128xf32>
    %transpose3A_1702 = tpu.transpose %get3A_1701, [1, 0] : vector<1x128xf32> -> vector<128x1xf32>
    %get3A_1703 = arith.constant 0 : index
    %get3A_1704 = arith.constant 0 : index
    %get3A_1705 = vector.load %arg1[%get3A_1703, %get3A_1704] : memref<128x1024xbf16, #tpu.memory_space<vmem>>, vector<128x1024xbf16>
    %convert_element_type3A_1706 = arith.truncf %transpose3A_1702 : vector<128x1xf32> to vector<128x1xbf16>
    %sub3A_1707 = vector.broadcast %convert_element_type3A_1706 : vector<128x1xbf16> to vector<128x1024xbf16>
    %sub3A_1708 = arith.subf %get3A_1705, %sub3A_1707 : vector<128x1024xbf16>
    %abs3A_1709 = math.absf %sub3A_1708 : vector<128x1024xbf16>
    %slice3A_1710 = vector.extract_strided_slice %abs3A_1709 {offsets = [0, 0], sizes = [64, 1024], strides = [1, 1]} : vector<128x1024xbf16> to vector<64x1024xbf16>
    %slice3A_1711 = vector.extract_strided_slice %abs3A_1709 {offsets = [64, 0], sizes = [64, 1024], strides = [1, 1]} : vector<128x1024xbf16> to vector<64x1024xbf16>
    %add3A_1712 = arith.addf %slice3A_1710, %slice3A_1711 : vector<64x1024xbf16>
    %slice3A_1713 = vector.extract_strided_slice %add3A_1712 {offsets = [0, 0], sizes = [32, 1024], strides = [1, 1]} : vector<64x1024xbf16> to vector<32x1024xbf16>
    %slice3A_1714 = vector.extract_strided_slice %add3A_1712 {offsets = [32, 0], sizes = [32, 1024], strides = [1, 1]} : vector<64x1024xbf16> to vector<32x1024xbf16>
    %add3A_1715 = arith.addf %slice3A_1713, %slice3A_1714 : vector<32x1024xbf16>
    %convert_element_type3A_1716 = arith.extf %add3A_1715 : vector<32x1024xbf16> to vector<32x1024xf32>
    %slice3A_1717 = vector.extract_strided_slice %convert_element_type3A_1716 {offsets = [0, 0], sizes = [16, 1024], strides = [1, 1]} : vector<32x1024xf32> to vector<16x1024xf32>
    %slice3A_1718 = vector.extract_strided_slice %convert_element_type3A_1716 {offsets = [16, 0], sizes = [16, 1024], strides = [1, 1]} : vector<32x1024xf32> to vector<16x1024xf32>
    %add3A_1719 = arith.addf %slice3A_1717, %slice3A_1718 : vector<16x1024xf32>
    %slice3A_1720 = vector.extract_strided_slice %add3A_1719 {offsets = [0, 0], sizes = [8, 1024], strides = [1, 1]} : vector<16x1024xf32> to vector<8x1024xf32>
    %slice3A_1721 = vector.extract_strided_slice %add3A_1719 {offsets = [8, 0], sizes = [8, 1024], strides = [1, 1]} : vector<16x1024xf32> to vector<8x1024xf32>
    %add3A_1722 = arith.addf %slice3A_1720, %slice3A_1721 : vector<8x1024xf32>
    %reduce_sum3A_1723 = arith.constant dense<0.000000e+00> : vector<1024xf32>
    %reduce_sum3A_1724 = vector.multi_reduction <add>, %add3A_1722, %reduce_sum3A_1723 [0] : vector<8x1024xf32> to vector<1024xf32>
    %broadcast_in_dim3A_1725 = vector.shape_cast %reduce_sum3A_1724 : vector<1024xf32> to vector<1x1024xf32>
    %convert_element_type3A_1726 = arith.truncf %broadcast_in_dim3A_1725 : vector<1x1024xf32> to vector<1x1024xbf16>
    %get3A_1727 = arith.constant 62 : index
    %get3A_1728 = arith.constant 0 : index
    %get3A_1729 = vector.load %arg2[%get3A_1727, %get3A_1728] : memref<64x128xf32, #tpu.memory_space<vmem>>, vector<1x128xf32>
    %transpose3A_1730 = tpu.transpose %get3A_1729, [1, 0] : vector<1x128xf32> -> vector<128x1xf32>
    %get3A_1731 = arith.constant 0 : index
    %get3A_1732 = arith.constant 0 : index
    %get3A_1733 = vector.load %arg1[%get3A_1731, %get3A_1732] : memref<128x1024xbf16, #tpu.memory_space<vmem>>, vector<128x1024xbf16>
    %convert_element_type3A_1734 = arith.truncf %transpose3A_1730 : vector<128x1xf32> to vector<128x1xbf16>
    %sub3A_1735 = vector.broadcast %convert_element_type3A_1734 : vector<128x1xbf16> to vector<128x1024xbf16>
    %sub3A_1736 = arith.subf %get3A_1733, %sub3A_1735 : vector<128x1024xbf16>
    %abs3A_1737 = math.absf %sub3A_1736 : vector<128x1024xbf16>
    %slice3A_1738 = vector.extract_strided_slice %abs3A_1737 {offsets = [0, 0], sizes = [64, 1024], strides = [1, 1]} : vector<128x1024xbf16> to vector<64x1024xbf16>
    %slice3A_1739 = vector.extract_strided_slice %abs3A_1737 {offsets = [64, 0], sizes = [64, 1024], strides = [1, 1]} : vector<128x1024xbf16> to vector<64x1024xbf16>
    %add3A_1740 = arith.addf %slice3A_1738, %slice3A_1739 : vector<64x1024xbf16>
    %slice3A_1741 = vector.extract_strided_slice %add3A_1740 {offsets = [0, 0], sizes = [32, 1024], strides = [1, 1]} : vector<64x1024xbf16> to vector<32x1024xbf16>
    %slice3A_1742 = vector.extract_strided_slice %add3A_1740 {offsets = [32, 0], sizes = [32, 1024], strides = [1, 1]} : vector<64x1024xbf16> to vector<32x1024xbf16>
    %add3A_1743 = arith.addf %slice3A_1741, %slice3A_1742 : vector<32x1024xbf16>
    %convert_element_type3A_1744 = arith.extf %add3A_1743 : vector<32x1024xbf16> to vector<32x1024xf32>
    %slice3A_1745 = vector.extract_strided_slice %convert_element_type3A_1744 {offsets = [0, 0], sizes = [16, 1024], strides = [1, 1]} : vector<32x1024xf32> to vector<16x1024xf32>
    %slice3A_1746 = vector.extract_strided_slice %convert_element_type3A_1744 {offsets = [16, 0], sizes = [16, 1024], strides = [1, 1]} : vector<32x1024xf32> to vector<16x1024xf32>
    %add3A_1747 = arith.addf %slice3A_1745, %slice3A_1746 : vector<16x1024xf32>
    %slice3A_1748 = vector.extract_strided_slice %add3A_1747 {offsets = [0, 0], sizes = [8, 1024], strides = [1, 1]} : vector<16x1024xf32> to vector<8x1024xf32>
    %slice3A_1749 = vector.extract_strided_slice %add3A_1747 {offsets = [8, 0], sizes = [8, 1024], strides = [1, 1]} : vector<16x1024xf32> to vector<8x1024xf32>
    %add3A_1750 = arith.addf %slice3A_1748, %slice3A_1749 : vector<8x1024xf32>
    %reduce_sum3A_1751 = arith.constant dense<0.000000e+00> : vector<1024xf32>
    %reduce_sum3A_1752 = vector.multi_reduction <add>, %add3A_1750, %reduce_sum3A_1751 [0] : vector<8x1024xf32> to vector<1024xf32>
    %broadcast_in_dim3A_1753 = vector.shape_cast %reduce_sum3A_1752 : vector<1024xf32> to vector<1x1024xf32>
    %convert_element_type3A_1754 = arith.truncf %broadcast_in_dim3A_1753 : vector<1x1024xf32> to vector<1x1024xbf16>
    %get3A_1755 = arith.constant 63 : index
    %get3A_1756 = arith.constant 0 : index
    %get3A_1757 = vector.load %arg2[%get3A_1755, %get3A_1756] : memref<64x128xf32, #tpu.memory_space<vmem>>, vector<1x128xf32>
    %transpose3A_1758 = tpu.transpose %get3A_1757, [1, 0] : vector<1x128xf32> -> vector<128x1xf32>
    %get3A_1759 = arith.constant 0 : index
    %get3A_1760 = arith.constant 0 : index
    %get3A_1761 = vector.load %arg1[%get3A_1759, %get3A_1760] : memref<128x1024xbf16, #tpu.memory_space<vmem>>, vector<128x1024xbf16>
    %convert_element_type3A_1762 = arith.truncf %transpose3A_1758 : vector<128x1xf32> to vector<128x1xbf16>
    %sub3A_1763 = vector.broadcast %convert_element_type3A_1762 : vector<128x1xbf16> to vector<128x1024xbf16>
    %sub3A_1764 = arith.subf %get3A_1761, %sub3A_1763 : vector<128x1024xbf16>
    %abs3A_1765 = math.absf %sub3A_1764 : vector<128x1024xbf16>
    %slice3A_1766 = vector.extract_strided_slice %abs3A_1765 {offsets = [0, 0], sizes = [64, 1024], strides = [1, 1]} : vector<128x1024xbf16> to vector<64x1024xbf16>
    %slice3A_1767 = vector.extract_strided_slice %abs3A_1765 {offsets = [64, 0], sizes = [64, 1024], strides = [1, 1]} : vector<128x1024xbf16> to vector<64x1024xbf16>
    %add3A_1768 = arith.addf %slice3A_1766, %slice3A_1767 : vector<64x1024xbf16>
    %slice3A_1769 = vector.extract_strided_slice %add3A_1768 {offsets = [0, 0], sizes = [32, 1024], strides = [1, 1]} : vector<64x1024xbf16> to vector<32x1024xbf16>
    %slice3A_1770 = vector.extract_strided_slice %add3A_1768 {offsets = [32, 0], sizes = [32, 1024], strides = [1, 1]} : vector<64x1024xbf16> to vector<32x1024xbf16>
    %add3A_1771 = arith.addf %slice3A_1769, %slice3A_1770 : vector<32x1024xbf16>
    %convert_element_type3A_1772 = arith.extf %add3A_1771 : vector<32x1024xbf16> to vector<32x1024xf32>
    %slice3A_1773 = vector.extract_strided_slice %convert_element_type3A_1772 {offsets = [0, 0], sizes = [16, 1024], strides = [1, 1]} : vector<32x1024xf32> to vector<16x1024xf32>
    %slice3A_1774 = vector.extract_strided_slice %convert_element_type3A_1772 {offsets = [16, 0], sizes = [16, 1024], strides = [1, 1]} : vector<32x1024xf32> to vector<16x1024xf32>
    %add3A_1775 = arith.addf %slice3A_1773, %slice3A_1774 : vector<16x1024xf32>
    %slice3A_1776 = vector.extract_strided_slice %add3A_1775 {offsets = [0, 0], sizes = [8, 1024], strides = [1, 1]} : vector<16x1024xf32> to vector<8x1024xf32>
    %slice3A_1777 = vector.extract_strided_slice %add3A_1775 {offsets = [8, 0], sizes = [8, 1024], strides = [1, 1]} : vector<16x1024xf32> to vector<8x1024xf32>
    %add3A_1778 = arith.addf %slice3A_1776, %slice3A_1777 : vector<8x1024xf32>
    %reduce_sum3A_1779 = arith.constant dense<0.000000e+00> : vector<1024xf32>
    %reduce_sum3A_1780 = vector.multi_reduction <add>, %add3A_1778, %reduce_sum3A_1779 [0] : vector<8x1024xf32> to vector<1024xf32>
    %broadcast_in_dim3A_1781 = vector.shape_cast %reduce_sum3A_1780 : vector<1024xf32> to vector<1x1024xf32>
    %convert_element_type3A_1782 = arith.truncf %broadcast_in_dim3A_1781 : vector<1x1024xf32> to vector<1x1024xbf16>
    %concatenate3A = tpu.concatenate %convert_element_type3A_18, %convert_element_type3A_46, %convert_element_type3A_74, %convert_element_type3A_102, %convert_element_type3A_130, %convert_element_type3A_158, %convert_element_type3A_186, %convert_element_type3A_214, %convert_element_type3A_242, %convert_element_type3A_270, %convert_element_type3A_298, %convert_element_type3A_326, %convert_element_type3A_354, %convert_element_type3A_382, %convert_element_type3A_410, %convert_element_type3A_438, %convert_element_type3A_466, %convert_element_type3A_494, %convert_element_type3A_522, %convert_element_type3A_550, %convert_element_type3A_578, %convert_element_type3A_606, %convert_element_type3A_634, %convert_element_type3A_662, %convert_element_type3A_690, %convert_element_type3A_718, %convert_element_type3A_746, %convert_element_type3A_774, %convert_element_type3A_802, %convert_element_type3A_830, %convert_element_type3A_858, %convert_element_type3A_886, %convert_element_type3A_914, %convert_element_type3A_942, %convert_element_type3A_970, %convert_element_type3A_998, %convert_element_type3A_1026, %convert_element_type3A_1054, %convert_element_type3A_1082, %convert_element_type3A_1110, %convert_element_type3A_1138, %convert_element_type3A_1166, %convert_element_type3A_1194, %convert_element_type3A_1222, %convert_element_type3A_1250, %convert_element_type3A_1278, %convert_element_type3A_1306, %convert_element_type3A_1334, %convert_element_type3A_1362, %convert_element_type3A_1390, %convert_element_type3A_1418, %convert_element_type3A_1446, %convert_element_type3A_1474, %convert_element_type3A_1502, %convert_element_type3A_1530, %convert_element_type3A_1558, %convert_element_type3A_1586, %convert_element_type3A_1614, %convert_element_type3A_1642, %convert_element_type3A_1670, %convert_element_type3A_1698, %convert_element_type3A_1726, %convert_element_type3A_1754, %convert_element_type3A_1782 in 0 : vector<1x1024xbf16>, vector<1x1024xbf16>, vector<1x1024xbf16>, vector<1x1024xbf16>, vector<1x1024xbf16>, vector<1x1024xbf16>, vector<1x1024xbf16>, vector<1x1024xbf16>, vector<1x1024xbf16>, vector<1x1024xbf16>, vector<1x1024xbf16>, vector<1x1024xbf16>, vector<1x1024xbf16>, vector<1x1024xbf16>, vector<1x1024xbf16>, vector<1x1024xbf16>, vector<1x1024xbf16>, vector<1x1024xbf16>, vector<1x1024xbf16>, vector<1x1024xbf16>, vector<1x1024xbf16>, vector<1x1024xbf16>, vector<1x1024xbf16>, vector<1x1024xbf16>, vector<1x1024xbf16>, vector<1x1024xbf16>, vector<1x1024xbf16>, vector<1x1024xbf16>, vector<1x1024xbf16>, vector<1x1024xbf16>, vector<1x1024xbf16>, vector<1x1024xbf16>, vector<1x1024xbf16>, vector<1x1024xbf16>, vector<1x1024xbf16>, vector<1x1024xbf16>, vector<1x1024xbf16>, vector<1x1024xbf16>, vector<1x1024xbf16>, vector<1x1024xbf16>, vector<1x1024xbf16>, vector<1x1024xbf16>, vector<1x1024xbf16>, vector<1x1024xbf16>, vector<1x1024xbf16>, vector<1x1024xbf16>, vector<1x1024xbf16>, vector<1x1024xbf16>, vector<1x1024xbf16>, vector<1x1024xbf16>, vector<1x1024xbf16>, vector<1x1024xbf16>, vector<1x1024xbf16>, vector<1x1024xbf16>, vector<1x1024xbf16>, vector<1x1024xbf16>, vector<1x1024xbf16>, vector<1x1024xbf16>, vector<1x1024xbf16>, vector<1x1024xbf16>, vector<1x1024xbf16>, vector<1x1024xbf16>, vector<1x1024xbf16>, vector<1x1024xbf16> -> vector<64x1024xbf16>
    %swap3A = arith.constant 0 : index
    %swap3A_1783 = arith.constant 0 : index
    %swap3A_1784 = vector.load %arg3[%swap3A, %swap3A_1783] : memref<64x1024xbf16, #tpu.memory_space<vmem>>, vector<64x1024xbf16>
    tpu.vector_store %arg3[%swap3A, %swap3A_1783], %concatenate3A {strides = array<i32>} : memref<64x1024xbf16, #tpu.memory_space<vmem>>, vector<64x1024xbf16>,
    return
  }
  func.func @transform_0(%arg0: i32) -> (i32, i32) {
    %c0_i32 = arith.constant 0 : i32
    %c0_i32_0 = arith.constant 0 : i32
    %c0_i32_1 = arith.constant 0 : i32
    return %c0_i32, %c0_i32_0 : i32, i32
  }
  func.func @transform_1(%arg0: i32) -> (i32, i32) {
    %c0_i32 = arith.constant 0 : i32
    %c0_i32_0 = arith.constant 0 : i32
    return %arg0, %c0_i32 : i32, i32
  }
  func.func @transform_2(%arg0: i32) -> (i32, i32) {
    %c0_i32 = arith.constant 0 : i32
    %c0_i32_0 = arith.constant 0 : i32
    return %arg0, %c0_i32 : i32, i32
  }
}

module attributes {stable_mosaic.version = 14 : i64} {
  func.func @_contract_body(%arg0: i32, %arg1: memref<131072xf32, #tpu.memory_space<vmem>>, %arg2: memref<131072xf32, #tpu.memory_space<vmem>>, %arg3: memref<131072xbf16, #tpu.memory_space<vmem>>, %arg4: memref<1x1xf32, #tpu.memory_space<smem>>, %arg5: memref<131072xf32, #tpu.memory_space<vmem>>) attributes {dimension_semantics = [#tpu.dimension_semantics<arbitrary>], iteration_bounds = array<i64: 8>, scalar_prefetch = 0 : i64, scratch_operands = 1 : i64, tpu.core_type = #tpu.core_type<tc>, window_params = [{transform_indices = @transform_0, window_bounds = array<i64: 131072>}, {transform_indices = @transform_1, window_bounds = array<i64: 131072>}, {transform_indices = @transform_2, window_bounds = array<i64: 131072>}, {transform_indices = @transform_3, window_bounds = array<i64: 1, 1>}]} {
    %get3A = arith.constant 0 : index
    %get3A_0 = vector.load %arg1[%get3A] : memref<131072xf32, #tpu.memory_space<vmem>>, vector<131072xf32>
    %get3A_1 = arith.constant 0 : index
    %get3A_2 = vector.load %arg2[%get3A_1] : memref<131072xf32, #tpu.memory_space<vmem>>, vector<131072xf32>
    %add3A = arith.addf %get3A_0, %get3A_2 : vector<131072xf32>
    %get3A_3 = arith.constant 0 : index
    %get3A_4 = vector.load %arg3[%get3A_3] : memref<131072xbf16, #tpu.memory_space<vmem>>, vector<131072xbf16>
    %convert_element_type3A = arith.extf %get3A_4 : vector<131072xbf16> to vector<131072xf32>
    %mul3A = arith.mulf %add3A, %convert_element_type3A : vector<131072xf32>
    %eq3A = arith.constant 0 : i32
    %eq3A_5 = arith.cmpi eq, %arg0, %eq3A : i32
    %convert_element_type3A_6 = arith.extui %eq3A_5 : i1 to i32
    %cond3A = arith.constant 0 : i32
    %cond3A_7 = arith.cmpi ne, %convert_element_type3A_6, %cond3A : i32
    scf.if %cond3A_7 {
      %swap3A = arith.constant 0 : index
      %swap3A_17 = vector.load %arg5[%swap3A] : memref<131072xf32, #tpu.memory_space<vmem>>, vector<131072xf32>
      tpu.vector_store %arg5[%swap3A], %mul3A {strides = array<i32>} : memref<131072xf32, #tpu.memory_space<vmem>>, vector<131072xf32>,
    } else {
    }
    %gt3A = arith.constant 0 : i32
    %gt3A_8 = arith.cmpi sgt, %arg0, %gt3A : i32
    %convert_element_type3A_9 = arith.extui %gt3A_8 : i1 to i32
    %cond3A_10 = arith.constant 0 : i32
    %cond3A_11 = arith.cmpi ne, %convert_element_type3A_9, %cond3A_10 : i32
    scf.if %cond3A_11 {
      %get3A_17 = arith.constant 0 : index
      %get3A_18 = vector.load %arg5[%get3A_17] : memref<131072xf32, #tpu.memory_space<vmem>>, vector<131072xf32>
      %add3A_19 = arith.addf %get3A_18, %mul3A : vector<131072xf32>
      %swap3A = arith.constant 0 : index
      %swap3A_20 = vector.load %arg5[%swap3A] : memref<131072xf32, #tpu.memory_space<vmem>>, vector<131072xf32>
      tpu.vector_store %arg5[%swap3A], %add3A_19 {strides = array<i32>} : memref<131072xf32, #tpu.memory_space<vmem>>, vector<131072xf32>,
    } else {
    }
    %eq3A_12 = arith.constant 7 : i32
    %eq3A_13 = arith.cmpi eq, %arg0, %eq3A_12 : i32
    %convert_element_type3A_14 = arith.extui %eq3A_13 : i1 to i32
    %cond3A_15 = arith.constant 0 : i32
    %cond3A_16 = arith.cmpi ne, %convert_element_type3A_14, %cond3A_15 : i32
    scf.if %cond3A_16 {
      %get3A_17 = arith.constant 0 : index
      %get3A_18 = vector.load %arg5[%get3A_17] : memref<131072xf32, #tpu.memory_space<vmem>>, vector<131072xf32>
      %reduce_sum3A = vector.shape_cast %get3A_18 : vector<131072xf32> to vector<1x131072xf32>
      %reduce_sum3A_19 = arith.constant dense<0.000000e+00> : vector<1xf32>
      %reduce_sum3A_20 = vector.multi_reduction <add>, %reduce_sum3A, %reduce_sum3A_19 [1] : vector<1x131072xf32> to vector<1xf32>
      %reduce_sum3A_21 = vector.shape_cast %reduce_sum3A_20 : vector<1xf32> to vector<1x1xf32>
      %reduce_sum3A_22 = vector.extract %reduce_sum3A_21[0, 0] : f32 from vector<1x1xf32>
      %swap3A = arith.constant 0 : index
      %swap3A_23 = arith.constant 0 : index
      %swap3A_24 = memref.load %arg4[%swap3A, %swap3A_23] : memref<1x1xf32, #tpu.memory_space<smem>>
      memref.store %reduce_sum3A_22, %arg4[%swap3A, %swap3A_23] : memref<1x1xf32, #tpu.memory_space<smem>>
    } else {
    }
    return
  }
  func.func @transform_0(%arg0: i32) -> i32 {
    %c0_i32 = arith.constant 0 : i32
    return %arg0 : i32
  }
  func.func @transform_1(%arg0: i32) -> i32 {
    %add3A = arith.constant 8 : i32
    %add3A_0 = arith.addi %arg0, %add3A : i32
    %c0_i32 = arith.constant 0 : i32
    return %add3A_0 : i32
  }
  func.func @transform_2(%arg0: i32) -> i32 {
    %c0_i32 = arith.constant 0 : i32
    return %arg0 : i32
  }
  func.func @transform_3(%arg0: i32) -> (i32, i32) {
    %c0_i32 = arith.constant 0 : i32
    %c0_i32_0 = arith.constant 0 : i32
    %c0_i32_1 = arith.constant 0 : i32
    return %c0_i32, %c0_i32_0 : i32, i32
  }
}

</mosaic_0001>

<sc_bundles>
// kernel: kernel.5.cloned.1.call-start
scs
__scs_entry_jumppad:
0x0: {  	(pc) =	sbr.rel $0x88, $3  }
0x1: {  	(tag) =	ssettag $0x0;
	lr =	simm.s32 $0x1  }
0x2: {  	[smem:$0x3F9F] =	sst lr;
	_ =	strace $0xD0000000  }
0x3: {  	_ = 	snop  }
0x4: {  	_ = 	snop  }
0x5: {  	_ = 	snop  }
0x6: {  	_ = 	snop  }
0x7: {  	_ = 	snop  }
__scs_overlays_trampoline_lowered:
0x8: {  	[smem:$0x3FAE] =	sst s0  }
0x9: {  	[smem:$0x3FAF] =	sst s1  }
0xa: {  	[smem:$0x3FB0] =	sst s2  }
0xb: {  	[smem:$0x3FB1] =	sst s3  }
0xc: {  	[smem:$0x3FB2] =	sst s4  }
0xd: {  	[smem:$0x3FB3] =	sst s5  }
0xe: {  	[smem:$0x3FB4] =	sst s6  }
0xf: {  	[smem:$0x3FB5] =	sst s7  }
0x10: {  	[smem:$0x3FB6] =	sst s8  }
0x11: {  	[smem:$0x3FB7] =	sst s9;
	s0 =	simm.s32 @!p0 $0x0  }
0x12: {  	s1 =	sld [smem:$0x3F9D];
	s0 =	simm.s32 @p0 $0x1  }
0x13: {  	[smem:$0x3FB8] =	sst s0;
	s0 =	simm.s32 @!p1 $0x0  }
0x14: {  	s2 =	sld [smem:$0x3F9C];
	s0 =	simm.s32 @p1 $0x1  }
0x15: {  	[smem:$0x3FB9] =	sst s0;
	s0 =	simm.s32 @!p2 $0x0  }
0x16: {  	s3 =	sld [smem:$0x3FDB];
	s0 =	simm.s32 @p2 $0x1  }
0x17: {  	s4 =	simm.s32 $0x1BF5;
	[smem:$0x3FBB] =	sst s0  }
0x18: {  	s0 =	sld [smem:$0x3F9E];
	_ =	swait.ge [sflag:s4], $0x0  }
0x19: {  	s7 =	sld [smem:$0x3F9F]  }
0x1a: {  	s8 =	sadd.s32 $0xFFFFE003, lr  }
0x1b: {  	s9 =	sadd.s32 $0xFFFFFEF7, lr;
	s5 =	simm.s32 $0xFFFFFFFF;
	p2 =	slt.u32 s8, $0xFFFFF086  }
0x1c: {  	p1 =	slt.u32 s9, $0xF7A;
	s5 =	simm.s32 @!p2 $0x0  }
0x1d: {  	s5 =	simm.s32 @p1 $0x1;
	p0 =	seq.s32 s7, s2  }
0x1e: {  	s7 =	smul.u32 @!p0 $0xF7A, s2;
	p2 =	seq.s32 @!p0 s5, $0x0  }
0x1f: {  	s9 =	smul.u32 $0xF7A, s1;
	s8 =	simm.s32 @!p0 $0x1BF5;
	p2 =	por !p2, p0  }
0x20: {  	[sflag:s8] =	ssyncset.s32 @!p0 $0xFFFFF086;
	s6 =	sadd.s32 @!p0 s3, s7;
	s7 =	simm.s32 @!p0 $0x108  }
0x21: {  	s3 =	sadd.s32 s3, s9;
	s6 =	sadd.s32 @!p0 $0x88, s6;
	s7 =	simm.s32 @p2 $0x1082  }
0x22: {  	[simem:s7], [sflag:s8] =	dma.local @!p0 [hbm:s6], $0xF7A  }
0x23: {  	s9 =	sor.u32 $0xD0000000, s2;
	s6 =	simm.s32 $0x108;
	_ =	swait.ge @!p0 [sflag:s8], $0x0  }
0x24: {  	s3 =	sadd.s32 $0x88, s3;
	s6 =	simm.s32 @!p1 $0x1082;
	[sflag:s4] =	ssyncset.s32 $0xFFFFF086  }
0x25: {  	[simem:s6], [sflag:s4] =	dma.local [hbm:s3], $0xF7A  }
0x26: {  	[smem:$0x3F9F] =	sst s1;
	(tag) =	ssettag s2;
	_ =	strace s9  }
0x27: {  	s1 =	sld [smem:$0x3FAF]  }
0x28: {  	s2 =	sld [smem:$0x3FB0]  }
0x29: {  	s4 =	sld [smem:$0x3FB2]  }
0x2a: {  	p0 =	seq.s32 s5, $0x0;
	s5 =	sld [smem:$0x3FB3]  }
0x2b: {  	s6 =	sld [smem:$0x3FB4]  }
0x2c: {  	s7 =	sld [smem:$0x3FB5]  }
0x2d: {  	s3 =	simm.s32 $0x108;
	s8 =	sld [smem:$0x3FB6]  }
0x2e: {  	s3 =	simm.s32 @!p0 $0x1082;
	s9 =	sld [smem:$0x3FB7]  }
0x2f: {  	lr =	sadd.s32 s0, s3;
	s0 =	sld [smem:$0x3FAE]  }
0x30: {  	s3 =	sld [smem:$0x3FB1]  }
0x31: {  	[smem:$0x3FBA] =	sst s10  }
0x32: {  	s10 =	sld [smem:$0x3FB8];
	_ =	sdelay $0x3  }
0x33: {  	p0 =	seq.s32 s10, $0x1;
	s10 =	sld [smem:$0x3FBA];
	_ =	sdelay $0x3  }
0x34: {  	[smem:$0x3FBA] =	sst s10  }
0x35: {  	s10 =	sld [smem:$0x3FB9];
	_ =	sdelay $0x3  }
0x36: {  	p1 =	seq.s32 s10, $0x1;
	s10 =	sld [smem:$0x3FBA];
	_ =	sdelay $0x3  }
0x37: {  	[smem:$0x3FBA] =	sst s10  }
0x38: {  	s10 =	sld [smem:$0x3FBB]  }
0x39: {  	_ = 	snop;
	(pc) =	sbr.ind lr, $3  }
0x3a: {  	_ = 	snop  }
0x3b: {  	_ = 	snop  }
0x3c: {  	p2 =	seq.s32 s10, $0x1;
	s10 =	sld [smem:$0x3FBA]  }
0x3d: {  	_ =	shalt  }
0x3e: {  	_ =	shalt  }
0x3f: {  	_ =	shalt  }
0x40: {  	_ =	shalt  }
0x41: {  	_ =	shalt  }
0x42: {  	_ =	shalt  }
0x43: {  	_ =	shalt  }
0x44: {  	_ =	shalt  }
0x45: {  	_ =	shalt  }
0x46: {  	_ =	shalt  }
0x47: {  	_ =	shalt  }
0x48: {  	_ =	shalt  }
0x49: {  	_ =	shalt  }
0x4a: {  	_ =	shalt  }
0x4b: {  	_ =	shalt  }
0x4c: {  	_ =	shalt  }
0x4d: {  	_ =	shalt  }
0x4e: {  	_ =	shalt  }
0x4f: {  	_ =	shalt  }
0x50: {  	_ =	shalt  }
0x51: {  	_ =	shalt  }
0x52: {  	_ =	shalt  }
0x53: {  	_ =	shalt  }
0x54: {  	_ =	shalt  }
0x55: {  	_ =	shalt  }
0x56: {  	_ =	shalt  }
0x57: {  	_ =	shalt  }
0x58: {  	_ =	shalt  }
0x59: {  	_ =	shalt  }
0x5a: {  	_ =	shalt  }
0x5b: {  	_ =	shalt  }
0x5c: {  	_ =	shalt  }
0x5d: {  	_ =	shalt  }
0x5e: {  	_ =	shalt  }
0x5f: {  	_ =	shalt  }
0x60: {  	_ =	shalt  }
0x61: {  	_ =	shalt  }
0x62: {  	_ =	shalt  }
0x63: {  	_ =	shalt  }
0x64: {  	_ =	shalt  }
0x65: {  	_ =	shalt  }
0x66: {  	_ =	shalt  }
0x67: {  	_ =	shalt  }
0x68: {  	_ =	shalt  }
0x69: {  	_ =	shalt  }
0x6a: {  	_ =	shalt  }
0x6b: {  	_ =	shalt  }
0x6c: {  	_ =	shalt  }
0x6d: {  	_ =	shalt  }
0x6e: {  	_ =	shalt  }
0x6f: {  	_ =	shalt  }
0x70: {  	_ =	shalt  }
0x71: {  	_ =	shalt  }
0x72: {  	_ =	shalt  }
0x73: {  	_ =	shalt  }
0x74: {  	_ =	shalt  }
0x75: {  	_ =	shalt  }
0x76: {  	_ =	shalt  }
0x77: {  	_ =	shalt  }
0x78: {  	_ =	shalt  }
0x79: {  	_ =	shalt  }
0x7a: {  	_ =	shalt  }
0x7b: {  	_ =	shalt  }
0x7c: {  	_ =	shalt  }
0x7d: {  	_ =	shalt  }
0x7e: {  	_ =	shalt  }
0x7f: {  	_ =	shalt  }
0x80: {  	_ =	shalt  }
0x81: {  	_ =	shalt  }
0x82: {  	_ =	shalt  }
0x83: {  	_ =	shalt  }
0x84: {  	_ =	shalt  }
0x85: {  	_ =	shalt  }
0x86: {  	_ =	shalt  }
0x87: {  	_ =	shalt  }
.Lfunc_end0:
.L_simem_size_0:
called_computation_lowered:
.L_overlay_start_0:
0x88: {  	s2 =	sld [smem:$0x3FD9]  }
0x89: {  	s3 =	sld [smem:$0x3FFE];
	_ =	sdelay $0x1  }
0x8a: {  	s1 =	srdreg.scid  }
0x8b: {  	s0 =	sand.u32 $0x1, s1  }
0x8c: {  	s16 =	sshll.u32 s0, $0xA;
	s2 =	sadd.s32 s3, s2  }
0x8d: {  	s2 =	sadd.s32 s2, s16  }
0x8e: {  	[smem:$0x3FC6] =	sst s2  }
0x8f: {  	_ = 	snop  }
0x90: {  	(tm) =	ssettm $0x1  }
0x91: {  	s17 =	sld [smem:$0x3FFB];
	_ =	sdelay $0x3  }
0x92: {  	_ =	strace s17  }
0x93: {  	s2 =	sld [smem:$0x3FFC];
	_ =	sdelay $0x3  }
0x94: {  	_ =	strace s2  }
0x95: {  	s2 =	sld [smem:$0x3FFD];
	_ =	sdelay $0x3  }
0x96: {  	_ =	strace s2  }
0x97: {  	_ =	strace $0x8FFFFFFF  }
0x98: {  	s18 =	sld [smem:$0x3FDB];
	_ =	sdelay $0x1  }
0x99: {  	s19 =	simm.s32 $_scs_section_size  }
0x9a: {  	s4 =	simm.s32 $_size__tile_overlayer_lowered;
	s5 =	simm.s32 $_tile_overlayer_lowered  }
0x9b: {  	s22 =	simm.s32 $0x1BFF;
	s21 =	sshll.u32 s5, $0x1;
	s2 =	sadd.s32 s19, s18  }
0x9c: {  	s6 =	simm.s32 $0x0;
	s20 =	sshll.u32 s4, $0x1;
	s4 =	sadd.s32 s21, s2  }
0x9d: {  	[timem:s6], [sflag:s22] =	dma.local [hbm:s4], s20  }
0x9e: {  	_ =	swait.ge [sflag:s22], s20  }
0x9f: {  	s3 =	ssub.s32 $0x0, s20;
	[sflag:s22] =	ssyncset.done $0x0  }
0xa0: {  	[sflag:s22] =	ssyncadd.s32 s3;
	_ =	sdelay $0x1  }
0xa1: {  	s23 =	simm.s32 $0x1B8B  }
0xa2: {  	_ =	swait.ge [sflag:s23], $0x1  }
0xa3: {  	[sflag:s23] =	ssyncset.done $0x0  }
0xa4: {  	s25 =	simm.s32 $0x1B8E;
	s24 =	sld [smem:$0x3FFE];
	[sflag:s23] =	ssyncadd.s32 $0xFFFFFFFF  }
0xa5: {  	s26 =	simm.s32 $execute0_lowered;
	[smem:$0x3FD2] =	sst s25  }
0xa6: {  	s4 =	sshll.u32 s26, $0x1;
	_ =	strace $0x80000046;
	[dreg:$0x1] =	wrdreg $0xFFFFFFFF  }
0xa7: {  	s28 =	simm.s32 $_size_execute0_lowered;
	s2 =	sadd.s32 s2, s4;
	[dreg:$0x0] =	wrdreg $0x0  }
0xa8: {  	s4 =	sshll.u32 s28, $0x1;
	[dreg:$0x2] =	wrdreg s2  }
0xa9: {  	[dreg:$0x3] =	wrdreg s4  }
0xaa: {  	[dreg:$0x4] =	wrdreg $0xC0  }
0xab: {  	_ =	task [dreg:s6], $0x5FFFF  }
0xac: {  	[dreg:$0x1] =	wrdreg $0xFFFFFFFF  }
0xad: {  	[dreg:$0x0] =	wrdreg $0x60  }
0xae: {  	[dreg:$0x2] =	wrdreg s24  }
0xaf: {  	[dreg:$0x3] =	wrdreg $0x48800  }
0xb0: {  	[dreg:$0x4] =	wrdreg $0x9  }
0xb1: {  	_ =	task.clear_ibuf [dreg:s6], $0x5FFFF;
	_ =	strace $0x90000046  }
0xb2: {  	s29 =	simm.s32 $0x9;
	_ =	strace $0x80000048  }
0xb3: {  	_ =	swait.ge [sflag:s29], $0x1  }
0xb4: {  	[sflag:s29] =	ssyncadd.s32 $0xFFFFFFFF  }
0xb5: {  	_ =	strace $0x90000048  }
0xb6: {  	_ =	sfence  }
0xb7: {  	s30 =	sld [smem:$0x0];
	_ =	sdelay $0x2  }
0xb8: {  	s31 =	sshll.u32 s1, $0xD;
	s1 =	sshrl.u32 s1, $0x2  }
0xb9: {  	s3 =	sand.u32 $0x4000, s31;
	s1 =	sadd.s32 s1, s30  }
0xba: {  	s0 =	sor.u32 s3, s0;
	s1 =	sshll.u32 s1, $0x11  }
0xbb: {  	s0 =	sor.u32 s1, s0  }
0xbc: {  	s0 =	sadd.s32 $0x8F2B, s0  }
0xbd: {  	[sflag:s0] =	ssyncadd.remote.s32 $0x1  }
0xbe: {  	_ =	sfence.sel $0xFFFF  }
0xbf: {  	[dreg:$0x0] =	wrdreg $0xFFFFFFFF;
	(pc) =	sbr.abs _section_cstart, $3  }
0xc0: {  	[dreg:$0x1] =	wrdreg $0xFFFFFFFF  }
0xc1: {  	_ =	task.clear_ibuf [dreg:s6], $0x2FFFF;
	_ =	strace $0x9FFFFFFF  }
0xc2: {  	(tm) =	ssettm $0x7FFFFFFF  }
0xc3: {  	_ =	shalt  }
tec
execute0_lowered:
.L_overlay_start_1:
0x0: {  	(tag) =	ssettag $0x1  }
0x1: {  	s5 =	rddreg [dreg:$0x0]  }
0x2: {  	s2 =	rddreg [dreg:$0x1]  }
0x3: {  	s0 =	rddreg [dreg:$0x2];
	s3 =	simm.s32 $0x0;
	s4 =	srdreg.scid  }
0x4: {  	s1 =	stileid.u32;
	s14 =	simm.s32 $0x4800;
	s15 =	simm.s32 $0x4480  }
0x5: {  	s16 =	simm.s32 $0x4500;
	s18 =	simm.s32 $0x4600;
	s19 =	simm.s32 $0x4680  }
0x6: {  	s20 =	simm.s32 $0x4700;
	s21 =	simm.s32 $0x2;
	s22 =	simm.s32 $0x0  }
0x7: {  	[smem:$0x7FF] =	sst s3;
	s8 =	sand.u32 $0x1, s4;
	s29 =	sshll.u32 s1, $0x1  }
0x8: {  	s6 =	sshll.u32 s1, $0x10;
	s30 =	sshll.u32 s1, $0x6;
	_ =	strace $0x80000047  }
0x9: {  	s10 =	sor.u32 s8, s29;
	s7 =	sshll.u32 s8, $0x14;
	s11 =	ssub.s32 $0x2, s8  }
0xa: {  	s31 =	sadd.s32 s6, s2;
	s17 =	ssub.s32 $0x10, s8;
	s4 =	sshll.u32 s10, $0xB  }
0xb: {  	s7 =	sor.u32 s6, s7;
	s12 =	sshrl.u32 s11, $0x1;
	p0 =	seq.s32 s10, $0x1F  }
0xc: {  	s10 =	sshrl.u32 s31, $0x3;
	v0 =	vmov s17;
	s17 =	simm.s32 $0x1;
	s9 =	sadd.s32 s4, s5  }
0xd: {  	s4 =	sadd.s32 $0x10800, s5;
	s7 =	sshrl.u32 s7, $0x3;
	s11 =	ssub.s32 s11, s12  }
0xe: {  	s12 =	simm.s32 $0x80;
	s13 =	sadd.s32 s7, s5;
	s5 =	sor.u32 $0x1C03, s30  }
0xf: {  	s6 =	sadd.s32 $0x800, s9;
	s7 =	sadd.s32 $0x1000, s9;
	s9 =	smax.u32 s11, $0x1  }
0x10: {  	v1 =	vimm.f32 $1.000000000e+00;
	v2 =	vimm.s32 $0x0;
	v3 =	vlaneseq.u32;
	s11 =	simm.s32 $0x3;
	s8 =	sadd.s32 $0x12800, s13;
	s13 =	simm.s32 $0x4400  }
.LBB2_1:
0x11: {  	[spmem:s10], [sflag:s5] =	dma.local [hbm:s4], $0x2000  }
0x12: {  	_ =	swait.ge [sflag:s11], $0x2000  }
0x13: {  	[sflag:s11] =	ssyncset.done $0x0  }
0x14: {  	[sflag:s11] =	ssyncadd.s32 $0xFFFFE000  }
0x15: {  	[tilespmem:s3], [sflag:$0x3] =	stream.linear.gather [hbm4b:s6+s3], $0x4000, $0x38;
	[tilespmem:$0x14880] =	vst v63  }
0x16: {  	_ =	swait.ge [sflag:s11], $0x4000  }
0x17: {  	[sflag:s11] =	ssyncset.done $0x0  }
0x18: {  	s23 =	simm.s32 @!p0 $0x0;
	s24 =	simm.s32 @!p0 $0x4000;
	[sflag:s11] =	ssyncadd.s32 $0xFFFFC000  }
0x19: {  	[tilespmem:s24], [sflag:$0x3] =	stream.linear.gather @!p0 [hbm4b:s7+s23], $0x400, $0x38;
	[tilespmem:$0x14880] =	vst v63  }
0x1a: {  	s23 =	simm.s32 @!p0 $0x3  }
0x1b: {  	_ =	swait.ge @!p0 [sflag:s23], $0x400  }
0x1c: {  	[sflag:s23] =	ssyncset.done @!p0 $0x0  }
0x1d: {  	[sflag:s23] =	ssyncadd.s32 @!p0 $0xFFFFFC00  }
0x1e: {  	[tilespmem:$0x4800] =	vst v1  }
0x1f: {  	[tilespmem:$0x4810] =	vst v1  }
0x20: {  	[tilespmem:$0x4820] =	vst v1  }
0x21: {  	[tilespmem:$0x4830] =	vst v1  }
0x22: {  	[tilespmem:$0x4840] =	vst v1  }
0x23: {  	[tilespmem:$0x4850] =	vst v1  }
0x24: {  	[tilespmem:$0x4860] =	vst v1  }
0x25: {  	[tilespmem:$0x4870] =	vst v1  }
0x26: {  	s24 =	simm.s32 $0x0;
	s23 =	simm.s32 $0xF0;
	[bflag:$0x0] =	sbarrier.arrive $0xFFFF  }
.LBB2_2:
0x27: {  	s25 =	sadd.s32 $0xFFFFFF10, s23;
	v4 =	vld [tilespmem:s24+$0x0]  }
0x28: {  	v5 =	vld [tilespmem:s24+$0x1];
	v6 =	vmov s25  }
0x29: {  	v7 =	vld [tilespmem:s24+$0x20];
	v6 =	vshra.s32 v6, $0xA  }
0x2a: {  	v8 =	vld [tilespmem:s24+$0x400];
	vm0 =	vlt.s32 v6, v0  }
0x2b: {  	v6 =	vsel vm0, $0x1, v2  }
0x2c: {  	v6 =	vbroadcast v6, $0x0  }
0x2d: {  	v4 =	vshll.u32 v4, $0xA  }
0x2e: {  	v5 =	vadd.s32 v5, v4;
	v6 =	vand.u32 $0x1, v6  }
0x2f: {  	[tilespmem:$0x4400] =	vst v5;
	v5 =	vadd.s32 v4, v7;
	v4 =	vadd.s32 v4, v8;
	vm1 =	veq.s32 v6, $0x1  }
0x30: {  	[tilespmem:$0x4480] =	vst v5;
	v4 =	vnsel vm1, $0x0, v4  }
0x31: {  	[tilespmem:$0x4500] =	vst v4  }
0x32: {  	v4 =	vld [tilespmem:s24+$0x10]  }
0x33: {  	v5 =	vld [tilespmem:s24+$0x11]  }
0x34: {  	v30 =	vld [tilespmem:s24+$0x30]  }
0x35: {  	v31 =	vld [tilespmem:s24+$0x410];
	_ =	sdelay $0x1  }
0x36: {  	v4 =	vshll.u32 v4, $0xA  }
0x37: {  	vm10 =	veq.s32 v3, $0xF;
	v5 =	vadd.s32 v5, v4  }
0x38: {  	v5 =	vsel vm10, $0x0, v5  }
0x39: {  	[tilespmem:$0x4410] =	vst v5;
	v5 =	vadd.s32 v4, v30;
	v4 =	vadd.s32 v4, v31  }
0x3a: {  	[tilespmem:$0x4490] =	vst v5;
	v4 =	vnsel vm1, $0x0, v4  }
0x3b: {  	[tilespmem:$0x4510] =	vst v4  }
0x3c: {  	v4 =	vld [tilespmem:s24+$0x20]  }
0x3d: {  	v5 =	vld [tilespmem:s24+$0x21]  }
0x3e: {  	v32 =	vld [tilespmem:s24+$0x40]  }
0x3f: {  	v33 =	vld [tilespmem:s24+$0x420];
	_ =	sdelay $0x2  }
0x40: {  	v4 =	vshll.u32 v4, $0xA  }
0x41: {  	v5 =	vadd.s32 v5, v4  }
0x42: {  	[tilespmem:$0x4420] =	vst v5;
	v5 =	vadd.s32 v4, v32;
	v4 =	vadd.s32 v4, v33  }
0x43: {  	[tilespmem:$0x44A0] =	vst v5;
	v4 =	vnsel vm1, $0x0, v4  }
0x44: {  	[tilespmem:$0x4520] =	vst v4  }
0x45: {  	v4 =	vld [tilespmem:s24+$0x30]  }
0x46: {  	v5 =	vld [tilespmem:s24+$0x31]  }
0x47: {  	v34 =	vld [tilespmem:s24+$0x50]  }
0x48: {  	v35 =	vld [tilespmem:s24+$0x430];
	_ =	sdelay $0x1  }
0x49: {  	v4 =	vshll.u32 v4, $0xA  }
0x4a: {  	v5 =	vadd.s32 v5, v4  }
0x4b: {  	v5 =	vsel vm10, $0x0, v5  }
0x4c: {  	[tilespmem:$0x4430] =	vst v5;
	v5 =	vadd.s32 v4, v34;
	v4 =	vadd.s32 v4, v35  }
0x4d: {  	[tilespmem:$0x44B0] =	vst v5;
	v4 =	vnsel vm1, $0x0, v4  }
0x4e: {  	[tilespmem:$0x4530] =	vst v4  }
0x4f: {  	v4 =	vld [tilespmem:s24+$0x40]  }
0x50: {  	v5 =	vld [tilespmem:s24+$0x41]  }
0x51: {  	v36 =	vld [tilespmem:s24+$0x60]  }
0x52: {  	v37 =	vld [tilespmem:s24+$0x440];
	_ =	sdelay $0x2  }
0x53: {  	v4 =	vshll.u32 v4, $0xA  }
0x54: {  	v5 =	vadd.s32 v5, v4  }
0x55: {  	[tilespmem:$0x4440] =	vst v5;
	v5 =	vadd.s32 v4, v36;
	v4 =	vadd.s32 v4, v37  }
0x56: {  	[tilespmem:$0x44C0] =	vst v5;
	v4 =	vnsel vm1, $0x0, v4  }
0x57: {  	[tilespmem:$0x4540] =	vst v4  }
0x58: {  	v4 =	vld [tilespmem:s24+$0x50]  }
0x59: {  	v5 =	vld [tilespmem:s24+$0x51]  }
0x5a: {  	v38 =	vld [tilespmem:s24+$0x70]  }
0x5b: {  	v39 =	vld [tilespmem:s24+$0x450];
	_ =	sdelay $0x1  }
0x5c: {  	v4 =	vshll.u32 v4, $0xA  }
0x5d: {  	v5 =	vadd.s32 v5, v4  }
0x5e: {  	v5 =	vsel vm10, $0x0, v5  }
0x5f: {  	[tilespmem:$0x4450] =	vst v5;
	v5 =	vadd.s32 v4, v38;
	v4 =	vadd.s32 v4, v39  }
0x60: {  	[tilespmem:$0x44D0] =	vst v5;
	v4 =	vnsel vm1, $0x0, v4  }
0x61: {  	[tilespmem:$0x4550] =	vst v4  }
0x62: {  	v4 =	vld [tilespmem:s24+$0x60]  }
0x63: {  	v5 =	vld [tilespmem:s24+$0x61]  }
0x64: {  	v40 =	vld [tilespmem:s24+$0x80]  }
0x65: {  	v41 =	vld [tilespmem:s24+$0x460];
	_ =	sdelay $0x2  }
0x66: {  	v4 =	vshll.u32 v4, $0xA  }
0x67: {  	v5 =	vadd.s32 v5, v4  }
0x68: {  	[tilespmem:$0x4460] =	vst v5;
	v5 =	vadd.s32 v4, v40;
	v4 =	vadd.s32 v4, v41  }
0x69: {  	[tilespmem:$0x44E0] =	vst v5;
	v4 =	vnsel vm1, $0x0, v4  }
0x6a: {  	[tilespmem:$0x4560] =	vst v4  }
0x6b: {  	v4 =	vld [tilespmem:s24+$0x70]  }
0x6c: {  	v5 =	vld [tilespmem:s24+$0x71]  }
0x6d: {  	v42 =	vld [tilespmem:s24+$0x90]  }
0x6e: {  	v43 =	vld [tilespmem:s24+$0x470];
	_ =	sdelay $0x1  }
0x6f: {  	v4 =	vshll.u32 v4, $0xA  }
0x70: {  	v5 =	vadd.s32 v5, v4  }
0x71: {  	v5 =	vsel vm10, $0x0, v5  }
0x72: {  	[tilespmem:$0x4470] =	vst v5;
	v5 =	vadd.s32 v4, v42;
	v4 =	vadd.s32 v4, v43  }
0x73: {  	p1 =	seq.s32 s23, $0xF0;
	[tilespmem:$0x44F0] =	vst v5;
	v4 =	vnsel vm1, $0x0, v4  }
0x74: {  	s25 =	simm.s32 @!p1 $0x2;
	[tilespmem:$0x4570] =	vst v4  }
0x75: {  	_ =	swait.ge @!p1 [sflag:s25], $0x80  }
0x76: {  	[sflag:s25] =	ssyncset.done @!p1 $0x0  }
0x77: {  	[sflag:s25] =	ssyncadd.s32 @!p1 $0xFFFFFF80  }
0x78: {  	_ =	swait.ge @!p1 [sflag:s25], $0x80  }
0x79: {  	[sflag:s25] =	ssyncset.done @!p1 $0x0  }
0x7a: {  	[sflag:s25] =	ssyncadd.s32 @!p1 $0xFFFFFF80  }
0x7b: {  	_ =	swait.ge @!p1 [sflag:s25], $0x80  }
0x7c: {  	[sflag:s25] =	ssyncset.done @!p1 $0x0  }
0x7d: {  	[sflag:s25] =	ssyncadd.s32 @!p1 $0xFFFFFF80  }
0x7e: {  	[spmem:s2] =	stream.indirect.scatter.add.f32 [tilespmem:s14], [sflag:$0x1], $0x1, s13, s12, $0xb8;
	[tilespmem:$0x14880] =	vst v63  }
0x7f: {  	_ = 	snop  }
0x80: {  	[spmem:s2] =	stream.indirect.scatter.add.f32 [tilespmem:s14], [sflag:$0x1], $0x1, s15, s12, $0xb8;
	[tilespmem:$0x14880] =	vst v63  }
0x81: {  	_ = 	snop  }
0x82: {  	[spmem:s2] =	stream.indirect.scatter.add.f32 [tilespmem:s14], [sflag:$0x1], $0x1, s16, s12, $0xb8;
	[tilespmem:$0x14880] =	vst v63  }
0x83: {  	s30 =	sadd.s32 $0xFFFFFF90, s23;
	v4 =	vld [tilespmem:s24+$0x80]  }
0x84: {  	v44 =	vmov s30;
	v5 =	vld [tilespmem:s24+$0x81]  }
0x85: {  	v6 =	vshra.s32 v44, $0xA;
	v45 =	vld [tilespmem:s24+$0xA0]  }
0x86: {  	vm2 =	vlt.s32 v6, v0;
	v46 =	vld [tilespmem:s24+$0x480]  }
0x87: {  	v6 =	vsel vm2, $0x1, v2  }
0x88: {  	v6 =	vbroadcast v6, $0x0  }
0x89: {  	v4 =	vshll.u32 v4, $0xA  }
0x8a: {  	v6 =	vand.u32 $0x1, v6;
	v5 =	vadd.s32 v5, v4  }
0x8b: {  	vm11 =	veq.s32 v6, $0x1;
	[tilespmem:$0x4600] =	vst v5;
	v5 =	vadd.s32 v4, v45;
	v4 =	vadd.s32 v4, v46  }
0x8c: {  	[tilespmem:$0x4680] =	vst v5;
	v4 =	vnsel vm11, $0x0, v4  }
0x8d: {  	[tilespmem:$0x4700] =	vst v4  }
0x8e: {  	v4 =	vld [tilespmem:s24+$0x90]  }
0x8f: {  	v5 =	vld [tilespmem:s24+$0x91]  }
0x90: {  	v47 =	vld [tilespmem:s24+$0xB0]  }
0x91: {  	v48 =	vld [tilespmem:s24+$0x490];
	_ =	sdelay $0x1  }
0x92: {  	v4 =	vshll.u32 v4, $0xA  }
0x93: {  	v5 =	vadd.s32 v5, v4  }
0x94: {  	v5 =	vsel vm10, $0x0, v5  }
0x95: {  	[tilespmem:$0x4610] =	vst v5;
	v5 =	vadd.s32 v4, v47;
	v4 =	vadd.s32 v4, v48  }
0x96: {  	[tilespmem:$0x4690] =	vst v5;
	v4 =	vnsel vm1, $0x0, v4  }
0x97: {  	[tilespmem:$0x4710] =	vst v4  }
0x98: {  	v4 =	vld [tilespmem:s24+$0xA0]  }
0x99: {  	v5 =	vld [tilespmem:s24+$0xA1]  }
0x9a: {  	v49 =	vld [tilespmem:s24+$0xC0]  }
0x9b: {  	v50 =	vld [tilespmem:s24+$0x4A0];
	_ =	sdelay $0x2  }
0x9c: {  	v4 =	vshll.u32 v4, $0xA  }
0x9d: {  	v5 =	vadd.s32 v5, v4  }
0x9e: {  	[tilespmem:$0x4620] =	vst v5;
	v5 =	vadd.s32 v4, v49;
	v4 =	vadd.s32 v4, v50  }
0x9f: {  	[tilespmem:$0x46A0] =	vst v5;
	v4 =	vnsel vm1, $0x0, v4  }
0xa0: {  	[tilespmem:$0x4720] =	vst v4  }
0xa1: {  	v4 =	vld [tilespmem:s24+$0xB0]  }
0xa2: {  	v5 =	vld [tilespmem:s24+$0xB1]  }
0xa3: {  	v51 =	vld [tilespmem:s24+$0xD0]  }
0xa4: {  	v52 =	vld [tilespmem:s24+$0x4B0];
	_ =	sdelay $0x1  }
0xa5: {  	v4 =	vshll.u32 v4, $0xA  }
0xa6: {  	v5 =	vadd.s32 v5, v4  }
0xa7: {  	v5 =	vsel vm10, $0x0, v5  }
0xa8: {  	[tilespmem:$0x4630] =	vst v5;
	v5 =	vadd.s32 v4, v51;
	v4 =	vadd.s32 v4, v52  }
0xa9: {  	[tilespmem:$0x46B0] =	vst v5;
	v4 =	vnsel vm1, $0x0, v4  }
0xaa: {  	[tilespmem:$0x4730] =	vst v4  }
0xab: {  	v4 =	vld [tilespmem:s24+$0xC0]  }
0xac: {  	v5 =	vld [tilespmem:s24+$0xC1]  }
0xad: {  	v53 =	vld [tilespmem:s24+$0xE0]  }
0xae: {  	v54 =	vld [tilespmem:s24+$0x4C0];
	_ =	sdelay $0x2  }
0xaf: {  	v4 =	vshll.u32 v4, $0xA  }
0xb0: {  	v5 =	vadd.s32 v5, v4  }
0xb1: {  	[tilespmem:$0x4640] =	vst v5;
	v5 =	vadd.s32 v4, v53;
	v4 =	vadd.s32 v4, v54  }
0xb2: {  	[tilespmem:$0x46C0] =	vst v5;
	v4 =	vnsel vm1, $0x0, v4  }
0xb3: {  	[tilespmem:$0x4740] =	vst v4  }
0xb4: {  	v4 =	vld [tilespmem:s24+$0xD0]  }
0xb5: {  	v5 =	vld [tilespmem:s24+$0xD1]  }
0xb6: {  	v55 =	vld [tilespmem:s24+$0xF0]  }
0xb7: {  	v56 =	vld [tilespmem:s24+$0x4D0];
	_ =	sdelay $0x1  }
0xb8: {  	v4 =	vshll.u32 v4, $0xA  }
0xb9: {  	v5 =	vadd.s32 v5, v4  }
0xba: {  	v5 =	vsel vm10, $0x0, v5  }
0xbb: {  	[tilespmem:$0x4650] =	vst v5;
	v5 =	vadd.s32 v4, v55;
	v4 =	vadd.s32 v4, v56  }
0xbc: {  	[tilespmem:$0x46D0] =	vst v5;
	v4 =	vnsel vm1, $0x0, v4  }
0xbd: {  	[tilespmem:$0x4750] =	vst v4  }
0xbe: {  	v4 =	vld [tilespmem:s24+$0xE0]  }
0xbf: {  	v5 =	vld [tilespmem:s24+$0xE1]  }
0xc0: {  	v57 =	vld [tilespmem:s24+$0x100]  }
0xc1: {  	s31 =	sadd.s32 $0xFFFFFFF0, s23;
	v58 =	vld [tilespmem:s24+$0x4E0]  }
0xc2: {  	v59 =	vmov s31  }
0xc3: {  	v9 =	vand.u32 $0x3E0, v59  }
0xc4: {  	vm12 =	veq.s32 v9, $0x3E0;
	v4 =	vshll.u32 v4, $0xA  }
0xc5: {  	v8 =	vshrl.u32 v59, $0xA;
	v5 =	vadd.s32 v5, v4;
	v6 =	vadd.s32 v4, v57  }
0xc6: {  	vm13 =	vlt.u32 v8, v0;
	v4 =	vadd.s32 v4, v58;
	[tilespmem:$0x4660] =	vst v5;
	v5 =	vsel vm12, $0x0, v6  }
0xc7: {  	v4 =	vnsel vm13, $0x0, v4;
	[tilespmem:$0x46E0] =	vst v5  }
0xc8: {  	[tilespmem:$0x4760] =	vst v4  }
0xc9: {  	v4 =	vld [tilespmem:s24+$0xF0]  }
0xca: {  	v5 =	vld [tilespmem:s24+$0xF1]  }
0xcb: {  	v60 =	vld [tilespmem:s24+$0x110]  }
0xcc: {  	v61 =	vld [tilespmem:s24+$0x4F0];
	_ =	sdelay $0x1  }
0xcd: {  	v62 =	vmov s23  }
0xce: {  	v8 =	vshrl.u32 v62, $0xA;
	v4 =	vshll.u32 v4, $0xA  }
0xcf: {  	v63 =	vand.u32 $0x3E0, v62;
	vm15 =	vlt.u32 v8, v0;
	v5 =	vadd.s32 v5, v4  }
0xd0: {  	v6 =	vadd.s32 v4, v60;
	v4 =	vadd.s32 v4, v61;
	v5 =	vsel vm10, $0x0, v5  }
0xd1: {  	vm14 =	veq.s32 v63, $0x3E0;
	v4 =	vnsel vm15, $0x0, v4;
	[tilespmem:$0x4670] =	vst v5  }
0xd2: {  	v5 =	vsel vm14, $0x0, v6;
	[tilespmem:$0x4770] =	vst v4  }
0xd3: {  	[tilespmem:$0x46F0] =	vst v5  }
0xd4: {  	_ =	swait.ge [sflag:s17], $0x80  }
0xd5: {  	[sflag:s17] =	ssyncset.done $0x0  }
0xd6: {  	[sflag:s17] =	ssyncadd.s32 $0xFFFFFF80  }
0xd7: {  	_ =	swait.ge [sflag:s17], $0x80  }
0xd8: {  	[sflag:s17] =	ssyncset.done $0x0  }
0xd9: {  	[sflag:s17] =	ssyncadd.s32 $0xFFFFFF80  }
0xda: {  	_ =	swait.ge [sflag:s17], $0x80  }
0xdb: {  	s23 =	sadd.s32 $0x100, s23;
	[sflag:s17] =	ssyncset.done $0x0  }
0xdc: {  	p1 =	sne.s32 s23, $0x40F0;
	[sflag:s17] =	ssyncadd.s32 $0xFFFFFF80  }
0xdd: {  	[spmem:s2] =	stream.indirect.scatter.add.f32 [tilespmem:s14], [sflag:$0x2], $0x1, s18, s12, $0xb8;
	[tilespmem:$0x14880] =	vst v63  }
.Ltmp0:
0xde: {  	_ = 	snop;
	(pc) =	sbr.rel @p1 .LBB2_2-.Ltmp0, $4  }
0xdf: {  	_ = 	snop  }
0xe0: {  	[spmem:s2] =	stream.indirect.scatter.add.f32 [tilespmem:s14], [sflag:$0x2], $0x1, s19, s12, $0xb8;
	[tilespmem:$0x14880] =	vst v63  }
0xe1: {  	s24 =	sadd.s32 $0x100, s24  }
0xe2: {  	[spmem:s2] =	stream.indirect.scatter.add.f32 [tilespmem:s14], [sflag:$0x2], $0x1, s20, s12, $0xb8;
	[tilespmem:$0x14880] =	vst v63  }
0xe3: {  	_ =	swait.ge [sflag:s21], $0x80  }
0xe4: {  	[sflag:s21] =	ssyncset.done $0x0  }
0xe5: {  	[sflag:s21] =	ssyncadd.s32 $0xFFFFFF80  }
0xe6: {  	_ =	swait.ge [sflag:s21], $0x80  }
0xe7: {  	[sflag:s21] =	ssyncset.done $0x0  }
0xe8: {  	[sflag:s21] =	ssyncadd.s32 $0xFFFFFF80  }
0xe9: {  	_ =	swait.ge [sflag:s21], $0x80  }
0xea: {  	s22 =	sadd.s32 $0x1, s22;
	[sflag:s21] =	ssyncset.done $0x0  }
0xeb: {  	p1 =	sne.s32 s22, s9;
	[sflag:s21] =	ssyncadd.s32 $0xFFFFFF80  }
.Ltmp1:
0xec: {  	[bflag:$0x0] =	sbarrier.arrive $0xFFFF;
	(pc) =	sbr.rel @p1 .LBB2_1-.Ltmp1, $4  }
0xed: {  	[hbm:s8], [sflag:s5] =	dma.local [spmem:s10], $0x2000  }
0xee: {  	_ =	swait.ge [sflag:s11], $0x2000  }
0xef: {  	[sflag:s11] =	ssyncset.done $0x0  }
0xf0: {  	[sflag:s11] =	ssyncadd.s32 $0xFFFFE000  }
0xf1: {  	_ =	sfence.sel $0x180000  }
0xf2: {  	[bflag:$0x0] =	sbarrier.arrive $0xFFFF  }
0xf3: {  	p0 =	sne.s32 s1, $0x0;
	_ =	strace $0x90000047  }
0xf4: {  	s0 =	sadd.s32 @!p0 $0x100000, s0;
	[bflag:$0x2] =	sbarrier.arrive $0xFFFF  }
0xf5: {  	[sflag:s0] =	ssyncadd.tile.s32 @!p0 $0x1;
	_ =	shalt  }
.Lfunc_end2:
_tile_overlayer_lowered:
.L_overlay_start_2:
0xf6: {  	(tag) =	ssettag $0x2  }
0xf7: {  	s0 =	rddreg [dreg:$0x0];
	s2 =	stileid.u32  }
0xf8: {  	s1 =	rddreg [dreg:$0x1];
	p0 =	sne.s32 s2, $0x0  }
0xf9: {  	s3 =	rddreg [dreg:$0x2];
	[bflag:$0x3] =	sbarrier.arrive $0xFFFF;
	s2 =	simm.s32 @!p0 $0x1C03  }
0xfa: {  	[timem:s3], [sflag:s2] =	dma.local @!p0 [hbm:s0], s1  }
0xfb: {  	s0 =	simm.s32 @!p0 $0x3  }
0xfc: {  	_ =	swait.ge @!p0 [sflag:s0], s1  }
0xfd: {  	s1 =	ssub.s32 @!p0 $0x0, s1;
	[sflag:s0] =	ssyncset.done @!p0 $0x0  }
0xfe: {  	[sflag:s0] =	ssyncadd.s32 @!p0 s1  }
0xff: {  	[bflag:$0x3] =	sbarrier.arrive $0xFFFF  }
0x100: {  	_ =	shalt  }

</sc_bundles>
